<compile_context>
chip_gen: v7x
topology: tpu7x:2x2x1
jax: 0.10.2.dev20260603
libtpu: 0.0.44.dev20260713+nightly
codegen_flags: <defaults>
</compile_context>

<pallas_src>
import functools
import math

import jax
import jax.numpy as jnp
from jax import lax
from jax.experimental import pallas as pl
from jax.experimental.pallas import tpu as pltpu
from jax.experimental.pallas import tpu_sc as plsc

_PAD = 0
_SMOOTHING = 0.1
_CONF = 1.0 - _SMOOTHING

_NC, _NS = 2, 16
_NW = _NC * _NS
_LANES = 16
_WIN = 128
_PACK = 256

_BC = 3200
_RC = 128


def _dense_body(t_ref, x_ref, p_ref):
    j = pl.program_id(0)
    nwin = _BC // _WIN

    @pl.when(j == 0)
    def _init():
        p_ref[...] = jnp.zeros_like(p_ref)
        p_ref[:, _WIN + 1:_WIN + 2] = x_ref[:, 0:1]

    nrc = p_ref.shape[0] // _RC
    for rc in range(nrc):
        rows = pl.ds(rc * _RC, _RC)
        trel = (jnp.broadcast_to(t_ref[rows, :], (_RC, _WIN))
                - lax.broadcasted_iota(jnp.int32, (_RC, _WIN), 1)
                - j * _BC)
        wacc = None
        racc = None
        for w in range(nwin):
            piece = x_ref[rows, w * _WIN:(w + 1) * _WIN]
            racc = piece if racc is None else racc + piece
            part = jnp.where(trel == w * _WIN, piece, 0.0)
            wacc = part if wacc is None else wacc + part
        p_ref[rows, 0:_WIN] += wacc
        p_ref[rows, _WIN:_WIN + 1] += jnp.sum(racc, axis=1, keepdims=True)


def _dense_compact(x, t2d):
    N, V = x.shape
    return pl.pallas_call(
        _dense_body,
        grid=(V // _BC,),
        compiler_params=pltpu.CompilerParams(
            vmem_limit_bytes=128 * 1024 * 1024),
        in_specs=[
            pl.BlockSpec((N, 1), lambda j: (0, 0)),
            pl.BlockSpec((N, _BC), lambda j: (0, j)),
        ],
        out_specs=pl.BlockSpec((N, _PACK), lambda j: (0, 0)),
        out_shape=jax.ShapeDtypeStruct((N, _PACK), jnp.float32),
    )(t2d, x)


def _sc_epilogue(p_flat, t, v):
    n = t.shape[0]
    rpw = n // _NW
    eps = _SMOOTHING / (v - 2)
    cconst = _CONF * math.log(_CONF) + (v - 2) * eps * math.log(eps)
    mesh = plsc.VectorSubcoreMesh(core_axis_name="c", subcore_axis_name="s")

    @functools.partial(
        pl.kernel,
        mesh=mesh,
        compiler_params=pltpu.CompilerParams(needs_layout_passes=False),
        out_type=jax.ShapeDtypeStruct((_NW, _LANES), jnp.float32),
        scratch_types=[
            pltpu.VMEM((rpw, _PACK), jnp.float32),
            pltpu.VMEM((rpw,), jnp.int32),
            pltpu.VMEM((_LANES,), jnp.float32),
        ],
    )
    def k(p_hbm, t_hbm, out_hbm, p_v, t_v, acc_v):
        wid = lax.axis_index("s") * _NC + lax.axis_index("c")
        base = wid * rpw
        pltpu.sync_copy(p_hbm.at[pl.ds(base, rpw)], p_v)
        pltpu.sync_copy(t_hbm.at[pl.ds(base, rpw)], t_v)
        acc = jnp.zeros((_LANES,), jnp.float32)
        rsl = jnp.full((_LANES,), _WIN, jnp.int32)
        x0l = jnp.full((_LANES,), _WIN + 1, jnp.int32)
        for kk in range(rpw // _LANES):
            rloc = kk * _LANES + lax.iota(jnp.int32, _LANES)
            tt = t_v[pl.ds(kk * _LANES, _LANES)]
            xt = plsc.load_gather(p_v, [rloc, jnp.bitwise_and(tt, _WIN - 1)])
            rsum = plsc.load_gather(p_v, [rloc, rsl])
            xz = plsc.load_gather(p_v, [rloc, x0l])
            contrib = cconst - (_CONF - eps) * xt - eps * (rsum - xz)
            acc = acc + jnp.where(tt != _PAD, contrib, 0.0)
        acc_v[...] = acc
        pltpu.sync_copy(acc_v, out_hbm.at[wid])

    return k(p_flat, t)


def kernel(x, target):
    n, v = x.shape
    t32 = target.astype(jnp.int32)
    p = _dense_compact(x, t32.reshape(n, 1))
    parts = _sc_epilogue(p, t32, v)
    return jnp.sum(parts)

# --- scband reference (transcript-rebuilt; emitter-appended) ---
"""Pipeline reference for scband-label-smoothing-6476810682828 (READ-ONLY COPY).

The authoritative reference and input builder live on the scoring server;
editing this copy changes nothing except your own understanding.
"""

import jax, jax.numpy as jnp
import numpy as np

PADDING_IDX = 0
SMOOTHING = 0.1
CONFIDENCE = 1.0 - SMOOTHING


def setup_inputs(seed: int = 0) -> dict:
    key = jax.random.key(seed)
    k1, k2 = jax.random.split(key)
    N, V = 2048, 32000
    x = jax.random.normal(k1, (N, V), dtype=jnp.float32)
    target = jax.random.randint(k2, (N,), 0, V, dtype=jnp.int64 if jax.config.jax_enable_x64 else jnp.int32).astype(jnp.int32)
    return {"x": x, "target": target}


def reference(x, target):
    N, size = x.shape
    # build smoothed true distribution
    true_dist = jnp.full((N, size), SMOOTHING / (size - 2), dtype=x.dtype)
    rows = jnp.arange(N)
    true_dist = true_dist.at[rows, target].set(CONFIDENCE)
    true_dist = true_dist.at[:, PADDING_IDX].set(0.0)
    pad_mask = (target == PADDING_IDX)
    true_dist = jnp.where(pad_mask[:, None], 0.0, true_dist)
    # KLDivLoss(size_average=False) == sum reduction: sum t*(log t - x), with 0*log0 = 0
    safe_t = jnp.where(true_dist > 0, true_dist, 1.0)
    loss = jnp.sum(jnp.where(true_dist > 0, true_dist * (jnp.log(safe_t) - x), 0.0))
    return loss

if __name__ == "__main__":
    import jax
    _d = setup_inputs()
    print(jax.jit(kernel)(*tuple(_d.values())))

</pallas_src>

<mosaic_0001>
#map = affine_map<(d0, d1) -> (0, 0)>
#map1 = affine_map<(d0, d1) -> (0)>
module attributes {stable_mosaic.version = 14 : i64} {
  func.func @k(%arg0: i32, %arg1: i32, %arg2: memref<2048x256xf32, #tpu.memory_space<hbm>>, %arg3: memref<2048xi32, #tpu.memory_space<hbm>>, %arg4: memref<32x16xf32, #tpu.memory_space<hbm>>, %arg5: memref<64x256xf32, #tpu.memory_space<vmem>>, %arg6: memref<64xi32, #tpu.memory_space<vmem>>, %arg7: memref<16xf32, #tpu.memory_space<vmem>>) attributes {dimension_semantics = [#tpu.dimension_semantics<core_parallel>, #tpu.dimension_semantics<subcore_parallel>], iteration_bounds = array<i64: 2, 16>, scalar_prefetch = 0 : i64, scratch_operands = 3 : i64, tpu.core_type = #tpu.core_type<sc_vector_subcore>, window_params = [{transform_indices = #map}, {transform_indices = #map1}, {transform_indices = #map}]} {
    %mul3A = arith.constant 2 : i32
    %mul3A_0 = arith.muli %arg1, %mul3A : i32
    %add3A = arith.addi %mul3A_0, %arg0 : i32
    %mul3A_1 = arith.constant 64 : i32
    %mul3A_2 = arith.muli %add3A, %mul3A_1 : i32
    "tpu.region"() ({
      %run_scoped3A = tpu.sem_alloc : memref<!tpu.dma_semaphore, #tpu.memory_space<semaphore_mem>>
      %dma_start3A = arith.constant 0 : i32
      %dma_start3A_121 = tpu.memref_slice %arg2[%mul3A_2, %dma_start3A] : memref<2048x256xf32, #tpu.memory_space<hbm>> -> memref<64x256xf32, #tpu.memory_space<hbm>>
      %dma_start3A_122 = arith.constant 0 : i32
      %dma_start3A_123 = tpu.memref_slice %arg2[%mul3A_2, %dma_start3A_122] : memref<2048x256xf32, #tpu.memory_space<hbm>> -> memref<64x256xf32, #tpu.memory_space<hbm>>
      tpu.enqueue_dma source(%dma_start3A_123 : memref<64x256xf32, #tpu.memory_space<hbm>>) target(%arg5 : memref<64x256xf32, #tpu.memory_space<vmem>>) target_semaphore(%run_scoped3A : memref<!tpu.dma_semaphore, #tpu.memory_space<semaphore_mem>>)
      %dma_wait3A = arith.constant 0 : i32
      %dma_wait3A_124 = tpu.memref_slice %arg2[%mul3A_2, %dma_wait3A] : memref<2048x256xf32, #tpu.memory_space<hbm>> -> memref<64x256xf32, #tpu.memory_space<hbm>>
      %dma_wait3A_125 = arith.constant 0 : i32
      %dma_wait3A_126 = tpu.memref_slice %arg2[%mul3A_2, %dma_wait3A_125] : memref<2048x256xf32, #tpu.memory_space<hbm>> -> memref<64x256xf32, #tpu.memory_space<hbm>>
      tpu.wait_dma2 semaphore(%run_scoped3A : memref<!tpu.dma_semaphore, #tpu.memory_space<semaphore_mem>>) src(%dma_wait3A_126 : memref<64x256xf32, #tpu.memory_space<hbm>>) dst(%arg5 : memref<64x256xf32, #tpu.memory_space<vmem>>)
      tpu.yield
    }) : () -> ()
    "tpu.region"() ({
      %run_scoped3A = tpu.sem_alloc : memref<!tpu.dma_semaphore, #tpu.memory_space<semaphore_mem>>
      %dma_start3A = tpu.memref_slice %arg3[%mul3A_2] : memref<2048xi32, #tpu.memory_space<hbm>> -> memref<64xi32, #tpu.memory_space<hbm>>
      %dma_start3A_121 = tpu.memref_slice %arg3[%mul3A_2] : memref<2048xi32, #tpu.memory_space<hbm>> -> memref<64xi32, #tpu.memory_space<hbm>>
      tpu.enqueue_dma source(%dma_start3A_121 : memref<64xi32, #tpu.memory_space<hbm>>) target(%arg6 : memref<64xi32, #tpu.memory_space<vmem>>) target_semaphore(%run_scoped3A : memref<!tpu.dma_semaphore, #tpu.memory_space<semaphore_mem>>)
      %dma_wait3A = tpu.memref_slice %arg3[%mul3A_2] : memref<2048xi32, #tpu.memory_space<hbm>> -> memref<64xi32, #tpu.memory_space<hbm>>
      %dma_wait3A_122 = tpu.memref_slice %arg3[%mul3A_2] : memref<2048xi32, #tpu.memory_space<hbm>> -> memref<64xi32, #tpu.memory_space<hbm>>
      tpu.wait_dma2 semaphore(%run_scoped3A : memref<!tpu.dma_semaphore, #tpu.memory_space<semaphore_mem>>) src(%dma_wait3A_122 : memref<64xi32, #tpu.memory_space<hbm>>) dst(%arg6 : memref<64xi32, #tpu.memory_space<vmem>>)
      tpu.yield
    }) : () -> ()
    %broadcast_in_dim3A = arith.constant 0.000000e+00 : f32
    %broadcast_in_dim3A_3 = vector.broadcast %broadcast_in_dim3A : f32 to vector<16xf32>
    %broadcast_in_dim3A_4 = arith.constant 128 : i32
    %broadcast_in_dim3A_5 = vector.broadcast %broadcast_in_dim3A_4 : i32 to vector<16xi32>
    %broadcast_in_dim3A_6 = arith.constant 129 : i32
    %broadcast_in_dim3A_7 = vector.broadcast %broadcast_in_dim3A_6 : i32 to vector<16xi32>
    %iota3A = tpu.iota {dimensions = array<i32: 0>} : vector<16xi32>
    %add3A_8 = arith.constant 0 : i32
    %add3A_9 = vector.broadcast %add3A_8 : i32 to vector<16xi32>
    %add3A_10 = arith.addi %add3A_9, %iota3A : vector<16xi32>
    %get3A = arith.constant 0 : index
    %get3A_11 = tpu.vector_load %arg6[%get3A] {strides = array<i32>} : memref<64xi32, #tpu.memory_space<vmem>>, vector<16xi32>,
    %and3A = arith.constant 127 : i32
    %and3A_12 = vector.broadcast %and3A : i32 to vector<16xi32>
    %and3A_13 = arith.andi %get3A_11, %and3A_12 : vector<16xi32>
    %gather3A = tpu.vector_load_idx %arg5[%add3A_10, %and3A_13] : memref<64x256xf32, #tpu.memory_space<vmem>>[vector<16xi32>, vector<16xi32>], vector<16xf32>,
    %gather3A_14 = tpu.vector_load_idx %arg5[%add3A_10, %broadcast_in_dim3A_5] : memref<64x256xf32, #tpu.memory_space<vmem>>[vector<16xi32>, vector<16xi32>], vector<16xf32>,
    %gather3A_15 = tpu.vector_load_idx %arg5[%add3A_10, %broadcast_in_dim3A_7] : memref<64x256xf32, #tpu.memory_space<vmem>>[vector<16xi32>, vector<16xi32>], vector<16xf32>,
    %mul3A_16 = arith.constant 0.899996876 : f32
    %mul3A_17 = vector.broadcast %mul3A_16 : f32 to vector<16xf32>
    %mul3A_18 = arith.mulf %mul3A_17, %gather3A : vector<16xf32>
    %sub3A = arith.constant -1.3624258 : f32
    %sub3A_19 = vector.broadcast %sub3A : f32 to vector<16xf32>
    %sub3A_20 = arith.subf %sub3A_19, %mul3A_18 : vector<16xf32>
    %sub3A_21 = arith.subf %gather3A_14, %gather3A_15 : vector<16xf32>
    %mul3A_22 = arith.constant 3.12519524E-6 : f32
    %mul3A_23 = vector.broadcast %mul3A_22 : f32 to vector<16xf32>
    %mul3A_24 = arith.mulf %mul3A_23, %sub3A_21 : vector<16xf32>
    %sub3A_25 = arith.subf %sub3A_20, %mul3A_24 : vector<16xf32>
    %ne3A = arith.constant 0 : i32
    %ne3A_26 = vector.broadcast %ne3A : i32 to vector<16xi32>
    %ne3A_27 = arith.cmpi ne, %get3A_11, %ne3A_26 : vector<16xi32>
    %jit3A = arith.constant 0.000000e+00 : f32
    %broadcast_in_dim3A_28 = vector.broadcast %jit3A : f32 to vector<16xf32>
    %select_n3A = arith.select %ne3A_27, %sub3A_25, %broadcast_in_dim3A_28 : vector<16xi1>, vector<16xf32>
    %add3A_29 = arith.addf %broadcast_in_dim3A_3, %select_n3A : vector<16xf32>
    %iota3A_30 = tpu.iota {dimensions = array<i32: 0>} : vector<16xi32>
    %add3A_31 = arith.constant 16 : i32
    %add3A_32 = vector.broadcast %add3A_31 : i32 to vector<16xi32>
    %add3A_33 = arith.addi %add3A_32, %iota3A_30 : vector<16xi32>
    %get3A_34 = arith.constant 16 : index
    %get3A_35 = tpu.vector_load %arg6[%get3A_34] {strides = array<i32>} : memref<64xi32, #tpu.memory_space<vmem>>, vector<16xi32>,
    %and3A_36 = arith.constant 127 : i32
    %and3A_37 = vector.broadcast %and3A_36 : i32 to vector<16xi32>
    %and3A_38 = arith.andi %get3A_35, %and3A_37 : vector<16xi32>
    %gather3A_39 = tpu.vector_load_idx %arg5[%add3A_33, %and3A_38] : memref<64x256xf32, #tpu.memory_space<vmem>>[vector<16xi32>, vector<16xi32>], vector<16xf32>,
    %gather3A_40 = tpu.vector_load_idx %arg5[%add3A_33, %broadcast_in_dim3A_5] : memref<64x256xf32, #tpu.memory_space<vmem>>[vector<16xi32>, vector<16xi32>], vector<16xf32>,
    %gather3A_41 = tpu.vector_load_idx %arg5[%add3A_33, %broadcast_in_dim3A_7] : memref<64x256xf32, #tpu.memory_space<vmem>>[vector<16xi32>, vector<16xi32>], vector<16xf32>,
    %mul3A_42 = arith.constant 0.899996876 : f32
    %mul3A_43 = vector.broadcast %mul3A_42 : f32 to vector<16xf32>
    %mul3A_44 = arith.mulf %mul3A_43, %gather3A_39 : vector<16xf32>
    %sub3A_45 = arith.constant -1.3624258 : f32
    %sub3A_46 = vector.broadcast %sub3A_45 : f32 to vector<16xf32>
    %sub3A_47 = arith.subf %sub3A_46, %mul3A_44 : vector<16xf32>
    %sub3A_48 = arith.subf %gather3A_40, %gather3A_41 : vector<16xf32>
    %mul3A_49 = arith.constant 3.12519524E-6 : f32
    %mul3A_50 = vector.broadcast %mul3A_49 : f32 to vector<16xf32>
    %mul3A_51 = arith.mulf %mul3A_50, %sub3A_48 : vector<16xf32>
    %sub3A_52 = arith.subf %sub3A_47, %mul3A_51 : vector<16xf32>
    %ne3A_53 = arith.constant 0 : i32
    %ne3A_54 = vector.broadcast %ne3A_53 : i32 to vector<16xi32>
    %ne3A_55 = arith.cmpi ne, %get3A_35, %ne3A_54 : vector<16xi32>
    %jit3A_56 = arith.constant 0.000000e+00 : f32
    %broadcast_in_dim3A_57 = vector.broadcast %jit3A_56 : f32 to vector<16xf32>
    %select_n3A_58 = arith.select %ne3A_55, %sub3A_52, %broadcast_in_dim3A_57 : vector<16xi1>, vector<16xf32>
    %add3A_59 = arith.addf %add3A_29, %select_n3A_58 : vector<16xf32>
    %iota3A_60 = tpu.iota {dimensions = array<i32: 0>} : vector<16xi32>
    %add3A_61 = arith.constant 32 : i32
    %add3A_62 = vector.broadcast %add3A_61 : i32 to vector<16xi32>
    %add3A_63 = arith.addi %add3A_62, %iota3A_60 : vector<16xi32>
    %get3A_64 = arith.constant 32 : index
    %get3A_65 = tpu.vector_load %arg6[%get3A_64] {strides = array<i32>} : memref<64xi32, #tpu.memory_space<vmem>>, vector<16xi32>,
    %and3A_66 = arith.constant 127 : i32
    %and3A_67 = vector.broadcast %and3A_66 : i32 to vector<16xi32>
    %and3A_68 = arith.andi %get3A_65, %and3A_67 : vector<16xi32>
    %gather3A_69 = tpu.vector_load_idx %arg5[%add3A_63, %and3A_68] : memref<64x256xf32, #tpu.memory_space<vmem>>[vector<16xi32>, vector<16xi32>], vector<16xf32>,
    %gather3A_70 = tpu.vector_load_idx %arg5[%add3A_63, %broadcast_in_dim3A_5] : memref<64x256xf32, #tpu.memory_space<vmem>>[vector<16xi32>, vector<16xi32>], vector<16xf32>,
    %gather3A_71 = tpu.vector_load_idx %arg5[%add3A_63, %broadcast_in_dim3A_7] : memref<64x256xf32, #tpu.memory_space<vmem>>[vector<16xi32>, vector<16xi32>], vector<16xf32>,
    %mul3A_72 = arith.constant 0.899996876 : f32
    %mul3A_73 = vector.broadcast %mul3A_72 : f32 to vector<16xf32>
    %mul3A_74 = arith.mulf %mul3A_73, %gather3A_69 : vector<16xf32>
    %sub3A_75 = arith.constant -1.3624258 : f32
    %sub3A_76 = vector.broadcast %sub3A_75 : f32 to vector<16xf32>
    %sub3A_77 = arith.subf %sub3A_76, %mul3A_74 : vector<16xf32>
    %sub3A_78 = arith.subf %gather3A_70, %gather3A_71 : vector<16xf32>
    %mul3A_79 = arith.constant 3.12519524E-6 : f32
    %mul3A_80 = vector.broadcast %mul3A_79 : f32 to vector<16xf32>
    %mul3A_81 = arith.mulf %mul3A_80, %sub3A_78 : vector<16xf32>
    %sub3A_82 = arith.subf %sub3A_77, %mul3A_81 : vector<16xf32>
    %ne3A_83 = arith.constant 0 : i32
    %ne3A_84 = vector.broadcast %ne3A_83 : i32 to vector<16xi32>
    %ne3A_85 = arith.cmpi ne, %get3A_65, %ne3A_84 : vector<16xi32>
    %jit3A_86 = arith.constant 0.000000e+00 : f32
    %broadcast_in_dim3A_87 = vector.broadcast %jit3A_86 : f32 to vector<16xf32>
    %select_n3A_88 = arith.select %ne3A_85, %sub3A_82, %broadcast_in_dim3A_87 : vector<16xi1>, vector<16xf32>
    %add3A_89 = arith.addf %add3A_59, %select_n3A_88 : vector<16xf32>
    %iota3A_90 = tpu.iota {dimensions = array<i32: 0>} : vector<16xi32>
    %add3A_91 = arith.constant 48 : i32
    %add3A_92 = vector.broadcast %add3A_91 : i32 to vector<16xi32>
    %add3A_93 = arith.addi %add3A_92, %iota3A_90 : vector<16xi32>
    %get3A_94 = arith.constant 48 : index
    %get3A_95 = tpu.vector_load %arg6[%get3A_94] {strides = array<i32>} : memref<64xi32, #tpu.memory_space<vmem>>, vector<16xi32>,
    %and3A_96 = arith.constant 127 : i32
    %and3A_97 = vector.broadcast %and3A_96 : i32 to vector<16xi32>
    %and3A_98 = arith.andi %get3A_95, %and3A_97 : vector<16xi32>
    %gather3A_99 = tpu.vector_load_idx %arg5[%add3A_93, %and3A_98] : memref<64x256xf32, #tpu.memory_space<vmem>>[vector<16xi32>, vector<16xi32>], vector<16xf32>,
    %gather3A_100 = tpu.vector_load_idx %arg5[%add3A_93, %broadcast_in_dim3A_5] : memref<64x256xf32, #tpu.memory_space<vmem>>[vector<16xi32>, vector<16xi32>], vector<16xf32>,
    %gather3A_101 = tpu.vector_load_idx %arg5[%add3A_93, %broadcast_in_dim3A_7] : memref<64x256xf32, #tpu.memory_space<vmem>>[vector<16xi32>, vector<16xi32>], vector<16xf32>,
    %mul3A_102 = arith.constant 0.899996876 : f32
    %mul3A_103 = vector.broadcast %mul3A_102 : f32 to vector<16xf32>
    %mul3A_104 = arith.mulf %mul3A_103, %gather3A_99 : vector<16xf32>
    %sub3A_105 = arith.constant -1.3624258 : f32
    %sub3A_106 = vector.broadcast %sub3A_105 : f32 to vector<16xf32>
    %sub3A_107 = arith.subf %sub3A_106, %mul3A_104 : vector<16xf32>
    %sub3A_108 = arith.subf %gather3A_100, %gather3A_101 : vector<16xf32>
    %mul3A_109 = arith.constant 3.12519524E-6 : f32
    %mul3A_110 = vector.broadcast %mul3A_109 : f32 to vector<16xf32>
    %mul3A_111 = arith.mulf %mul3A_110, %sub3A_108 : vector<16xf32>
    %sub3A_112 = arith.subf %sub3A_107, %mul3A_111 : vector<16xf32>
    %ne3A_113 = arith.constant 0 : i32
    %ne3A_114 = vector.broadcast %ne3A_113 : i32 to vector<16xi32>
    %ne3A_115 = arith.cmpi ne, %get3A_95, %ne3A_114 : vector<16xi32>
    %jit3A_116 = arith.constant 0.000000e+00 : f32
    %broadcast_in_dim3A_117 = vector.broadcast %jit3A_116 : f32 to vector<16xf32>
    %select_n3A_118 = arith.select %ne3A_115, %sub3A_112, %broadcast_in_dim3A_117 : vector<16xi1>, vector<16xf32>
    %add3A_119 = arith.addf %add3A_89, %select_n3A_118 : vector<16xf32>
    %swap3A = arith.constant 0 : index
    %swap3A_120 = tpu.vector_load %arg7[%swap3A] {strides = array<i32>} : memref<16xf32, #tpu.memory_space<vmem>>, vector<16xf32>,
    tpu.vector_store %arg7[%swap3A], %add3A_119 {strides = array<i32>} : memref<16xf32, #tpu.memory_space<vmem>>, vector<16xf32>,
    "tpu.region"() ({
      %run_scoped3A = tpu.sem_alloc : memref<!tpu.dma_semaphore, #tpu.memory_space<semaphore_mem>>
      %dma_start3A = arith.constant 0 : i32
      %dma_start3A_121 = tpu.memref_slice %arg4[%add3A, %dma_start3A] : memref<32x16xf32, #tpu.memory_space<hbm>> -> memref<1x16xf32, #tpu.memory_space<hbm>>
      %dma_start3A_122 = tpu.memref_squeeze %dma_start3A_121 : memref<1x16xf32, #tpu.memory_space<hbm>> -> memref<16xf32, #tpu.memory_space<hbm>>
      %dma_start3A_123 = arith.constant 0 : i32
      %dma_start3A_124 = tpu.memref_slice %arg4[%add3A, %dma_start3A_123] : memref<32x16xf32, #tpu.memory_space<hbm>> -> memref<1x16xf32, #tpu.memory_space<hbm>>
      %dma_start3A_125 = tpu.memref_squeeze %dma_start3A_124 : memref<1x16xf32, #tpu.memory_space<hbm>> -> memref<16xf32, #tpu.memory_space<hbm>>
      tpu.enqueue_dma source(%arg7 : memref<16xf32, #tpu.memory_space<vmem>>) target(%dma_start3A_125 : memref<16xf32, #tpu.memory_space<hbm>>) target_semaphore(%run_scoped3A : memref<!tpu.dma_semaphore, #tpu.memory_space<semaphore_mem>>)
      %dma_wait3A = arith.constant 0 : i32
      %dma_wait3A_126 = tpu.memref_slice %arg4[%add3A, %dma_wait3A] : memref<32x16xf32, #tpu.memory_space<hbm>> -> memref<1x16xf32, #tpu.memory_space<hbm>>
      %dma_wait3A_127 = tpu.memref_squeeze %dma_wait3A_126 : memref<1x16xf32, #tpu.memory_space<hbm>> -> memref<16xf32, #tpu.memory_space<hbm>>
      %dma_wait3A_128 = arith.constant 0 : i32
      %dma_wait3A_129 = tpu.memref_slice %arg4[%add3A, %dma_wait3A_128] : memref<32x16xf32, #tpu.memory_space<hbm>> -> memref<1x16xf32, #tpu.memory_space<hbm>>
      %dma_wait3A_130 = tpu.memref_squeeze %dma_wait3A_129 : memref<1x16xf32, #tpu.memory_space<hbm>> -> memref<16xf32, #tpu.memory_space<hbm>>
      tpu.wait_dma2 semaphore(%run_scoped3A : memref<!tpu.dma_semaphore, #tpu.memory_space<semaphore_mem>>) src(%arg7 : memref<16xf32, #tpu.memory_space<vmem>>) dst(%dma_wait3A_130 : memref<16xf32, #tpu.memory_space<hbm>>)
      tpu.yield
    }) : () -> ()
    return
  }
}

module attributes {stable_mosaic.version = 14 : i64} {
  func.func @_dense_body(%arg0: i32, %arg1: memref<2048x1xi32, #tpu.memory_space<vmem>>, %arg2: memref<2048x3200xf32, #tpu.memory_space<vmem>>, %arg3: memref<2048x256xf32, #tpu.memory_space<vmem>>) attributes {dimension_semantics = [#tpu.dimension_semantics<arbitrary>], iteration_bounds = array<i64: 10>, scalar_prefetch = 0 : i64, scratch_operands = 0 : i64, tpu.core_type = #tpu.core_type<tc>, window_params = [{pipeline_mode = #tpu.pipeline_mode<synchronous>, transform_indices = @transform_0, window_bounds = array<i64: 2048, 1>}, {transform_indices = @transform_1, window_bounds = array<i64: 2048, 3200>}, {pipeline_mode = #tpu.pipeline_mode<synchronous>, transform_indices = @transform_2, window_bounds = array<i64: 2048, 256>}]} {
    %eq3A = arith.constant 0 : i32
    %eq3A_0 = arith.cmpi eq, %arg0, %eq3A : i32
    %convert_element_type3A = arith.extui %eq3A_0 : i1 to i32
    %cond3A = arith.constant 0 : i32
    %cond3A_1 = arith.cmpi ne, %convert_element_type3A, %cond3A : i32
    scf.if %cond3A_1 {
      %broadcast_in_dim3A_4808 = arith.constant 0.000000e+00 : f32
      %broadcast_in_dim3A_4809 = vector.broadcast %broadcast_in_dim3A_4808 : f32 to vector<2048x256xf32>
      %swap3A_4810 = arith.constant 0 : index
      %swap3A_4811 = arith.constant 0 : index
      %swap3A_4812 = vector.load %arg3[%swap3A_4810, %swap3A_4811] : memref<2048x256xf32, #tpu.memory_space<vmem>>, vector<2048x256xf32>
      tpu.vector_store %arg3[%swap3A_4810, %swap3A_4811], %broadcast_in_dim3A_4809 {strides = array<i32>} : memref<2048x256xf32, #tpu.memory_space<vmem>>, vector<2048x256xf32>,
      %get3A_4813 = arith.constant 0 : index
      %get3A_4814 = arith.constant 0 : index
      %get3A_4815 = vector.load %arg2[%get3A_4813, %get3A_4814] : memref<2048x3200xf32, #tpu.memory_space<vmem>>, vector<2048x1xf32>
      %swap3A_4816 = arith.constant 0 : index
      %swap3A_4817 = arith.constant 129 : index
      %swap3A_4818 = vector.load %arg3[%swap3A_4816, %swap3A_4817] : memref<2048x256xf32, #tpu.memory_space<vmem>>, vector<2048x1xf32>
      tpu.vector_store %arg3[%swap3A_4816, %swap3A_4817], %get3A_4815 {strides = array<i32>} : memref<2048x256xf32, #tpu.memory_space<vmem>>, vector<2048x1xf32>,
    } else {
    }
    %get3A = arith.constant 0 : index
    %get3A_2 = arith.constant 0 : index
    %get3A_3 = vector.load %arg1[%get3A, %get3A_2] : memref<2048x1xi32, #tpu.memory_space<vmem>>, vector<128x1xi32>
    %broadcast_in_dim3A = vector.shape_cast %get3A_3 : vector<128x1xi32> to vector<128x1xi32>
    %broadcast_in_dim3A_4 = vector.broadcast %broadcast_in_dim3A : vector<128x1xi32> to vector<128x128xi32>
    %iota3A = tpu.iota {dimensions = array<i32: 1>} : vector<128x128xi32>
    %sub3A = arith.subi %broadcast_in_dim3A_4, %iota3A : vector<128x128xi32>
    %mul3A = arith.constant 3200 : i32
    %mul3A_5 = arith.muli %arg0, %mul3A : i32
    %sub3A_6 = vector.broadcast %mul3A_5 : i32 to vector<128x128xi32>
    %sub3A_7 = arith.subi %sub3A, %sub3A_6 : vector<128x128xi32>
    %get3A_8 = arith.constant 0 : index
    %get3A_9 = arith.constant 0 : index
    %get3A_10 = vector.load %arg2[%get3A_8, %get3A_9] : memref<2048x3200xf32, #tpu.memory_space<vmem>>, vector<128x128xf32>
    %eq3A_11 = arith.constant 0 : i32
    %eq3A_12 = vector.broadcast %eq3A_11 : i32 to vector<128x128xi32>
    %eq3A_13 = arith.cmpi eq, %sub3A_7, %eq3A_12 : vector<128x128xi32>
    %jit3A = arith.constant 0.000000e+00 : f32
    %broadcast_in_dim3A_14 = vector.broadcast %jit3A : f32 to vector<128x128xf32>
    %select_n3A = arith.select %eq3A_13, %get3A_10, %broadcast_in_dim3A_14 : vector<128x128xi1>, vector<128x128xf32>
    %get3A_15 = arith.constant 0 : index
    %get3A_16 = arith.constant 128 : index
    %get3A_17 = vector.load %arg2[%get3A_15, %get3A_16] : memref<2048x3200xf32, #tpu.memory_space<vmem>>, vector<128x128xf32>
    %add3A = arith.addf %get3A_10, %get3A_17 : vector<128x128xf32>
    %eq3A_18 = arith.constant 128 : i32
    %eq3A_19 = vector.broadcast %eq3A_18 : i32 to vector<128x128xi32>
    %eq3A_20 = arith.cmpi eq, %sub3A_7, %eq3A_19 : vector<128x128xi32>
    %jit3A_21 = arith.constant 0.000000e+00 : f32
    %broadcast_in_dim3A_22 = vector.broadcast %jit3A_21 : f32 to vector<128x128xf32>
    %select_n3A_23 = arith.select %eq3A_20, %get3A_17, %broadcast_in_dim3A_22 : vector<128x128xi1>, vector<128x128xf32>
    %add3A_24 = arith.addf %select_n3A, %select_n3A_23 : vector<128x128xf32>
    %get3A_25 = arith.constant 0 : index
    %get3A_26 = arith.constant 256 : index
    %get3A_27 = vector.load %arg2[%get3A_25, %get3A_26] : memref<2048x3200xf32, #tpu.memory_space<vmem>>, vector<128x128xf32>
    %add3A_28 = arith.addf %add3A, %get3A_27 : vector<128x128xf32>
    %eq3A_29 = arith.constant 256 : i32
    %eq3A_30 = vector.broadcast %eq3A_29 : i32 to vector<128x128xi32>
    %eq3A_31 = arith.cmpi eq, %sub3A_7, %eq3A_30 : vector<128x128xi32>
    %jit3A_32 = arith.constant 0.000000e+00 : f32
    %broadcast_in_dim3A_33 = vector.broadcast %jit3A_32 : f32 to vector<128x128xf32>
    %select_n3A_34 = arith.select %eq3A_31, %get3A_27, %broadcast_in_dim3A_33 : vector<128x128xi1>, vector<128x128xf32>
    %add3A_35 = arith.addf %add3A_24, %select_n3A_34 : vector<128x128xf32>
    %get3A_36 = arith.constant 0 : index
    %get3A_37 = arith.constant 384 : index
    %get3A_38 = vector.load %arg2[%get3A_36, %get3A_37] : memref<2048x3200xf32, #tpu.memory_space<vmem>>, vector<128x128xf32>
    %add3A_39 = arith.addf %add3A_28, %get3A_38 : vector<128x128xf32>
    %eq3A_40 = arith.constant 384 : i32
    %eq3A_41 = vector.broadcast %eq3A_40 : i32 to vector<128x128xi32>
    %eq3A_42 = arith.cmpi eq, %sub3A_7, %eq3A_41 : vector<128x128xi32>
    %jit3A_43 = arith.constant 0.000000e+00 : f32
    %broadcast_in_dim3A_44 = vector.broadcast %jit3A_43 : f32 to vector<128x128xf32>
    %select_n3A_45 = arith.select %eq3A_42, %get3A_38, %broadcast_in_dim3A_44 : vector<128x128xi1>, vector<128x128xf32>
    %add3A_46 = arith.addf %add3A_35, %select_n3A_45 : vector<128x128xf32>
    %get3A_47 = arith.constant 0 : index
    %get3A_48 = arith.constant 512 : index
    %get3A_49 = vector.load %arg2[%get3A_47, %get3A_48] : memref<2048x3200xf32, #tpu.memory_space<vmem>>, vector<128x128xf32>
    %add3A_50 = arith.addf %add3A_39, %get3A_49 : vector<128x128xf32>
    %eq3A_51 = arith.constant 512 : i32
    %eq3A_52 = vector.broadcast %eq3A_51 : i32 to vector<128x128xi32>
    %eq3A_53 = arith.cmpi eq, %sub3A_7, %eq3A_52 : vector<128x128xi32>
    %jit3A_54 = arith.constant 0.000000e+00 : f32
    %broadcast_in_dim3A_55 = vector.broadcast %jit3A_54 : f32 to vector<128x128xf32>
    %select_n3A_56 = arith.select %eq3A_53, %get3A_49, %broadcast_in_dim3A_55 : vector<128x128xi1>, vector<128x128xf32>
    %add3A_57 = arith.addf %add3A_46, %select_n3A_56 : vector<128x128xf32>
    %get3A_58 = arith.constant 0 : index
    %get3A_59 = arith.constant 640 : index
    %get3A_60 = vector.load %arg2[%get3A_58, %get3A_59] : memref<2048x3200xf32, #tpu.memory_space<vmem>>, vector<128x128xf32>
    %add3A_61 = arith.addf %add3A_50, %get3A_60 : vector<128x128xf32>
    %eq3A_62 = arith.constant 640 : i32
    %eq3A_63 = vector.broadcast %eq3A_62 : i32 to vector<128x128xi32>
    %eq3A_64 = arith.cmpi eq, %sub3A_7, %eq3A_63 : vector<128x128xi32>
    %jit3A_65 = arith.constant 0.000000e+00 : f32
    %broadcast_in_dim3A_66 = vector.broadcast %jit3A_65 : f32 to vector<128x128xf32>
    %select_n3A_67 = arith.select %eq3A_64, %get3A_60, %broadcast_in_dim3A_66 : vector<128x128xi1>, vector<128x128xf32>
    %add3A_68 = arith.addf %add3A_57, %select_n3A_67 : vector<128x128xf32>
    %get3A_69 = arith.constant 0 : index
    %get3A_70 = arith.constant 768 : index
    %get3A_71 = vector.load %arg2[%get3A_69, %get3A_70] : memref<2048x3200xf32, #tpu.memory_space<vmem>>, vector<128x128xf32>
    %add3A_72 = arith.addf %add3A_61, %get3A_71 : vector<128x128xf32>
    %eq3A_73 = arith.constant 768 : i32
    %eq3A_74 = vector.broadcast %eq3A_73 : i32 to vector<128x128xi32>
    %eq3A_75 = arith.cmpi eq, %sub3A_7, %eq3A_74 : vector<128x128xi32>
    %jit3A_76 = arith.constant 0.000000e+00 : f32
    %broadcast_in_dim3A_77 = vector.broadcast %jit3A_76 : f32 to vector<128x128xf32>
    %select_n3A_78 = arith.select %eq3A_75, %get3A_71, %broadcast_in_dim3A_77 : vector<128x128xi1>, vector<128x128xf32>
    %add3A_79 = arith.addf %add3A_68, %select_n3A_78 : vector<128x128xf32>
    %get3A_80 = arith.constant 0 : index
    %get3A_81 = arith.constant 896 : index
    %get3A_82 = vector.load %arg2[%get3A_80, %get3A_81] : memref<2048x3200xf32, #tpu.memory_space<vmem>>, vector<128x128xf32>
    %add3A_83 = arith.addf %add3A_72, %get3A_82 : vector<128x128xf32>
    %eq3A_84 = arith.constant 896 : i32
    %eq3A_85 = vector.broadcast %eq3A_84 : i32 to vector<128x128xi32>
    %eq3A_86 = arith.cmpi eq, %sub3A_7, %eq3A_85 : vector<128x128xi32>
    %jit3A_87 = arith.constant 0.000000e+00 : f32
    %broadcast_in_dim3A_88 = vector.broadcast %jit3A_87 : f32 to vector<128x128xf32>
    %select_n3A_89 = arith.select %eq3A_86, %get3A_82, %broadcast_in_dim3A_88 : vector<128x128xi1>, vector<128x128xf32>
    %add3A_90 = arith.addf %add3A_79, %select_n3A_89 : vector<128x128xf32>
    %get3A_91 = arith.constant 0 : index
    %get3A_92 = arith.constant 1024 : index
    %get3A_93 = vector.load %arg2[%get3A_91, %get3A_92] : memref<2048x3200xf32, #tpu.memory_space<vmem>>, vector<128x128xf32>
    %add3A_94 = arith.addf %add3A_83, %get3A_93 : vector<128x128xf32>
    %eq3A_95 = arith.constant 1024 : i32
    %eq3A_96 = vector.broadcast %eq3A_95 : i32 to vector<128x128xi32>
    %eq3A_97 = arith.cmpi eq, %sub3A_7, %eq3A_96 : vector<128x128xi32>
    %jit3A_98 = arith.constant 0.000000e+00 : f32
    %broadcast_in_dim3A_99 = vector.broadcast %jit3A_98 : f32 to vector<128x128xf32>
    %select_n3A_100 = arith.select %eq3A_97, %get3A_93, %broadcast_in_dim3A_99 : vector<128x128xi1>, vector<128x128xf32>
    %add3A_101 = arith.addf %add3A_90, %select_n3A_100 : vector<128x128xf32>
    %get3A_102 = arith.constant 0 : index
    %get3A_103 = arith.constant 1152 : index
    %get3A_104 = vector.load %arg2[%get3A_102, %get3A_103] : memref<2048x3200xf32, #tpu.memory_space<vmem>>, vector<128x128xf32>
    %add3A_105 = arith.addf %add3A_94, %get3A_104 : vector<128x128xf32>
    %eq3A_106 = arith.constant 1152 : i32
    %eq3A_107 = vector.broadcast %eq3A_106 : i32 to vector<128x128xi32>
    %eq3A_108 = arith.cmpi eq, %sub3A_7, %eq3A_107 : vector<128x128xi32>
    %jit3A_109 = arith.constant 0.000000e+00 : f32
    %broadcast_in_dim3A_110 = vector.broadcast %jit3A_109 : f32 to vector<128x128xf32>
    %select_n3A_111 = arith.select %eq3A_108, %get3A_104, %broadcast_in_dim3A_110 : vector<128x128xi1>, vector<128x128xf32>
    %add3A_112 = arith.addf %add3A_101, %select_n3A_111 : vector<128x128xf32>
    %get3A_113 = arith.constant 0 : index
    %get3A_114 = arith.constant 1280 : index
    %get3A_115 = vector.load %arg2[%get3A_113, %get3A_114] : memref<2048x3200xf32, #tpu.memory_space<vmem>>, vector<128x128xf32>
    %add3A_116 = arith.addf %add3A_105, %get3A_115 : vector<128x128xf32>
    %eq3A_117 = arith.constant 1280 : i32
    %eq3A_118 = vector.broadcast %eq3A_117 : i32 to vector<128x128xi32>
    %eq3A_119 = arith.cmpi eq, %sub3A_7, %eq3A_118 : vector<128x128xi32>
    %jit3A_120 = arith.constant 0.000000e+00 : f32
    %broadcast_in_dim3A_121 = vector.broadcast %jit3A_120 : f32 to vector<128x128xf32>
    %select_n3A_122 = arith.select %eq3A_119, %get3A_115, %broadcast_in_dim3A_121 : vector<128x128xi1>, vector<128x128xf32>
    %add3A_123 = arith.addf %add3A_112, %select_n3A_122 : vector<128x128xf32>
    %get3A_124 = arith.constant 0 : index
    %get3A_125 = arith.constant 1408 : index
    %get3A_126 = vector.load %arg2[%get3A_124, %get3A_125] : memref<2048x3200xf32, #tpu.memory_space<vmem>>, vector<128x128xf32>
    %add3A_127 = arith.addf %add3A_116, %get3A_126 : vector<128x128xf32>
    %eq3A_128 = arith.constant 1408 : i32
    %eq3A_129 = vector.broadcast %eq3A_128 : i32 to vector<128x128xi32>
    %eq3A_130 = arith.cmpi eq, %sub3A_7, %eq3A_129 : vector<128x128xi32>
    %jit3A_131 = arith.constant 0.000000e+00 : f32
    %broadcast_in_dim3A_132 = vector.broadcast %jit3A_131 : f32 to vector<128x128xf32>
    %select_n3A_133 = arith.select %eq3A_130, %get3A_126, %broadcast_in_dim3A_132 : vector<128x128xi1>, vector<128x128xf32>
    %add3A_134 = arith.addf %add3A_123, %select_n3A_133 : vector<128x128xf32>
    %get3A_135 = arith.constant 0 : index
    %get3A_136 = arith.constant 1536 : index
    %get3A_137 = vector.load %arg2[%get3A_135, %get3A_136] : memref<2048x3200xf32, #tpu.memory_space<vmem>>, vector<128x128xf32>
    %add3A_138 = arith.addf %add3A_127, %get3A_137 : vector<128x128xf32>
    %eq3A_139 = arith.constant 1536 : i32
    %eq3A_140 = vector.broadcast %eq3A_139 : i32 to vector<128x128xi32>
    %eq3A_141 = arith.cmpi eq, %sub3A_7, %eq3A_140 : vector<128x128xi32>
    %jit3A_142 = arith.constant 0.000000e+00 : f32
    %broadcast_in_dim3A_143 = vector.broadcast %jit3A_142 : f32 to vector<128x128xf32>
    %select_n3A_144 = arith.select %eq3A_141, %get3A_137, %broadcast_in_dim3A_143 : vector<128x128xi1>, vector<128x128xf32>
    %add3A_145 = arith.addf %add3A_134, %select_n3A_144 : vector<128x128xf32>
    %get3A_146 = arith.constant 0 : index
    %get3A_147 = arith.constant 1664 : index
    %get3A_148 = vector.load %arg2[%get3A_146, %get3A_147] : memref<2048x3200xf32, #tpu.memory_space<vmem>>, vector<128x128xf32>
    %add3A_149 = arith.addf %add3A_138, %get3A_148 : vector<128x128xf32>
    %eq3A_150 = arith.constant 1664 : i32
    %eq3A_151 = vector.broadcast %eq3A_150 : i32 to vector<128x128xi32>
    %eq3A_152 = arith.cmpi eq, %sub3A_7, %eq3A_151 : vector<128x128xi32>
    %jit3A_153 = arith.constant 0.000000e+00 : f32
    %broadcast_in_dim3A_154 = vector.broadcast %jit3A_153 : f32 to vector<128x128xf32>
    %select_n3A_155 = arith.select %eq3A_152, %get3A_148, %broadcast_in_dim3A_154 : vector<128x128xi1>, vector<128x128xf32>
    %add3A_156 = arith.addf %add3A_145, %select_n3A_155 : vector<128x128xf32>
    %get3A_157 = arith.constant 0 : index
    %get3A_158 = arith.constant 1792 : index
    %get3A_159 = vector.load %arg2[%get3A_157, %get3A_158] : memref<2048x3200xf32, #tpu.memory_space<vmem>>, vector<128x128xf32>
    %add3A_160 = arith.addf %add3A_149, %get3A_159 : vector<128x128xf32>
    %eq3A_161 = arith.constant 1792 : i32
    %eq3A_162 = vector.broadcast %eq3A_161 : i32 to vector<128x128xi32>
    %eq3A_163 = arith.cmpi eq, %sub3A_7, %eq3A_162 : vector<128x128xi32>
    %jit3A_164 = arith.constant 0.000000e+00 : f32
    %broadcast_in_dim3A_165 = vector.broadcast %jit3A_164 : f32 to vector<128x128xf32>
    %select_n3A_166 = arith.select %eq3A_163, %get3A_159, %broadcast_in_dim3A_165 : vector<128x128xi1>, vector<128x128xf32>
    %add3A_167 = arith.addf %add3A_156, %select_n3A_166 : vector<128x128xf32>
    %get3A_168 = arith.constant 0 : index
    %get3A_169 = arith.constant 1920 : index
    %get3A_170 = vector.load %arg2[%get3A_168, %get3A_169] : memref<2048x3200xf32, #tpu.memory_space<vmem>>, vector<128x128xf32>
    %add3A_171 = arith.addf %add3A_160, %get3A_170 : vector<128x128xf32>
    %eq3A_172 = arith.constant 1920 : i32
    %eq3A_173 = vector.broadcast %eq3A_172 : i32 to vector<128x128xi32>
    %eq3A_174 = arith.cmpi eq, %sub3A_7, %eq3A_173 : vector<128x128xi32>
    %jit3A_175 = arith.constant 0.000000e+00 : f32
    %broadcast_in_dim3A_176 = vector.broadcast %jit3A_175 : f32 to vector<128x128xf32>
    %select_n3A_177 = arith.select %eq3A_174, %get3A_170, %broadcast_in_dim3A_176 : vector<128x128xi1>, vector<128x128xf32>
    %add3A_178 = arith.addf %add3A_167, %select_n3A_177 : vector<128x128xf32>
    %get3A_179 = arith.constant 0 : index
    %get3A_180 = arith.constant 2048 : index
    %get3A_181 = vector.load %arg2[%get3A_179, %get3A_180] : memref<2048x3200xf32, #tpu.memory_space<vmem>>, vector<128x128xf32>
    %add3A_182 = arith.addf %add3A_171, %get3A_181 : vector<128x128xf32>
    %eq3A_183 = arith.constant 2048 : i32
    %eq3A_184 = vector.broadcast %eq3A_183 : i32 to vector<128x128xi32>
    %eq3A_185 = arith.cmpi eq, %sub3A_7, %eq3A_184 : vector<128x128xi32>
    %jit3A_186 = arith.constant 0.000000e+00 : f32
    %broadcast_in_dim3A_187 = vector.broadcast %jit3A_186 : f32 to vector<128x128xf32>
    %select_n3A_188 = arith.select %eq3A_185, %get3A_181, %broadcast_in_dim3A_187 : vector<128x128xi1>, vector<128x128xf32>
    %add3A_189 = arith.addf %add3A_178, %select_n3A_188 : vector<128x128xf32>
    %get3A_190 = arith.constant 0 : index
    %get3A_191 = arith.constant 2176 : index
    %get3A_192 = vector.load %arg2[%get3A_190, %get3A_191] : memref<2048x3200xf32, #tpu.memory_space<vmem>>, vector<128x128xf32>
    %add3A_193 = arith.addf %add3A_182, %get3A_192 : vector<128x128xf32>
    %eq3A_194 = arith.constant 2176 : i32
    %eq3A_195 = vector.broadcast %eq3A_194 : i32 to vector<128x128xi32>
    %eq3A_196 = arith.cmpi eq, %sub3A_7, %eq3A_195 : vector<128x128xi32>
    %jit3A_197 = arith.constant 0.000000e+00 : f32
    %broadcast_in_dim3A_198 = vector.broadcast %jit3A_197 : f32 to vector<128x128xf32>
    %select_n3A_199 = arith.select %eq3A_196, %get3A_192, %broadcast_in_dim3A_198 : vector<128x128xi1>, vector<128x128xf32>
    %add3A_200 = arith.addf %add3A_189, %select_n3A_199 : vector<128x128xf32>
    %get3A_201 = arith.constant 0 : index
    %get3A_202 = arith.constant 2304 : index
    %get3A_203 = vector.load %arg2[%get3A_201, %get3A_202] : memref<2048x3200xf32, #tpu.memory_space<vmem>>, vector<128x128xf32>
    %add3A_204 = arith.addf %add3A_193, %get3A_203 : vector<128x128xf32>
    %eq3A_205 = arith.constant 2304 : i32
    %eq3A_206 = vector.broadcast %eq3A_205 : i32 to vector<128x128xi32>
    %eq3A_207 = arith.cmpi eq, %sub3A_7, %eq3A_206 : vector<128x128xi32>
    %jit3A_208 = arith.constant 0.000000e+00 : f32
    %broadcast_in_dim3A_209 = vector.broadcast %jit3A_208 : f32 to vector<128x128xf32>
    %select_n3A_210 = arith.select %eq3A_207, %get3A_203, %broadcast_in_dim3A_209 : vector<128x128xi1>, vector<128x128xf32>
    %add3A_211 = arith.addf %add3A_200, %select_n3A_210 : vector<128x128xf32>
    %get3A_212 = arith.constant 0 : index
    %get3A_213 = arith.constant 2432 : index
    %get3A_214 = vector.load %arg2[%get3A_212, %get3A_213] : memref<2048x3200xf32, #tpu.memory_space<vmem>>, vector<128x128xf32>
    %add3A_215 = arith.addf %add3A_204, %get3A_214 : vector<128x128xf32>
    %eq3A_216 = arith.constant 2432 : i32
    %eq3A_217 = vector.broadcast %eq3A_216 : i32 to vector<128x128xi32>
    %eq3A_218 = arith.cmpi eq, %sub3A_7, %eq3A_217 : vector<128x128xi32>
    %jit3A_219 = arith.constant 0.000000e+00 : f32
    %broadcast_in_dim3A_220 = vector.broadcast %jit3A_219 : f32 to vector<128x128xf32>
    %select_n3A_221 = arith.select %eq3A_218, %get3A_214, %broadcast_in_dim3A_220 : vector<128x128xi1>, vector<128x128xf32>
    %add3A_222 = arith.addf %add3A_211, %select_n3A_221 : vector<128x128xf32>
    %get3A_223 = arith.constant 0 : index
    %get3A_224 = arith.constant 2560 : index
    %get3A_225 = vector.load %arg2[%get3A_223, %get3A_224] : memref<2048x3200xf32, #tpu.memory_space<vmem>>, vector<128x128xf32>
    %add3A_226 = arith.addf %add3A_215, %get3A_225 : vector<128x128xf32>
    %eq3A_227 = arith.constant 2560 : i32
    %eq3A_228 = vector.broadcast %eq3A_227 : i32 to vector<128x128xi32>
    %eq3A_229 = arith.cmpi eq, %sub3A_7, %eq3A_228 : vector<128x128xi32>
    %jit3A_230 = arith.constant 0.000000e+00 : f32
    %broadcast_in_dim3A_231 = vector.broadcast %jit3A_230 : f32 to vector<128x128xf32>
    %select_n3A_232 = arith.select %eq3A_229, %get3A_225, %broadcast_in_dim3A_231 : vector<128x128xi1>, vector<128x128xf32>
    %add3A_233 = arith.addf %add3A_222, %select_n3A_232 : vector<128x128xf32>
    %get3A_234 = arith.constant 0 : index
    %get3A_235 = arith.constant 2688 : index
    %get3A_236 = vector.load %arg2[%get3A_234, %get3A_235] : memref<2048x3200xf32, #tpu.memory_space<vmem>>, vector<128x128xf32>
    %add3A_237 = arith.addf %add3A_226, %get3A_236 : vector<128x128xf32>
    %eq3A_238 = arith.constant 2688 : i32
    %eq3A_239 = vector.broadcast %eq3A_238 : i32 to vector<128x128xi32>
    %eq3A_240 = arith.cmpi eq, %sub3A_7, %eq3A_239 : vector<128x128xi32>
    %jit3A_241 = arith.constant 0.000000e+00 : f32
    %broadcast_in_dim3A_242 = vector.broadcast %jit3A_241 : f32 to vector<128x128xf32>
    %select_n3A_243 = arith.select %eq3A_240, %get3A_236, %broadcast_in_dim3A_242 : vector<128x128xi1>, vector<128x128xf32>
    %add3A_244 = arith.addf %add3A_233, %select_n3A_243 : vector<128x128xf32>
    %get3A_245 = arith.constant 0 : index
    %get3A_246 = arith.constant 2816 : index
    %get3A_247 = vector.load %arg2[%get3A_245, %get3A_246] : memref<2048x3200xf32, #tpu.memory_space<vmem>>, vector<128x128xf32>
    %add3A_248 = arith.addf %add3A_237, %get3A_247 : vector<128x128xf32>
    %eq3A_249 = arith.constant 2816 : i32
    %eq3A_250 = vector.broadcast %eq3A_249 : i32 to vector<128x128xi32>
    %eq3A_251 = arith.cmpi eq, %sub3A_7, %eq3A_250 : vector<128x128xi32>
    %jit3A_252 = arith.constant 0.000000e+00 : f32
    %broadcast_in_dim3A_253 = vector.broadcast %jit3A_252 : f32 to vector<128x128xf32>
    %select_n3A_254 = arith.select %eq3A_251, %get3A_247, %broadcast_in_dim3A_253 : vector<128x128xi1>, vector<128x128xf32>
    %add3A_255 = arith.addf %add3A_244, %select_n3A_254 : vector<128x128xf32>
    %get3A_256 = arith.constant 0 : index
    %get3A_257 = arith.constant 2944 : index
    %get3A_258 = vector.load %arg2[%get3A_256, %get3A_257] : memref<2048x3200xf32, #tpu.memory_space<vmem>>, vector<128x128xf32>
    %add3A_259 = arith.addf %add3A_248, %get3A_258 : vector<128x128xf32>
    %eq3A_260 = arith.constant 2944 : i32
    %eq3A_261 = vector.broadcast %eq3A_260 : i32 to vector<128x128xi32>
    %eq3A_262 = arith.cmpi eq, %sub3A_7, %eq3A_261 : vector<128x128xi32>
    %jit3A_263 = arith.constant 0.000000e+00 : f32
    %broadcast_in_dim3A_264 = vector.broadcast %jit3A_263 : f32 to vector<128x128xf32>
    %select_n3A_265 = arith.select %eq3A_262, %get3A_258, %broadcast_in_dim3A_264 : vector<128x128xi1>, vector<128x128xf32>
    %add3A_266 = arith.addf %add3A_255, %select_n3A_265 : vector<128x128xf32>
    %get3A_267 = arith.constant 0 : index
    %get3A_268 = arith.constant 3072 : index
    %get3A_269 = vector.load %arg2[%get3A_267, %get3A_268] : memref<2048x3200xf32, #tpu.memory_space<vmem>>, vector<128x128xf32>
    %add3A_270 = arith.addf %add3A_259, %get3A_269 : vector<128x128xf32>
    %eq3A_271 = arith.constant 3072 : i32
    %eq3A_272 = vector.broadcast %eq3A_271 : i32 to vector<128x128xi32>
    %eq3A_273 = arith.cmpi eq, %sub3A_7, %eq3A_272 : vector<128x128xi32>
    %jit3A_274 = arith.constant 0.000000e+00 : f32
    %broadcast_in_dim3A_275 = vector.broadcast %jit3A_274 : f32 to vector<128x128xf32>
    %select_n3A_276 = arith.select %eq3A_273, %get3A_269, %broadcast_in_dim3A_275 : vector<128x128xi1>, vector<128x128xf32>
    %add3A_277 = arith.addf %add3A_266, %select_n3A_276 : vector<128x128xf32>
    %get3A_278 = arith.constant 0 : index
    %get3A_279 = arith.constant 0 : index
    %get3A_280 = vector.load %arg3[%get3A_278, %get3A_279] : memref<2048x256xf32, #tpu.memory_space<vmem>>, vector<128x128xf32>
    %add3A_281 = arith.addf %get3A_280, %add3A_277 : vector<128x128xf32>
    %swap3A = arith.constant 0 : index
    %swap3A_282 = arith.constant 0 : index
    %swap3A_283 = vector.load %arg3[%swap3A, %swap3A_282] : memref<2048x256xf32, #tpu.memory_space<vmem>>, vector<128x128xf32>
    tpu.vector_store %arg3[%swap3A, %swap3A_282], %add3A_281 {strides = array<i32>} : memref<2048x256xf32, #tpu.memory_space<vmem>>, vector<128x128xf32>,
    %get3A_284 = arith.constant 0 : index
    %get3A_285 = arith.constant 128 : index
    %get3A_286 = vector.load %arg3[%get3A_284, %get3A_285] : memref<2048x256xf32, #tpu.memory_space<vmem>>, vector<128x1xf32>
    %reduce_sum3A = arith.constant dense<0.000000e+00> : vector<128xf32>
    %reduce_sum3A_287 = vector.multi_reduction <add>, %add3A_270, %reduce_sum3A [1] : vector<128x128xf32> to vector<128xf32>
    %broadcast_in_dim3A_288 = vector.shape_cast %reduce_sum3A_287 : vector<128xf32> to vector<128x1xf32>
    %add3A_289 = arith.addf %get3A_286, %broadcast_in_dim3A_288 : vector<128x1xf32>
    %swap3A_290 = arith.constant 0 : index
    %swap3A_291 = arith.constant 128 : index
    %swap3A_292 = vector.load %arg3[%swap3A_290, %swap3A_291] : memref<2048x256xf32, #tpu.memory_space<vmem>>, vector<128x1xf32>
    tpu.vector_store %arg3[%swap3A_290, %swap3A_291], %add3A_289 {strides = array<i32>} : memref<2048x256xf32, #tpu.memory_space<vmem>>, vector<128x1xf32>,
    %get3A_293 = arith.constant 128 : index
    %get3A_294 = arith.constant 0 : index
    %get3A_295 = vector.load %arg1[%get3A_293, %get3A_294] : memref<2048x1xi32, #tpu.memory_space<vmem>>, vector<128x1xi32>
    %broadcast_in_dim3A_296 = vector.shape_cast %get3A_295 : vector<128x1xi32> to vector<128x1xi32>
    %broadcast_in_dim3A_297 = vector.broadcast %broadcast_in_dim3A_296 : vector<128x1xi32> to vector<128x128xi32>
    %iota3A_298 = tpu.iota {dimensions = array<i32: 1>} : vector<128x128xi32>
    %sub3A_299 = arith.subi %broadcast_in_dim3A_297, %iota3A_298 : vector<128x128xi32>
    %mul3A_300 = arith.constant 3200 : i32
    %mul3A_301 = arith.muli %arg0, %mul3A_300 : i32
    %sub3A_302 = vector.broadcast %mul3A_301 : i32 to vector<128x128xi32>
    %sub3A_303 = arith.subi %sub3A_299, %sub3A_302 : vector<128x128xi32>
    %get3A_304 = arith.constant 128 : index
    %get3A_305 = arith.constant 0 : index
    %get3A_306 = vector.load %arg2[%get3A_304, %get3A_305] : memref<2048x3200xf32, #tpu.memory_space<vmem>>, vector<128x128xf32>
    %eq3A_307 = arith.constant 0 : i32
    %eq3A_308 = vector.broadcast %eq3A_307 : i32 to vector<128x128xi32>
    %eq3A_309 = arith.cmpi eq, %sub3A_303, %eq3A_308 : vector<128x128xi32>
    %jit3A_310 = arith.constant 0.000000e+00 : f32
    %broadcast_in_dim3A_311 = vector.broadcast %jit3A_310 : f32 to vector<128x128xf32>
    %select_n3A_312 = arith.select %eq3A_309, %get3A_306, %broadcast_in_dim3A_311 : vector<128x128xi1>, vector<128x128xf32>
    %get3A_313 = arith.constant 128 : index
    %get3A_314 = arith.constant 128 : index
    %get3A_315 = vector.load %arg2[%get3A_313, %get3A_314] : memref<2048x3200xf32, #tpu.memory_space<vmem>>, vector<128x128xf32>
    %add3A_316 = arith.addf %get3A_306, %get3A_315 : vector<128x128xf32>
    %eq3A_317 = arith.constant 128 : i32
    %eq3A_318 = vector.broadcast %eq3A_317 : i32 to vector<128x128xi32>
    %eq3A_319 = arith.cmpi eq, %sub3A_303, %eq3A_318 : vector<128x128xi32>
    %jit3A_320 = arith.constant 0.000000e+00 : f32
    %broadcast_in_dim3A_321 = vector.broadcast %jit3A_320 : f32 to vector<128x128xf32>
    %select_n3A_322 = arith.select %eq3A_319, %get3A_315, %broadcast_in_dim3A_321 : vector<128x128xi1>, vector<128x128xf32>
    %add3A_323 = arith.addf %select_n3A_312, %select_n3A_322 : vector<128x128xf32>
    %get3A_324 = arith.constant 128 : index
    %get3A_325 = arith.constant 256 : index
    %get3A_326 = vector.load %arg2[%get3A_324, %get3A_325] : memref<2048x3200xf32, #tpu.memory_space<vmem>>, vector<128x128xf32>
    %add3A_327 = arith.addf %add3A_316, %get3A_326 : vector<128x128xf32>
    %eq3A_328 = arith.constant 256 : i32
    %eq3A_329 = vector.broadcast %eq3A_328 : i32 to vector<128x128xi32>
    %eq3A_330 = arith.cmpi eq, %sub3A_303, %eq3A_329 : vector<128x128xi32>
    %jit3A_331 = arith.constant 0.000000e+00 : f32
    %broadcast_in_dim3A_332 = vector.broadcast %jit3A_331 : f32 to vector<128x128xf32>
    %select_n3A_333 = arith.select %eq3A_330, %get3A_326, %broadcast_in_dim3A_332 : vector<128x128xi1>, vector<128x128xf32>
    %add3A_334 = arith.addf %add3A_323, %select_n3A_333 : vector<128x128xf32>
    %get3A_335 = arith.constant 128 : index
    %get3A_336 = arith.constant 384 : index
    %get3A_337 = vector.load %arg2[%get3A_335, %get3A_336] : memref<2048x3200xf32, #tpu.memory_space<vmem>>, vector<128x128xf32>
    %add3A_338 = arith.addf %add3A_327, %get3A_337 : vector<128x128xf32>
    %eq3A_339 = arith.constant 384 : i32
    %eq3A_340 = vector.broadcast %eq3A_339 : i32 to vector<128x128xi32>
    %eq3A_341 = arith.cmpi eq, %sub3A_303, %eq3A_340 : vector<128x128xi32>
    %jit3A_342 = arith.constant 0.000000e+00 : f32
    %broadcast_in_dim3A_343 = vector.broadcast %jit3A_342 : f32 to vector<128x128xf32>
    %select_n3A_344 = arith.select %eq3A_341, %get3A_337, %broadcast_in_dim3A_343 : vector<128x128xi1>, vector<128x128xf32>
    %add3A_345 = arith.addf %add3A_334, %select_n3A_344 : vector<128x128xf32>
    %get3A_346 = arith.constant 128 : index
    %get3A_347 = arith.constant 512 : index
    %get3A_348 = vector.load %arg2[%get3A_346, %get3A_347] : memref<2048x3200xf32, #tpu.memory_space<vmem>>, vector<128x128xf32>
    %add3A_349 = arith.addf %add3A_338, %get3A_348 : vector<128x128xf32>
    %eq3A_350 = arith.constant 512 : i32
    %eq3A_351 = vector.broadcast %eq3A_350 : i32 to vector<128x128xi32>
    %eq3A_352 = arith.cmpi eq, %sub3A_303, %eq3A_351 : vector<128x128xi32>
    %jit3A_353 = arith.constant 0.000000e+00 : f32
    %broadcast_in_dim3A_354 = vector.broadcast %jit3A_353 : f32 to vector<128x128xf32>
    %select_n3A_355 = arith.select %eq3A_352, %get3A_348, %broadcast_in_dim3A_354 : vector<128x128xi1>, vector<128x128xf32>
    %add3A_356 = arith.addf %add3A_345, %select_n3A_355 : vector<128x128xf32>
    %get3A_357 = arith.constant 128 : index
    %get3A_358 = arith.constant 640 : index
    %get3A_359 = vector.load %arg2[%get3A_357, %get3A_358] : memref<2048x3200xf32, #tpu.memory_space<vmem>>, vector<128x128xf32>
    %add3A_360 = arith.addf %add3A_349, %get3A_359 : vector<128x128xf32>
    %eq3A_361 = arith.constant 640 : i32
    %eq3A_362 = vector.broadcast %eq3A_361 : i32 to vector<128x128xi32>
    %eq3A_363 = arith.cmpi eq, %sub3A_303, %eq3A_362 : vector<128x128xi32>
    %jit3A_364 = arith.constant 0.000000e+00 : f32
    %broadcast_in_dim3A_365 = vector.broadcast %jit3A_364 : f32 to vector<128x128xf32>
    %select_n3A_366 = arith.select %eq3A_363, %get3A_359, %broadcast_in_dim3A_365 : vector<128x128xi1>, vector<128x128xf32>
    %add3A_367 = arith.addf %add3A_356, %select_n3A_366 : vector<128x128xf32>
    %get3A_368 = arith.constant 128 : index
    %get3A_369 = arith.constant 768 : index
    %get3A_370 = vector.load %arg2[%get3A_368, %get3A_369] : memref<2048x3200xf32, #tpu.memory_space<vmem>>, vector<128x128xf32>
    %add3A_371 = arith.addf %add3A_360, %get3A_370 : vector<128x128xf32>
    %eq3A_372 = arith.constant 768 : i32
    %eq3A_373 = vector.broadcast %eq3A_372 : i32 to vector<128x128xi32>
    %eq3A_374 = arith.cmpi eq, %sub3A_303, %eq3A_373 : vector<128x128xi32>
    %jit3A_375 = arith.constant 0.000000e+00 : f32
    %broadcast_in_dim3A_376 = vector.broadcast %jit3A_375 : f32 to vector<128x128xf32>
    %select_n3A_377 = arith.select %eq3A_374, %get3A_370, %broadcast_in_dim3A_376 : vector<128x128xi1>, vector<128x128xf32>
    %add3A_378 = arith.addf %add3A_367, %select_n3A_377 : vector<128x128xf32>
    %get3A_379 = arith.constant 128 : index
    %get3A_380 = arith.constant 896 : index
    %get3A_381 = vector.load %arg2[%get3A_379, %get3A_380] : memref<2048x3200xf32, #tpu.memory_space<vmem>>, vector<128x128xf32>
    %add3A_382 = arith.addf %add3A_371, %get3A_381 : vector<128x128xf32>
    %eq3A_383 = arith.constant 896 : i32
    %eq3A_384 = vector.broadcast %eq3A_383 : i32 to vector<128x128xi32>
    %eq3A_385 = arith.cmpi eq, %sub3A_303, %eq3A_384 : vector<128x128xi32>
    %jit3A_386 = arith.constant 0.000000e+00 : f32
    %broadcast_in_dim3A_387 = vector.broadcast %jit3A_386 : f32 to vector<128x128xf32>
    %select_n3A_388 = arith.select %eq3A_385, %get3A_381, %broadcast_in_dim3A_387 : vector<128x128xi1>, vector<128x128xf32>
    %add3A_389 = arith.addf %add3A_378, %select_n3A_388 : vector<128x128xf32>
    %get3A_390 = arith.constant 128 : index
    %get3A_391 = arith.constant 1024 : index
    %get3A_392 = vector.load %arg2[%get3A_390, %get3A_391] : memref<2048x3200xf32, #tpu.memory_space<vmem>>, vector<128x128xf32>
    %add3A_393 = arith.addf %add3A_382, %get3A_392 : vector<128x128xf32>
    %eq3A_394 = arith.constant 1024 : i32
    %eq3A_395 = vector.broadcast %eq3A_394 : i32 to vector<128x128xi32>
    %eq3A_396 = arith.cmpi eq, %sub3A_303, %eq3A_395 : vector<128x128xi32>
    %jit3A_397 = arith.constant 0.000000e+00 : f32
    %broadcast_in_dim3A_398 = vector.broadcast %jit3A_397 : f32 to vector<128x128xf32>
    %select_n3A_399 = arith.select %eq3A_396, %get3A_392, %broadcast_in_dim3A_398 : vector<128x128xi1>, vector<128x128xf32>
    %add3A_400 = arith.addf %add3A_389, %select_n3A_399 : vector<128x128xf32>
    %get3A_401 = arith.constant 128 : index
    %get3A_402 = arith.constant 1152 : index
    %get3A_403 = vector.load %arg2[%get3A_401, %get3A_402] : memref<2048x3200xf32, #tpu.memory_space<vmem>>, vector<128x128xf32>
    %add3A_404 = arith.addf %add3A_393, %get3A_403 : vector<128x128xf32>
    %eq3A_405 = arith.constant 1152 : i32
    %eq3A_406 = vector.broadcast %eq3A_405 : i32 to vector<128x128xi32>
    %eq3A_407 = arith.cmpi eq, %sub3A_303, %eq3A_406 : vector<128x128xi32>
    %jit3A_408 = arith.constant 0.000000e+00 : f32
    %broadcast_in_dim3A_409 = vector.broadcast %jit3A_408 : f32 to vector<128x128xf32>
    %select_n3A_410 = arith.select %eq3A_407, %get3A_403, %broadcast_in_dim3A_409 : vector<128x128xi1>, vector<128x128xf32>
    %add3A_411 = arith.addf %add3A_400, %select_n3A_410 : vector<128x128xf32>
    %get3A_412 = arith.constant 128 : index
    %get3A_413 = arith.constant 1280 : index
    %get3A_414 = vector.load %arg2[%get3A_412, %get3A_413] : memref<2048x3200xf32, #tpu.memory_space<vmem>>, vector<128x128xf32>
    %add3A_415 = arith.addf %add3A_404, %get3A_414 : vector<128x128xf32>
    %eq3A_416 = arith.constant 1280 : i32
    %eq3A_417 = vector.broadcast %eq3A_416 : i32 to vector<128x128xi32>
    %eq3A_418 = arith.cmpi eq, %sub3A_303, %eq3A_417 : vector<128x128xi32>
    %jit3A_419 = arith.constant 0.000000e+00 : f32
    %broadcast_in_dim3A_420 = vector.broadcast %jit3A_419 : f32 to vector<128x128xf32>
    %select_n3A_421 = arith.select %eq3A_418, %get3A_414, %broadcast_in_dim3A_420 : vector<128x128xi1>, vector<128x128xf32>
    %add3A_422 = arith.addf %add3A_411, %select_n3A_421 : vector<128x128xf32>
    %get3A_423 = arith.constant 128 : index
    %get3A_424 = arith.constant 1408 : index
    %get3A_425 = vector.load %arg2[%get3A_423, %get3A_424] : memref<2048x3200xf32, #tpu.memory_space<vmem>>, vector<128x128xf32>
    %add3A_426 = arith.addf %add3A_415, %get3A_425 : vector<128x128xf32>
    %eq3A_427 = arith.constant 1408 : i32
    %eq3A_428 = vector.broadcast %eq3A_427 : i32 to vector<128x128xi32>
    %eq3A_429 = arith.cmpi eq, %sub3A_303, %eq3A_428 : vector<128x128xi32>
    %jit3A_430 = arith.constant 0.000000e+00 : f32
    %broadcast_in_dim3A_431 = vector.broadcast %jit3A_430 : f32 to vector<128x128xf32>
    %select_n3A_432 = arith.select %eq3A_429, %get3A_425, %broadcast_in_dim3A_431 : vector<128x128xi1>, vector<128x128xf32>
    %add3A_433 = arith.addf %add3A_422, %select_n3A_432 : vector<128x128xf32>
    %get3A_434 = arith.constant 128 : index
    %get3A_435 = arith.constant 1536 : index
    %get3A_436 = vector.load %arg2[%get3A_434, %get3A_435] : memref<2048x3200xf32, #tpu.memory_space<vmem>>, vector<128x128xf32>
    %add3A_437 = arith.addf %add3A_426, %get3A_436 : vector<128x128xf32>
    %eq3A_438 = arith.constant 1536 : i32
    %eq3A_439 = vector.broadcast %eq3A_438 : i32 to vector<128x128xi32>
    %eq3A_440 = arith.cmpi eq, %sub3A_303, %eq3A_439 : vector<128x128xi32>
    %jit3A_441 = arith.constant 0.000000e+00 : f32
    %broadcast_in_dim3A_442 = vector.broadcast %jit3A_441 : f32 to vector<128x128xf32>
    %select_n3A_443 = arith.select %eq3A_440, %get3A_436, %broadcast_in_dim3A_442 : vector<128x128xi1>, vector<128x128xf32>
    %add3A_444 = arith.addf %add3A_433, %select_n3A_443 : vector<128x128xf32>
    %get3A_445 = arith.constant 128 : index
    %get3A_446 = arith.constant 1664 : index
    %get3A_447 = vector.load %arg2[%get3A_445, %get3A_446] : memref<2048x3200xf32, #tpu.memory_space<vmem>>, vector<128x128xf32>
    %add3A_448 = arith.addf %add3A_437, %get3A_447 : vector<128x128xf32>
    %eq3A_449 = arith.constant 1664 : i32
    %eq3A_450 = vector.broadcast %eq3A_449 : i32 to vector<128x128xi32>
    %eq3A_451 = arith.cmpi eq, %sub3A_303, %eq3A_450 : vector<128x128xi32>
    %jit3A_452 = arith.constant 0.000000e+00 : f32
    %broadcast_in_dim3A_453 = vector.broadcast %jit3A_452 : f32 to vector<128x128xf32>
    %select_n3A_454 = arith.select %eq3A_451, %get3A_447, %broadcast_in_dim3A_453 : vector<128x128xi1>, vector<128x128xf32>
    %add3A_455 = arith.addf %add3A_444, %select_n3A_454 : vector<128x128xf32>
    %get3A_456 = arith.constant 128 : index
    %get3A_457 = arith.constant 1792 : index
    %get3A_458 = vector.load %arg2[%get3A_456, %get3A_457] : memref<2048x3200xf32, #tpu.memory_space<vmem>>, vector<128x128xf32>
    %add3A_459 = arith.addf %add3A_448, %get3A_458 : vector<128x128xf32>
    %eq3A_460 = arith.constant 1792 : i32
    %eq3A_461 = vector.broadcast %eq3A_460 : i32 to vector<128x128xi32>
    %eq3A_462 = arith.cmpi eq, %sub3A_303, %eq3A_461 : vector<128x128xi32>
    %jit3A_463 = arith.constant 0.000000e+00 : f32
    %broadcast_in_dim3A_464 = vector.broadcast %jit3A_463 : f32 to vector<128x128xf32>
    %select_n3A_465 = arith.select %eq3A_462, %get3A_458, %broadcast_in_dim3A_464 : vector<128x128xi1>, vector<128x128xf32>
    %add3A_466 = arith.addf %add3A_455, %select_n3A_465 : vector<128x128xf32>
    %get3A_467 = arith.constant 128 : index
    %get3A_468 = arith.constant 1920 : index
    %get3A_469 = vector.load %arg2[%get3A_467, %get3A_468] : memref<2048x3200xf32, #tpu.memory_space<vmem>>, vector<128x128xf32>
    %add3A_470 = arith.addf %add3A_459, %get3A_469 : vector<128x128xf32>
    %eq3A_471 = arith.constant 1920 : i32
    %eq3A_472 = vector.broadcast %eq3A_471 : i32 to vector<128x128xi32>
    %eq3A_473 = arith.cmpi eq, %sub3A_303, %eq3A_472 : vector<128x128xi32>
    %jit3A_474 = arith.constant 0.000000e+00 : f32
    %broadcast_in_dim3A_475 = vector.broadcast %jit3A_474 : f32 to vector<128x128xf32>
    %select_n3A_476 = arith.select %eq3A_473, %get3A_469, %broadcast_in_dim3A_475 : vector<128x128xi1>, vector<128x128xf32>
    %add3A_477 = arith.addf %add3A_466, %select_n3A_476 : vector<128x128xf32>
    %get3A_478 = arith.constant 128 : index
    %get3A_479 = arith.constant 2048 : index
    %get3A_480 = vector.load %arg2[%get3A_478, %get3A_479] : memref<2048x3200xf32, #tpu.memory_space<vmem>>, vector<128x128xf32>
    %add3A_481 = arith.addf %add3A_470, %get3A_480 : vector<128x128xf32>
    %eq3A_482 = arith.constant 2048 : i32
    %eq3A_483 = vector.broadcast %eq3A_482 : i32 to vector<128x128xi32>
    %eq3A_484 = arith.cmpi eq, %sub3A_303, %eq3A_483 : vector<128x128xi32>
    %jit3A_485 = arith.constant 0.000000e+00 : f32
    %broadcast_in_dim3A_486 = vector.broadcast %jit3A_485 : f32 to vector<128x128xf32>
    %select_n3A_487 = arith.select %eq3A_484, %get3A_480, %broadcast_in_dim3A_486 : vector<128x128xi1>, vector<128x128xf32>
    %add3A_488 = arith.addf %add3A_477, %select_n3A_487 : vector<128x128xf32>
    %get3A_489 = arith.constant 128 : index
    %get3A_490 = arith.constant 2176 : index
    %get3A_491 = vector.load %arg2[%get3A_489, %get3A_490] : memref<2048x3200xf32, #tpu.memory_space<vmem>>, vector<128x128xf32>
    %add3A_492 = arith.addf %add3A_481, %get3A_491 : vector<128x128xf32>
    %eq3A_493 = arith.constant 2176 : i32
    %eq3A_494 = vector.broadcast %eq3A_493 : i32 to vector<128x128xi32>
    %eq3A_495 = arith.cmpi eq, %sub3A_303, %eq3A_494 : vector<128x128xi32>
    %jit3A_496 = arith.constant 0.000000e+00 : f32
    %broadcast_in_dim3A_497 = vector.broadcast %jit3A_496 : f32 to vector<128x128xf32>
    %select_n3A_498 = arith.select %eq3A_495, %get3A_491, %broadcast_in_dim3A_497 : vector<128x128xi1>, vector<128x128xf32>
    %add3A_499 = arith.addf %add3A_488, %select_n3A_498 : vector<128x128xf32>
    %get3A_500 = arith.constant 128 : index
    %get3A_501 = arith.constant 2304 : index
    %get3A_502 = vector.load %arg2[%get3A_500, %get3A_501] : memref<2048x3200xf32, #tpu.memory_space<vmem>>, vector<128x128xf32>
    %add3A_503 = arith.addf %add3A_492, %get3A_502 : vector<128x128xf32>
    %eq3A_504 = arith.constant 2304 : i32
    %eq3A_505 = vector.broadcast %eq3A_504 : i32 to vector<128x128xi32>
    %eq3A_506 = arith.cmpi eq, %sub3A_303, %eq3A_505 : vector<128x128xi32>
    %jit3A_507 = arith.constant 0.000000e+00 : f32
    %broadcast_in_dim3A_508 = vector.broadcast %jit3A_507 : f32 to vector<128x128xf32>
    %select_n3A_509 = arith.select %eq3A_506, %get3A_502, %broadcast_in_dim3A_508 : vector<128x128xi1>, vector<128x128xf32>
    %add3A_510 = arith.addf %add3A_499, %select_n3A_509 : vector<128x128xf32>
    %get3A_511 = arith.constant 128 : index
    %get3A_512 = arith.constant 2432 : index
    %get3A_513 = vector.load %arg2[%get3A_511, %get3A_512] : memref<2048x3200xf32, #tpu.memory_space<vmem>>, vector<128x128xf32>
    %add3A_514 = arith.addf %add3A_503, %get3A_513 : vector<128x128xf32>
    %eq3A_515 = arith.constant 2432 : i32
    %eq3A_516 = vector.broadcast %eq3A_515 : i32 to vector<128x128xi32>
    %eq3A_517 = arith.cmpi eq, %sub3A_303, %eq3A_516 : vector<128x128xi32>
    %jit3A_518 = arith.constant 0.000000e+00 : f32
    %broadcast_in_dim3A_519 = vector.broadcast %jit3A_518 : f32 to vector<128x128xf32>
    %select_n3A_520 = arith.select %eq3A_517, %get3A_513, %broadcast_in_dim3A_519 : vector<128x128xi1>, vector<128x128xf32>
    %add3A_521 = arith.addf %add3A_510, %select_n3A_520 : vector<128x128xf32>
    %get3A_522 = arith.constant 128 : index
    %get3A_523 = arith.constant 2560 : index
    %get3A_524 = vector.load %arg2[%get3A_522, %get3A_523] : memref<2048x3200xf32, #tpu.memory_space<vmem>>, vector<128x128xf32>
    %add3A_525 = arith.addf %add3A_514, %get3A_524 : vector<128x128xf32>
    %eq3A_526 = arith.constant 2560 : i32
    %eq3A_527 = vector.broadcast %eq3A_526 : i32 to vector<128x128xi32>
    %eq3A_528 = arith.cmpi eq, %sub3A_303, %eq3A_527 : vector<128x128xi32>
    %jit3A_529 = arith.constant 0.000000e+00 : f32
    %broadcast_in_dim3A_530 = vector.broadcast %jit3A_529 : f32 to vector<128x128xf32>
    %select_n3A_531 = arith.select %eq3A_528, %get3A_524, %broadcast_in_dim3A_530 : vector<128x128xi1>, vector<128x128xf32>
    %add3A_532 = arith.addf %add3A_521, %select_n3A_531 : vector<128x128xf32>
    %get3A_533 = arith.constant 128 : index
    %get3A_534 = arith.constant 2688 : index
    %get3A_535 = vector.load %arg2[%get3A_533, %get3A_534] : memref<2048x3200xf32, #tpu.memory_space<vmem>>, vector<128x128xf32>
    %add3A_536 = arith.addf %add3A_525, %get3A_535 : vector<128x128xf32>
    %eq3A_537 = arith.constant 2688 : i32
    %eq3A_538 = vector.broadcast %eq3A_537 : i32 to vector<128x128xi32>
    %eq3A_539 = arith.cmpi eq, %sub3A_303, %eq3A_538 : vector<128x128xi32>
    %jit3A_540 = arith.constant 0.000000e+00 : f32
    %broadcast_in_dim3A_541 = vector.broadcast %jit3A_540 : f32 to vector<128x128xf32>
    %select_n3A_542 = arith.select %eq3A_539, %get3A_535, %broadcast_in_dim3A_541 : vector<128x128xi1>, vector<128x128xf32>
    %add3A_543 = arith.addf %add3A_532, %select_n3A_542 : vector<128x128xf32>
    %get3A_544 = arith.constant 128 : index
    %get3A_545 = arith.constant 2816 : index
    %get3A_546 = vector.load %arg2[%get3A_544, %get3A_545] : memref<2048x3200xf32, #tpu.memory_space<vmem>>, vector<128x128xf32>
    %add3A_547 = arith.addf %add3A_536, %get3A_546 : vector<128x128xf32>
    %eq3A_548 = arith.constant 2816 : i32
    %eq3A_549 = vector.broadcast %eq3A_548 : i32 to vector<128x128xi32>
    %eq3A_550 = arith.cmpi eq, %sub3A_303, %eq3A_549 : vector<128x128xi32>
    %jit3A_551 = arith.constant 0.000000e+00 : f32
    %broadcast_in_dim3A_552 = vector.broadcast %jit3A_551 : f32 to vector<128x128xf32>
    %select_n3A_553 = arith.select %eq3A_550, %get3A_546, %broadcast_in_dim3A_552 : vector<128x128xi1>, vector<128x128xf32>
    %add3A_554 = arith.addf %add3A_543, %select_n3A_553 : vector<128x128xf32>
    %get3A_555 = arith.constant 128 : index
    %get3A_556 = arith.constant 2944 : index
    %get3A_557 = vector.load %arg2[%get3A_555, %get3A_556] : memref<2048x3200xf32, #tpu.memory_space<vmem>>, vector<128x128xf32>
    %add3A_558 = arith.addf %add3A_547, %get3A_557 : vector<128x128xf32>
    %eq3A_559 = arith.constant 2944 : i32
    %eq3A_560 = vector.broadcast %eq3A_559 : i32 to vector<128x128xi32>
    %eq3A_561 = arith.cmpi eq, %sub3A_303, %eq3A_560 : vector<128x128xi32>
    %jit3A_562 = arith.constant 0.000000e+00 : f32
    %broadcast_in_dim3A_563 = vector.broadcast %jit3A_562 : f32 to vector<128x128xf32>
    %select_n3A_564 = arith.select %eq3A_561, %get3A_557, %broadcast_in_dim3A_563 : vector<128x128xi1>, vector<128x128xf32>
    %add3A_565 = arith.addf %add3A_554, %select_n3A_564 : vector<128x128xf32>
    %get3A_566 = arith.constant 128 : index
    %get3A_567 = arith.constant 3072 : index
    %get3A_568 = vector.load %arg2[%get3A_566, %get3A_567] : memref<2048x3200xf32, #tpu.memory_space<vmem>>, vector<128x128xf32>
    %add3A_569 = arith.addf %add3A_558, %get3A_568 : vector<128x128xf32>
    %eq3A_570 = arith.constant 3072 : i32
    %eq3A_571 = vector.broadcast %eq3A_570 : i32 to vector<128x128xi32>
    %eq3A_572 = arith.cmpi eq, %sub3A_303, %eq3A_571 : vector<128x128xi32>
    %jit3A_573 = arith.constant 0.000000e+00 : f32
    %broadcast_in_dim3A_574 = vector.broadcast %jit3A_573 : f32 to vector<128x128xf32>
    %select_n3A_575 = arith.select %eq3A_572, %get3A_568, %broadcast_in_dim3A_574 : vector<128x128xi1>, vector<128x128xf32>
    %add3A_576 = arith.addf %add3A_565, %select_n3A_575 : vector<128x128xf32>
    %get3A_577 = arith.constant 128 : index
    %get3A_578 = arith.constant 0 : index
    %get3A_579 = vector.load %arg3[%get3A_577, %get3A_578] : memref<2048x256xf32, #tpu.memory_space<vmem>>, vector<128x128xf32>
    %add3A_580 = arith.addf %get3A_579, %add3A_576 : vector<128x128xf32>
    %swap3A_581 = arith.constant 128 : index
    %swap3A_582 = arith.constant 0 : index
    %swap3A_583 = vector.load %arg3[%swap3A_581, %swap3A_582] : memref<2048x256xf32, #tpu.memory_space<vmem>>, vector<128x128xf32>
    tpu.vector_store %arg3[%swap3A_581, %swap3A_582], %add3A_580 {strides = array<i32>} : memref<2048x256xf32, #tpu.memory_space<vmem>>, vector<128x128xf32>,
    %get3A_584 = arith.constant 128 : index
    %get3A_585 = arith.constant 128 : index
    %get3A_586 = vector.load %arg3[%get3A_584, %get3A_585] : memref<2048x256xf32, #tpu.memory_space<vmem>>, vector<128x1xf32>
    %reduce_sum3A_587 = arith.constant dense<0.000000e+00> : vector<128xf32>
    %reduce_sum3A_588 = vector.multi_reduction <add>, %add3A_569, %reduce_sum3A_587 [1] : vector<128x128xf32> to vector<128xf32>
    %broadcast_in_dim3A_589 = vector.shape_cast %reduce_sum3A_588 : vector<128xf32> to vector<128x1xf32>
    %add3A_590 = arith.addf %get3A_586, %broadcast_in_dim3A_589 : vector<128x1xf32>
    %swap3A_591 = arith.constant 128 : index
    %swap3A_592 = arith.constant 128 : index
    %swap3A_593 = vector.load %arg3[%swap3A_591, %swap3A_592] : memref<2048x256xf32, #tpu.memory_space<vmem>>, vector<128x1xf32>
    tpu.vector_store %arg3[%swap3A_591, %swap3A_592], %add3A_590 {strides = array<i32>} : memref<2048x256xf32, #tpu.memory_space<vmem>>, vector<128x1xf32>,
    %get3A_594 = arith.constant 256 : index
    %get3A_595 = arith.constant 0 : index
    %get3A_596 = vector.load %arg1[%get3A_594, %get3A_595] : memref<2048x1xi32, #tpu.memory_space<vmem>>, vector<128x1xi32>
    %broadcast_in_dim3A_597 = vector.shape_cast %get3A_596 : vector<128x1xi32> to vector<128x1xi32>
    %broadcast_in_dim3A_598 = vector.broadcast %broadcast_in_dim3A_597 : vector<128x1xi32> to vector<128x128xi32>
    %iota3A_599 = tpu.iota {dimensions = array<i32: 1>} : vector<128x128xi32>
    %sub3A_600 = arith.subi %broadcast_in_dim3A_598, %iota3A_599 : vector<128x128xi32>
    %mul3A_601 = arith.constant 3200 : i32
    %mul3A_602 = arith.muli %arg0, %mul3A_601 : i32
    %sub3A_603 = vector.broadcast %mul3A_602 : i32 to vector<128x128xi32>
    %sub3A_604 = arith.subi %sub3A_600, %sub3A_603 : vector<128x128xi32>
    %get3A_605 = arith.constant 256 : index
    %get3A_606 = arith.constant 0 : index
    %get3A_607 = vector.load %arg2[%get3A_605, %get3A_606] : memref<2048x3200xf32, #tpu.memory_space<vmem>>, vector<128x128xf32>
    %eq3A_608 = arith.constant 0 : i32
    %eq3A_609 = vector.broadcast %eq3A_608 : i32 to vector<128x128xi32>
    %eq3A_610 = arith.cmpi eq, %sub3A_604, %eq3A_609 : vector<128x128xi32>
    %jit3A_611 = arith.constant 0.000000e+00 : f32
    %broadcast_in_dim3A_612 = vector.broadcast %jit3A_611 : f32 to vector<128x128xf32>
    %select_n3A_613 = arith.select %eq3A_610, %get3A_607, %broadcast_in_dim3A_612 : vector<128x128xi1>, vector<128x128xf32>
    %get3A_614 = arith.constant 256 : index
    %get3A_615 = arith.constant 128 : index
    %get3A_616 = vector.load %arg2[%get3A_614, %get3A_615] : memref<2048x3200xf32, #tpu.memory_space<vmem>>, vector<128x128xf32>
    %add3A_617 = arith.addf %get3A_607, %get3A_616 : vector<128x128xf32>
    %eq3A_618 = arith.constant 128 : i32
    %eq3A_619 = vector.broadcast %eq3A_618 : i32 to vector<128x128xi32>
    %eq3A_620 = arith.cmpi eq, %sub3A_604, %eq3A_619 : vector<128x128xi32>
    %jit3A_621 = arith.constant 0.000000e+00 : f32
    %broadcast_in_dim3A_622 = vector.broadcast %jit3A_621 : f32 to vector<128x128xf32>
    %select_n3A_623 = arith.select %eq3A_620, %get3A_616, %broadcast_in_dim3A_622 : vector<128x128xi1>, vector<128x128xf32>
    %add3A_624 = arith.addf %select_n3A_613, %select_n3A_623 : vector<128x128xf32>
    %get3A_625 = arith.constant 256 : index
    %get3A_626 = arith.constant 256 : index
    %get3A_627 = vector.load %arg2[%get3A_625, %get3A_626] : memref<2048x3200xf32, #tpu.memory_space<vmem>>, vector<128x128xf32>
    %add3A_628 = arith.addf %add3A_617, %get3A_627 : vector<128x128xf32>
    %eq3A_629 = arith.constant 256 : i32
    %eq3A_630 = vector.broadcast %eq3A_629 : i32 to vector<128x128xi32>
    %eq3A_631 = arith.cmpi eq, %sub3A_604, %eq3A_630 : vector<128x128xi32>
    %jit3A_632 = arith.constant 0.000000e+00 : f32
    %broadcast_in_dim3A_633 = vector.broadcast %jit3A_632 : f32 to vector<128x128xf32>
    %select_n3A_634 = arith.select %eq3A_631, %get3A_627, %broadcast_in_dim3A_633 : vector<128x128xi1>, vector<128x128xf32>
    %add3A_635 = arith.addf %add3A_624, %select_n3A_634 : vector<128x128xf32>
    %get3A_636 = arith.constant 256 : index
    %get3A_637 = arith.constant 384 : index
    %get3A_638 = vector.load %arg2[%get3A_636, %get3A_637] : memref<2048x3200xf32, #tpu.memory_space<vmem>>, vector<128x128xf32>
    %add3A_639 = arith.addf %add3A_628, %get3A_638 : vector<128x128xf32>
    %eq3A_640 = arith.constant 384 : i32
    %eq3A_641 = vector.broadcast %eq3A_640 : i32 to vector<128x128xi32>
    %eq3A_642 = arith.cmpi eq, %sub3A_604, %eq3A_641 : vector<128x128xi32>
    %jit3A_643 = arith.constant 0.000000e+00 : f32
    %broadcast_in_dim3A_644 = vector.broadcast %jit3A_643 : f32 to vector<128x128xf32>
    %select_n3A_645 = arith.select %eq3A_642, %get3A_638, %broadcast_in_dim3A_644 : vector<128x128xi1>, vector<128x128xf32>
    %add3A_646 = arith.addf %add3A_635, %select_n3A_645 : vector<128x128xf32>
    %get3A_647 = arith.constant 256 : index
    %get3A_648 = arith.constant 512 : index
    %get3A_649 = vector.load %arg2[%get3A_647, %get3A_648] : memref<2048x3200xf32, #tpu.memory_space<vmem>>, vector<128x128xf32>
    %add3A_650 = arith.addf %add3A_639, %get3A_649 : vector<128x128xf32>
    %eq3A_651 = arith.constant 512 : i32
    %eq3A_652 = vector.broadcast %eq3A_651 : i32 to vector<128x128xi32>
    %eq3A_653 = arith.cmpi eq, %sub3A_604, %eq3A_652 : vector<128x128xi32>
    %jit3A_654 = arith.constant 0.000000e+00 : f32
    %broadcast_in_dim3A_655 = vector.broadcast %jit3A_654 : f32 to vector<128x128xf32>
    %select_n3A_656 = arith.select %eq3A_653, %get3A_649, %broadcast_in_dim3A_655 : vector<128x128xi1>, vector<128x128xf32>
    %add3A_657 = arith.addf %add3A_646, %select_n3A_656 : vector<128x128xf32>
    %get3A_658 = arith.constant 256 : index
    %get3A_659 = arith.constant 640 : index
    %get3A_660 = vector.load %arg2[%get3A_658, %get3A_659] : memref<2048x3200xf32, #tpu.memory_space<vmem>>, vector<128x128xf32>
    %add3A_661 = arith.addf %add3A_650, %get3A_660 : vector<128x128xf32>
    %eq3A_662 = arith.constant 640 : i32
    %eq3A_663 = vector.broadcast %eq3A_662 : i32 to vector<128x128xi32>
    %eq3A_664 = arith.cmpi eq, %sub3A_604, %eq3A_663 : vector<128x128xi32>
    %jit3A_665 = arith.constant 0.000000e+00 : f32
    %broadcast_in_dim3A_666 = vector.broadcast %jit3A_665 : f32 to vector<128x128xf32>
    %select_n3A_667 = arith.select %eq3A_664, %get3A_660, %broadcast_in_dim3A_666 : vector<128x128xi1>, vector<128x128xf32>
    %add3A_668 = arith.addf %add3A_657, %select_n3A_667 : vector<128x128xf32>
    %get3A_669 = arith.constant 256 : index
    %get3A_670 = arith.constant 768 : index
    %get3A_671 = vector.load %arg2[%get3A_669, %get3A_670] : memref<2048x3200xf32, #tpu.memory_space<vmem>>, vector<128x128xf32>
    %add3A_672 = arith.addf %add3A_661, %get3A_671 : vector<128x128xf32>
    %eq3A_673 = arith.constant 768 : i32
    %eq3A_674 = vector.broadcast %eq3A_673 : i32 to vector<128x128xi32>
    %eq3A_675 = arith.cmpi eq, %sub3A_604, %eq3A_674 : vector<128x128xi32>
    %jit3A_676 = arith.constant 0.000000e+00 : f32
    %broadcast_in_dim3A_677 = vector.broadcast %jit3A_676 : f32 to vector<128x128xf32>
    %select_n3A_678 = arith.select %eq3A_675, %get3A_671, %broadcast_in_dim3A_677 : vector<128x128xi1>, vector<128x128xf32>
    %add3A_679 = arith.addf %add3A_668, %select_n3A_678 : vector<128x128xf32>
    %get3A_680 = arith.constant 256 : index
    %get3A_681 = arith.constant 896 : index
    %get3A_682 = vector.load %arg2[%get3A_680, %get3A_681] : memref<2048x3200xf32, #tpu.memory_space<vmem>>, vector<128x128xf32>
    %add3A_683 = arith.addf %add3A_672, %get3A_682 : vector<128x128xf32>
    %eq3A_684 = arith.constant 896 : i32
    %eq3A_685 = vector.broadcast %eq3A_684 : i32 to vector<128x128xi32>
    %eq3A_686 = arith.cmpi eq, %sub3A_604, %eq3A_685 : vector<128x128xi32>
    %jit3A_687 = arith.constant 0.000000e+00 : f32
    %broadcast_in_dim3A_688 = vector.broadcast %jit3A_687 : f32 to vector<128x128xf32>
    %select_n3A_689 = arith.select %eq3A_686, %get3A_682, %broadcast_in_dim3A_688 : vector<128x128xi1>, vector<128x128xf32>
    %add3A_690 = arith.addf %add3A_679, %select_n3A_689 : vector<128x128xf32>
    %get3A_691 = arith.constant 256 : index
    %get3A_692 = arith.constant 1024 : index
    %get3A_693 = vector.load %arg2[%get3A_691, %get3A_692] : memref<2048x3200xf32, #tpu.memory_space<vmem>>, vector<128x128xf32>
    %add3A_694 = arith.addf %add3A_683, %get3A_693 : vector<128x128xf32>
    %eq3A_695 = arith.constant 1024 : i32
    %eq3A_696 = vector.broadcast %eq3A_695 : i32 to vector<128x128xi32>
    %eq3A_697 = arith.cmpi eq, %sub3A_604, %eq3A_696 : vector<128x128xi32>
    %jit3A_698 = arith.constant 0.000000e+00 : f32
    %broadcast_in_dim3A_699 = vector.broadcast %jit3A_698 : f32 to vector<128x128xf32>
    %select_n3A_700 = arith.select %eq3A_697, %get3A_693, %broadcast_in_dim3A_699 : vector<128x128xi1>, vector<128x128xf32>
    %add3A_701 = arith.addf %add3A_690, %select_n3A_700 : vector<128x128xf32>
    %get3A_702 = arith.constant 256 : index
    %get3A_703 = arith.constant 1152 : index
    %get3A_704 = vector.load %arg2[%get3A_702, %get3A_703] : memref<2048x3200xf32, #tpu.memory_space<vmem>>, vector<128x128xf32>
    %add3A_705 = arith.addf %add3A_694, %get3A_704 : vector<128x128xf32>
    %eq3A_706 = arith.constant 1152 : i32
    %eq3A_707 = vector.broadcast %eq3A_706 : i32 to vector<128x128xi32>
    %eq3A_708 = arith.cmpi eq, %sub3A_604, %eq3A_707 : vector<128x128xi32>
    %jit3A_709 = arith.constant 0.000000e+00 : f32
    %broadcast_in_dim3A_710 = vector.broadcast %jit3A_709 : f32 to vector<128x128xf32>
    %select_n3A_711 = arith.select %eq3A_708, %get3A_704, %broadcast_in_dim3A_710 : vector<128x128xi1>, vector<128x128xf32>
    %add3A_712 = arith.addf %add3A_701, %select_n3A_711 : vector<128x128xf32>
    %get3A_713 = arith.constant 256 : index
    %get3A_714 = arith.constant 1280 : index
    %get3A_715 = vector.load %arg2[%get3A_713, %get3A_714] : memref<2048x3200xf32, #tpu.memory_space<vmem>>, vector<128x128xf32>
    %add3A_716 = arith.addf %add3A_705, %get3A_715 : vector<128x128xf32>
    %eq3A_717 = arith.constant 1280 : i32
    %eq3A_718 = vector.broadcast %eq3A_717 : i32 to vector<128x128xi32>
    %eq3A_719 = arith.cmpi eq, %sub3A_604, %eq3A_718 : vector<128x128xi32>
    %jit3A_720 = arith.constant 0.000000e+00 : f32
    %broadcast_in_dim3A_721 = vector.broadcast %jit3A_720 : f32 to vector<128x128xf32>
    %select_n3A_722 = arith.select %eq3A_719, %get3A_715, %broadcast_in_dim3A_721 : vector<128x128xi1>, vector<128x128xf32>
    %add3A_723 = arith.addf %add3A_712, %select_n3A_722 : vector<128x128xf32>
    %get3A_724 = arith.constant 256 : index
    %get3A_725 = arith.constant 1408 : index
    %get3A_726 = vector.load %arg2[%get3A_724, %get3A_725] : memref<2048x3200xf32, #tpu.memory_space<vmem>>, vector<128x128xf32>
    %add3A_727 = arith.addf %add3A_716, %get3A_726 : vector<128x128xf32>
    %eq3A_728 = arith.constant 1408 : i32
    %eq3A_729 = vector.broadcast %eq3A_728 : i32 to vector<128x128xi32>
    %eq3A_730 = arith.cmpi eq, %sub3A_604, %eq3A_729 : vector<128x128xi32>
    %jit3A_731 = arith.constant 0.000000e+00 : f32
    %broadcast_in_dim3A_732 = vector.broadcast %jit3A_731 : f32 to vector<128x128xf32>
    %select_n3A_733 = arith.select %eq3A_730, %get3A_726, %broadcast_in_dim3A_732 : vector<128x128xi1>, vector<128x128xf32>
    %add3A_734 = arith.addf %add3A_723, %select_n3A_733 : vector<128x128xf32>
    %get3A_735 = arith.constant 256 : index
    %get3A_736 = arith.constant 1536 : index
    %get3A_737 = vector.load %arg2[%get3A_735, %get3A_736] : memref<2048x3200xf32, #tpu.memory_space<vmem>>, vector<128x128xf32>
    %add3A_738 = arith.addf %add3A_727, %get3A_737 : vector<128x128xf32>
    %eq3A_739 = arith.constant 1536 : i32
    %eq3A_740 = vector.broadcast %eq3A_739 : i32 to vector<128x128xi32>
    %eq3A_741 = arith.cmpi eq, %sub3A_604, %eq3A_740 : vector<128x128xi32>
    %jit3A_742 = arith.constant 0.000000e+00 : f32
    %broadcast_in_dim3A_743 = vector.broadcast %jit3A_742 : f32 to vector<128x128xf32>
    %select_n3A_744 = arith.select %eq3A_741, %get3A_737, %broadcast_in_dim3A_743 : vector<128x128xi1>, vector<128x128xf32>
    %add3A_745 = arith.addf %add3A_734, %select_n3A_744 : vector<128x128xf32>
    %get3A_746 = arith.constant 256 : index
    %get3A_747 = arith.constant 1664 : index
    %get3A_748 = vector.load %arg2[%get3A_746, %get3A_747] : memref<2048x3200xf32, #tpu.memory_space<vmem>>, vector<128x128xf32>
    %add3A_749 = arith.addf %add3A_738, %get3A_748 : vector<128x128xf32>
    %eq3A_750 = arith.constant 1664 : i32
    %eq3A_751 = vector.broadcast %eq3A_750 : i32 to vector<128x128xi32>
    %eq3A_752 = arith.cmpi eq, %sub3A_604, %eq3A_751 : vector<128x128xi32>
    %jit3A_753 = arith.constant 0.000000e+00 : f32
    %broadcast_in_dim3A_754 = vector.broadcast %jit3A_753 : f32 to vector<128x128xf32>
    %select_n3A_755 = arith.select %eq3A_752, %get3A_748, %broadcast_in_dim3A_754 : vector<128x128xi1>, vector<128x128xf32>
    %add3A_756 = arith.addf %add3A_745, %select_n3A_755 : vector<128x128xf32>
    %get3A_757 = arith.constant 256 : index
    %get3A_758 = arith.constant 1792 : index
    %get3A_759 = vector.load %arg2[%get3A_757, %get3A_758] : memref<2048x3200xf32, #tpu.memory_space<vmem>>, vector<128x128xf32>
    %add3A_760 = arith.addf %add3A_749, %get3A_759 : vector<128x128xf32>
    %eq3A_761 = arith.constant 1792 : i32
    %eq3A_762 = vector.broadcast %eq3A_761 : i32 to vector<128x128xi32>
    %eq3A_763 = arith.cmpi eq, %sub3A_604, %eq3A_762 : vector<128x128xi32>
    %jit3A_764 = arith.constant 0.000000e+00 : f32
    %broadcast_in_dim3A_765 = vector.broadcast %jit3A_764 : f32 to vector<128x128xf32>
    %select_n3A_766 = arith.select %eq3A_763, %get3A_759, %broadcast_in_dim3A_765 : vector<128x128xi1>, vector<128x128xf32>
    %add3A_767 = arith.addf %add3A_756, %select_n3A_766 : vector<128x128xf32>
    %get3A_768 = arith.constant 256 : index
    %get3A_769 = arith.constant 1920 : index
    %get3A_770 = vector.load %arg2[%get3A_768, %get3A_769] : memref<2048x3200xf32, #tpu.memory_space<vmem>>, vector<128x128xf32>
    %add3A_771 = arith.addf %add3A_760, %get3A_770 : vector<128x128xf32>
    %eq3A_772 = arith.constant 1920 : i32
    %eq3A_773 = vector.broadcast %eq3A_772 : i32 to vector<128x128xi32>
    %eq3A_774 = arith.cmpi eq, %sub3A_604, %eq3A_773 : vector<128x128xi32>
    %jit3A_775 = arith.constant 0.000000e+00 : f32
    %broadcast_in_dim3A_776 = vector.broadcast %jit3A_775 : f32 to vector<128x128xf32>
    %select_n3A_777 = arith.select %eq3A_774, %get3A_770, %broadcast_in_dim3A_776 : vector<128x128xi1>, vector<128x128xf32>
    %add3A_778 = arith.addf %add3A_767, %select_n3A_777 : vector<128x128xf32>
    %get3A_779 = arith.constant 256 : index
    %get3A_780 = arith.constant 2048 : index
    %get3A_781 = vector.load %arg2[%get3A_779, %get3A_780] : memref<2048x3200xf32, #tpu.memory_space<vmem>>, vector<128x128xf32>
    %add3A_782 = arith.addf %add3A_771, %get3A_781 : vector<128x128xf32>
    %eq3A_783 = arith.constant 2048 : i32
    %eq3A_784 = vector.broadcast %eq3A_783 : i32 to vector<128x128xi32>
    %eq3A_785 = arith.cmpi eq, %sub3A_604, %eq3A_784 : vector<128x128xi32>
    %jit3A_786 = arith.constant 0.000000e+00 : f32
    %broadcast_in_dim3A_787 = vector.broadcast %jit3A_786 : f32 to vector<128x128xf32>
    %select_n3A_788 = arith.select %eq3A_785, %get3A_781, %broadcast_in_dim3A_787 : vector<128x128xi1>, vector<128x128xf32>
    %add3A_789 = arith.addf %add3A_778, %select_n3A_788 : vector<128x128xf32>
    %get3A_790 = arith.constant 256 : index
    %get3A_791 = arith.constant 2176 : index
    %get3A_792 = vector.load %arg2[%get3A_790, %get3A_791] : memref<2048x3200xf32, #tpu.memory_space<vmem>>, vector<128x128xf32>
    %add3A_793 = arith.addf %add3A_782, %get3A_792 : vector<128x128xf32>
    %eq3A_794 = arith.constant 2176 : i32
    %eq3A_795 = vector.broadcast %eq3A_794 : i32 to vector<128x128xi32>
    %eq3A_796 = arith.cmpi eq, %sub3A_604, %eq3A_795 : vector<128x128xi32>
    %jit3A_797 = arith.constant 0.000000e+00 : f32
    %broadcast_in_dim3A_798 = vector.broadcast %jit3A_797 : f32 to vector<128x128xf32>
    %select_n3A_799 = arith.select %eq3A_796, %get3A_792, %broadcast_in_dim3A_798 : vector<128x128xi1>, vector<128x128xf32>
    %add3A_800 = arith.addf %add3A_789, %select_n3A_799 : vector<128x128xf32>
    %get3A_801 = arith.constant 256 : index
    %get3A_802 = arith.constant 2304 : index
    %get3A_803 = vector.load %arg2[%get3A_801, %get3A_802] : memref<2048x3200xf32, #tpu.memory_space<vmem>>, vector<128x128xf32>
    %add3A_804 = arith.addf %add3A_793, %get3A_803 : vector<128x128xf32>
    %eq3A_805 = arith.constant 2304 : i32
    %eq3A_806 = vector.broadcast %eq3A_805 : i32 to vector<128x128xi32>
    %eq3A_807 = arith.cmpi eq, %sub3A_604, %eq3A_806 : vector<128x128xi32>
    %jit3A_808 = arith.constant 0.000000e+00 : f32
    %broadcast_in_dim3A_809 = vector.broadcast %jit3A_808 : f32 to vector<128x128xf32>
    %select_n3A_810 = arith.select %eq3A_807, %get3A_803, %broadcast_in_dim3A_809 : vector<128x128xi1>, vector<128x128xf32>
    %add3A_811 = arith.addf %add3A_800, %select_n3A_810 : vector<128x128xf32>
    %get3A_812 = arith.constant 256 : index
    %get3A_813 = arith.constant 2432 : index
    %get3A_814 = vector.load %arg2[%get3A_812, %get3A_813] : memref<2048x3200xf32, #tpu.memory_space<vmem>>, vector<128x128xf32>
    %add3A_815 = arith.addf %add3A_804, %get3A_814 : vector<128x128xf32>
    %eq3A_816 = arith.constant 2432 : i32
    %eq3A_817 = vector.broadcast %eq3A_816 : i32 to vector<128x128xi32>
    %eq3A_818 = arith.cmpi eq, %sub3A_604, %eq3A_817 : vector<128x128xi32>
    %jit3A_819 = arith.constant 0.000000e+00 : f32
    %broadcast_in_dim3A_820 = vector.broadcast %jit3A_819 : f32 to vector<128x128xf32>
    %select_n3A_821 = arith.select %eq3A_818, %get3A_814, %broadcast_in_dim3A_820 : vector<128x128xi1>, vector<128x128xf32>
    %add3A_822 = arith.addf %add3A_811, %select_n3A_821 : vector<128x128xf32>
    %get3A_823 = arith.constant 256 : index
    %get3A_824 = arith.constant 2560 : index
    %get3A_825 = vector.load %arg2[%get3A_823, %get3A_824] : memref<2048x3200xf32, #tpu.memory_space<vmem>>, vector<128x128xf32>
    %add3A_826 = arith.addf %add3A_815, %get3A_825 : vector<128x128xf32>
    %eq3A_827 = arith.constant 2560 : i32
    %eq3A_828 = vector.broadcast %eq3A_827 : i32 to vector<128x128xi32>
    %eq3A_829 = arith.cmpi eq, %sub3A_604, %eq3A_828 : vector<128x128xi32>
    %jit3A_830 = arith.constant 0.000000e+00 : f32
    %broadcast_in_dim3A_831 = vector.broadcast %jit3A_830 : f32 to vector<128x128xf32>
    %select_n3A_832 = arith.select %eq3A_829, %get3A_825, %broadcast_in_dim3A_831 : vector<128x128xi1>, vector<128x128xf32>
    %add3A_833 = arith.addf %add3A_822, %select_n3A_832 : vector<128x128xf32>
    %get3A_834 = arith.constant 256 : index
    %get3A_835 = arith.constant 2688 : index
    %get3A_836 = vector.load %arg2[%get3A_834, %get3A_835] : memref<2048x3200xf32, #tpu.memory_space<vmem>>, vector<128x128xf32>
    %add3A_837 = arith.addf %add3A_826, %get3A_836 : vector<128x128xf32>
    %eq3A_838 = arith.constant 2688 : i32
    %eq3A_839 = vector.broadcast %eq3A_838 : i32 to vector<128x128xi32>
    %eq3A_840 = arith.cmpi eq, %sub3A_604, %eq3A_839 : vector<128x128xi32>
    %jit3A_841 = arith.constant 0.000000e+00 : f32
    %broadcast_in_dim3A_842 = vector.broadcast %jit3A_841 : f32 to vector<128x128xf32>
    %select_n3A_843 = arith.select %eq3A_840, %get3A_836, %broadcast_in_dim3A_842 : vector<128x128xi1>, vector<128x128xf32>
    %add3A_844 = arith.addf %add3A_833, %select_n3A_843 : vector<128x128xf32>
    %get3A_845 = arith.constant 256 : index
    %get3A_846 = arith.constant 2816 : index
    %get3A_847 = vector.load %arg2[%get3A_845, %get3A_846] : memref<2048x3200xf32, #tpu.memory_space<vmem>>, vector<128x128xf32>
    %add3A_848 = arith.addf %add3A_837, %get3A_847 : vector<128x128xf32>
    %eq3A_849 = arith.constant 2816 : i32
    %eq3A_850 = vector.broadcast %eq3A_849 : i32 to vector<128x128xi32>
    %eq3A_851 = arith.cmpi eq, %sub3A_604, %eq3A_850 : vector<128x128xi32>
    %jit3A_852 = arith.constant 0.000000e+00 : f32
    %broadcast_in_dim3A_853 = vector.broadcast %jit3A_852 : f32 to vector<128x128xf32>
    %select_n3A_854 = arith.select %eq3A_851, %get3A_847, %broadcast_in_dim3A_853 : vector<128x128xi1>, vector<128x128xf32>
    %add3A_855 = arith.addf %add3A_844, %select_n3A_854 : vector<128x128xf32>
    %get3A_856 = arith.constant 256 : index
    %get3A_857 = arith.constant 2944 : index
    %get3A_858 = vector.load %arg2[%get3A_856, %get3A_857] : memref<2048x3200xf32, #tpu.memory_space<vmem>>, vector<128x128xf32>
    %add3A_859 = arith.addf %add3A_848, %get3A_858 : vector<128x128xf32>
    %eq3A_860 = arith.constant 2944 : i32
    %eq3A_861 = vector.broadcast %eq3A_860 : i32 to vector<128x128xi32>
    %eq3A_862 = arith.cmpi eq, %sub3A_604, %eq3A_861 : vector<128x128xi32>
    %jit3A_863 = arith.constant 0.000000e+00 : f32
    %broadcast_in_dim3A_864 = vector.broadcast %jit3A_863 : f32 to vector<128x128xf32>
    %select_n3A_865 = arith.select %eq3A_862, %get3A_858, %broadcast_in_dim3A_864 : vector<128x128xi1>, vector<128x128xf32>
    %add3A_866 = arith.addf %add3A_855, %select_n3A_865 : vector<128x128xf32>
    %get3A_867 = arith.constant 256 : index
    %get3A_868 = arith.constant 3072 : index
    %get3A_869 = vector.load %arg2[%get3A_867, %get3A_868] : memref<2048x3200xf32, #tpu.memory_space<vmem>>, vector<128x128xf32>
    %add3A_870 = arith.addf %add3A_859, %get3A_869 : vector<128x128xf32>
    %eq3A_871 = arith.constant 3072 : i32
    %eq3A_872 = vector.broadcast %eq3A_871 : i32 to vector<128x128xi32>
    %eq3A_873 = arith.cmpi eq, %sub3A_604, %eq3A_872 : vector<128x128xi32>
    %jit3A_874 = arith.constant 0.000000e+00 : f32
    %broadcast_in_dim3A_875 = vector.broadcast %jit3A_874 : f32 to vector<128x128xf32>
    %select_n3A_876 = arith.select %eq3A_873, %get3A_869, %broadcast_in_dim3A_875 : vector<128x128xi1>, vector<128x128xf32>
    %add3A_877 = arith.addf %add3A_866, %select_n3A_876 : vector<128x128xf32>
    %get3A_878 = arith.constant 256 : index
    %get3A_879 = arith.constant 0 : index
    %get3A_880 = vector.load %arg3[%get3A_878, %get3A_879] : memref<2048x256xf32, #tpu.memory_space<vmem>>, vector<128x128xf32>
    %add3A_881 = arith.addf %get3A_880, %add3A_877 : vector<128x128xf32>
    %swap3A_882 = arith.constant 256 : index
    %swap3A_883 = arith.constant 0 : index
    %swap3A_884 = vector.load %arg3[%swap3A_882, %swap3A_883] : memref<2048x256xf32, #tpu.memory_space<vmem>>, vector<128x128xf32>
    tpu.vector_store %arg3[%swap3A_882, %swap3A_883], %add3A_881 {strides = array<i32>} : memref<2048x256xf32, #tpu.memory_space<vmem>>, vector<128x128xf32>,
    %get3A_885 = arith.constant 256 : index
    %get3A_886 = arith.constant 128 : index
    %get3A_887 = vector.load %arg3[%get3A_885, %get3A_886] : memref<2048x256xf32, #tpu.memory_space<vmem>>, vector<128x1xf32>
    %reduce_sum3A_888 = arith.constant dense<0.000000e+00> : vector<128xf32>
    %reduce_sum3A_889 = vector.multi_reduction <add>, %add3A_870, %reduce_sum3A_888 [1] : vector<128x128xf32> to vector<128xf32>
    %broadcast_in_dim3A_890 = vector.shape_cast %reduce_sum3A_889 : vector<128xf32> to vector<128x1xf32>
    %add3A_891 = arith.addf %get3A_887, %broadcast_in_dim3A_890 : vector<128x1xf32>
    %swap3A_892 = arith.constant 256 : index
    %swap3A_893 = arith.constant 128 : index
    %swap3A_894 = vector.load %arg3[%swap3A_892, %swap3A_893] : memref<2048x256xf32, #tpu.memory_space<vmem>>, vector<128x1xf32>
    tpu.vector_store %arg3[%swap3A_892, %swap3A_893], %add3A_891 {strides = array<i32>} : memref<2048x256xf32, #tpu.memory_space<vmem>>, vector<128x1xf32>,
    %get3A_895 = arith.constant 384 : index
    %get3A_896 = arith.constant 0 : index
    %get3A_897 = vector.load %arg1[%get3A_895, %get3A_896] : memref<2048x1xi32, #tpu.memory_space<vmem>>, vector<128x1xi32>
    %broadcast_in_dim3A_898 = vector.shape_cast %get3A_897 : vector<128x1xi32> to vector<128x1xi32>
    %broadcast_in_dim3A_899 = vector.broadcast %broadcast_in_dim3A_898 : vector<128x1xi32> to vector<128x128xi32>
    %iota3A_900 = tpu.iota {dimensions = array<i32: 1>} : vector<128x128xi32>
    %sub3A_901 = arith.subi %broadcast_in_dim3A_899, %iota3A_900 : vector<128x128xi32>
    %mul3A_902 = arith.constant 3200 : i32
    %mul3A_903 = arith.muli %arg0, %mul3A_902 : i32
    %sub3A_904 = vector.broadcast %mul3A_903 : i32 to vector<128x128xi32>
    %sub3A_905 = arith.subi %sub3A_901, %sub3A_904 : vector<128x128xi32>
    %get3A_906 = arith.constant 384 : index
    %get3A_907 = arith.constant 0 : index
    %get3A_908 = vector.load %arg2[%get3A_906, %get3A_907] : memref<2048x3200xf32, #tpu.memory_space<vmem>>, vector<128x128xf32>
    %eq3A_909 = arith.constant 0 : i32
    %eq3A_910 = vector.broadcast %eq3A_909 : i32 to vector<128x128xi32>
    %eq3A_911 = arith.cmpi eq, %sub3A_905, %eq3A_910 : vector<128x128xi32>
    %jit3A_912 = arith.constant 0.000000e+00 : f32
    %broadcast_in_dim3A_913 = vector.broadcast %jit3A_912 : f32 to vector<128x128xf32>
    %select_n3A_914 = arith.select %eq3A_911, %get3A_908, %broadcast_in_dim3A_913 : vector<128x128xi1>, vector<128x128xf32>
    %get3A_915 = arith.constant 384 : index
    %get3A_916 = arith.constant 128 : index
    %get3A_917 = vector.load %arg2[%get3A_915, %get3A_916] : memref<2048x3200xf32, #tpu.memory_space<vmem>>, vector<128x128xf32>
    %add3A_918 = arith.addf %get3A_908, %get3A_917 : vector<128x128xf32>
    %eq3A_919 = arith.constant 128 : i32
    %eq3A_920 = vector.broadcast %eq3A_919 : i32 to vector<128x128xi32>
    %eq3A_921 = arith.cmpi eq, %sub3A_905, %eq3A_920 : vector<128x128xi32>
    %jit3A_922 = arith.constant 0.000000e+00 : f32
    %broadcast_in_dim3A_923 = vector.broadcast %jit3A_922 : f32 to vector<128x128xf32>
    %select_n3A_924 = arith.select %eq3A_921, %get3A_917, %broadcast_in_dim3A_923 : vector<128x128xi1>, vector<128x128xf32>
    %add3A_925 = arith.addf %select_n3A_914, %select_n3A_924 : vector<128x128xf32>
    %get3A_926 = arith.constant 384 : index
    %get3A_927 = arith.constant 256 : index
    %get3A_928 = vector.load %arg2[%get3A_926, %get3A_927] : memref<2048x3200xf32, #tpu.memory_space<vmem>>, vector<128x128xf32>
    %add3A_929 = arith.addf %add3A_918, %get3A_928 : vector<128x128xf32>
    %eq3A_930 = arith.constant 256 : i32
    %eq3A_931 = vector.broadcast %eq3A_930 : i32 to vector<128x128xi32>
    %eq3A_932 = arith.cmpi eq, %sub3A_905, %eq3A_931 : vector<128x128xi32>
    %jit3A_933 = arith.constant 0.000000e+00 : f32
    %broadcast_in_dim3A_934 = vector.broadcast %jit3A_933 : f32 to vector<128x128xf32>
    %select_n3A_935 = arith.select %eq3A_932, %get3A_928, %broadcast_in_dim3A_934 : vector<128x128xi1>, vector<128x128xf32>
    %add3A_936 = arith.addf %add3A_925, %select_n3A_935 : vector<128x128xf32>
    %get3A_937 = arith.constant 384 : index
    %get3A_938 = arith.constant 384 : index
    %get3A_939 = vector.load %arg2[%get3A_937, %get3A_938] : memref<2048x3200xf32, #tpu.memory_space<vmem>>, vector<128x128xf32>
    %add3A_940 = arith.addf %add3A_929, %get3A_939 : vector<128x128xf32>
    %eq3A_941 = arith.constant 384 : i32
    %eq3A_942 = vector.broadcast %eq3A_941 : i32 to vector<128x128xi32>
    %eq3A_943 = arith.cmpi eq, %sub3A_905, %eq3A_942 : vector<128x128xi32>
    %jit3A_944 = arith.constant 0.000000e+00 : f32
    %broadcast_in_dim3A_945 = vector.broadcast %jit3A_944 : f32 to vector<128x128xf32>
    %select_n3A_946 = arith.select %eq3A_943, %get3A_939, %broadcast_in_dim3A_945 : vector<128x128xi1>, vector<128x128xf32>
    %add3A_947 = arith.addf %add3A_936, %select_n3A_946 : vector<128x128xf32>
    %get3A_948 = arith.constant 384 : index
    %get3A_949 = arith.constant 512 : index
    %get3A_950 = vector.load %arg2[%get3A_948, %get3A_949] : memref<2048x3200xf32, #tpu.memory_space<vmem>>, vector<128x128xf32>
    %add3A_951 = arith.addf %add3A_940, %get3A_950 : vector<128x128xf32>
    %eq3A_952 = arith.constant 512 : i32
    %eq3A_953 = vector.broadcast %eq3A_952 : i32 to vector<128x128xi32>
    %eq3A_954 = arith.cmpi eq, %sub3A_905, %eq3A_953 : vector<128x128xi32>
    %jit3A_955 = arith.constant 0.000000e+00 : f32
    %broadcast_in_dim3A_956 = vector.broadcast %jit3A_955 : f32 to vector<128x128xf32>
    %select_n3A_957 = arith.select %eq3A_954, %get3A_950, %broadcast_in_dim3A_956 : vector<128x128xi1>, vector<128x128xf32>
    %add3A_958 = arith.addf %add3A_947, %select_n3A_957 : vector<128x128xf32>
    %get3A_959 = arith.constant 384 : index
    %get3A_960 = arith.constant 640 : index
    %get3A_961 = vector.load %arg2[%get3A_959, %get3A_960] : memref<2048x3200xf32, #tpu.memory_space<vmem>>, vector<128x128xf32>
    %add3A_962 = arith.addf %add3A_951, %get3A_961 : vector<128x128xf32>
    %eq3A_963 = arith.constant 640 : i32
    %eq3A_964 = vector.broadcast %eq3A_963 : i32 to vector<128x128xi32>
    %eq3A_965 = arith.cmpi eq, %sub3A_905, %eq3A_964 : vector<128x128xi32>
    %jit3A_966 = arith.constant 0.000000e+00 : f32
    %broadcast_in_dim3A_967 = vector.broadcast %jit3A_966 : f32 to vector<128x128xf32>
    %select_n3A_968 = arith.select %eq3A_965, %get3A_961, %broadcast_in_dim3A_967 : vector<128x128xi1>, vector<128x128xf32>
    %add3A_969 = arith.addf %add3A_958, %select_n3A_968 : vector<128x128xf32>
    %get3A_970 = arith.constant 384 : index
    %get3A_971 = arith.constant 768 : index
    %get3A_972 = vector.load %arg2[%get3A_970, %get3A_971] : memref<2048x3200xf32, #tpu.memory_space<vmem>>, vector<128x128xf32>
    %add3A_973 = arith.addf %add3A_962, %get3A_972 : vector<128x128xf32>
    %eq3A_974 = arith.constant 768 : i32
    %eq3A_975 = vector.broadcast %eq3A_974 : i32 to vector<128x128xi32>
    %eq3A_976 = arith.cmpi eq, %sub3A_905, %eq3A_975 : vector<128x128xi32>
    %jit3A_977 = arith.constant 0.000000e+00 : f32
    %broadcast_in_dim3A_978 = vector.broadcast %jit3A_977 : f32 to vector<128x128xf32>
    %select_n3A_979 = arith.select %eq3A_976, %get3A_972, %broadcast_in_dim3A_978 : vector<128x128xi1>, vector<128x128xf32>
    %add3A_980 = arith.addf %add3A_969, %select_n3A_979 : vector<128x128xf32>
    %get3A_981 = arith.constant 384 : index
    %get3A_982 = arith.constant 896 : index
    %get3A_983 = vector.load %arg2[%get3A_981, %get3A_982] : memref<2048x3200xf32, #tpu.memory_space<vmem>>, vector<128x128xf32>
    %add3A_984 = arith.addf %add3A_973, %get3A_983 : vector<128x128xf32>
    %eq3A_985 = arith.constant 896 : i32
    %eq3A_986 = vector.broadcast %eq3A_985 : i32 to vector<128x128xi32>
    %eq3A_987 = arith.cmpi eq, %sub3A_905, %eq3A_986 : vector<128x128xi32>
    %jit3A_988 = arith.constant 0.000000e+00 : f32
    %broadcast_in_dim3A_989 = vector.broadcast %jit3A_988 : f32 to vector<128x128xf32>
    %select_n3A_990 = arith.select %eq3A_987, %get3A_983, %broadcast_in_dim3A_989 : vector<128x128xi1>, vector<128x128xf32>
    %add3A_991 = arith.addf %add3A_980, %select_n3A_990 : vector<128x128xf32>
    %get3A_992 = arith.constant 384 : index
    %get3A_993 = arith.constant 1024 : index
    %get3A_994 = vector.load %arg2[%get3A_992, %get3A_993] : memref<2048x3200xf32, #tpu.memory_space<vmem>>, vector<128x128xf32>
    %add3A_995 = arith.addf %add3A_984, %get3A_994 : vector<128x128xf32>
    %eq3A_996 = arith.constant 1024 : i32
    %eq3A_997 = vector.broadcast %eq3A_996 : i32 to vector<128x128xi32>
    %eq3A_998 = arith.cmpi eq, %sub3A_905, %eq3A_997 : vector<128x128xi32>
    %jit3A_999 = arith.constant 0.000000e+00 : f32
    %broadcast_in_dim3A_1000 = vector.broadcast %jit3A_999 : f32 to vector<128x128xf32>
    %select_n3A_1001 = arith.select %eq3A_998, %get3A_994, %broadcast_in_dim3A_1000 : vector<128x128xi1>, vector<128x128xf32>
    %add3A_1002 = arith.addf %add3A_991, %select_n3A_1001 : vector<128x128xf32>
    %get3A_1003 = arith.constant 384 : index
    %get3A_1004 = arith.constant 1152 : index
    %get3A_1005 = vector.load %arg2[%get3A_1003, %get3A_1004] : memref<2048x3200xf32, #tpu.memory_space<vmem>>, vector<128x128xf32>
    %add3A_1006 = arith.addf %add3A_995, %get3A_1005 : vector<128x128xf32>
    %eq3A_1007 = arith.constant 1152 : i32
    %eq3A_1008 = vector.broadcast %eq3A_1007 : i32 to vector<128x128xi32>
    %eq3A_1009 = arith.cmpi eq, %sub3A_905, %eq3A_1008 : vector<128x128xi32>
    %jit3A_1010 = arith.constant 0.000000e+00 : f32
    %broadcast_in_dim3A_1011 = vector.broadcast %jit3A_1010 : f32 to vector<128x128xf32>
    %select_n3A_1012 = arith.select %eq3A_1009, %get3A_1005, %broadcast_in_dim3A_1011 : vector<128x128xi1>, vector<128x128xf32>
    %add3A_1013 = arith.addf %add3A_1002, %select_n3A_1012 : vector<128x128xf32>
    %get3A_1014 = arith.constant 384 : index
    %get3A_1015 = arith.constant 1280 : index
    %get3A_1016 = vector.load %arg2[%get3A_1014, %get3A_1015] : memref<2048x3200xf32, #tpu.memory_space<vmem>>, vector<128x128xf32>
    %add3A_1017 = arith.addf %add3A_1006, %get3A_1016 : vector<128x128xf32>
    %eq3A_1018 = arith.constant 1280 : i32
    %eq3A_1019 = vector.broadcast %eq3A_1018 : i32 to vector<128x128xi32>
    %eq3A_1020 = arith.cmpi eq, %sub3A_905, %eq3A_1019 : vector<128x128xi32>
    %jit3A_1021 = arith.constant 0.000000e+00 : f32
    %broadcast_in_dim3A_1022 = vector.broadcast %jit3A_1021 : f32 to vector<128x128xf32>
    %select_n3A_1023 = arith.select %eq3A_1020, %get3A_1016, %broadcast_in_dim3A_1022 : vector<128x128xi1>, vector<128x128xf32>
    %add3A_1024 = arith.addf %add3A_1013, %select_n3A_1023 : vector<128x128xf32>
    %get3A_1025 = arith.constant 384 : index
    %get3A_1026 = arith.constant 1408 : index
    %get3A_1027 = vector.load %arg2[%get3A_1025, %get3A_1026] : memref<2048x3200xf32, #tpu.memory_space<vmem>>, vector<128x128xf32>
    %add3A_1028 = arith.addf %add3A_1017, %get3A_1027 : vector<128x128xf32>
    %eq3A_1029 = arith.constant 1408 : i32
    %eq3A_1030 = vector.broadcast %eq3A_1029 : i32 to vector<128x128xi32>
    %eq3A_1031 = arith.cmpi eq, %sub3A_905, %eq3A_1030 : vector<128x128xi32>
    %jit3A_1032 = arith.constant 0.000000e+00 : f32
    %broadcast_in_dim3A_1033 = vector.broadcast %jit3A_1032 : f32 to vector<128x128xf32>
    %select_n3A_1034 = arith.select %eq3A_1031, %get3A_1027, %broadcast_in_dim3A_1033 : vector<128x128xi1>, vector<128x128xf32>
    %add3A_1035 = arith.addf %add3A_1024, %select_n3A_1034 : vector<128x128xf32>
    %get3A_1036 = arith.constant 384 : index
    %get3A_1037 = arith.constant 1536 : index
    %get3A_1038 = vector.load %arg2[%get3A_1036, %get3A_1037] : memref<2048x3200xf32, #tpu.memory_space<vmem>>, vector<128x128xf32>
    %add3A_1039 = arith.addf %add3A_1028, %get3A_1038 : vector<128x128xf32>
    %eq3A_1040 = arith.constant 1536 : i32
    %eq3A_1041 = vector.broadcast %eq3A_1040 : i32 to vector<128x128xi32>
    %eq3A_1042 = arith.cmpi eq, %sub3A_905, %eq3A_1041 : vector<128x128xi32>
    %jit3A_1043 = arith.constant 0.000000e+00 : f32
    %broadcast_in_dim3A_1044 = vector.broadcast %jit3A_1043 : f32 to vector<128x128xf32>
    %select_n3A_1045 = arith.select %eq3A_1042, %get3A_1038, %broadcast_in_dim3A_1044 : vector<128x128xi1>, vector<128x128xf32>
    %add3A_1046 = arith.addf %add3A_1035, %select_n3A_1045 : vector<128x128xf32>
    %get3A_1047 = arith.constant 384 : index
    %get3A_1048 = arith.constant 1664 : index
    %get3A_1049 = vector.load %arg2[%get3A_1047, %get3A_1048] : memref<2048x3200xf32, #tpu.memory_space<vmem>>, vector<128x128xf32>
    %add3A_1050 = arith.addf %add3A_1039, %get3A_1049 : vector<128x128xf32>
    %eq3A_1051 = arith.constant 1664 : i32
    %eq3A_1052 = vector.broadcast %eq3A_1051 : i32 to vector<128x128xi32>
    %eq3A_1053 = arith.cmpi eq, %sub3A_905, %eq3A_1052 : vector<128x128xi32>
    %jit3A_1054 = arith.constant 0.000000e+00 : f32
    %broadcast_in_dim3A_1055 = vector.broadcast %jit3A_1054 : f32 to vector<128x128xf32>
    %select_n3A_1056 = arith.select %eq3A_1053, %get3A_1049, %broadcast_in_dim3A_1055 : vector<128x128xi1>, vector<128x128xf32>
    %add3A_1057 = arith.addf %add3A_1046, %select_n3A_1056 : vector<128x128xf32>
    %get3A_1058 = arith.constant 384 : index
    %get3A_1059 = arith.constant 1792 : index
    %get3A_1060 = vector.load %arg2[%get3A_1058, %get3A_1059] : memref<2048x3200xf32, #tpu.memory_space<vmem>>, vector<128x128xf32>
    %add3A_1061 = arith.addf %add3A_1050, %get3A_1060 : vector<128x128xf32>
    %eq3A_1062 = arith.constant 1792 : i32
    %eq3A_1063 = vector.broadcast %eq3A_1062 : i32 to vector<128x128xi32>
    %eq3A_1064 = arith.cmpi eq, %sub3A_905, %eq3A_1063 : vector<128x128xi32>
    %jit3A_1065 = arith.constant 0.000000e+00 : f32
    %broadcast_in_dim3A_1066 = vector.broadcast %jit3A_1065 : f32 to vector<128x128xf32>
    %select_n3A_1067 = arith.select %eq3A_1064, %get3A_1060, %broadcast_in_dim3A_1066 : vector<128x128xi1>, vector<128x128xf32>
    %add3A_1068 = arith.addf %add3A_1057, %select_n3A_1067 : vector<128x128xf32>
    %get3A_1069 = arith.constant 384 : index
    %get3A_1070 = arith.constant 1920 : index
    %get3A_1071 = vector.load %arg2[%get3A_1069, %get3A_1070] : memref<2048x3200xf32, #tpu.memory_space<vmem>>, vector<128x128xf32>
    %add3A_1072 = arith.addf %add3A_1061, %get3A_1071 : vector<128x128xf32>
    %eq3A_1073 = arith.constant 1920 : i32
    %eq3A_1074 = vector.broadcast %eq3A_1073 : i32 to vector<128x128xi32>
    %eq3A_1075 = arith.cmpi eq, %sub3A_905, %eq3A_1074 : vector<128x128xi32>
    %jit3A_1076 = arith.constant 0.000000e+00 : f32
    %broadcast_in_dim3A_1077 = vector.broadcast %jit3A_1076 : f32 to vector<128x128xf32>
    %select_n3A_1078 = arith.select %eq3A_1075, %get3A_1071, %broadcast_in_dim3A_1077 : vector<128x128xi1>, vector<128x128xf32>
    %add3A_1079 = arith.addf %add3A_1068, %select_n3A_1078 : vector<128x128xf32>
    %get3A_1080 = arith.constant 384 : index
    %get3A_1081 = arith.constant 2048 : index
    %get3A_1082 = vector.load %arg2[%get3A_1080, %get3A_1081] : memref<2048x3200xf32, #tpu.memory_space<vmem>>, vector<128x128xf32>
    %add3A_1083 = arith.addf %add3A_1072, %get3A_1082 : vector<128x128xf32>
    %eq3A_1084 = arith.constant 2048 : i32
    %eq3A_1085 = vector.broadcast %eq3A_1084 : i32 to vector<128x128xi32>
    %eq3A_1086 = arith.cmpi eq, %sub3A_905, %eq3A_1085 : vector<128x128xi32>
    %jit3A_1087 = arith.constant 0.000000e+00 : f32
    %broadcast_in_dim3A_1088 = vector.broadcast %jit3A_1087 : f32 to vector<128x128xf32>
    %select_n3A_1089 = arith.select %eq3A_1086, %get3A_1082, %broadcast_in_dim3A_1088 : vector<128x128xi1>, vector<128x128xf32>
    %add3A_1090 = arith.addf %add3A_1079, %select_n3A_1089 : vector<128x128xf32>
    %get3A_1091 = arith.constant 384 : index
    %get3A_1092 = arith.constant 2176 : index
    %get3A_1093 = vector.load %arg2[%get3A_1091, %get3A_1092] : memref<2048x3200xf32, #tpu.memory_space<vmem>>, vector<128x128xf32>
    %add3A_1094 = arith.addf %add3A_1083, %get3A_1093 : vector<128x128xf32>
    %eq3A_1095 = arith.constant 2176 : i32
    %eq3A_1096 = vector.broadcast %eq3A_1095 : i32 to vector<128x128xi32>
    %eq3A_1097 = arith.cmpi eq, %sub3A_905, %eq3A_1096 : vector<128x128xi32>
    %jit3A_1098 = arith.constant 0.000000e+00 : f32
    %broadcast_in_dim3A_1099 = vector.broadcast %jit3A_1098 : f32 to vector<128x128xf32>
    %select_n3A_1100 = arith.select %eq3A_1097, %get3A_1093, %broadcast_in_dim3A_1099 : vector<128x128xi1>, vector<128x128xf32>
    %add3A_1101 = arith.addf %add3A_1090, %select_n3A_1100 : vector<128x128xf32>
    %get3A_1102 = arith.constant 384 : index
    %get3A_1103 = arith.constant 2304 : index
    %get3A_1104 = vector.load %arg2[%get3A_1102, %get3A_1103] : memref<2048x3200xf32, #tpu.memory_space<vmem>>, vector<128x128xf32>
    %add3A_1105 = arith.addf %add3A_1094, %get3A_1104 : vector<128x128xf32>
    %eq3A_1106 = arith.constant 2304 : i32
    %eq3A_1107 = vector.broadcast %eq3A_1106 : i32 to vector<128x128xi32>
    %eq3A_1108 = arith.cmpi eq, %sub3A_905, %eq3A_1107 : vector<128x128xi32>
    %jit3A_1109 = arith.constant 0.000000e+00 : f32
    %broadcast_in_dim3A_1110 = vector.broadcast %jit3A_1109 : f32 to vector<128x128xf32>
    %select_n3A_1111 = arith.select %eq3A_1108, %get3A_1104, %broadcast_in_dim3A_1110 : vector<128x128xi1>, vector<128x128xf32>
    %add3A_1112 = arith.addf %add3A_1101, %select_n3A_1111 : vector<128x128xf32>
    %get3A_1113 = arith.constant 384 : index
    %get3A_1114 = arith.constant 2432 : index
    %get3A_1115 = vector.load %arg2[%get3A_1113, %get3A_1114] : memref<2048x3200xf32, #tpu.memory_space<vmem>>, vector<128x128xf32>
    %add3A_1116 = arith.addf %add3A_1105, %get3A_1115 : vector<128x128xf32>
    %eq3A_1117 = arith.constant 2432 : i32
    %eq3A_1118 = vector.broadcast %eq3A_1117 : i32 to vector<128x128xi32>
    %eq3A_1119 = arith.cmpi eq, %sub3A_905, %eq3A_1118 : vector<128x128xi32>
    %jit3A_1120 = arith.constant 0.000000e+00 : f32
    %broadcast_in_dim3A_1121 = vector.broadcast %jit3A_1120 : f32 to vector<128x128xf32>
    %select_n3A_1122 = arith.select %eq3A_1119, %get3A_1115, %broadcast_in_dim3A_1121 : vector<128x128xi1>, vector<128x128xf32>
    %add3A_1123 = arith.addf %add3A_1112, %select_n3A_1122 : vector<128x128xf32>
    %get3A_1124 = arith.constant 384 : index
    %get3A_1125 = arith.constant 2560 : index
    %get3A_1126 = vector.load %arg2[%get3A_1124, %get3A_1125] : memref<2048x3200xf32, #tpu.memory_space<vmem>>, vector<128x128xf32>
    %add3A_1127 = arith.addf %add3A_1116, %get3A_1126 : vector<128x128xf32>
    %eq3A_1128 = arith.constant 2560 : i32
    %eq3A_1129 = vector.broadcast %eq3A_1128 : i32 to vector<128x128xi32>
    %eq3A_1130 = arith.cmpi eq, %sub3A_905, %eq3A_1129 : vector<128x128xi32>
    %jit3A_1131 = arith.constant 0.000000e+00 : f32
    %broadcast_in_dim3A_1132 = vector.broadcast %jit3A_1131 : f32 to vector<128x128xf32>
    %select_n3A_1133 = arith.select %eq3A_1130, %get3A_1126, %broadcast_in_dim3A_1132 : vector<128x128xi1>, vector<128x128xf32>
    %add3A_1134 = arith.addf %add3A_1123, %select_n3A_1133 : vector<128x128xf32>
    %get3A_1135 = arith.constant 384 : index
    %get3A_1136 = arith.constant 2688 : index
    %get3A_1137 = vector.load %arg2[%get3A_1135, %get3A_1136] : memref<2048x3200xf32, #tpu.memory_space<vmem>>, vector<128x128xf32>
    %add3A_1138 = arith.addf %add3A_1127, %get3A_1137 : vector<128x128xf32>
    %eq3A_1139 = arith.constant 2688 : i32
    %eq3A_1140 = vector.broadcast %eq3A_1139 : i32 to vector<128x128xi32>
    %eq3A_1141 = arith.cmpi eq, %sub3A_905, %eq3A_1140 : vector<128x128xi32>
    %jit3A_1142 = arith.constant 0.000000e+00 : f32
    %broadcast_in_dim3A_1143 = vector.broadcast %jit3A_1142 : f32 to vector<128x128xf32>
    %select_n3A_1144 = arith.select %eq3A_1141, %get3A_1137, %broadcast_in_dim3A_1143 : vector<128x128xi1>, vector<128x128xf32>
    %add3A_1145 = arith.addf %add3A_1134, %select_n3A_1144 : vector<128x128xf32>
    %get3A_1146 = arith.constant 384 : index
    %get3A_1147 = arith.constant 2816 : index
    %get3A_1148 = vector.load %arg2[%get3A_1146, %get3A_1147] : memref<2048x3200xf32, #tpu.memory_space<vmem>>, vector<128x128xf32>
    %add3A_1149 = arith.addf %add3A_1138, %get3A_1148 : vector<128x128xf32>
    %eq3A_1150 = arith.constant 2816 : i32
    %eq3A_1151 = vector.broadcast %eq3A_1150 : i32 to vector<128x128xi32>
    %eq3A_1152 = arith.cmpi eq, %sub3A_905, %eq3A_1151 : vector<128x128xi32>
    %jit3A_1153 = arith.constant 0.000000e+00 : f32
    %broadcast_in_dim3A_1154 = vector.broadcast %jit3A_1153 : f32 to vector<128x128xf32>
    %select_n3A_1155 = arith.select %eq3A_1152, %get3A_1148, %broadcast_in_dim3A_1154 : vector<128x128xi1>, vector<128x128xf32>
    %add3A_1156 = arith.addf %add3A_1145, %select_n3A_1155 : vector<128x128xf32>
    %get3A_1157 = arith.constant 384 : index
    %get3A_1158 = arith.constant 2944 : index
    %get3A_1159 = vector.load %arg2[%get3A_1157, %get3A_1158] : memref<2048x3200xf32, #tpu.memory_space<vmem>>, vector<128x128xf32>
    %add3A_1160 = arith.addf %add3A_1149, %get3A_1159 : vector<128x128xf32>
    %eq3A_1161 = arith.constant 2944 : i32
    %eq3A_1162 = vector.broadcast %eq3A_1161 : i32 to vector<128x128xi32>
    %eq3A_1163 = arith.cmpi eq, %sub3A_905, %eq3A_1162 : vector<128x128xi32>
    %jit3A_1164 = arith.constant 0.000000e+00 : f32
    %broadcast_in_dim3A_1165 = vector.broadcast %jit3A_1164 : f32 to vector<128x128xf32>
    %select_n3A_1166 = arith.select %eq3A_1163, %get3A_1159, %broadcast_in_dim3A_1165 : vector<128x128xi1>, vector<128x128xf32>
    %add3A_1167 = arith.addf %add3A_1156, %select_n3A_1166 : vector<128x128xf32>
    %get3A_1168 = arith.constant 384 : index
    %get3A_1169 = arith.constant 3072 : index
    %get3A_1170 = vector.load %arg2[%get3A_1168, %get3A_1169] : memref<2048x3200xf32, #tpu.memory_space<vmem>>, vector<128x128xf32>
    %add3A_1171 = arith.addf %add3A_1160, %get3A_1170 : vector<128x128xf32>
    %eq3A_1172 = arith.constant 3072 : i32
    %eq3A_1173 = vector.broadcast %eq3A_1172 : i32 to vector<128x128xi32>
    %eq3A_1174 = arith.cmpi eq, %sub3A_905, %eq3A_1173 : vector<128x128xi32>
    %jit3A_1175 = arith.constant 0.000000e+00 : f32
    %broadcast_in_dim3A_1176 = vector.broadcast %jit3A_1175 : f32 to vector<128x128xf32>
    %select_n3A_1177 = arith.select %eq3A_1174, %get3A_1170, %broadcast_in_dim3A_1176 : vector<128x128xi1>, vector<128x128xf32>
    %add3A_1178 = arith.addf %add3A_1167, %select_n3A_1177 : vector<128x128xf32>
    %get3A_1179 = arith.constant 384 : index
    %get3A_1180 = arith.constant 0 : index
    %get3A_1181 = vector.load %arg3[%get3A_1179, %get3A_1180] : memref<2048x256xf32, #tpu.memory_space<vmem>>, vector<128x128xf32>
    %add3A_1182 = arith.addf %get3A_1181, %add3A_1178 : vector<128x128xf32>
    %swap3A_1183 = arith.constant 384 : index
    %swap3A_1184 = arith.constant 0 : index
    %swap3A_1185 = vector.load %arg3[%swap3A_1183, %swap3A_1184] : memref<2048x256xf32, #tpu.memory_space<vmem>>, vector<128x128xf32>
    tpu.vector_store %arg3[%swap3A_1183, %swap3A_1184], %add3A_1182 {strides = array<i32>} : memref<2048x256xf32, #tpu.memory_space<vmem>>, vector<128x128xf32>,
    %get3A_1186 = arith.constant 384 : index
    %get3A_1187 = arith.constant 128 : index
    %get3A_1188 = vector.load %arg3[%get3A_1186, %get3A_1187] : memref<2048x256xf32, #tpu.memory_space<vmem>>, vector<128x1xf32>
    %reduce_sum3A_1189 = arith.constant dense<0.000000e+00> : vector<128xf32>
    %reduce_sum3A_1190 = vector.multi_reduction <add>, %add3A_1171, %reduce_sum3A_1189 [1] : vector<128x128xf32> to vector<128xf32>
    %broadcast_in_dim3A_1191 = vector.shape_cast %reduce_sum3A_1190 : vector<128xf32> to vector<128x1xf32>
    %add3A_1192 = arith.addf %get3A_1188, %broadcast_in_dim3A_1191 : vector<128x1xf32>
    %swap3A_1193 = arith.constant 384 : index
    %swap3A_1194 = arith.constant 128 : index
    %swap3A_1195 = vector.load %arg3[%swap3A_1193, %swap3A_1194] : memref<2048x256xf32, #tpu.memory_space<vmem>>, vector<128x1xf32>
    tpu.vector_store %arg3[%swap3A_1193, %swap3A_1194], %add3A_1192 {strides = array<i32>} : memref<2048x256xf32, #tpu.memory_space<vmem>>, vector<128x1xf32>,
    %get3A_1196 = arith.constant 512 : index
    %get3A_1197 = arith.constant 0 : index
    %get3A_1198 = vector.load %arg1[%get3A_1196, %get3A_1197] : memref<2048x1xi32, #tpu.memory_space<vmem>>, vector<128x1xi32>
    %broadcast_in_dim3A_1199 = vector.shape_cast %get3A_1198 : vector<128x1xi32> to vector<128x1xi32>
    %broadcast_in_dim3A_1200 = vector.broadcast %broadcast_in_dim3A_1199 : vector<128x1xi32> to vector<128x128xi32>
    %iota3A_1201 = tpu.iota {dimensions = array<i32: 1>} : vector<128x128xi32>
    %sub3A_1202 = arith.subi %broadcast_in_dim3A_1200, %iota3A_1201 : vector<128x128xi32>
    %mul3A_1203 = arith.constant 3200 : i32
    %mul3A_1204 = arith.muli %arg0, %mul3A_1203 : i32
    %sub3A_1205 = vector.broadcast %mul3A_1204 : i32 to vector<128x128xi32>
    %sub3A_1206 = arith.subi %sub3A_1202, %sub3A_1205 : vector<128x128xi32>
    %get3A_1207 = arith.constant 512 : index
    %get3A_1208 = arith.constant 0 : index
    %get3A_1209 = vector.load %arg2[%get3A_1207, %get3A_1208] : memref<2048x3200xf32, #tpu.memory_space<vmem>>, vector<128x128xf32>
    %eq3A_1210 = arith.constant 0 : i32
    %eq3A_1211 = vector.broadcast %eq3A_1210 : i32 to vector<128x128xi32>
    %eq3A_1212 = arith.cmpi eq, %sub3A_1206, %eq3A_1211 : vector<128x128xi32>
    %jit3A_1213 = arith.constant 0.000000e+00 : f32
    %broadcast_in_dim3A_1214 = vector.broadcast %jit3A_1213 : f32 to vector<128x128xf32>
    %select_n3A_1215 = arith.select %eq3A_1212, %get3A_1209, %broadcast_in_dim3A_1214 : vector<128x128xi1>, vector<128x128xf32>
    %get3A_1216 = arith.constant 512 : index
    %get3A_1217 = arith.constant 128 : index
    %get3A_1218 = vector.load %arg2[%get3A_1216, %get3A_1217] : memref<2048x3200xf32, #tpu.memory_space<vmem>>, vector<128x128xf32>
    %add3A_1219 = arith.addf %get3A_1209, %get3A_1218 : vector<128x128xf32>
    %eq3A_1220 = arith.constant 128 : i32
    %eq3A_1221 = vector.broadcast %eq3A_1220 : i32 to vector<128x128xi32>
    %eq3A_1222 = arith.cmpi eq, %sub3A_1206, %eq3A_1221 : vector<128x128xi32>
    %jit3A_1223 = arith.constant 0.000000e+00 : f32
    %broadcast_in_dim3A_1224 = vector.broadcast %jit3A_1223 : f32 to vector<128x128xf32>
    %select_n3A_1225 = arith.select %eq3A_1222, %get3A_1218, %broadcast_in_dim3A_1224 : vector<128x128xi1>, vector<128x128xf32>
    %add3A_1226 = arith.addf %select_n3A_1215, %select_n3A_1225 : vector<128x128xf32>
    %get3A_1227 = arith.constant 512 : index
    %get3A_1228 = arith.constant 256 : index
    %get3A_1229 = vector.load %arg2[%get3A_1227, %get3A_1228] : memref<2048x3200xf32, #tpu.memory_space<vmem>>, vector<128x128xf32>
    %add3A_1230 = arith.addf %add3A_1219, %get3A_1229 : vector<128x128xf32>
    %eq3A_1231 = arith.constant 256 : i32
    %eq3A_1232 = vector.broadcast %eq3A_1231 : i32 to vector<128x128xi32>
    %eq3A_1233 = arith.cmpi eq, %sub3A_1206, %eq3A_1232 : vector<128x128xi32>
    %jit3A_1234 = arith.constant 0.000000e+00 : f32
    %broadcast_in_dim3A_1235 = vector.broadcast %jit3A_1234 : f32 to vector<128x128xf32>
    %select_n3A_1236 = arith.select %eq3A_1233, %get3A_1229, %broadcast_in_dim3A_1235 : vector<128x128xi1>, vector<128x128xf32>
    %add3A_1237 = arith.addf %add3A_1226, %select_n3A_1236 : vector<128x128xf32>
    %get3A_1238 = arith.constant 512 : index
    %get3A_1239 = arith.constant 384 : index
    %get3A_1240 = vector.load %arg2[%get3A_1238, %get3A_1239] : memref<2048x3200xf32, #tpu.memory_space<vmem>>, vector<128x128xf32>
    %add3A_1241 = arith.addf %add3A_1230, %get3A_1240 : vector<128x128xf32>
    %eq3A_1242 = arith.constant 384 : i32
    %eq3A_1243 = vector.broadcast %eq3A_1242 : i32 to vector<128x128xi32>
    %eq3A_1244 = arith.cmpi eq, %sub3A_1206, %eq3A_1243 : vector<128x128xi32>
    %jit3A_1245 = arith.constant 0.000000e+00 : f32
    %broadcast_in_dim3A_1246 = vector.broadcast %jit3A_1245 : f32 to vector<128x128xf32>
    %select_n3A_1247 = arith.select %eq3A_1244, %get3A_1240, %broadcast_in_dim3A_1246 : vector<128x128xi1>, vector<128x128xf32>
    %add3A_1248 = arith.addf %add3A_1237, %select_n3A_1247 : vector<128x128xf32>
    %get3A_1249 = arith.constant 512 : index
    %get3A_1250 = arith.constant 512 : index
    %get3A_1251 = vector.load %arg2[%get3A_1249, %get3A_1250] : memref<2048x3200xf32, #tpu.memory_space<vmem>>, vector<128x128xf32>
    %add3A_1252 = arith.addf %add3A_1241, %get3A_1251 : vector<128x128xf32>
    %eq3A_1253 = arith.constant 512 : i32
    %eq3A_1254 = vector.broadcast %eq3A_1253 : i32 to vector<128x128xi32>
    %eq3A_1255 = arith.cmpi eq, %sub3A_1206, %eq3A_1254 : vector<128x128xi32>
    %jit3A_1256 = arith.constant 0.000000e+00 : f32
    %broadcast_in_dim3A_1257 = vector.broadcast %jit3A_1256 : f32 to vector<128x128xf32>
    %select_n3A_1258 = arith.select %eq3A_1255, %get3A_1251, %broadcast_in_dim3A_1257 : vector<128x128xi1>, vector<128x128xf32>
    %add3A_1259 = arith.addf %add3A_1248, %select_n3A_1258 : vector<128x128xf32>
    %get3A_1260 = arith.constant 512 : index
    %get3A_1261 = arith.constant 640 : index
    %get3A_1262 = vector.load %arg2[%get3A_1260, %get3A_1261] : memref<2048x3200xf32, #tpu.memory_space<vmem>>, vector<128x128xf32>
    %add3A_1263 = arith.addf %add3A_1252, %get3A_1262 : vector<128x128xf32>
    %eq3A_1264 = arith.constant 640 : i32
    %eq3A_1265 = vector.broadcast %eq3A_1264 : i32 to vector<128x128xi32>
    %eq3A_1266 = arith.cmpi eq, %sub3A_1206, %eq3A_1265 : vector<128x128xi32>
    %jit3A_1267 = arith.constant 0.000000e+00 : f32
    %broadcast_in_dim3A_1268 = vector.broadcast %jit3A_1267 : f32 to vector<128x128xf32>
    %select_n3A_1269 = arith.select %eq3A_1266, %get3A_1262, %broadcast_in_dim3A_1268 : vector<128x128xi1>, vector<128x128xf32>
    %add3A_1270 = arith.addf %add3A_1259, %select_n3A_1269 : vector<128x128xf32>
    %get3A_1271 = arith.constant 512 : index
    %get3A_1272 = arith.constant 768 : index
    %get3A_1273 = vector.load %arg2[%get3A_1271, %get3A_1272] : memref<2048x3200xf32, #tpu.memory_space<vmem>>, vector<128x128xf32>
    %add3A_1274 = arith.addf %add3A_1263, %get3A_1273 : vector<128x128xf32>
    %eq3A_1275 = arith.constant 768 : i32
    %eq3A_1276 = vector.broadcast %eq3A_1275 : i32 to vector<128x128xi32>
    %eq3A_1277 = arith.cmpi eq, %sub3A_1206, %eq3A_1276 : vector<128x128xi32>
    %jit3A_1278 = arith.constant 0.000000e+00 : f32
    %broadcast_in_dim3A_1279 = vector.broadcast %jit3A_1278 : f32 to vector<128x128xf32>
    %select_n3A_1280 = arith.select %eq3A_1277, %get3A_1273, %broadcast_in_dim3A_1279 : vector<128x128xi1>, vector<128x128xf32>
    %add3A_1281 = arith.addf %add3A_1270, %select_n3A_1280 : vector<128x128xf32>
    %get3A_1282 = arith.constant 512 : index
    %get3A_1283 = arith.constant 896 : index
    %get3A_1284 = vector.load %arg2[%get3A_1282, %get3A_1283] : memref<2048x3200xf32, #tpu.memory_space<vmem>>, vector<128x128xf32>
    %add3A_1285 = arith.addf %add3A_1274, %get3A_1284 : vector<128x128xf32>
    %eq3A_1286 = arith.constant 896 : i32
    %eq3A_1287 = vector.broadcast %eq3A_1286 : i32 to vector<128x128xi32>
    %eq3A_1288 = arith.cmpi eq, %sub3A_1206, %eq3A_1287 : vector<128x128xi32>
    %jit3A_1289 = arith.constant 0.000000e+00 : f32
    %broadcast_in_dim3A_1290 = vector.broadcast %jit3A_1289 : f32 to vector<128x128xf32>
    %select_n3A_1291 = arith.select %eq3A_1288, %get3A_1284, %broadcast_in_dim3A_1290 : vector<128x128xi1>, vector<128x128xf32>
    %add3A_1292 = arith.addf %add3A_1281, %select_n3A_1291 : vector<128x128xf32>
    %get3A_1293 = arith.constant 512 : index
    %get3A_1294 = arith.constant 1024 : index
    %get3A_1295 = vector.load %arg2[%get3A_1293, %get3A_1294] : memref<2048x3200xf32, #tpu.memory_space<vmem>>, vector<128x128xf32>
    %add3A_1296 = arith.addf %add3A_1285, %get3A_1295 : vector<128x128xf32>
    %eq3A_1297 = arith.constant 1024 : i32
    %eq3A_1298 = vector.broadcast %eq3A_1297 : i32 to vector<128x128xi32>
    %eq3A_1299 = arith.cmpi eq, %sub3A_1206, %eq3A_1298 : vector<128x128xi32>
    %jit3A_1300 = arith.constant 0.000000e+00 : f32
    %broadcast_in_dim3A_1301 = vector.broadcast %jit3A_1300 : f32 to vector<128x128xf32>
    %select_n3A_1302 = arith.select %eq3A_1299, %get3A_1295, %broadcast_in_dim3A_1301 : vector<128x128xi1>, vector<128x128xf32>
    %add3A_1303 = arith.addf %add3A_1292, %select_n3A_1302 : vector<128x128xf32>
    %get3A_1304 = arith.constant 512 : index
    %get3A_1305 = arith.constant 1152 : index
    %get3A_1306 = vector.load %arg2[%get3A_1304, %get3A_1305] : memref<2048x3200xf32, #tpu.memory_space<vmem>>, vector<128x128xf32>
    %add3A_1307 = arith.addf %add3A_1296, %get3A_1306 : vector<128x128xf32>
    %eq3A_1308 = arith.constant 1152 : i32
    %eq3A_1309 = vector.broadcast %eq3A_1308 : i32 to vector<128x128xi32>
    %eq3A_1310 = arith.cmpi eq, %sub3A_1206, %eq3A_1309 : vector<128x128xi32>
    %jit3A_1311 = arith.constant 0.000000e+00 : f32
    %broadcast_in_dim3A_1312 = vector.broadcast %jit3A_1311 : f32 to vector<128x128xf32>
    %select_n3A_1313 = arith.select %eq3A_1310, %get3A_1306, %broadcast_in_dim3A_1312 : vector<128x128xi1>, vector<128x128xf32>
    %add3A_1314 = arith.addf %add3A_1303, %select_n3A_1313 : vector<128x128xf32>
    %get3A_1315 = arith.constant 512 : index
    %get3A_1316 = arith.constant 1280 : index
    %get3A_1317 = vector.load %arg2[%get3A_1315, %get3A_1316] : memref<2048x3200xf32, #tpu.memory_space<vmem>>, vector<128x128xf32>
    %add3A_1318 = arith.addf %add3A_1307, %get3A_1317 : vector<128x128xf32>
    %eq3A_1319 = arith.constant 1280 : i32
    %eq3A_1320 = vector.broadcast %eq3A_1319 : i32 to vector<128x128xi32>
    %eq3A_1321 = arith.cmpi eq, %sub3A_1206, %eq3A_1320 : vector<128x128xi32>
    %jit3A_1322 = arith.constant 0.000000e+00 : f32
    %broadcast_in_dim3A_1323 = vector.broadcast %jit3A_1322 : f32 to vector<128x128xf32>
    %select_n3A_1324 = arith.select %eq3A_1321, %get3A_1317, %broadcast_in_dim3A_1323 : vector<128x128xi1>, vector<128x128xf32>
    %add3A_1325 = arith.addf %add3A_1314, %select_n3A_1324 : vector<128x128xf32>
    %get3A_1326 = arith.constant 512 : index
    %get3A_1327 = arith.constant 1408 : index
    %get3A_1328 = vector.load %arg2[%get3A_1326, %get3A_1327] : memref<2048x3200xf32, #tpu.memory_space<vmem>>, vector<128x128xf32>
    %add3A_1329 = arith.addf %add3A_1318, %get3A_1328 : vector<128x128xf32>
    %eq3A_1330 = arith.constant 1408 : i32
    %eq3A_1331 = vector.broadcast %eq3A_1330 : i32 to vector<128x128xi32>
    %eq3A_1332 = arith.cmpi eq, %sub3A_1206, %eq3A_1331 : vector<128x128xi32>
    %jit3A_1333 = arith.constant 0.000000e+00 : f32
    %broadcast_in_dim3A_1334 = vector.broadcast %jit3A_1333 : f32 to vector<128x128xf32>
    %select_n3A_1335 = arith.select %eq3A_1332, %get3A_1328, %broadcast_in_dim3A_1334 : vector<128x128xi1>, vector<128x128xf32>
    %add3A_1336 = arith.addf %add3A_1325, %select_n3A_1335 : vector<128x128xf32>
    %get3A_1337 = arith.constant 512 : index
    %get3A_1338 = arith.constant 1536 : index
    %get3A_1339 = vector.load %arg2[%get3A_1337, %get3A_1338] : memref<2048x3200xf32, #tpu.memory_space<vmem>>, vector<128x128xf32>
    %add3A_1340 = arith.addf %add3A_1329, %get3A_1339 : vector<128x128xf32>
    %eq3A_1341 = arith.constant 1536 : i32
    %eq3A_1342 = vector.broadcast %eq3A_1341 : i32 to vector<128x128xi32>
    %eq3A_1343 = arith.cmpi eq, %sub3A_1206, %eq3A_1342 : vector<128x128xi32>
    %jit3A_1344 = arith.constant 0.000000e+00 : f32
    %broadcast_in_dim3A_1345 = vector.broadcast %jit3A_1344 : f32 to vector<128x128xf32>
    %select_n3A_1346 = arith.select %eq3A_1343, %get3A_1339, %broadcast_in_dim3A_1345 : vector<128x128xi1>, vector<128x128xf32>
    %add3A_1347 = arith.addf %add3A_1336, %select_n3A_1346 : vector<128x128xf32>
    %get3A_1348 = arith.constant 512 : index
    %get3A_1349 = arith.constant 1664 : index
    %get3A_1350 = vector.load %arg2[%get3A_1348, %get3A_1349] : memref<2048x3200xf32, #tpu.memory_space<vmem>>, vector<128x128xf32>
    %add3A_1351 = arith.addf %add3A_1340, %get3A_1350 : vector<128x128xf32>
    %eq3A_1352 = arith.constant 1664 : i32
    %eq3A_1353 = vector.broadcast %eq3A_1352 : i32 to vector<128x128xi32>
    %eq3A_1354 = arith.cmpi eq, %sub3A_1206, %eq3A_1353 : vector<128x128xi32>
    %jit3A_1355 = arith.constant 0.000000e+00 : f32
    %broadcast_in_dim3A_1356 = vector.broadcast %jit3A_1355 : f32 to vector<128x128xf32>
    %select_n3A_1357 = arith.select %eq3A_1354, %get3A_1350, %broadcast_in_dim3A_1356 : vector<128x128xi1>, vector<128x128xf32>
    %add3A_1358 = arith.addf %add3A_1347, %select_n3A_1357 : vector<128x128xf32>
    %get3A_1359 = arith.constant 512 : index
    %get3A_1360 = arith.constant 1792 : index
    %get3A_1361 = vector.load %arg2[%get3A_1359, %get3A_1360] : memref<2048x3200xf32, #tpu.memory_space<vmem>>, vector<128x128xf32>
    %add3A_1362 = arith.addf %add3A_1351, %get3A_1361 : vector<128x128xf32>
    %eq3A_1363 = arith.constant 1792 : i32
    %eq3A_1364 = vector.broadcast %eq3A_1363 : i32 to vector<128x128xi32>
    %eq3A_1365 = arith.cmpi eq, %sub3A_1206, %eq3A_1364 : vector<128x128xi32>
    %jit3A_1366 = arith.constant 0.000000e+00 : f32
    %broadcast_in_dim3A_1367 = vector.broadcast %jit3A_1366 : f32 to vector<128x128xf32>
    %select_n3A_1368 = arith.select %eq3A_1365, %get3A_1361, %broadcast_in_dim3A_1367 : vector<128x128xi1>, vector<128x128xf32>
    %add3A_1369 = arith.addf %add3A_1358, %select_n3A_1368 : vector<128x128xf32>
    %get3A_1370 = arith.constant 512 : index
    %get3A_1371 = arith.constant 1920 : index
    %get3A_1372 = vector.load %arg2[%get3A_1370, %get3A_1371] : memref<2048x3200xf32, #tpu.memory_space<vmem>>, vector<128x128xf32>
    %add3A_1373 = arith.addf %add3A_1362, %get3A_1372 : vector<128x128xf32>
    %eq3A_1374 = arith.constant 1920 : i32
    %eq3A_1375 = vector.broadcast %eq3A_1374 : i32 to vector<128x128xi32>
    %eq3A_1376 = arith.cmpi eq, %sub3A_1206, %eq3A_1375 : vector<128x128xi32>
    %jit3A_1377 = arith.constant 0.000000e+00 : f32
    %broadcast_in_dim3A_1378 = vector.broadcast %jit3A_1377 : f32 to vector<128x128xf32>
    %select_n3A_1379 = arith.select %eq3A_1376, %get3A_1372, %broadcast_in_dim3A_1378 : vector<128x128xi1>, vector<128x128xf32>
    %add3A_1380 = arith.addf %add3A_1369, %select_n3A_1379 : vector<128x128xf32>
    %get3A_1381 = arith.constant 512 : index
    %get3A_1382 = arith.constant 2048 : index
    %get3A_1383 = vector.load %arg2[%get3A_1381, %get3A_1382] : memref<2048x3200xf32, #tpu.memory_space<vmem>>, vector<128x128xf32>
    %add3A_1384 = arith.addf %add3A_1373, %get3A_1383 : vector<128x128xf32>
    %eq3A_1385 = arith.constant 2048 : i32
    %eq3A_1386 = vector.broadcast %eq3A_1385 : i32 to vector<128x128xi32>
    %eq3A_1387 = arith.cmpi eq, %sub3A_1206, %eq3A_1386 : vector<128x128xi32>
    %jit3A_1388 = arith.constant 0.000000e+00 : f32
    %broadcast_in_dim3A_1389 = vector.broadcast %jit3A_1388 : f32 to vector<128x128xf32>
    %select_n3A_1390 = arith.select %eq3A_1387, %get3A_1383, %broadcast_in_dim3A_1389 : vector<128x128xi1>, vector<128x128xf32>
    %add3A_1391 = arith.addf %add3A_1380, %select_n3A_1390 : vector<128x128xf32>
    %get3A_1392 = arith.constant 512 : index
    %get3A_1393 = arith.constant 2176 : index
    %get3A_1394 = vector.load %arg2[%get3A_1392, %get3A_1393] : memref<2048x3200xf32, #tpu.memory_space<vmem>>, vector<128x128xf32>
    %add3A_1395 = arith.addf %add3A_1384, %get3A_1394 : vector<128x128xf32>
    %eq3A_1396 = arith.constant 2176 : i32
    %eq3A_1397 = vector.broadcast %eq3A_1396 : i32 to vector<128x128xi32>
    %eq3A_1398 = arith.cmpi eq, %sub3A_1206, %eq3A_1397 : vector<128x128xi32>
    %jit3A_1399 = arith.constant 0.000000e+00 : f32
    %broadcast_in_dim3A_1400 = vector.broadcast %jit3A_1399 : f32 to vector<128x128xf32>
    %select_n3A_1401 = arith.select %eq3A_1398, %get3A_1394, %broadcast_in_dim3A_1400 : vector<128x128xi1>, vector<128x128xf32>
    %add3A_1402 = arith.addf %add3A_1391, %select_n3A_1401 : vector<128x128xf32>
    %get3A_1403 = arith.constant 512 : index
    %get3A_1404 = arith.constant 2304 : index
    %get3A_1405 = vector.load %arg2[%get3A_1403, %get3A_1404] : memref<2048x3200xf32, #tpu.memory_space<vmem>>, vector<128x128xf32>
    %add3A_1406 = arith.addf %add3A_1395, %get3A_1405 : vector<128x128xf32>
    %eq3A_1407 = arith.constant 2304 : i32
    %eq3A_1408 = vector.broadcast %eq3A_1407 : i32 to vector<128x128xi32>
    %eq3A_1409 = arith.cmpi eq, %sub3A_1206, %eq3A_1408 : vector<128x128xi32>
    %jit3A_1410 = arith.constant 0.000000e+00 : f32
    %broadcast_in_dim3A_1411 = vector.broadcast %jit3A_1410 : f32 to vector<128x128xf32>
    %select_n3A_1412 = arith.select %eq3A_1409, %get3A_1405, %broadcast_in_dim3A_1411 : vector<128x128xi1>, vector<128x128xf32>
    %add3A_1413 = arith.addf %add3A_1402, %select_n3A_1412 : vector<128x128xf32>
    %get3A_1414 = arith.constant 512 : index
    %get3A_1415 = arith.constant 2432 : index
    %get3A_1416 = vector.load %arg2[%get3A_1414, %get3A_1415] : memref<2048x3200xf32, #tpu.memory_space<vmem>>, vector<128x128xf32>
    %add3A_1417 = arith.addf %add3A_1406, %get3A_1416 : vector<128x128xf32>
    %eq3A_1418 = arith.constant 2432 : i32
    %eq3A_1419 = vector.broadcast %eq3A_1418 : i32 to vector<128x128xi32>
    %eq3A_1420 = arith.cmpi eq, %sub3A_1206, %eq3A_1419 : vector<128x128xi32>
    %jit3A_1421 = arith.constant 0.000000e+00 : f32
    %broadcast_in_dim3A_1422 = vector.broadcast %jit3A_1421 : f32 to vector<128x128xf32>
    %select_n3A_1423 = arith.select %eq3A_1420, %get3A_1416, %broadcast_in_dim3A_1422 : vector<128x128xi1>, vector<128x128xf32>
    %add3A_1424 = arith.addf %add3A_1413, %select_n3A_1423 : vector<128x128xf32>
    %get3A_1425 = arith.constant 512 : index
    %get3A_1426 = arith.constant 2560 : index
    %get3A_1427 = vector.load %arg2[%get3A_1425, %get3A_1426] : memref<2048x3200xf32, #tpu.memory_space<vmem>>, vector<128x128xf32>
    %add3A_1428 = arith.addf %add3A_1417, %get3A_1427 : vector<128x128xf32>
    %eq3A_1429 = arith.constant 2560 : i32
    %eq3A_1430 = vector.broadcast %eq3A_1429 : i32 to vector<128x128xi32>
    %eq3A_1431 = arith.cmpi eq, %sub3A_1206, %eq3A_1430 : vector<128x128xi32>
    %jit3A_1432 = arith.constant 0.000000e+00 : f32
    %broadcast_in_dim3A_1433 = vector.broadcast %jit3A_1432 : f32 to vector<128x128xf32>
    %select_n3A_1434 = arith.select %eq3A_1431, %get3A_1427, %broadcast_in_dim3A_1433 : vector<128x128xi1>, vector<128x128xf32>
    %add3A_1435 = arith.addf %add3A_1424, %select_n3A_1434 : vector<128x128xf32>
    %get3A_1436 = arith.constant 512 : index
    %get3A_1437 = arith.constant 2688 : index
    %get3A_1438 = vector.load %arg2[%get3A_1436, %get3A_1437] : memref<2048x3200xf32, #tpu.memory_space<vmem>>, vector<128x128xf32>
    %add3A_1439 = arith.addf %add3A_1428, %get3A_1438 : vector<128x128xf32>
    %eq3A_1440 = arith.constant 2688 : i32
    %eq3A_1441 = vector.broadcast %eq3A_1440 : i32 to vector<128x128xi32>
    %eq3A_1442 = arith.cmpi eq, %sub3A_1206, %eq3A_1441 : vector<128x128xi32>
    %jit3A_1443 = arith.constant 0.000000e+00 : f32
    %broadcast_in_dim3A_1444 = vector.broadcast %jit3A_1443 : f32 to vector<128x128xf32>
    %select_n3A_1445 = arith.select %eq3A_1442, %get3A_1438, %broadcast_in_dim3A_1444 : vector<128x128xi1>, vector<128x128xf32>
    %add3A_1446 = arith.addf %add3A_1435, %select_n3A_1445 : vector<128x128xf32>
    %get3A_1447 = arith.constant 512 : index
    %get3A_1448 = arith.constant 2816 : index
    %get3A_1449 = vector.load %arg2[%get3A_1447, %get3A_1448] : memref<2048x3200xf32, #tpu.memory_space<vmem>>, vector<128x128xf32>
    %add3A_1450 = arith.addf %add3A_1439, %get3A_1449 : vector<128x128xf32>
    %eq3A_1451 = arith.constant 2816 : i32
    %eq3A_1452 = vector.broadcast %eq3A_1451 : i32 to vector<128x128xi32>
    %eq3A_1453 = arith.cmpi eq, %sub3A_1206, %eq3A_1452 : vector<128x128xi32>
    %jit3A_1454 = arith.constant 0.000000e+00 : f32
    %broadcast_in_dim3A_1455 = vector.broadcast %jit3A_1454 : f32 to vector<128x128xf32>
    %select_n3A_1456 = arith.select %eq3A_1453, %get3A_1449, %broadcast_in_dim3A_1455 : vector<128x128xi1>, vector<128x128xf32>
    %add3A_1457 = arith.addf %add3A_1446, %select_n3A_1456 : vector<128x128xf32>
    %get3A_1458 = arith.constant 512 : index
    %get3A_1459 = arith.constant 2944 : index
    %get3A_1460 = vector.load %arg2[%get3A_1458, %get3A_1459] : memref<2048x3200xf32, #tpu.memory_space<vmem>>, vector<128x128xf32>
    %add3A_1461 = arith.addf %add3A_1450, %get3A_1460 : vector<128x128xf32>
    %eq3A_1462 = arith.constant 2944 : i32
    %eq3A_1463 = vector.broadcast %eq3A_1462 : i32 to vector<128x128xi32>
    %eq3A_1464 = arith.cmpi eq, %sub3A_1206, %eq3A_1463 : vector<128x128xi32>
    %jit3A_1465 = arith.constant 0.000000e+00 : f32
    %broadcast_in_dim3A_1466 = vector.broadcast %jit3A_1465 : f32 to vector<128x128xf32>
    %select_n3A_1467 = arith.select %eq3A_1464, %get3A_1460, %broadcast_in_dim3A_1466 : vector<128x128xi1>, vector<128x128xf32>
    %add3A_1468 = arith.addf %add3A_1457, %select_n3A_1467 : vector<128x128xf32>
    %get3A_1469 = arith.constant 512 : index
    %get3A_1470 = arith.constant 3072 : index
    %get3A_1471 = vector.load %arg2[%get3A_1469, %get3A_1470] : memref<2048x3200xf32, #tpu.memory_space<vmem>>, vector<128x128xf32>
    %add3A_1472 = arith.addf %add3A_1461, %get3A_1471 : vector<128x128xf32>
    %eq3A_1473 = arith.constant 3072 : i32
    %eq3A_1474 = vector.broadcast %eq3A_1473 : i32 to vector<128x128xi32>
    %eq3A_1475 = arith.cmpi eq, %sub3A_1206, %eq3A_1474 : vector<128x128xi32>
    %jit3A_1476 = arith.constant 0.000000e+00 : f32
    %broadcast_in_dim3A_1477 = vector.broadcast %jit3A_1476 : f32 to vector<128x128xf32>
    %select_n3A_1478 = arith.select %eq3A_1475, %get3A_1471, %broadcast_in_dim3A_1477 : vector<128x128xi1>, vector<128x128xf32>
    %add3A_1479 = arith.addf %add3A_1468, %select_n3A_1478 : vector<128x128xf32>
    %get3A_1480 = arith.constant 512 : index
    %get3A_1481 = arith.constant 0 : index
    %get3A_1482 = vector.load %arg3[%get3A_1480, %get3A_1481] : memref<2048x256xf32, #tpu.memory_space<vmem>>, vector<128x128xf32>
    %add3A_1483 = arith.addf %get3A_1482, %add3A_1479 : vector<128x128xf32>
    %swap3A_1484 = arith.constant 512 : index
    %swap3A_1485 = arith.constant 0 : index
    %swap3A_1486 = vector.load %arg3[%swap3A_1484, %swap3A_1485] : memref<2048x256xf32, #tpu.memory_space<vmem>>, vector<128x128xf32>
    tpu.vector_store %arg3[%swap3A_1484, %swap3A_1485], %add3A_1483 {strides = array<i32>} : memref<2048x256xf32, #tpu.memory_space<vmem>>, vector<128x128xf32>,
    %get3A_1487 = arith.constant 512 : index
    %get3A_1488 = arith.constant 128 : index
    %get3A_1489 = vector.load %arg3[%get3A_1487, %get3A_1488] : memref<2048x256xf32, #tpu.memory_space<vmem>>, vector<128x1xf32>
    %reduce_sum3A_1490 = arith.constant dense<0.000000e+00> : vector<128xf32>
    %reduce_sum3A_1491 = vector.multi_reduction <add>, %add3A_1472, %reduce_sum3A_1490 [1] : vector<128x128xf32> to vector<128xf32>
    %broadcast_in_dim3A_1492 = vector.shape_cast %reduce_sum3A_1491 : vector<128xf32> to vector<128x1xf32>
    %add3A_1493 = arith.addf %get3A_1489, %broadcast_in_dim3A_1492 : vector<128x1xf32>
    %swap3A_1494 = arith.constant 512 : index
    %swap3A_1495 = arith.constant 128 : index
    %swap3A_1496 = vector.load %arg3[%swap3A_1494, %swap3A_1495] : memref<2048x256xf32, #tpu.memory_space<vmem>>, vector<128x1xf32>
    tpu.vector_store %arg3[%swap3A_1494, %swap3A_1495], %add3A_1493 {strides = array<i32>} : memref<2048x256xf32, #tpu.memory_space<vmem>>, vector<128x1xf32>,
    %get3A_1497 = arith.constant 640 : index
    %get3A_1498 = arith.constant 0 : index
    %get3A_1499 = vector.load %arg1[%get3A_1497, %get3A_1498] : memref<2048x1xi32, #tpu.memory_space<vmem>>, vector<128x1xi32>
    %broadcast_in_dim3A_1500 = vector.shape_cast %get3A_1499 : vector<128x1xi32> to vector<128x1xi32>
    %broadcast_in_dim3A_1501 = vector.broadcast %broadcast_in_dim3A_1500 : vector<128x1xi32> to vector<128x128xi32>
    %iota3A_1502 = tpu.iota {dimensions = array<i32: 1>} : vector<128x128xi32>
    %sub3A_1503 = arith.subi %broadcast_in_dim3A_1501, %iota3A_1502 : vector<128x128xi32>
    %mul3A_1504 = arith.constant 3200 : i32
    %mul3A_1505 = arith.muli %arg0, %mul3A_1504 : i32
    %sub3A_1506 = vector.broadcast %mul3A_1505 : i32 to vector<128x128xi32>
    %sub3A_1507 = arith.subi %sub3A_1503, %sub3A_1506 : vector<128x128xi32>
    %get3A_1508 = arith.constant 640 : index
    %get3A_1509 = arith.constant 0 : index
    %get3A_1510 = vector.load %arg2[%get3A_1508, %get3A_1509] : memref<2048x3200xf32, #tpu.memory_space<vmem>>, vector<128x128xf32>
    %eq3A_1511 = arith.constant 0 : i32
    %eq3A_1512 = vector.broadcast %eq3A_1511 : i32 to vector<128x128xi32>
    %eq3A_1513 = arith.cmpi eq, %sub3A_1507, %eq3A_1512 : vector<128x128xi32>
    %jit3A_1514 = arith.constant 0.000000e+00 : f32
    %broadcast_in_dim3A_1515 = vector.broadcast %jit3A_1514 : f32 to vector<128x128xf32>
    %select_n3A_1516 = arith.select %eq3A_1513, %get3A_1510, %broadcast_in_dim3A_1515 : vector<128x128xi1>, vector<128x128xf32>
    %get3A_1517 = arith.constant 640 : index
    %get3A_1518 = arith.constant 128 : index
    %get3A_1519 = vector.load %arg2[%get3A_1517, %get3A_1518] : memref<2048x3200xf32, #tpu.memory_space<vmem>>, vector<128x128xf32>
    %add3A_1520 = arith.addf %get3A_1510, %get3A_1519 : vector<128x128xf32>
    %eq3A_1521 = arith.constant 128 : i32
    %eq3A_1522 = vector.broadcast %eq3A_1521 : i32 to vector<128x128xi32>
    %eq3A_1523 = arith.cmpi eq, %sub3A_1507, %eq3A_1522 : vector<128x128xi32>
    %jit3A_1524 = arith.constant 0.000000e+00 : f32
    %broadcast_in_dim3A_1525 = vector.broadcast %jit3A_1524 : f32 to vector<128x128xf32>
    %select_n3A_1526 = arith.select %eq3A_1523, %get3A_1519, %broadcast_in_dim3A_1525 : vector<128x128xi1>, vector<128x128xf32>
    %add3A_1527 = arith.addf %select_n3A_1516, %select_n3A_1526 : vector<128x128xf32>
    %get3A_1528 = arith.constant 640 : index
    %get3A_1529 = arith.constant 256 : index
    %get3A_1530 = vector.load %arg2[%get3A_1528, %get3A_1529] : memref<2048x3200xf32, #tpu.memory_space<vmem>>, vector<128x128xf32>
    %add3A_1531 = arith.addf %add3A_1520, %get3A_1530 : vector<128x128xf32>
    %eq3A_1532 = arith.constant 256 : i32
    %eq3A_1533 = vector.broadcast %eq3A_1532 : i32 to vector<128x128xi32>
    %eq3A_1534 = arith.cmpi eq, %sub3A_1507, %eq3A_1533 : vector<128x128xi32>
    %jit3A_1535 = arith.constant 0.000000e+00 : f32
    %broadcast_in_dim3A_1536 = vector.broadcast %jit3A_1535 : f32 to vector<128x128xf32>
    %select_n3A_1537 = arith.select %eq3A_1534, %get3A_1530, %broadcast_in_dim3A_1536 : vector<128x128xi1>, vector<128x128xf32>
    %add3A_1538 = arith.addf %add3A_1527, %select_n3A_1537 : vector<128x128xf32>
    %get3A_1539 = arith.constant 640 : index
    %get3A_1540 = arith.constant 384 : index
    %get3A_1541 = vector.load %arg2[%get3A_1539, %get3A_1540] : memref<2048x3200xf32, #tpu.memory_space<vmem>>, vector<128x128xf32>
    %add3A_1542 = arith.addf %add3A_1531, %get3A_1541 : vector<128x128xf32>
    %eq3A_1543 = arith.constant 384 : i32
    %eq3A_1544 = vector.broadcast %eq3A_1543 : i32 to vector<128x128xi32>
    %eq3A_1545 = arith.cmpi eq, %sub3A_1507, %eq3A_1544 : vector<128x128xi32>
    %jit3A_1546 = arith.constant 0.000000e+00 : f32
    %broadcast_in_dim3A_1547 = vector.broadcast %jit3A_1546 : f32 to vector<128x128xf32>
    %select_n3A_1548 = arith.select %eq3A_1545, %get3A_1541, %broadcast_in_dim3A_1547 : vector<128x128xi1>, vector<128x128xf32>
    %add3A_1549 = arith.addf %add3A_1538, %select_n3A_1548 : vector<128x128xf32>
    %get3A_1550 = arith.constant 640 : index
    %get3A_1551 = arith.constant 512 : index
    %get3A_1552 = vector.load %arg2[%get3A_1550, %get3A_1551] : memref<2048x3200xf32, #tpu.memory_space<vmem>>, vector<128x128xf32>
    %add3A_1553 = arith.addf %add3A_1542, %get3A_1552 : vector<128x128xf32>
    %eq3A_1554 = arith.constant 512 : i32
    %eq3A_1555 = vector.broadcast %eq3A_1554 : i32 to vector<128x128xi32>
    %eq3A_1556 = arith.cmpi eq, %sub3A_1507, %eq3A_1555 : vector<128x128xi32>
    %jit3A_1557 = arith.constant 0.000000e+00 : f32
    %broadcast_in_dim3A_1558 = vector.broadcast %jit3A_1557 : f32 to vector<128x128xf32>
    %select_n3A_1559 = arith.select %eq3A_1556, %get3A_1552, %broadcast_in_dim3A_1558 : vector<128x128xi1>, vector<128x128xf32>
    %add3A_1560 = arith.addf %add3A_1549, %select_n3A_1559 : vector<128x128xf32>
    %get3A_1561 = arith.constant 640 : index
    %get3A_1562 = arith.constant 640 : index
    %get3A_1563 = vector.load %arg2[%get3A_1561, %get3A_1562] : memref<2048x3200xf32, #tpu.memory_space<vmem>>, vector<128x128xf32>
    %add3A_1564 = arith.addf %add3A_1553, %get3A_1563 : vector<128x128xf32>
    %eq3A_1565 = arith.constant 640 : i32
    %eq3A_1566 = vector.broadcast %eq3A_1565 : i32 to vector<128x128xi32>
    %eq3A_1567 = arith.cmpi eq, %sub3A_1507, %eq3A_1566 : vector<128x128xi32>
    %jit3A_1568 = arith.constant 0.000000e+00 : f32
    %broadcast_in_dim3A_1569 = vector.broadcast %jit3A_1568 : f32 to vector<128x128xf32>
    %select_n3A_1570 = arith.select %eq3A_1567, %get3A_1563, %broadcast_in_dim3A_1569 : vector<128x128xi1>, vector<128x128xf32>
    %add3A_1571 = arith.addf %add3A_1560, %select_n3A_1570 : vector<128x128xf32>
    %get3A_1572 = arith.constant 640 : index
    %get3A_1573 = arith.constant 768 : index
    %get3A_1574 = vector.load %arg2[%get3A_1572, %get3A_1573] : memref<2048x3200xf32, #tpu.memory_space<vmem>>, vector<128x128xf32>
    %add3A_1575 = arith.addf %add3A_1564, %get3A_1574 : vector<128x128xf32>
    %eq3A_1576 = arith.constant 768 : i32
    %eq3A_1577 = vector.broadcast %eq3A_1576 : i32 to vector<128x128xi32>
    %eq3A_1578 = arith.cmpi eq, %sub3A_1507, %eq3A_1577 : vector<128x128xi32>
    %jit3A_1579 = arith.constant 0.000000e+00 : f32
    %broadcast_in_dim3A_1580 = vector.broadcast %jit3A_1579 : f32 to vector<128x128xf32>
    %select_n3A_1581 = arith.select %eq3A_1578, %get3A_1574, %broadcast_in_dim3A_1580 : vector<128x128xi1>, vector<128x128xf32>
    %add3A_1582 = arith.addf %add3A_1571, %select_n3A_1581 : vector<128x128xf32>
    %get3A_1583 = arith.constant 640 : index
    %get3A_1584 = arith.constant 896 : index
    %get3A_1585 = vector.load %arg2[%get3A_1583, %get3A_1584] : memref<2048x3200xf32, #tpu.memory_space<vmem>>, vector<128x128xf32>
    %add3A_1586 = arith.addf %add3A_1575, %get3A_1585 : vector<128x128xf32>
    %eq3A_1587 = arith.constant 896 : i32
    %eq3A_1588 = vector.broadcast %eq3A_1587 : i32 to vector<128x128xi32>
    %eq3A_1589 = arith.cmpi eq, %sub3A_1507, %eq3A_1588 : vector<128x128xi32>
    %jit3A_1590 = arith.constant 0.000000e+00 : f32
    %broadcast_in_dim3A_1591 = vector.broadcast %jit3A_1590 : f32 to vector<128x128xf32>
    %select_n3A_1592 = arith.select %eq3A_1589, %get3A_1585, %broadcast_in_dim3A_1591 : vector<128x128xi1>, vector<128x128xf32>
    %add3A_1593 = arith.addf %add3A_1582, %select_n3A_1592 : vector<128x128xf32>
    %get3A_1594 = arith.constant 640 : index
    %get3A_1595 = arith.constant 1024 : index
    %get3A_1596 = vector.load %arg2[%get3A_1594, %get3A_1595] : memref<2048x3200xf32, #tpu.memory_space<vmem>>, vector<128x128xf32>
    %add3A_1597 = arith.addf %add3A_1586, %get3A_1596 : vector<128x128xf32>
    %eq3A_1598 = arith.constant 1024 : i32
    %eq3A_1599 = vector.broadcast %eq3A_1598 : i32 to vector<128x128xi32>
    %eq3A_1600 = arith.cmpi eq, %sub3A_1507, %eq3A_1599 : vector<128x128xi32>
    %jit3A_1601 = arith.constant 0.000000e+00 : f32
    %broadcast_in_dim3A_1602 = vector.broadcast %jit3A_1601 : f32 to vector<128x128xf32>
    %select_n3A_1603 = arith.select %eq3A_1600, %get3A_1596, %broadcast_in_dim3A_1602 : vector<128x128xi1>, vector<128x128xf32>
    %add3A_1604 = arith.addf %add3A_1593, %select_n3A_1603 : vector<128x128xf32>
    %get3A_1605 = arith.constant 640 : index
    %get3A_1606 = arith.constant 1152 : index
    %get3A_1607 = vector.load %arg2[%get3A_1605, %get3A_1606] : memref<2048x3200xf32, #tpu.memory_space<vmem>>, vector<128x128xf32>
    %add3A_1608 = arith.addf %add3A_1597, %get3A_1607 : vector<128x128xf32>
    %eq3A_1609 = arith.constant 1152 : i32
    %eq3A_1610 = vector.broadcast %eq3A_1609 : i32 to vector<128x128xi32>
    %eq3A_1611 = arith.cmpi eq, %sub3A_1507, %eq3A_1610 : vector<128x128xi32>
    %jit3A_1612 = arith.constant 0.000000e+00 : f32
    %broadcast_in_dim3A_1613 = vector.broadcast %jit3A_1612 : f32 to vector<128x128xf32>
    %select_n3A_1614 = arith.select %eq3A_1611, %get3A_1607, %broadcast_in_dim3A_1613 : vector<128x128xi1>, vector<128x128xf32>
    %add3A_1615 = arith.addf %add3A_1604, %select_n3A_1614 : vector<128x128xf32>
    %get3A_1616 = arith.constant 640 : index
    %get3A_1617 = arith.constant 1280 : index
    %get3A_1618 = vector.load %arg2[%get3A_1616, %get3A_1617] : memref<2048x3200xf32, #tpu.memory_space<vmem>>, vector<128x128xf32>
    %add3A_1619 = arith.addf %add3A_1608, %get3A_1618 : vector<128x128xf32>
    %eq3A_1620 = arith.constant 1280 : i32
    %eq3A_1621 = vector.broadcast %eq3A_1620 : i32 to vector<128x128xi32>
    %eq3A_1622 = arith.cmpi eq, %sub3A_1507, %eq3A_1621 : vector<128x128xi32>
    %jit3A_1623 = arith.constant 0.000000e+00 : f32
    %broadcast_in_dim3A_1624 = vector.broadcast %jit3A_1623 : f32 to vector<128x128xf32>
    %select_n3A_1625 = arith.select %eq3A_1622, %get3A_1618, %broadcast_in_dim3A_1624 : vector<128x128xi1>, vector<128x128xf32>
    %add3A_1626 = arith.addf %add3A_1615, %select_n3A_1625 : vector<128x128xf32>
    %get3A_1627 = arith.constant 640 : index
    %get3A_1628 = arith.constant 1408 : index
    %get3A_1629 = vector.load %arg2[%get3A_1627, %get3A_1628] : memref<2048x3200xf32, #tpu.memory_space<vmem>>, vector<128x128xf32>
    %add3A_1630 = arith.addf %add3A_1619, %get3A_1629 : vector<128x128xf32>
    %eq3A_1631 = arith.constant 1408 : i32
    %eq3A_1632 = vector.broadcast %eq3A_1631 : i32 to vector<128x128xi32>
    %eq3A_1633 = arith.cmpi eq, %sub3A_1507, %eq3A_1632 : vector<128x128xi32>
    %jit3A_1634 = arith.constant 0.000000e+00 : f32
    %broadcast_in_dim3A_1635 = vector.broadcast %jit3A_1634 : f32 to vector<128x128xf32>
    %select_n3A_1636 = arith.select %eq3A_1633, %get3A_1629, %broadcast_in_dim3A_1635 : vector<128x128xi1>, vector<128x128xf32>
    %add3A_1637 = arith.addf %add3A_1626, %select_n3A_1636 : vector<128x128xf32>
    %get3A_1638 = arith.constant 640 : index
    %get3A_1639 = arith.constant 1536 : index
    %get3A_1640 = vector.load %arg2[%get3A_1638, %get3A_1639] : memref<2048x3200xf32, #tpu.memory_space<vmem>>, vector<128x128xf32>
    %add3A_1641 = arith.addf %add3A_1630, %get3A_1640 : vector<128x128xf32>
    %eq3A_1642 = arith.constant 1536 : i32
    %eq3A_1643 = vector.broadcast %eq3A_1642 : i32 to vector<128x128xi32>
    %eq3A_1644 = arith.cmpi eq, %sub3A_1507, %eq3A_1643 : vector<128x128xi32>
    %jit3A_1645 = arith.constant 0.000000e+00 : f32
    %broadcast_in_dim3A_1646 = vector.broadcast %jit3A_1645 : f32 to vector<128x128xf32>
    %select_n3A_1647 = arith.select %eq3A_1644, %get3A_1640, %broadcast_in_dim3A_1646 : vector<128x128xi1>, vector<128x128xf32>
    %add3A_1648 = arith.addf %add3A_1637, %select_n3A_1647 : vector<128x128xf32>
    %get3A_1649 = arith.constant 640 : index
    %get3A_1650 = arith.constant 1664 : index
    %get3A_1651 = vector.load %arg2[%get3A_1649, %get3A_1650] : memref<2048x3200xf32, #tpu.memory_space<vmem>>, vector<128x128xf32>
    %add3A_1652 = arith.addf %add3A_1641, %get3A_1651 : vector<128x128xf32>
    %eq3A_1653 = arith.constant 1664 : i32
    %eq3A_1654 = vector.broadcast %eq3A_1653 : i32 to vector<128x128xi32>
    %eq3A_1655 = arith.cmpi eq, %sub3A_1507, %eq3A_1654 : vector<128x128xi32>
    %jit3A_1656 = arith.constant 0.000000e+00 : f32
    %broadcast_in_dim3A_1657 = vector.broadcast %jit3A_1656 : f32 to vector<128x128xf32>
    %select_n3A_1658 = arith.select %eq3A_1655, %get3A_1651, %broadcast_in_dim3A_1657 : vector<128x128xi1>, vector<128x128xf32>
    %add3A_1659 = arith.addf %add3A_1648, %select_n3A_1658 : vector<128x128xf32>
    %get3A_1660 = arith.constant 640 : index
    %get3A_1661 = arith.constant 1792 : index
    %get3A_1662 = vector.load %arg2[%get3A_1660, %get3A_1661] : memref<2048x3200xf32, #tpu.memory_space<vmem>>, vector<128x128xf32>
    %add3A_1663 = arith.addf %add3A_1652, %get3A_1662 : vector<128x128xf32>
    %eq3A_1664 = arith.constant 1792 : i32
    %eq3A_1665 = vector.broadcast %eq3A_1664 : i32 to vector<128x128xi32>
    %eq3A_1666 = arith.cmpi eq, %sub3A_1507, %eq3A_1665 : vector<128x128xi32>
    %jit3A_1667 = arith.constant 0.000000e+00 : f32
    %broadcast_in_dim3A_1668 = vector.broadcast %jit3A_1667 : f32 to vector<128x128xf32>
    %select_n3A_1669 = arith.select %eq3A_1666, %get3A_1662, %broadcast_in_dim3A_1668 : vector<128x128xi1>, vector<128x128xf32>
    %add3A_1670 = arith.addf %add3A_1659, %select_n3A_1669 : vector<128x128xf32>
    %get3A_1671 = arith.constant 640 : index
    %get3A_1672 = arith.constant 1920 : index
    %get3A_1673 = vector.load %arg2[%get3A_1671, %get3A_1672] : memref<2048x3200xf32, #tpu.memory_space<vmem>>, vector<128x128xf32>
    %add3A_1674 = arith.addf %add3A_1663, %get3A_1673 : vector<128x128xf32>
    %eq3A_1675 = arith.constant 1920 : i32
    %eq3A_1676 = vector.broadcast %eq3A_1675 : i32 to vector<128x128xi32>
    %eq3A_1677 = arith.cmpi eq, %sub3A_1507, %eq3A_1676 : vector<128x128xi32>
    %jit3A_1678 = arith.constant 0.000000e+00 : f32
    %broadcast_in_dim3A_1679 = vector.broadcast %jit3A_1678 : f32 to vector<128x128xf32>
    %select_n3A_1680 = arith.select %eq3A_1677, %get3A_1673, %broadcast_in_dim3A_1679 : vector<128x128xi1>, vector<128x128xf32>
    %add3A_1681 = arith.addf %add3A_1670, %select_n3A_1680 : vector<128x128xf32>
    %get3A_1682 = arith.constant 640 : index
    %get3A_1683 = arith.constant 2048 : index
    %get3A_1684 = vector.load %arg2[%get3A_1682, %get3A_1683] : memref<2048x3200xf32, #tpu.memory_space<vmem>>, vector<128x128xf32>
    %add3A_1685 = arith.addf %add3A_1674, %get3A_1684 : vector<128x128xf32>
    %eq3A_1686 = arith.constant 2048 : i32
    %eq3A_1687 = vector.broadcast %eq3A_1686 : i32 to vector<128x128xi32>
    %eq3A_1688 = arith.cmpi eq, %sub3A_1507, %eq3A_1687 : vector<128x128xi32>
    %jit3A_1689 = arith.constant 0.000000e+00 : f32
    %broadcast_in_dim3A_1690 = vector.broadcast %jit3A_1689 : f32 to vector<128x128xf32>
    %select_n3A_1691 = arith.select %eq3A_1688, %get3A_1684, %broadcast_in_dim3A_1690 : vector<128x128xi1>, vector<128x128xf32>
    %add3A_1692 = arith.addf %add3A_1681, %select_n3A_1691 : vector<128x128xf32>
    %get3A_1693 = arith.constant 640 : index
    %get3A_1694 = arith.constant 2176 : index
    %get3A_1695 = vector.load %arg2[%get3A_1693, %get3A_1694] : memref<2048x3200xf32, #tpu.memory_space<vmem>>, vector<128x128xf32>
    %add3A_1696 = arith.addf %add3A_1685, %get3A_1695 : vector<128x128xf32>
    %eq3A_1697 = arith.constant 2176 : i32
    %eq3A_1698 = vector.broadcast %eq3A_1697 : i32 to vector<128x128xi32>
    %eq3A_1699 = arith.cmpi eq, %sub3A_1507, %eq3A_1698 : vector<128x128xi32>
    %jit3A_1700 = arith.constant 0.000000e+00 : f32
    %broadcast_in_dim3A_1701 = vector.broadcast %jit3A_1700 : f32 to vector<128x128xf32>
    %select_n3A_1702 = arith.select %eq3A_1699, %get3A_1695, %broadcast_in_dim3A_1701 : vector<128x128xi1>, vector<128x128xf32>
    %add3A_1703 = arith.addf %add3A_1692, %select_n3A_1702 : vector<128x128xf32>
    %get3A_1704 = arith.constant 640 : index
    %get3A_1705 = arith.constant 2304 : index
    %get3A_1706 = vector.load %arg2[%get3A_1704, %get3A_1705] : memref<2048x3200xf32, #tpu.memory_space<vmem>>, vector<128x128xf32>
    %add3A_1707 = arith.addf %add3A_1696, %get3A_1706 : vector<128x128xf32>
    %eq3A_1708 = arith.constant 2304 : i32
    %eq3A_1709 = vector.broadcast %eq3A_1708 : i32 to vector<128x128xi32>
    %eq3A_1710 = arith.cmpi eq, %sub3A_1507, %eq3A_1709 : vector<128x128xi32>
    %jit3A_1711 = arith.constant 0.000000e+00 : f32
    %broadcast_in_dim3A_1712 = vector.broadcast %jit3A_1711 : f32 to vector<128x128xf32>
    %select_n3A_1713 = arith.select %eq3A_1710, %get3A_1706, %broadcast_in_dim3A_1712 : vector<128x128xi1>, vector<128x128xf32>
    %add3A_1714 = arith.addf %add3A_1703, %select_n3A_1713 : vector<128x128xf32>
    %get3A_1715 = arith.constant 640 : index
    %get3A_1716 = arith.constant 2432 : index
    %get3A_1717 = vector.load %arg2[%get3A_1715, %get3A_1716] : memref<2048x3200xf32, #tpu.memory_space<vmem>>, vector<128x128xf32>
    %add3A_1718 = arith.addf %add3A_1707, %get3A_1717 : vector<128x128xf32>
    %eq3A_1719 = arith.constant 2432 : i32
    %eq3A_1720 = vector.broadcast %eq3A_1719 : i32 to vector<128x128xi32>
    %eq3A_1721 = arith.cmpi eq, %sub3A_1507, %eq3A_1720 : vector<128x128xi32>
    %jit3A_1722 = arith.constant 0.000000e+00 : f32
    %broadcast_in_dim3A_1723 = vector.broadcast %jit3A_1722 : f32 to vector<128x128xf32>
    %select_n3A_1724 = arith.select %eq3A_1721, %get3A_1717, %broadcast_in_dim3A_1723 : vector<128x128xi1>, vector<128x128xf32>
    %add3A_1725 = arith.addf %add3A_1714, %select_n3A_1724 : vector<128x128xf32>
    %get3A_1726 = arith.constant 640 : index
    %get3A_1727 = arith.constant 2560 : index
    %get3A_1728 = vector.load %arg2[%get3A_1726, %get3A_1727] : memref<2048x3200xf32, #tpu.memory_space<vmem>>, vector<128x128xf32>
    %add3A_1729 = arith.addf %add3A_1718, %get3A_1728 : vector<128x128xf32>
    %eq3A_1730 = arith.constant 2560 : i32
    %eq3A_1731 = vector.broadcast %eq3A_1730 : i32 to vector<128x128xi32>
    %eq3A_1732 = arith.cmpi eq, %sub3A_1507, %eq3A_1731 : vector<128x128xi32>
    %jit3A_1733 = arith.constant 0.000000e+00 : f32
    %broadcast_in_dim3A_1734 = vector.broadcast %jit3A_1733 : f32 to vector<128x128xf32>
    %select_n3A_1735 = arith.select %eq3A_1732, %get3A_1728, %broadcast_in_dim3A_1734 : vector<128x128xi1>, vector<128x128xf32>
    %add3A_1736 = arith.addf %add3A_1725, %select_n3A_1735 : vector<128x128xf32>
    %get3A_1737 = arith.constant 640 : index
    %get3A_1738 = arith.constant 2688 : index
    %get3A_1739 = vector.load %arg2[%get3A_1737, %get3A_1738] : memref<2048x3200xf32, #tpu.memory_space<vmem>>, vector<128x128xf32>
    %add3A_1740 = arith.addf %add3A_1729, %get3A_1739 : vector<128x128xf32>
    %eq3A_1741 = arith.constant 2688 : i32
    %eq3A_1742 = vector.broadcast %eq3A_1741 : i32 to vector<128x128xi32>
    %eq3A_1743 = arith.cmpi eq, %sub3A_1507, %eq3A_1742 : vector<128x128xi32>
    %jit3A_1744 = arith.constant 0.000000e+00 : f32
    %broadcast_in_dim3A_1745 = vector.broadcast %jit3A_1744 : f32 to vector<128x128xf32>
    %select_n3A_1746 = arith.select %eq3A_1743, %get3A_1739, %broadcast_in_dim3A_1745 : vector<128x128xi1>, vector<128x128xf32>
    %add3A_1747 = arith.addf %add3A_1736, %select_n3A_1746 : vector<128x128xf32>
    %get3A_1748 = arith.constant 640 : index
    %get3A_1749 = arith.constant 2816 : index
    %get3A_1750 = vector.load %arg2[%get3A_1748, %get3A_1749] : memref<2048x3200xf32, #tpu.memory_space<vmem>>, vector<128x128xf32>
    %add3A_1751 = arith.addf %add3A_1740, %get3A_1750 : vector<128x128xf32>
    %eq3A_1752 = arith.constant 2816 : i32
    %eq3A_1753 = vector.broadcast %eq3A_1752 : i32 to vector<128x128xi32>
    %eq3A_1754 = arith.cmpi eq, %sub3A_1507, %eq3A_1753 : vector<128x128xi32>
    %jit3A_1755 = arith.constant 0.000000e+00 : f32
    %broadcast_in_dim3A_1756 = vector.broadcast %jit3A_1755 : f32 to vector<128x128xf32>
    %select_n3A_1757 = arith.select %eq3A_1754, %get3A_1750, %broadcast_in_dim3A_1756 : vector<128x128xi1>, vector<128x128xf32>
    %add3A_1758 = arith.addf %add3A_1747, %select_n3A_1757 : vector<128x128xf32>
    %get3A_1759 = arith.constant 640 : index
    %get3A_1760 = arith.constant 2944 : index
    %get3A_1761 = vector.load %arg2[%get3A_1759, %get3A_1760] : memref<2048x3200xf32, #tpu.memory_space<vmem>>, vector<128x128xf32>
    %add3A_1762 = arith.addf %add3A_1751, %get3A_1761 : vector<128x128xf32>
    %eq3A_1763 = arith.constant 2944 : i32
    %eq3A_1764 = vector.broadcast %eq3A_1763 : i32 to vector<128x128xi32>
    %eq3A_1765 = arith.cmpi eq, %sub3A_1507, %eq3A_1764 : vector<128x128xi32>
    %jit3A_1766 = arith.constant 0.000000e+00 : f32
    %broadcast_in_dim3A_1767 = vector.broadcast %jit3A_1766 : f32 to vector<128x128xf32>
    %select_n3A_1768 = arith.select %eq3A_1765, %get3A_1761, %broadcast_in_dim3A_1767 : vector<128x128xi1>, vector<128x128xf32>
    %add3A_1769 = arith.addf %add3A_1758, %select_n3A_1768 : vector<128x128xf32>
    %get3A_1770 = arith.constant 640 : index
    %get3A_1771 = arith.constant 3072 : index
    %get3A_1772 = vector.load %arg2[%get3A_1770, %get3A_1771] : memref<2048x3200xf32, #tpu.memory_space<vmem>>, vector<128x128xf32>
    %add3A_1773 = arith.addf %add3A_1762, %get3A_1772 : vector<128x128xf32>
    %eq3A_1774 = arith.constant 3072 : i32
    %eq3A_1775 = vector.broadcast %eq3A_1774 : i32 to vector<128x128xi32>
    %eq3A_1776 = arith.cmpi eq, %sub3A_1507, %eq3A_1775 : vector<128x128xi32>
    %jit3A_1777 = arith.constant 0.000000e+00 : f32
    %broadcast_in_dim3A_1778 = vector.broadcast %jit3A_1777 : f32 to vector<128x128xf32>
    %select_n3A_1779 = arith.select %eq3A_1776, %get3A_1772, %broadcast_in_dim3A_1778 : vector<128x128xi1>, vector<128x128xf32>
    %add3A_1780 = arith.addf %add3A_1769, %select_n3A_1779 : vector<128x128xf32>
    %get3A_1781 = arith.constant 640 : index
    %get3A_1782 = arith.constant 0 : index
    %get3A_1783 = vector.load %arg3[%get3A_1781, %get3A_1782] : memref<2048x256xf32, #tpu.memory_space<vmem>>, vector<128x128xf32>
    %add3A_1784 = arith.addf %get3A_1783, %add3A_1780 : vector<128x128xf32>
    %swap3A_1785 = arith.constant 640 : index
    %swap3A_1786 = arith.constant 0 : index
    %swap3A_1787 = vector.load %arg3[%swap3A_1785, %swap3A_1786] : memref<2048x256xf32, #tpu.memory_space<vmem>>, vector<128x128xf32>
    tpu.vector_store %arg3[%swap3A_1785, %swap3A_1786], %add3A_1784 {strides = array<i32>} : memref<2048x256xf32, #tpu.memory_space<vmem>>, vector<128x128xf32>,
    %get3A_1788 = arith.constant 640 : index
    %get3A_1789 = arith.constant 128 : index
    %get3A_1790 = vector.load %arg3[%get3A_1788, %get3A_1789] : memref<2048x256xf32, #tpu.memory_space<vmem>>, vector<128x1xf32>
    %reduce_sum3A_1791 = arith.constant dense<0.000000e+00> : vector<128xf32>
    %reduce_sum3A_1792 = vector.multi_reduction <add>, %add3A_1773, %reduce_sum3A_1791 [1] : vector<128x128xf32> to vector<128xf32>
    %broadcast_in_dim3A_1793 = vector.shape_cast %reduce_sum3A_1792 : vector<128xf32> to vector<128x1xf32>
    %add3A_1794 = arith.addf %get3A_1790, %broadcast_in_dim3A_1793 : vector<128x1xf32>
    %swap3A_1795 = arith.constant 640 : index
    %swap3A_1796 = arith.constant 128 : index
    %swap3A_1797 = vector.load %arg3[%swap3A_1795, %swap3A_1796] : memref<2048x256xf32, #tpu.memory_space<vmem>>, vector<128x1xf32>
    tpu.vector_store %arg3[%swap3A_1795, %swap3A_1796], %add3A_1794 {strides = array<i32>} : memref<2048x256xf32, #tpu.memory_space<vmem>>, vector<128x1xf32>,
    %get3A_1798 = arith.constant 768 : index
    %get3A_1799 = arith.constant 0 : index
    %get3A_1800 = vector.load %arg1[%get3A_1798, %get3A_1799] : memref<2048x1xi32, #tpu.memory_space<vmem>>, vector<128x1xi32>
    %broadcast_in_dim3A_1801 = vector.shape_cast %get3A_1800 : vector<128x1xi32> to vector<128x1xi32>
    %broadcast_in_dim3A_1802 = vector.broadcast %broadcast_in_dim3A_1801 : vector<128x1xi32> to vector<128x128xi32>
    %iota3A_1803 = tpu.iota {dimensions = array<i32: 1>} : vector<128x128xi32>
    %sub3A_1804 = arith.subi %broadcast_in_dim3A_1802, %iota3A_1803 : vector<128x128xi32>
    %mul3A_1805 = arith.constant 3200 : i32
    %mul3A_1806 = arith.muli %arg0, %mul3A_1805 : i32
    %sub3A_1807 = vector.broadcast %mul3A_1806 : i32 to vector<128x128xi32>
    %sub3A_1808 = arith.subi %sub3A_1804, %sub3A_1807 : vector<128x128xi32>
    %get3A_1809 = arith.constant 768 : index
    %get3A_1810 = arith.constant 0 : index
    %get3A_1811 = vector.load %arg2[%get3A_1809, %get3A_1810] : memref<2048x3200xf32, #tpu.memory_space<vmem>>, vector<128x128xf32>
    %eq3A_1812 = arith.constant 0 : i32
    %eq3A_1813 = vector.broadcast %eq3A_1812 : i32 to vector<128x128xi32>
    %eq3A_1814 = arith.cmpi eq, %sub3A_1808, %eq3A_1813 : vector<128x128xi32>
    %jit3A_1815 = arith.constant 0.000000e+00 : f32
    %broadcast_in_dim3A_1816 = vector.broadcast %jit3A_1815 : f32 to vector<128x128xf32>
    %select_n3A_1817 = arith.select %eq3A_1814, %get3A_1811, %broadcast_in_dim3A_1816 : vector<128x128xi1>, vector<128x128xf32>
    %get3A_1818 = arith.constant 768 : index
    %get3A_1819 = arith.constant 128 : index
    %get3A_1820 = vector.load %arg2[%get3A_1818, %get3A_1819] : memref<2048x3200xf32, #tpu.memory_space<vmem>>, vector<128x128xf32>
    %add3A_1821 = arith.addf %get3A_1811, %get3A_1820 : vector<128x128xf32>
    %eq3A_1822 = arith.constant 128 : i32
    %eq3A_1823 = vector.broadcast %eq3A_1822 : i32 to vector<128x128xi32>
    %eq3A_1824 = arith.cmpi eq, %sub3A_1808, %eq3A_1823 : vector<128x128xi32>
    %jit3A_1825 = arith.constant 0.000000e+00 : f32
    %broadcast_in_dim3A_1826 = vector.broadcast %jit3A_1825 : f32 to vector<128x128xf32>
    %select_n3A_1827 = arith.select %eq3A_1824, %get3A_1820, %broadcast_in_dim3A_1826 : vector<128x128xi1>, vector<128x128xf32>
    %add3A_1828 = arith.addf %select_n3A_1817, %select_n3A_1827 : vector<128x128xf32>
    %get3A_1829 = arith.constant 768 : index
    %get3A_1830 = arith.constant 256 : index
    %get3A_1831 = vector.load %arg2[%get3A_1829, %get3A_1830] : memref<2048x3200xf32, #tpu.memory_space<vmem>>, vector<128x128xf32>
    %add3A_1832 = arith.addf %add3A_1821, %get3A_1831 : vector<128x128xf32>
    %eq3A_1833 = arith.constant 256 : i32
    %eq3A_1834 = vector.broadcast %eq3A_1833 : i32 to vector<128x128xi32>
    %eq3A_1835 = arith.cmpi eq, %sub3A_1808, %eq3A_1834 : vector<128x128xi32>
    %jit3A_1836 = arith.constant 0.000000e+00 : f32
    %broadcast_in_dim3A_1837 = vector.broadcast %jit3A_1836 : f32 to vector<128x128xf32>
    %select_n3A_1838 = arith.select %eq3A_1835, %get3A_1831, %broadcast_in_dim3A_1837 : vector<128x128xi1>, vector<128x128xf32>
    %add3A_1839 = arith.addf %add3A_1828, %select_n3A_1838 : vector<128x128xf32>
    %get3A_1840 = arith.constant 768 : index
    %get3A_1841 = arith.constant 384 : index
    %get3A_1842 = vector.load %arg2[%get3A_1840, %get3A_1841] : memref<2048x3200xf32, #tpu.memory_space<vmem>>, vector<128x128xf32>
    %add3A_1843 = arith.addf %add3A_1832, %get3A_1842 : vector<128x128xf32>
    %eq3A_1844 = arith.constant 384 : i32
    %eq3A_1845 = vector.broadcast %eq3A_1844 : i32 to vector<128x128xi32>
    %eq3A_1846 = arith.cmpi eq, %sub3A_1808, %eq3A_1845 : vector<128x128xi32>
    %jit3A_1847 = arith.constant 0.000000e+00 : f32
    %broadcast_in_dim3A_1848 = vector.broadcast %jit3A_1847 : f32 to vector<128x128xf32>
    %select_n3A_1849 = arith.select %eq3A_1846, %get3A_1842, %broadcast_in_dim3A_1848 : vector<128x128xi1>, vector<128x128xf32>
    %add3A_1850 = arith.addf %add3A_1839, %select_n3A_1849 : vector<128x128xf32>
    %get3A_1851 = arith.constant 768 : index
    %get3A_1852 = arith.constant 512 : index
    %get3A_1853 = vector.load %arg2[%get3A_1851, %get3A_1852] : memref<2048x3200xf32, #tpu.memory_space<vmem>>, vector<128x128xf32>
    %add3A_1854 = arith.addf %add3A_1843, %get3A_1853 : vector<128x128xf32>
    %eq3A_1855 = arith.constant 512 : i32
    %eq3A_1856 = vector.broadcast %eq3A_1855 : i32 to vector<128x128xi32>
    %eq3A_1857 = arith.cmpi eq, %sub3A_1808, %eq3A_1856 : vector<128x128xi32>
    %jit3A_1858 = arith.constant 0.000000e+00 : f32
    %broadcast_in_dim3A_1859 = vector.broadcast %jit3A_1858 : f32 to vector<128x128xf32>
    %select_n3A_1860 = arith.select %eq3A_1857, %get3A_1853, %broadcast_in_dim3A_1859 : vector<128x128xi1>, vector<128x128xf32>
    %add3A_1861 = arith.addf %add3A_1850, %select_n3A_1860 : vector<128x128xf32>
    %get3A_1862 = arith.constant 768 : index
    %get3A_1863 = arith.constant 640 : index
    %get3A_1864 = vector.load %arg2[%get3A_1862, %get3A_1863] : memref<2048x3200xf32, #tpu.memory_space<vmem>>, vector<128x128xf32>
    %add3A_1865 = arith.addf %add3A_1854, %get3A_1864 : vector<128x128xf32>
    %eq3A_1866 = arith.constant 640 : i32
    %eq3A_1867 = vector.broadcast %eq3A_1866 : i32 to vector<128x128xi32>
    %eq3A_1868 = arith.cmpi eq, %sub3A_1808, %eq3A_1867 : vector<128x128xi32>
    %jit3A_1869 = arith.constant 0.000000e+00 : f32
    %broadcast_in_dim3A_1870 = vector.broadcast %jit3A_1869 : f32 to vector<128x128xf32>
    %select_n3A_1871 = arith.select %eq3A_1868, %get3A_1864, %broadcast_in_dim3A_1870 : vector<128x128xi1>, vector<128x128xf32>
    %add3A_1872 = arith.addf %add3A_1861, %select_n3A_1871 : vector<128x128xf32>
    %get3A_1873 = arith.constant 768 : index
    %get3A_1874 = arith.constant 768 : index
    %get3A_1875 = vector.load %arg2[%get3A_1873, %get3A_1874] : memref<2048x3200xf32, #tpu.memory_space<vmem>>, vector<128x128xf32>
    %add3A_1876 = arith.addf %add3A_1865, %get3A_1875 : vector<128x128xf32>
    %eq3A_1877 = arith.constant 768 : i32
    %eq3A_1878 = vector.broadcast %eq3A_1877 : i32 to vector<128x128xi32>
    %eq3A_1879 = arith.cmpi eq, %sub3A_1808, %eq3A_1878 : vector<128x128xi32>
    %jit3A_1880 = arith.constant 0.000000e+00 : f32
    %broadcast_in_dim3A_1881 = vector.broadcast %jit3A_1880 : f32 to vector<128x128xf32>
    %select_n3A_1882 = arith.select %eq3A_1879, %get3A_1875, %broadcast_in_dim3A_1881 : vector<128x128xi1>, vector<128x128xf32>
    %add3A_1883 = arith.addf %add3A_1872, %select_n3A_1882 : vector<128x128xf32>
    %get3A_1884 = arith.constant 768 : index
    %get3A_1885 = arith.constant 896 : index
    %get3A_1886 = vector.load %arg2[%get3A_1884, %get3A_1885] : memref<2048x3200xf32, #tpu.memory_space<vmem>>, vector<128x128xf32>
    %add3A_1887 = arith.addf %add3A_1876, %get3A_1886 : vector<128x128xf32>
    %eq3A_1888 = arith.constant 896 : i32
    %eq3A_1889 = vector.broadcast %eq3A_1888 : i32 to vector<128x128xi32>
    %eq3A_1890 = arith.cmpi eq, %sub3A_1808, %eq3A_1889 : vector<128x128xi32>
    %jit3A_1891 = arith.constant 0.000000e+00 : f32
    %broadcast_in_dim3A_1892 = vector.broadcast %jit3A_1891 : f32 to vector<128x128xf32>
    %select_n3A_1893 = arith.select %eq3A_1890, %get3A_1886, %broadcast_in_dim3A_1892 : vector<128x128xi1>, vector<128x128xf32>
    %add3A_1894 = arith.addf %add3A_1883, %select_n3A_1893 : vector<128x128xf32>
    %get3A_1895 = arith.constant 768 : index
    %get3A_1896 = arith.constant 1024 : index
    %get3A_1897 = vector.load %arg2[%get3A_1895, %get3A_1896] : memref<2048x3200xf32, #tpu.memory_space<vmem>>, vector<128x128xf32>
    %add3A_1898 = arith.addf %add3A_1887, %get3A_1897 : vector<128x128xf32>
    %eq3A_1899 = arith.constant 1024 : i32
    %eq3A_1900 = vector.broadcast %eq3A_1899 : i32 to vector<128x128xi32>
    %eq3A_1901 = arith.cmpi eq, %sub3A_1808, %eq3A_1900 : vector<128x128xi32>
    %jit3A_1902 = arith.constant 0.000000e+00 : f32
    %broadcast_in_dim3A_1903 = vector.broadcast %jit3A_1902 : f32 to vector<128x128xf32>
    %select_n3A_1904 = arith.select %eq3A_1901, %get3A_1897, %broadcast_in_dim3A_1903 : vector<128x128xi1>, vector<128x128xf32>
    %add3A_1905 = arith.addf %add3A_1894, %select_n3A_1904 : vector<128x128xf32>
    %get3A_1906 = arith.constant 768 : index
    %get3A_1907 = arith.constant 1152 : index
    %get3A_1908 = vector.load %arg2[%get3A_1906, %get3A_1907] : memref<2048x3200xf32, #tpu.memory_space<vmem>>, vector<128x128xf32>
    %add3A_1909 = arith.addf %add3A_1898, %get3A_1908 : vector<128x128xf32>
    %eq3A_1910 = arith.constant 1152 : i32
    %eq3A_1911 = vector.broadcast %eq3A_1910 : i32 to vector<128x128xi32>
    %eq3A_1912 = arith.cmpi eq, %sub3A_1808, %eq3A_1911 : vector<128x128xi32>
    %jit3A_1913 = arith.constant 0.000000e+00 : f32
    %broadcast_in_dim3A_1914 = vector.broadcast %jit3A_1913 : f32 to vector<128x128xf32>
    %select_n3A_1915 = arith.select %eq3A_1912, %get3A_1908, %broadcast_in_dim3A_1914 : vector<128x128xi1>, vector<128x128xf32>
    %add3A_1916 = arith.addf %add3A_1905, %select_n3A_1915 : vector<128x128xf32>
    %get3A_1917 = arith.constant 768 : index
    %get3A_1918 = arith.constant 1280 : index
    %get3A_1919 = vector.load %arg2[%get3A_1917, %get3A_1918] : memref<2048x3200xf32, #tpu.memory_space<vmem>>, vector<128x128xf32>
    %add3A_1920 = arith.addf %add3A_1909, %get3A_1919 : vector<128x128xf32>
    %eq3A_1921 = arith.constant 1280 : i32
    %eq3A_1922 = vector.broadcast %eq3A_1921 : i32 to vector<128x128xi32>
    %eq3A_1923 = arith.cmpi eq, %sub3A_1808, %eq3A_1922 : vector<128x128xi32>
    %jit3A_1924 = arith.constant 0.000000e+00 : f32
    %broadcast_in_dim3A_1925 = vector.broadcast %jit3A_1924 : f32 to vector<128x128xf32>
    %select_n3A_1926 = arith.select %eq3A_1923, %get3A_1919, %broadcast_in_dim3A_1925 : vector<128x128xi1>, vector<128x128xf32>
    %add3A_1927 = arith.addf %add3A_1916, %select_n3A_1926 : vector<128x128xf32>
    %get3A_1928 = arith.constant 768 : index
    %get3A_1929 = arith.constant 1408 : index
    %get3A_1930 = vector.load %arg2[%get3A_1928, %get3A_1929] : memref<2048x3200xf32, #tpu.memory_space<vmem>>, vector<128x128xf32>
    %add3A_1931 = arith.addf %add3A_1920, %get3A_1930 : vector<128x128xf32>
    %eq3A_1932 = arith.constant 1408 : i32
    %eq3A_1933 = vector.broadcast %eq3A_1932 : i32 to vector<128x128xi32>
    %eq3A_1934 = arith.cmpi eq, %sub3A_1808, %eq3A_1933 : vector<128x128xi32>
    %jit3A_1935 = arith.constant 0.000000e+00 : f32
    %broadcast_in_dim3A_1936 = vector.broadcast %jit3A_1935 : f32 to vector<128x128xf32>
    %select_n3A_1937 = arith.select %eq3A_1934, %get3A_1930, %broadcast_in_dim3A_1936 : vector<128x128xi1>, vector<128x128xf32>
    %add3A_1938 = arith.addf %add3A_1927, %select_n3A_1937 : vector<128x128xf32>
    %get3A_1939 = arith.constant 768 : index
    %get3A_1940 = arith.constant 1536 : index
    %get3A_1941 = vector.load %arg2[%get3A_1939, %get3A_1940] : memref<2048x3200xf32, #tpu.memory_space<vmem>>, vector<128x128xf32>
    %add3A_1942 = arith.addf %add3A_1931, %get3A_1941 : vector<128x128xf32>
    %eq3A_1943 = arith.constant 1536 : i32
    %eq3A_1944 = vector.broadcast %eq3A_1943 : i32 to vector<128x128xi32>
    %eq3A_1945 = arith.cmpi eq, %sub3A_1808, %eq3A_1944 : vector<128x128xi32>
    %jit3A_1946 = arith.constant 0.000000e+00 : f32
    %broadcast_in_dim3A_1947 = vector.broadcast %jit3A_1946 : f32 to vector<128x128xf32>
    %select_n3A_1948 = arith.select %eq3A_1945, %get3A_1941, %broadcast_in_dim3A_1947 : vector<128x128xi1>, vector<128x128xf32>
    %add3A_1949 = arith.addf %add3A_1938, %select_n3A_1948 : vector<128x128xf32>
    %get3A_1950 = arith.constant 768 : index
    %get3A_1951 = arith.constant 1664 : index
    %get3A_1952 = vector.load %arg2[%get3A_1950, %get3A_1951] : memref<2048x3200xf32, #tpu.memory_space<vmem>>, vector<128x128xf32>
    %add3A_1953 = arith.addf %add3A_1942, %get3A_1952 : vector<128x128xf32>
    %eq3A_1954 = arith.constant 1664 : i32
    %eq3A_1955 = vector.broadcast %eq3A_1954 : i32 to vector<128x128xi32>
    %eq3A_1956 = arith.cmpi eq, %sub3A_1808, %eq3A_1955 : vector<128x128xi32>
    %jit3A_1957 = arith.constant 0.000000e+00 : f32
    %broadcast_in_dim3A_1958 = vector.broadcast %jit3A_1957 : f32 to vector<128x128xf32>
    %select_n3A_1959 = arith.select %eq3A_1956, %get3A_1952, %broadcast_in_dim3A_1958 : vector<128x128xi1>, vector<128x128xf32>
    %add3A_1960 = arith.addf %add3A_1949, %select_n3A_1959 : vector<128x128xf32>
    %get3A_1961 = arith.constant 768 : index
    %get3A_1962 = arith.constant 1792 : index
    %get3A_1963 = vector.load %arg2[%get3A_1961, %get3A_1962] : memref<2048x3200xf32, #tpu.memory_space<vmem>>, vector<128x128xf32>
    %add3A_1964 = arith.addf %add3A_1953, %get3A_1963 : vector<128x128xf32>
    %eq3A_1965 = arith.constant 1792 : i32
    %eq3A_1966 = vector.broadcast %eq3A_1965 : i32 to vector<128x128xi32>
    %eq3A_1967 = arith.cmpi eq, %sub3A_1808, %eq3A_1966 : vector<128x128xi32>
    %jit3A_1968 = arith.constant 0.000000e+00 : f32
    %broadcast_in_dim3A_1969 = vector.broadcast %jit3A_1968 : f32 to vector<128x128xf32>
    %select_n3A_1970 = arith.select %eq3A_1967, %get3A_1963, %broadcast_in_dim3A_1969 : vector<128x128xi1>, vector<128x128xf32>
    %add3A_1971 = arith.addf %add3A_1960, %select_n3A_1970 : vector<128x128xf32>
    %get3A_1972 = arith.constant 768 : index
    %get3A_1973 = arith.constant 1920 : index
    %get3A_1974 = vector.load %arg2[%get3A_1972, %get3A_1973] : memref<2048x3200xf32, #tpu.memory_space<vmem>>, vector<128x128xf32>
    %add3A_1975 = arith.addf %add3A_1964, %get3A_1974 : vector<128x128xf32>
    %eq3A_1976 = arith.constant 1920 : i32
    %eq3A_1977 = vector.broadcast %eq3A_1976 : i32 to vector<128x128xi32>
    %eq3A_1978 = arith.cmpi eq, %sub3A_1808, %eq3A_1977 : vector<128x128xi32>
    %jit3A_1979 = arith.constant 0.000000e+00 : f32
    %broadcast_in_dim3A_1980 = vector.broadcast %jit3A_1979 : f32 to vector<128x128xf32>
    %select_n3A_1981 = arith.select %eq3A_1978, %get3A_1974, %broadcast_in_dim3A_1980 : vector<128x128xi1>, vector<128x128xf32>
    %add3A_1982 = arith.addf %add3A_1971, %select_n3A_1981 : vector<128x128xf32>
    %get3A_1983 = arith.constant 768 : index
    %get3A_1984 = arith.constant 2048 : index
    %get3A_1985 = vector.load %arg2[%get3A_1983, %get3A_1984] : memref<2048x3200xf32, #tpu.memory_space<vmem>>, vector<128x128xf32>
    %add3A_1986 = arith.addf %add3A_1975, %get3A_1985 : vector<128x128xf32>
    %eq3A_1987 = arith.constant 2048 : i32
    %eq3A_1988 = vector.broadcast %eq3A_1987 : i32 to vector<128x128xi32>
    %eq3A_1989 = arith.cmpi eq, %sub3A_1808, %eq3A_1988 : vector<128x128xi32>
    %jit3A_1990 = arith.constant 0.000000e+00 : f32
    %broadcast_in_dim3A_1991 = vector.broadcast %jit3A_1990 : f32 to vector<128x128xf32>
    %select_n3A_1992 = arith.select %eq3A_1989, %get3A_1985, %broadcast_in_dim3A_1991 : vector<128x128xi1>, vector<128x128xf32>
    %add3A_1993 = arith.addf %add3A_1982, %select_n3A_1992 : vector<128x128xf32>
    %get3A_1994 = arith.constant 768 : index
    %get3A_1995 = arith.constant 2176 : index
    %get3A_1996 = vector.load %arg2[%get3A_1994, %get3A_1995] : memref<2048x3200xf32, #tpu.memory_space<vmem>>, vector<128x128xf32>
    %add3A_1997 = arith.addf %add3A_1986, %get3A_1996 : vector<128x128xf32>
    %eq3A_1998 = arith.constant 2176 : i32
    %eq3A_1999 = vector.broadcast %eq3A_1998 : i32 to vector<128x128xi32>
    %eq3A_2000 = arith.cmpi eq, %sub3A_1808, %eq3A_1999 : vector<128x128xi32>
    %jit3A_2001 = arith.constant 0.000000e+00 : f32
    %broadcast_in_dim3A_2002 = vector.broadcast %jit3A_2001 : f32 to vector<128x128xf32>
    %select_n3A_2003 = arith.select %eq3A_2000, %get3A_1996, %broadcast_in_dim3A_2002 : vector<128x128xi1>, vector<128x128xf32>
    %add3A_2004 = arith.addf %add3A_1993, %select_n3A_2003 : vector<128x128xf32>
    %get3A_2005 = arith.constant 768 : index
    %get3A_2006 = arith.constant 2304 : index
    %get3A_2007 = vector.load %arg2[%get3A_2005, %get3A_2006] : memref<2048x3200xf32, #tpu.memory_space<vmem>>, vector<128x128xf32>
    %add3A_2008 = arith.addf %add3A_1997, %get3A_2007 : vector<128x128xf32>
    %eq3A_2009 = arith.constant 2304 : i32
    %eq3A_2010 = vector.broadcast %eq3A_2009 : i32 to vector<128x128xi32>
    %eq3A_2011 = arith.cmpi eq, %sub3A_1808, %eq3A_2010 : vector<128x128xi32>
    %jit3A_2012 = arith.constant 0.000000e+00 : f32
    %broadcast_in_dim3A_2013 = vector.broadcast %jit3A_2012 : f32 to vector<128x128xf32>
    %select_n3A_2014 = arith.select %eq3A_2011, %get3A_2007, %broadcast_in_dim3A_2013 : vector<128x128xi1>, vector<128x128xf32>
    %add3A_2015 = arith.addf %add3A_2004, %select_n3A_2014 : vector<128x128xf32>
    %get3A_2016 = arith.constant 768 : index
    %get3A_2017 = arith.constant 2432 : index
    %get3A_2018 = vector.load %arg2[%get3A_2016, %get3A_2017] : memref<2048x3200xf32, #tpu.memory_space<vmem>>, vector<128x128xf32>
    %add3A_2019 = arith.addf %add3A_2008, %get3A_2018 : vector<128x128xf32>
    %eq3A_2020 = arith.constant 2432 : i32
    %eq3A_2021 = vector.broadcast %eq3A_2020 : i32 to vector<128x128xi32>
    %eq3A_2022 = arith.cmpi eq, %sub3A_1808, %eq3A_2021 : vector<128x128xi32>
    %jit3A_2023 = arith.constant 0.000000e+00 : f32
    %broadcast_in_dim3A_2024 = vector.broadcast %jit3A_2023 : f32 to vector<128x128xf32>
    %select_n3A_2025 = arith.select %eq3A_2022, %get3A_2018, %broadcast_in_dim3A_2024 : vector<128x128xi1>, vector<128x128xf32>
    %add3A_2026 = arith.addf %add3A_2015, %select_n3A_2025 : vector<128x128xf32>
    %get3A_2027 = arith.constant 768 : index
    %get3A_2028 = arith.constant 2560 : index
    %get3A_2029 = vector.load %arg2[%get3A_2027, %get3A_2028] : memref<2048x3200xf32, #tpu.memory_space<vmem>>, vector<128x128xf32>
    %add3A_2030 = arith.addf %add3A_2019, %get3A_2029 : vector<128x128xf32>
    %eq3A_2031 = arith.constant 2560 : i32
    %eq3A_2032 = vector.broadcast %eq3A_2031 : i32 to vector<128x128xi32>
    %eq3A_2033 = arith.cmpi eq, %sub3A_1808, %eq3A_2032 : vector<128x128xi32>
    %jit3A_2034 = arith.constant 0.000000e+00 : f32
    %broadcast_in_dim3A_2035 = vector.broadcast %jit3A_2034 : f32 to vector<128x128xf32>
    %select_n3A_2036 = arith.select %eq3A_2033, %get3A_2029, %broadcast_in_dim3A_2035 : vector<128x128xi1>, vector<128x128xf32>
    %add3A_2037 = arith.addf %add3A_2026, %select_n3A_2036 : vector<128x128xf32>
    %get3A_2038 = arith.constant 768 : index
    %get3A_2039 = arith.constant 2688 : index
    %get3A_2040 = vector.load %arg2[%get3A_2038, %get3A_2039] : memref<2048x3200xf32, #tpu.memory_space<vmem>>, vector<128x128xf32>
    %add3A_2041 = arith.addf %add3A_2030, %get3A_2040 : vector<128x128xf32>
    %eq3A_2042 = arith.constant 2688 : i32
    %eq3A_2043 = vector.broadcast %eq3A_2042 : i32 to vector<128x128xi32>
    %eq3A_2044 = arith.cmpi eq, %sub3A_1808, %eq3A_2043 : vector<128x128xi32>
    %jit3A_2045 = arith.constant 0.000000e+00 : f32
    %broadcast_in_dim3A_2046 = vector.broadcast %jit3A_2045 : f32 to vector<128x128xf32>
    %select_n3A_2047 = arith.select %eq3A_2044, %get3A_2040, %broadcast_in_dim3A_2046 : vector<128x128xi1>, vector<128x128xf32>
    %add3A_2048 = arith.addf %add3A_2037, %select_n3A_2047 : vector<128x128xf32>
    %get3A_2049 = arith.constant 768 : index
    %get3A_2050 = arith.constant 2816 : index
    %get3A_2051 = vector.load %arg2[%get3A_2049, %get3A_2050] : memref<2048x3200xf32, #tpu.memory_space<vmem>>, vector<128x128xf32>
    %add3A_2052 = arith.addf %add3A_2041, %get3A_2051 : vector<128x128xf32>
    %eq3A_2053 = arith.constant 2816 : i32
    %eq3A_2054 = vector.broadcast %eq3A_2053 : i32 to vector<128x128xi32>
    %eq3A_2055 = arith.cmpi eq, %sub3A_1808, %eq3A_2054 : vector<128x128xi32>
    %jit3A_2056 = arith.constant 0.000000e+00 : f32
    %broadcast_in_dim3A_2057 = vector.broadcast %jit3A_2056 : f32 to vector<128x128xf32>
    %select_n3A_2058 = arith.select %eq3A_2055, %get3A_2051, %broadcast_in_dim3A_2057 : vector<128x128xi1>, vector<128x128xf32>
    %add3A_2059 = arith.addf %add3A_2048, %select_n3A_2058 : vector<128x128xf32>
    %get3A_2060 = arith.constant 768 : index
    %get3A_2061 = arith.constant 2944 : index
    %get3A_2062 = vector.load %arg2[%get3A_2060, %get3A_2061] : memref<2048x3200xf32, #tpu.memory_space<vmem>>, vector<128x128xf32>
    %add3A_2063 = arith.addf %add3A_2052, %get3A_2062 : vector<128x128xf32>
    %eq3A_2064 = arith.constant 2944 : i32
    %eq3A_2065 = vector.broadcast %eq3A_2064 : i32 to vector<128x128xi32>
    %eq3A_2066 = arith.cmpi eq, %sub3A_1808, %eq3A_2065 : vector<128x128xi32>
    %jit3A_2067 = arith.constant 0.000000e+00 : f32
    %broadcast_in_dim3A_2068 = vector.broadcast %jit3A_2067 : f32 to vector<128x128xf32>
    %select_n3A_2069 = arith.select %eq3A_2066, %get3A_2062, %broadcast_in_dim3A_2068 : vector<128x128xi1>, vector<128x128xf32>
    %add3A_2070 = arith.addf %add3A_2059, %select_n3A_2069 : vector<128x128xf32>
    %get3A_2071 = arith.constant 768 : index
    %get3A_2072 = arith.constant 3072 : index
    %get3A_2073 = vector.load %arg2[%get3A_2071, %get3A_2072] : memref<2048x3200xf32, #tpu.memory_space<vmem>>, vector<128x128xf32>
    %add3A_2074 = arith.addf %add3A_2063, %get3A_2073 : vector<128x128xf32>
    %eq3A_2075 = arith.constant 3072 : i32
    %eq3A_2076 = vector.broadcast %eq3A_2075 : i32 to vector<128x128xi32>
    %eq3A_2077 = arith.cmpi eq, %sub3A_1808, %eq3A_2076 : vector<128x128xi32>
    %jit3A_2078 = arith.constant 0.000000e+00 : f32
    %broadcast_in_dim3A_2079 = vector.broadcast %jit3A_2078 : f32 to vector<128x128xf32>
    %select_n3A_2080 = arith.select %eq3A_2077, %get3A_2073, %broadcast_in_dim3A_2079 : vector<128x128xi1>, vector<128x128xf32>
    %add3A_2081 = arith.addf %add3A_2070, %select_n3A_2080 : vector<128x128xf32>
    %get3A_2082 = arith.constant 768 : index
    %get3A_2083 = arith.constant 0 : index
    %get3A_2084 = vector.load %arg3[%get3A_2082, %get3A_2083] : memref<2048x256xf32, #tpu.memory_space<vmem>>, vector<128x128xf32>
    %add3A_2085 = arith.addf %get3A_2084, %add3A_2081 : vector<128x128xf32>
    %swap3A_2086 = arith.constant 768 : index
    %swap3A_2087 = arith.constant 0 : index
    %swap3A_2088 = vector.load %arg3[%swap3A_2086, %swap3A_2087] : memref<2048x256xf32, #tpu.memory_space<vmem>>, vector<128x128xf32>
    tpu.vector_store %arg3[%swap3A_2086, %swap3A_2087], %add3A_2085 {strides = array<i32>} : memref<2048x256xf32, #tpu.memory_space<vmem>>, vector<128x128xf32>,
    %get3A_2089 = arith.constant 768 : index
    %get3A_2090 = arith.constant 128 : index
    %get3A_2091 = vector.load %arg3[%get3A_2089, %get3A_2090] : memref<2048x256xf32, #tpu.memory_space<vmem>>, vector<128x1xf32>
    %reduce_sum3A_2092 = arith.constant dense<0.000000e+00> : vector<128xf32>
    %reduce_sum3A_2093 = vector.multi_reduction <add>, %add3A_2074, %reduce_sum3A_2092 [1] : vector<128x128xf32> to vector<128xf32>
    %broadcast_in_dim3A_2094 = vector.shape_cast %reduce_sum3A_2093 : vector<128xf32> to vector<128x1xf32>
    %add3A_2095 = arith.addf %get3A_2091, %broadcast_in_dim3A_2094 : vector<128x1xf32>
    %swap3A_2096 = arith.constant 768 : index
    %swap3A_2097 = arith.constant 128 : index
    %swap3A_2098 = vector.load %arg3[%swap3A_2096, %swap3A_2097] : memref<2048x256xf32, #tpu.memory_space<vmem>>, vector<128x1xf32>
    tpu.vector_store %arg3[%swap3A_2096, %swap3A_2097], %add3A_2095 {strides = array<i32>} : memref<2048x256xf32, #tpu.memory_space<vmem>>, vector<128x1xf32>,
    %get3A_2099 = arith.constant 896 : index
    %get3A_2100 = arith.constant 0 : index
    %get3A_2101 = vector.load %arg1[%get3A_2099, %get3A_2100] : memref<2048x1xi32, #tpu.memory_space<vmem>>, vector<128x1xi32>
    %broadcast_in_dim3A_2102 = vector.shape_cast %get3A_2101 : vector<128x1xi32> to vector<128x1xi32>
    %broadcast_in_dim3A_2103 = vector.broadcast %broadcast_in_dim3A_2102 : vector<128x1xi32> to vector<128x128xi32>
    %iota3A_2104 = tpu.iota {dimensions = array<i32: 1>} : vector<128x128xi32>
    %sub3A_2105 = arith.subi %broadcast_in_dim3A_2103, %iota3A_2104 : vector<128x128xi32>
    %mul3A_2106 = arith.constant 3200 : i32
    %mul3A_2107 = arith.muli %arg0, %mul3A_2106 : i32
    %sub3A_2108 = vector.broadcast %mul3A_2107 : i32 to vector<128x128xi32>
    %sub3A_2109 = arith.subi %sub3A_2105, %sub3A_2108 : vector<128x128xi32>
    %get3A_2110 = arith.constant 896 : index
    %get3A_2111 = arith.constant 0 : index
    %get3A_2112 = vector.load %arg2[%get3A_2110, %get3A_2111] : memref<2048x3200xf32, #tpu.memory_space<vmem>>, vector<128x128xf32>
    %eq3A_2113 = arith.constant 0 : i32
    %eq3A_2114 = vector.broadcast %eq3A_2113 : i32 to vector<128x128xi32>
    %eq3A_2115 = arith.cmpi eq, %sub3A_2109, %eq3A_2114 : vector<128x128xi32>
    %jit3A_2116 = arith.constant 0.000000e+00 : f32
    %broadcast_in_dim3A_2117 = vector.broadcast %jit3A_2116 : f32 to vector<128x128xf32>
    %select_n3A_2118 = arith.select %eq3A_2115, %get3A_2112, %broadcast_in_dim3A_2117 : vector<128x128xi1>, vector<128x128xf32>
    %get3A_2119 = arith.constant 896 : index
    %get3A_2120 = arith.constant 128 : index
    %get3A_2121 = vector.load %arg2[%get3A_2119, %get3A_2120] : memref<2048x3200xf32, #tpu.memory_space<vmem>>, vector<128x128xf32>
    %add3A_2122 = arith.addf %get3A_2112, %get3A_2121 : vector<128x128xf32>
    %eq3A_2123 = arith.constant 128 : i32
    %eq3A_2124 = vector.broadcast %eq3A_2123 : i32 to vector<128x128xi32>
    %eq3A_2125 = arith.cmpi eq, %sub3A_2109, %eq3A_2124 : vector<128x128xi32>
    %jit3A_2126 = arith.constant 0.000000e+00 : f32
    %broadcast_in_dim3A_2127 = vector.broadcast %jit3A_2126 : f32 to vector<128x128xf32>
    %select_n3A_2128 = arith.select %eq3A_2125, %get3A_2121, %broadcast_in_dim3A_2127 : vector<128x128xi1>, vector<128x128xf32>
    %add3A_2129 = arith.addf %select_n3A_2118, %select_n3A_2128 : vector<128x128xf32>
    %get3A_2130 = arith.constant 896 : index
    %get3A_2131 = arith.constant 256 : index
    %get3A_2132 = vector.load %arg2[%get3A_2130, %get3A_2131] : memref<2048x3200xf32, #tpu.memory_space<vmem>>, vector<128x128xf32>
    %add3A_2133 = arith.addf %add3A_2122, %get3A_2132 : vector<128x128xf32>
    %eq3A_2134 = arith.constant 256 : i32
    %eq3A_2135 = vector.broadcast %eq3A_2134 : i32 to vector<128x128xi32>
    %eq3A_2136 = arith.cmpi eq, %sub3A_2109, %eq3A_2135 : vector<128x128xi32>
    %jit3A_2137 = arith.constant 0.000000e+00 : f32
    %broadcast_in_dim3A_2138 = vector.broadcast %jit3A_2137 : f32 to vector<128x128xf32>
    %select_n3A_2139 = arith.select %eq3A_2136, %get3A_2132, %broadcast_in_dim3A_2138 : vector<128x128xi1>, vector<128x128xf32>
    %add3A_2140 = arith.addf %add3A_2129, %select_n3A_2139 : vector<128x128xf32>
    %get3A_2141 = arith.constant 896 : index
    %get3A_2142 = arith.constant 384 : index
    %get3A_2143 = vector.load %arg2[%get3A_2141, %get3A_2142] : memref<2048x3200xf32, #tpu.memory_space<vmem>>, vector<128x128xf32>
    %add3A_2144 = arith.addf %add3A_2133, %get3A_2143 : vector<128x128xf32>
    %eq3A_2145 = arith.constant 384 : i32
    %eq3A_2146 = vector.broadcast %eq3A_2145 : i32 to vector<128x128xi32>
    %eq3A_2147 = arith.cmpi eq, %sub3A_2109, %eq3A_2146 : vector<128x128xi32>
    %jit3A_2148 = arith.constant 0.000000e+00 : f32
    %broadcast_in_dim3A_2149 = vector.broadcast %jit3A_2148 : f32 to vector<128x128xf32>
    %select_n3A_2150 = arith.select %eq3A_2147, %get3A_2143, %broadcast_in_dim3A_2149 : vector<128x128xi1>, vector<128x128xf32>
    %add3A_2151 = arith.addf %add3A_2140, %select_n3A_2150 : vector<128x128xf32>
    %get3A_2152 = arith.constant 896 : index
    %get3A_2153 = arith.constant 512 : index
    %get3A_2154 = vector.load %arg2[%get3A_2152, %get3A_2153] : memref<2048x3200xf32, #tpu.memory_space<vmem>>, vector<128x128xf32>
    %add3A_2155 = arith.addf %add3A_2144, %get3A_2154 : vector<128x128xf32>
    %eq3A_2156 = arith.constant 512 : i32
    %eq3A_2157 = vector.broadcast %eq3A_2156 : i32 to vector<128x128xi32>
    %eq3A_2158 = arith.cmpi eq, %sub3A_2109, %eq3A_2157 : vector<128x128xi32>
    %jit3A_2159 = arith.constant 0.000000e+00 : f32
    %broadcast_in_dim3A_2160 = vector.broadcast %jit3A_2159 : f32 to vector<128x128xf32>
    %select_n3A_2161 = arith.select %eq3A_2158, %get3A_2154, %broadcast_in_dim3A_2160 : vector<128x128xi1>, vector<128x128xf32>
    %add3A_2162 = arith.addf %add3A_2151, %select_n3A_2161 : vector<128x128xf32>
    %get3A_2163 = arith.constant 896 : index
    %get3A_2164 = arith.constant 640 : index
    %get3A_2165 = vector.load %arg2[%get3A_2163, %get3A_2164] : memref<2048x3200xf32, #tpu.memory_space<vmem>>, vector<128x128xf32>
    %add3A_2166 = arith.addf %add3A_2155, %get3A_2165 : vector<128x128xf32>
    %eq3A_2167 = arith.constant 640 : i32
    %eq3A_2168 = vector.broadcast %eq3A_2167 : i32 to vector<128x128xi32>
    %eq3A_2169 = arith.cmpi eq, %sub3A_2109, %eq3A_2168 : vector<128x128xi32>
    %jit3A_2170 = arith.constant 0.000000e+00 : f32
    %broadcast_in_dim3A_2171 = vector.broadcast %jit3A_2170 : f32 to vector<128x128xf32>
    %select_n3A_2172 = arith.select %eq3A_2169, %get3A_2165, %broadcast_in_dim3A_2171 : vector<128x128xi1>, vector<128x128xf32>
    %add3A_2173 = arith.addf %add3A_2162, %select_n3A_2172 : vector<128x128xf32>
    %get3A_2174 = arith.constant 896 : index
    %get3A_2175 = arith.constant 768 : index
    %get3A_2176 = vector.load %arg2[%get3A_2174, %get3A_2175] : memref<2048x3200xf32, #tpu.memory_space<vmem>>, vector<128x128xf32>
    %add3A_2177 = arith.addf %add3A_2166, %get3A_2176 : vector<128x128xf32>
    %eq3A_2178 = arith.constant 768 : i32
    %eq3A_2179 = vector.broadcast %eq3A_2178 : i32 to vector<128x128xi32>
    %eq3A_2180 = arith.cmpi eq, %sub3A_2109, %eq3A_2179 : vector<128x128xi32>
    %jit3A_2181 = arith.constant 0.000000e+00 : f32
    %broadcast_in_dim3A_2182 = vector.broadcast %jit3A_2181 : f32 to vector<128x128xf32>
    %select_n3A_2183 = arith.select %eq3A_2180, %get3A_2176, %broadcast_in_dim3A_2182 : vector<128x128xi1>, vector<128x128xf32>
    %add3A_2184 = arith.addf %add3A_2173, %select_n3A_2183 : vector<128x128xf32>
    %get3A_2185 = arith.constant 896 : index
    %get3A_2186 = arith.constant 896 : index
    %get3A_2187 = vector.load %arg2[%get3A_2185, %get3A_2186] : memref<2048x3200xf32, #tpu.memory_space<vmem>>, vector<128x128xf32>
    %add3A_2188 = arith.addf %add3A_2177, %get3A_2187 : vector<128x128xf32>
    %eq3A_2189 = arith.constant 896 : i32
    %eq3A_2190 = vector.broadcast %eq3A_2189 : i32 to vector<128x128xi32>
    %eq3A_2191 = arith.cmpi eq, %sub3A_2109, %eq3A_2190 : vector<128x128xi32>
    %jit3A_2192 = arith.constant 0.000000e+00 : f32
    %broadcast_in_dim3A_2193 = vector.broadcast %jit3A_2192 : f32 to vector<128x128xf32>
    %select_n3A_2194 = arith.select %eq3A_2191, %get3A_2187, %broadcast_in_dim3A_2193 : vector<128x128xi1>, vector<128x128xf32>
    %add3A_2195 = arith.addf %add3A_2184, %select_n3A_2194 : vector<128x128xf32>
    %get3A_2196 = arith.constant 896 : index
    %get3A_2197 = arith.constant 1024 : index
    %get3A_2198 = vector.load %arg2[%get3A_2196, %get3A_2197] : memref<2048x3200xf32, #tpu.memory_space<vmem>>, vector<128x128xf32>
    %add3A_2199 = arith.addf %add3A_2188, %get3A_2198 : vector<128x128xf32>
    %eq3A_2200 = arith.constant 1024 : i32
    %eq3A_2201 = vector.broadcast %eq3A_2200 : i32 to vector<128x128xi32>
    %eq3A_2202 = arith.cmpi eq, %sub3A_2109, %eq3A_2201 : vector<128x128xi32>
    %jit3A_2203 = arith.constant 0.000000e+00 : f32
    %broadcast_in_dim3A_2204 = vector.broadcast %jit3A_2203 : f32 to vector<128x128xf32>
    %select_n3A_2205 = arith.select %eq3A_2202, %get3A_2198, %broadcast_in_dim3A_2204 : vector<128x128xi1>, vector<128x128xf32>
    %add3A_2206 = arith.addf %add3A_2195, %select_n3A_2205 : vector<128x128xf32>
    %get3A_2207 = arith.constant 896 : index
    %get3A_2208 = arith.constant 1152 : index
    %get3A_2209 = vector.load %arg2[%get3A_2207, %get3A_2208] : memref<2048x3200xf32, #tpu.memory_space<vmem>>, vector<128x128xf32>
    %add3A_2210 = arith.addf %add3A_2199, %get3A_2209 : vector<128x128xf32>
    %eq3A_2211 = arith.constant 1152 : i32
    %eq3A_2212 = vector.broadcast %eq3A_2211 : i32 to vector<128x128xi32>
    %eq3A_2213 = arith.cmpi eq, %sub3A_2109, %eq3A_2212 : vector<128x128xi32>
    %jit3A_2214 = arith.constant 0.000000e+00 : f32
    %broadcast_in_dim3A_2215 = vector.broadcast %jit3A_2214 : f32 to vector<128x128xf32>
    %select_n3A_2216 = arith.select %eq3A_2213, %get3A_2209, %broadcast_in_dim3A_2215 : vector<128x128xi1>, vector<128x128xf32>
    %add3A_2217 = arith.addf %add3A_2206, %select_n3A_2216 : vector<128x128xf32>
    %get3A_2218 = arith.constant 896 : index
    %get3A_2219 = arith.constant 1280 : index
    %get3A_2220 = vector.load %arg2[%get3A_2218, %get3A_2219] : memref<2048x3200xf32, #tpu.memory_space<vmem>>, vector<128x128xf32>
    %add3A_2221 = arith.addf %add3A_2210, %get3A_2220 : vector<128x128xf32>
    %eq3A_2222 = arith.constant 1280 : i32
    %eq3A_2223 = vector.broadcast %eq3A_2222 : i32 to vector<128x128xi32>
    %eq3A_2224 = arith.cmpi eq, %sub3A_2109, %eq3A_2223 : vector<128x128xi32>
    %jit3A_2225 = arith.constant 0.000000e+00 : f32
    %broadcast_in_dim3A_2226 = vector.broadcast %jit3A_2225 : f32 to vector<128x128xf32>
    %select_n3A_2227 = arith.select %eq3A_2224, %get3A_2220, %broadcast_in_dim3A_2226 : vector<128x128xi1>, vector<128x128xf32>
    %add3A_2228 = arith.addf %add3A_2217, %select_n3A_2227 : vector<128x128xf32>
    %get3A_2229 = arith.constant 896 : index
    %get3A_2230 = arith.constant 1408 : index
    %get3A_2231 = vector.load %arg2[%get3A_2229, %get3A_2230] : memref<2048x3200xf32, #tpu.memory_space<vmem>>, vector<128x128xf32>
    %add3A_2232 = arith.addf %add3A_2221, %get3A_2231 : vector<128x128xf32>
    %eq3A_2233 = arith.constant 1408 : i32
    %eq3A_2234 = vector.broadcast %eq3A_2233 : i32 to vector<128x128xi32>
    %eq3A_2235 = arith.cmpi eq, %sub3A_2109, %eq3A_2234 : vector<128x128xi32>
    %jit3A_2236 = arith.constant 0.000000e+00 : f32
    %broadcast_in_dim3A_2237 = vector.broadcast %jit3A_2236 : f32 to vector<128x128xf32>
    %select_n3A_2238 = arith.select %eq3A_2235, %get3A_2231, %broadcast_in_dim3A_2237 : vector<128x128xi1>, vector<128x128xf32>
    %add3A_2239 = arith.addf %add3A_2228, %select_n3A_2238 : vector<128x128xf32>
    %get3A_2240 = arith.constant 896 : index
    %get3A_2241 = arith.constant 1536 : index
    %get3A_2242 = vector.load %arg2[%get3A_2240, %get3A_2241] : memref<2048x3200xf32, #tpu.memory_space<vmem>>, vector<128x128xf32>
    %add3A_2243 = arith.addf %add3A_2232, %get3A_2242 : vector<128x128xf32>
    %eq3A_2244 = arith.constant 1536 : i32
    %eq3A_2245 = vector.broadcast %eq3A_2244 : i32 to vector<128x128xi32>
    %eq3A_2246 = arith.cmpi eq, %sub3A_2109, %eq3A_2245 : vector<128x128xi32>
    %jit3A_2247 = arith.constant 0.000000e+00 : f32
    %broadcast_in_dim3A_2248 = vector.broadcast %jit3A_2247 : f32 to vector<128x128xf32>
    %select_n3A_2249 = arith.select %eq3A_2246, %get3A_2242, %broadcast_in_dim3A_2248 : vector<128x128xi1>, vector<128x128xf32>
    %add3A_2250 = arith.addf %add3A_2239, %select_n3A_2249 : vector<128x128xf32>
    %get3A_2251 = arith.constant 896 : index
    %get3A_2252 = arith.constant 1664 : index
    %get3A_2253 = vector.load %arg2[%get3A_2251, %get3A_2252] : memref<2048x3200xf32, #tpu.memory_space<vmem>>, vector<128x128xf32>
    %add3A_2254 = arith.addf %add3A_2243, %get3A_2253 : vector<128x128xf32>
    %eq3A_2255 = arith.constant 1664 : i32
    %eq3A_2256 = vector.broadcast %eq3A_2255 : i32 to vector<128x128xi32>
    %eq3A_2257 = arith.cmpi eq, %sub3A_2109, %eq3A_2256 : vector<128x128xi32>
    %jit3A_2258 = arith.constant 0.000000e+00 : f32
    %broadcast_in_dim3A_2259 = vector.broadcast %jit3A_2258 : f32 to vector<128x128xf32>
    %select_n3A_2260 = arith.select %eq3A_2257, %get3A_2253, %broadcast_in_dim3A_2259 : vector<128x128xi1>, vector<128x128xf32>
    %add3A_2261 = arith.addf %add3A_2250, %select_n3A_2260 : vector<128x128xf32>
    %get3A_2262 = arith.constant 896 : index
    %get3A_2263 = arith.constant 1792 : index
    %get3A_2264 = vector.load %arg2[%get3A_2262, %get3A_2263] : memref<2048x3200xf32, #tpu.memory_space<vmem>>, vector<128x128xf32>
    %add3A_2265 = arith.addf %add3A_2254, %get3A_2264 : vector<128x128xf32>
    %eq3A_2266 = arith.constant 1792 : i32
    %eq3A_2267 = vector.broadcast %eq3A_2266 : i32 to vector<128x128xi32>
    %eq3A_2268 = arith.cmpi eq, %sub3A_2109, %eq3A_2267 : vector<128x128xi32>
    %jit3A_2269 = arith.constant 0.000000e+00 : f32
    %broadcast_in_dim3A_2270 = vector.broadcast %jit3A_2269 : f32 to vector<128x128xf32>
    %select_n3A_2271 = arith.select %eq3A_2268, %get3A_2264, %broadcast_in_dim3A_2270 : vector<128x128xi1>, vector<128x128xf32>
    %add3A_2272 = arith.addf %add3A_2261, %select_n3A_2271 : vector<128x128xf32>
    %get3A_2273 = arith.constant 896 : index
    %get3A_2274 = arith.constant 1920 : index
    %get3A_2275 = vector.load %arg2[%get3A_2273, %get3A_2274] : memref<2048x3200xf32, #tpu.memory_space<vmem>>, vector<128x128xf32>
    %add3A_2276 = arith.addf %add3A_2265, %get3A_2275 : vector<128x128xf32>
    %eq3A_2277 = arith.constant 1920 : i32
    %eq3A_2278 = vector.broadcast %eq3A_2277 : i32 to vector<128x128xi32>
    %eq3A_2279 = arith.cmpi eq, %sub3A_2109, %eq3A_2278 : vector<128x128xi32>
    %jit3A_2280 = arith.constant 0.000000e+00 : f32
    %broadcast_in_dim3A_2281 = vector.broadcast %jit3A_2280 : f32 to vector<128x128xf32>
    %select_n3A_2282 = arith.select %eq3A_2279, %get3A_2275, %broadcast_in_dim3A_2281 : vector<128x128xi1>, vector<128x128xf32>
    %add3A_2283 = arith.addf %add3A_2272, %select_n3A_2282 : vector<128x128xf32>
    %get3A_2284 = arith.constant 896 : index
    %get3A_2285 = arith.constant 2048 : index
    %get3A_2286 = vector.load %arg2[%get3A_2284, %get3A_2285] : memref<2048x3200xf32, #tpu.memory_space<vmem>>, vector<128x128xf32>
    %add3A_2287 = arith.addf %add3A_2276, %get3A_2286 : vector<128x128xf32>
    %eq3A_2288 = arith.constant 2048 : i32
    %eq3A_2289 = vector.broadcast %eq3A_2288 : i32 to vector<128x128xi32>
    %eq3A_2290 = arith.cmpi eq, %sub3A_2109, %eq3A_2289 : vector<128x128xi32>
    %jit3A_2291 = arith.constant 0.000000e+00 : f32
    %broadcast_in_dim3A_2292 = vector.broadcast %jit3A_2291 : f32 to vector<128x128xf32>
    %select_n3A_2293 = arith.select %eq3A_2290, %get3A_2286, %broadcast_in_dim3A_2292 : vector<128x128xi1>, vector<128x128xf32>
    %add3A_2294 = arith.addf %add3A_2283, %select_n3A_2293 : vector<128x128xf32>
    %get3A_2295 = arith.constant 896 : index
    %get3A_2296 = arith.constant 2176 : index
    %get3A_2297 = vector.load %arg2[%get3A_2295, %get3A_2296] : memref<2048x3200xf32, #tpu.memory_space<vmem>>, vector<128x128xf32>
    %add3A_2298 = arith.addf %add3A_2287, %get3A_2297 : vector<128x128xf32>
    %eq3A_2299 = arith.constant 2176 : i32
    %eq3A_2300 = vector.broadcast %eq3A_2299 : i32 to vector<128x128xi32>
    %eq3A_2301 = arith.cmpi eq, %sub3A_2109, %eq3A_2300 : vector<128x128xi32>
    %jit3A_2302 = arith.constant 0.000000e+00 : f32
    %broadcast_in_dim3A_2303 = vector.broadcast %jit3A_2302 : f32 to vector<128x128xf32>
    %select_n3A_2304 = arith.select %eq3A_2301, %get3A_2297, %broadcast_in_dim3A_2303 : vector<128x128xi1>, vector<128x128xf32>
    %add3A_2305 = arith.addf %add3A_2294, %select_n3A_2304 : vector<128x128xf32>
    %get3A_2306 = arith.constant 896 : index
    %get3A_2307 = arith.constant 2304 : index
    %get3A_2308 = vector.load %arg2[%get3A_2306, %get3A_2307] : memref<2048x3200xf32, #tpu.memory_space<vmem>>, vector<128x128xf32>
    %add3A_2309 = arith.addf %add3A_2298, %get3A_2308 : vector<128x128xf32>
    %eq3A_2310 = arith.constant 2304 : i32
    %eq3A_2311 = vector.broadcast %eq3A_2310 : i32 to vector<128x128xi32>
    %eq3A_2312 = arith.cmpi eq, %sub3A_2109, %eq3A_2311 : vector<128x128xi32>
    %jit3A_2313 = arith.constant 0.000000e+00 : f32
    %broadcast_in_dim3A_2314 = vector.broadcast %jit3A_2313 : f32 to vector<128x128xf32>
    %select_n3A_2315 = arith.select %eq3A_2312, %get3A_2308, %broadcast_in_dim3A_2314 : vector<128x128xi1>, vector<128x128xf32>
    %add3A_2316 = arith.addf %add3A_2305, %select_n3A_2315 : vector<128x128xf32>
    %get3A_2317 = arith.constant 896 : index
    %get3A_2318 = arith.constant 2432 : index
    %get3A_2319 = vector.load %arg2[%get3A_2317, %get3A_2318] : memref<2048x3200xf32, #tpu.memory_space<vmem>>, vector<128x128xf32>
    %add3A_2320 = arith.addf %add3A_2309, %get3A_2319 : vector<128x128xf32>
    %eq3A_2321 = arith.constant 2432 : i32
    %eq3A_2322 = vector.broadcast %eq3A_2321 : i32 to vector<128x128xi32>
    %eq3A_2323 = arith.cmpi eq, %sub3A_2109, %eq3A_2322 : vector<128x128xi32>
    %jit3A_2324 = arith.constant 0.000000e+00 : f32
    %broadcast_in_dim3A_2325 = vector.broadcast %jit3A_2324 : f32 to vector<128x128xf32>
    %select_n3A_2326 = arith.select %eq3A_2323, %get3A_2319, %broadcast_in_dim3A_2325 : vector<128x128xi1>, vector<128x128xf32>
    %add3A_2327 = arith.addf %add3A_2316, %select_n3A_2326 : vector<128x128xf32>
    %get3A_2328 = arith.constant 896 : index
    %get3A_2329 = arith.constant 2560 : index
    %get3A_2330 = vector.load %arg2[%get3A_2328, %get3A_2329] : memref<2048x3200xf32, #tpu.memory_space<vmem>>, vector<128x128xf32>
    %add3A_2331 = arith.addf %add3A_2320, %get3A_2330 : vector<128x128xf32>
    %eq3A_2332 = arith.constant 2560 : i32
    %eq3A_2333 = vector.broadcast %eq3A_2332 : i32 to vector<128x128xi32>
    %eq3A_2334 = arith.cmpi eq, %sub3A_2109, %eq3A_2333 : vector<128x128xi32>
    %jit3A_2335 = arith.constant 0.000000e+00 : f32
    %broadcast_in_dim3A_2336 = vector.broadcast %jit3A_2335 : f32 to vector<128x128xf32>
    %select_n3A_2337 = arith.select %eq3A_2334, %get3A_2330, %broadcast_in_dim3A_2336 : vector<128x128xi1>, vector<128x128xf32>
    %add3A_2338 = arith.addf %add3A_2327, %select_n3A_2337 : vector<128x128xf32>
    %get3A_2339 = arith.constant 896 : index
    %get3A_2340 = arith.constant 2688 : index
    %get3A_2341 = vector.load %arg2[%get3A_2339, %get3A_2340] : memref<2048x3200xf32, #tpu.memory_space<vmem>>, vector<128x128xf32>
    %add3A_2342 = arith.addf %add3A_2331, %get3A_2341 : vector<128x128xf32>
    %eq3A_2343 = arith.constant 2688 : i32
    %eq3A_2344 = vector.broadcast %eq3A_2343 : i32 to vector<128x128xi32>
    %eq3A_2345 = arith.cmpi eq, %sub3A_2109, %eq3A_2344 : vector<128x128xi32>
    %jit3A_2346 = arith.constant 0.000000e+00 : f32
    %broadcast_in_dim3A_2347 = vector.broadcast %jit3A_2346 : f32 to vector<128x128xf32>
    %select_n3A_2348 = arith.select %eq3A_2345, %get3A_2341, %broadcast_in_dim3A_2347 : vector<128x128xi1>, vector<128x128xf32>
    %add3A_2349 = arith.addf %add3A_2338, %select_n3A_2348 : vector<128x128xf32>
    %get3A_2350 = arith.constant 896 : index
    %get3A_2351 = arith.constant 2816 : index
    %get3A_2352 = vector.load %arg2[%get3A_2350, %get3A_2351] : memref<2048x3200xf32, #tpu.memory_space<vmem>>, vector<128x128xf32>
    %add3A_2353 = arith.addf %add3A_2342, %get3A_2352 : vector<128x128xf32>
    %eq3A_2354 = arith.constant 2816 : i32
    %eq3A_2355 = vector.broadcast %eq3A_2354 : i32 to vector<128x128xi32>
    %eq3A_2356 = arith.cmpi eq, %sub3A_2109, %eq3A_2355 : vector<128x128xi32>
    %jit3A_2357 = arith.constant 0.000000e+00 : f32
    %broadcast_in_dim3A_2358 = vector.broadcast %jit3A_2357 : f32 to vector<128x128xf32>
    %select_n3A_2359 = arith.select %eq3A_2356, %get3A_2352, %broadcast_in_dim3A_2358 : vector<128x128xi1>, vector<128x128xf32>
    %add3A_2360 = arith.addf %add3A_2349, %select_n3A_2359 : vector<128x128xf32>
    %get3A_2361 = arith.constant 896 : index
    %get3A_2362 = arith.constant 2944 : index
    %get3A_2363 = vector.load %arg2[%get3A_2361, %get3A_2362] : memref<2048x3200xf32, #tpu.memory_space<vmem>>, vector<128x128xf32>
    %add3A_2364 = arith.addf %add3A_2353, %get3A_2363 : vector<128x128xf32>
    %eq3A_2365 = arith.constant 2944 : i32
    %eq3A_2366 = vector.broadcast %eq3A_2365 : i32 to vector<128x128xi32>
    %eq3A_2367 = arith.cmpi eq, %sub3A_2109, %eq3A_2366 : vector<128x128xi32>
    %jit3A_2368 = arith.constant 0.000000e+00 : f32
    %broadcast_in_dim3A_2369 = vector.broadcast %jit3A_2368 : f32 to vector<128x128xf32>
    %select_n3A_2370 = arith.select %eq3A_2367, %get3A_2363, %broadcast_in_dim3A_2369 : vector<128x128xi1>, vector<128x128xf32>
    %add3A_2371 = arith.addf %add3A_2360, %select_n3A_2370 : vector<128x128xf32>
    %get3A_2372 = arith.constant 896 : index
    %get3A_2373 = arith.constant 3072 : index
    %get3A_2374 = vector.load %arg2[%get3A_2372, %get3A_2373] : memref<2048x3200xf32, #tpu.memory_space<vmem>>, vector<128x128xf32>
    %add3A_2375 = arith.addf %add3A_2364, %get3A_2374 : vector<128x128xf32>
    %eq3A_2376 = arith.constant 3072 : i32
    %eq3A_2377 = vector.broadcast %eq3A_2376 : i32 to vector<128x128xi32>
    %eq3A_2378 = arith.cmpi eq, %sub3A_2109, %eq3A_2377 : vector<128x128xi32>
    %jit3A_2379 = arith.constant 0.000000e+00 : f32
    %broadcast_in_dim3A_2380 = vector.broadcast %jit3A_2379 : f32 to vector<128x128xf32>
    %select_n3A_2381 = arith.select %eq3A_2378, %get3A_2374, %broadcast_in_dim3A_2380 : vector<128x128xi1>, vector<128x128xf32>
    %add3A_2382 = arith.addf %add3A_2371, %select_n3A_2381 : vector<128x128xf32>
    %get3A_2383 = arith.constant 896 : index
    %get3A_2384 = arith.constant 0 : index
    %get3A_2385 = vector.load %arg3[%get3A_2383, %get3A_2384] : memref<2048x256xf32, #tpu.memory_space<vmem>>, vector<128x128xf32>
    %add3A_2386 = arith.addf %get3A_2385, %add3A_2382 : vector<128x128xf32>
    %swap3A_2387 = arith.constant 896 : index
    %swap3A_2388 = arith.constant 0 : index
    %swap3A_2389 = vector.load %arg3[%swap3A_2387, %swap3A_2388] : memref<2048x256xf32, #tpu.memory_space<vmem>>, vector<128x128xf32>
    tpu.vector_store %arg3[%swap3A_2387, %swap3A_2388], %add3A_2386 {strides = array<i32>} : memref<2048x256xf32, #tpu.memory_space<vmem>>, vector<128x128xf32>,
    %get3A_2390 = arith.constant 896 : index
    %get3A_2391 = arith.constant 128 : index
    %get3A_2392 = vector.load %arg3[%get3A_2390, %get3A_2391] : memref<2048x256xf32, #tpu.memory_space<vmem>>, vector<128x1xf32>
    %reduce_sum3A_2393 = arith.constant dense<0.000000e+00> : vector<128xf32>
    %reduce_sum3A_2394 = vector.multi_reduction <add>, %add3A_2375, %reduce_sum3A_2393 [1] : vector<128x128xf32> to vector<128xf32>
    %broadcast_in_dim3A_2395 = vector.shape_cast %reduce_sum3A_2394 : vector<128xf32> to vector<128x1xf32>
    %add3A_2396 = arith.addf %get3A_2392, %broadcast_in_dim3A_2395 : vector<128x1xf32>
    %swap3A_2397 = arith.constant 896 : index
    %swap3A_2398 = arith.constant 128 : index
    %swap3A_2399 = vector.load %arg3[%swap3A_2397, %swap3A_2398] : memref<2048x256xf32, #tpu.memory_space<vmem>>, vector<128x1xf32>
    tpu.vector_store %arg3[%swap3A_2397, %swap3A_2398], %add3A_2396 {strides = array<i32>} : memref<2048x256xf32, #tpu.memory_space<vmem>>, vector<128x1xf32>,
    %get3A_2400 = arith.constant 1024 : index
    %get3A_2401 = arith.constant 0 : index
    %get3A_2402 = vector.load %arg1[%get3A_2400, %get3A_2401] : memref<2048x1xi32, #tpu.memory_space<vmem>>, vector<128x1xi32>
    %broadcast_in_dim3A_2403 = vector.shape_cast %get3A_2402 : vector<128x1xi32> to vector<128x1xi32>
    %broadcast_in_dim3A_2404 = vector.broadcast %broadcast_in_dim3A_2403 : vector<128x1xi32> to vector<128x128xi32>
    %iota3A_2405 = tpu.iota {dimensions = array<i32: 1>} : vector<128x128xi32>
    %sub3A_2406 = arith.subi %broadcast_in_dim3A_2404, %iota3A_2405 : vector<128x128xi32>
    %mul3A_2407 = arith.constant 3200 : i32
    %mul3A_2408 = arith.muli %arg0, %mul3A_2407 : i32
    %sub3A_2409 = vector.broadcast %mul3A_2408 : i32 to vector<128x128xi32>
    %sub3A_2410 = arith.subi %sub3A_2406, %sub3A_2409 : vector<128x128xi32>
    %get3A_2411 = arith.constant 1024 : index
    %get3A_2412 = arith.constant 0 : index
    %get3A_2413 = vector.load %arg2[%get3A_2411, %get3A_2412] : memref<2048x3200xf32, #tpu.memory_space<vmem>>, vector<128x128xf32>
    %eq3A_2414 = arith.constant 0 : i32
    %eq3A_2415 = vector.broadcast %eq3A_2414 : i32 to vector<128x128xi32>
    %eq3A_2416 = arith.cmpi eq, %sub3A_2410, %eq3A_2415 : vector<128x128xi32>
    %jit3A_2417 = arith.constant 0.000000e+00 : f32
    %broadcast_in_dim3A_2418 = vector.broadcast %jit3A_2417 : f32 to vector<128x128xf32>
    %select_n3A_2419 = arith.select %eq3A_2416, %get3A_2413, %broadcast_in_dim3A_2418 : vector<128x128xi1>, vector<128x128xf32>
    %get3A_2420 = arith.constant 1024 : index
    %get3A_2421 = arith.constant 128 : index
    %get3A_2422 = vector.load %arg2[%get3A_2420, %get3A_2421] : memref<2048x3200xf32, #tpu.memory_space<vmem>>, vector<128x128xf32>
    %add3A_2423 = arith.addf %get3A_2413, %get3A_2422 : vector<128x128xf32>
    %eq3A_2424 = arith.constant 128 : i32
    %eq3A_2425 = vector.broadcast %eq3A_2424 : i32 to vector<128x128xi32>
    %eq3A_2426 = arith.cmpi eq, %sub3A_2410, %eq3A_2425 : vector<128x128xi32>
    %jit3A_2427 = arith.constant 0.000000e+00 : f32
    %broadcast_in_dim3A_2428 = vector.broadcast %jit3A_2427 : f32 to vector<128x128xf32>
    %select_n3A_2429 = arith.select %eq3A_2426, %get3A_2422, %broadcast_in_dim3A_2428 : vector<128x128xi1>, vector<128x128xf32>
    %add3A_2430 = arith.addf %select_n3A_2419, %select_n3A_2429 : vector<128x128xf32>
    %get3A_2431 = arith.constant 1024 : index
    %get3A_2432 = arith.constant 256 : index
    %get3A_2433 = vector.load %arg2[%get3A_2431, %get3A_2432] : memref<2048x3200xf32, #tpu.memory_space<vmem>>, vector<128x128xf32>
    %add3A_2434 = arith.addf %add3A_2423, %get3A_2433 : vector<128x128xf32>
    %eq3A_2435 = arith.constant 256 : i32
    %eq3A_2436 = vector.broadcast %eq3A_2435 : i32 to vector<128x128xi32>
    %eq3A_2437 = arith.cmpi eq, %sub3A_2410, %eq3A_2436 : vector<128x128xi32>
    %jit3A_2438 = arith.constant 0.000000e+00 : f32
    %broadcast_in_dim3A_2439 = vector.broadcast %jit3A_2438 : f32 to vector<128x128xf32>
    %select_n3A_2440 = arith.select %eq3A_2437, %get3A_2433, %broadcast_in_dim3A_2439 : vector<128x128xi1>, vector<128x128xf32>
    %add3A_2441 = arith.addf %add3A_2430, %select_n3A_2440 : vector<128x128xf32>
    %get3A_2442 = arith.constant 1024 : index
    %get3A_2443 = arith.constant 384 : index
    %get3A_2444 = vector.load %arg2[%get3A_2442, %get3A_2443] : memref<2048x3200xf32, #tpu.memory_space<vmem>>, vector<128x128xf32>
    %add3A_2445 = arith.addf %add3A_2434, %get3A_2444 : vector<128x128xf32>
    %eq3A_2446 = arith.constant 384 : i32
    %eq3A_2447 = vector.broadcast %eq3A_2446 : i32 to vector<128x128xi32>
    %eq3A_2448 = arith.cmpi eq, %sub3A_2410, %eq3A_2447 : vector<128x128xi32>
    %jit3A_2449 = arith.constant 0.000000e+00 : f32
    %broadcast_in_dim3A_2450 = vector.broadcast %jit3A_2449 : f32 to vector<128x128xf32>
    %select_n3A_2451 = arith.select %eq3A_2448, %get3A_2444, %broadcast_in_dim3A_2450 : vector<128x128xi1>, vector<128x128xf32>
    %add3A_2452 = arith.addf %add3A_2441, %select_n3A_2451 : vector<128x128xf32>
    %get3A_2453 = arith.constant 1024 : index
    %get3A_2454 = arith.constant 512 : index
    %get3A_2455 = vector.load %arg2[%get3A_2453, %get3A_2454] : memref<2048x3200xf32, #tpu.memory_space<vmem>>, vector<128x128xf32>
    %add3A_2456 = arith.addf %add3A_2445, %get3A_2455 : vector<128x128xf32>
    %eq3A_2457 = arith.constant 512 : i32
    %eq3A_2458 = vector.broadcast %eq3A_2457 : i32 to vector<128x128xi32>
    %eq3A_2459 = arith.cmpi eq, %sub3A_2410, %eq3A_2458 : vector<128x128xi32>
    %jit3A_2460 = arith.constant 0.000000e+00 : f32
    %broadcast_in_dim3A_2461 = vector.broadcast %jit3A_2460 : f32 to vector<128x128xf32>
    %select_n3A_2462 = arith.select %eq3A_2459, %get3A_2455, %broadcast_in_dim3A_2461 : vector<128x128xi1>, vector<128x128xf32>
    %add3A_2463 = arith.addf %add3A_2452, %select_n3A_2462 : vector<128x128xf32>
    %get3A_2464 = arith.constant 1024 : index
    %get3A_2465 = arith.constant 640 : index
    %get3A_2466 = vector.load %arg2[%get3A_2464, %get3A_2465] : memref<2048x3200xf32, #tpu.memory_space<vmem>>, vector<128x128xf32>
    %add3A_2467 = arith.addf %add3A_2456, %get3A_2466 : vector<128x128xf32>
    %eq3A_2468 = arith.constant 640 : i32
    %eq3A_2469 = vector.broadcast %eq3A_2468 : i32 to vector<128x128xi32>
    %eq3A_2470 = arith.cmpi eq, %sub3A_2410, %eq3A_2469 : vector<128x128xi32>
    %jit3A_2471 = arith.constant 0.000000e+00 : f32
    %broadcast_in_dim3A_2472 = vector.broadcast %jit3A_2471 : f32 to vector<128x128xf32>
    %select_n3A_2473 = arith.select %eq3A_2470, %get3A_2466, %broadcast_in_dim3A_2472 : vector<128x128xi1>, vector<128x128xf32>
    %add3A_2474 = arith.addf %add3A_2463, %select_n3A_2473 : vector<128x128xf32>
    %get3A_2475 = arith.constant 1024 : index
    %get3A_2476 = arith.constant 768 : index
    %get3A_2477 = vector.load %arg2[%get3A_2475, %get3A_2476] : memref<2048x3200xf32, #tpu.memory_space<vmem>>, vector<128x128xf32>
    %add3A_2478 = arith.addf %add3A_2467, %get3A_2477 : vector<128x128xf32>
    %eq3A_2479 = arith.constant 768 : i32
    %eq3A_2480 = vector.broadcast %eq3A_2479 : i32 to vector<128x128xi32>
    %eq3A_2481 = arith.cmpi eq, %sub3A_2410, %eq3A_2480 : vector<128x128xi32>
    %jit3A_2482 = arith.constant 0.000000e+00 : f32
    %broadcast_in_dim3A_2483 = vector.broadcast %jit3A_2482 : f32 to vector<128x128xf32>
    %select_n3A_2484 = arith.select %eq3A_2481, %get3A_2477, %broadcast_in_dim3A_2483 : vector<128x128xi1>, vector<128x128xf32>
    %add3A_2485 = arith.addf %add3A_2474, %select_n3A_2484 : vector<128x128xf32>
    %get3A_2486 = arith.constant 1024 : index
    %get3A_2487 = arith.constant 896 : index
    %get3A_2488 = vector.load %arg2[%get3A_2486, %get3A_2487] : memref<2048x3200xf32, #tpu.memory_space<vmem>>, vector<128x128xf32>
    %add3A_2489 = arith.addf %add3A_2478, %get3A_2488 : vector<128x128xf32>
    %eq3A_2490 = arith.constant 896 : i32
    %eq3A_2491 = vector.broadcast %eq3A_2490 : i32 to vector<128x128xi32>
    %eq3A_2492 = arith.cmpi eq, %sub3A_2410, %eq3A_2491 : vector<128x128xi32>
    %jit3A_2493 = arith.constant 0.000000e+00 : f32
    %broadcast_in_dim3A_2494 = vector.broadcast %jit3A_2493 : f32 to vector<128x128xf32>
    %select_n3A_2495 = arith.select %eq3A_2492, %get3A_2488, %broadcast_in_dim3A_2494 : vector<128x128xi1>, vector<128x128xf32>
    %add3A_2496 = arith.addf %add3A_2485, %select_n3A_2495 : vector<128x128xf32>
    %get3A_2497 = arith.constant 1024 : index
    %get3A_2498 = arith.constant 1024 : index
    %get3A_2499 = vector.load %arg2[%get3A_2497, %get3A_2498] : memref<2048x3200xf32, #tpu.memory_space<vmem>>, vector<128x128xf32>
    %add3A_2500 = arith.addf %add3A_2489, %get3A_2499 : vector<128x128xf32>
    %eq3A_2501 = arith.constant 1024 : i32
    %eq3A_2502 = vector.broadcast %eq3A_2501 : i32 to vector<128x128xi32>
    %eq3A_2503 = arith.cmpi eq, %sub3A_2410, %eq3A_2502 : vector<128x128xi32>
    %jit3A_2504 = arith.constant 0.000000e+00 : f32
    %broadcast_in_dim3A_2505 = vector.broadcast %jit3A_2504 : f32 to vector<128x128xf32>
    %select_n3A_2506 = arith.select %eq3A_2503, %get3A_2499, %broadcast_in_dim3A_2505 : vector<128x128xi1>, vector<128x128xf32>
    %add3A_2507 = arith.addf %add3A_2496, %select_n3A_2506 : vector<128x128xf32>
    %get3A_2508 = arith.constant 1024 : index
    %get3A_2509 = arith.constant 1152 : index
    %get3A_2510 = vector.load %arg2[%get3A_2508, %get3A_2509] : memref<2048x3200xf32, #tpu.memory_space<vmem>>, vector<128x128xf32>
    %add3A_2511 = arith.addf %add3A_2500, %get3A_2510 : vector<128x128xf32>
    %eq3A_2512 = arith.constant 1152 : i32
    %eq3A_2513 = vector.broadcast %eq3A_2512 : i32 to vector<128x128xi32>
    %eq3A_2514 = arith.cmpi eq, %sub3A_2410, %eq3A_2513 : vector<128x128xi32>
    %jit3A_2515 = arith.constant 0.000000e+00 : f32
    %broadcast_in_dim3A_2516 = vector.broadcast %jit3A_2515 : f32 to vector<128x128xf32>
    %select_n3A_2517 = arith.select %eq3A_2514, %get3A_2510, %broadcast_in_dim3A_2516 : vector<128x128xi1>, vector<128x128xf32>
    %add3A_2518 = arith.addf %add3A_2507, %select_n3A_2517 : vector<128x128xf32>
    %get3A_2519 = arith.constant 1024 : index
    %get3A_2520 = arith.constant 1280 : index
    %get3A_2521 = vector.load %arg2[%get3A_2519, %get3A_2520] : memref<2048x3200xf32, #tpu.memory_space<vmem>>, vector<128x128xf32>
    %add3A_2522 = arith.addf %add3A_2511, %get3A_2521 : vector<128x128xf32>
    %eq3A_2523 = arith.constant 1280 : i32
    %eq3A_2524 = vector.broadcast %eq3A_2523 : i32 to vector<128x128xi32>
    %eq3A_2525 = arith.cmpi eq, %sub3A_2410, %eq3A_2524 : vector<128x128xi32>
    %jit3A_2526 = arith.constant 0.000000e+00 : f32
    %broadcast_in_dim3A_2527 = vector.broadcast %jit3A_2526 : f32 to vector<128x128xf32>
    %select_n3A_2528 = arith.select %eq3A_2525, %get3A_2521, %broadcast_in_dim3A_2527 : vector<128x128xi1>, vector<128x128xf32>
    %add3A_2529 = arith.addf %add3A_2518, %select_n3A_2528 : vector<128x128xf32>
    %get3A_2530 = arith.constant 1024 : index
    %get3A_2531 = arith.constant 1408 : index
    %get3A_2532 = vector.load %arg2[%get3A_2530, %get3A_2531] : memref<2048x3200xf32, #tpu.memory_space<vmem>>, vector<128x128xf32>
    %add3A_2533 = arith.addf %add3A_2522, %get3A_2532 : vector<128x128xf32>
    %eq3A_2534 = arith.constant 1408 : i32
    %eq3A_2535 = vector.broadcast %eq3A_2534 : i32 to vector<128x128xi32>
    %eq3A_2536 = arith.cmpi eq, %sub3A_2410, %eq3A_2535 : vector<128x128xi32>
    %jit3A_2537 = arith.constant 0.000000e+00 : f32
    %broadcast_in_dim3A_2538 = vector.broadcast %jit3A_2537 : f32 to vector<128x128xf32>
    %select_n3A_2539 = arith.select %eq3A_2536, %get3A_2532, %broadcast_in_dim3A_2538 : vector<128x128xi1>, vector<128x128xf32>
    %add3A_2540 = arith.addf %add3A_2529, %select_n3A_2539 : vector<128x128xf32>
    %get3A_2541 = arith.constant 1024 : index
    %get3A_2542 = arith.constant 1536 : index
    %get3A_2543 = vector.load %arg2[%get3A_2541, %get3A_2542] : memref<2048x3200xf32, #tpu.memory_space<vmem>>, vector<128x128xf32>
    %add3A_2544 = arith.addf %add3A_2533, %get3A_2543 : vector<128x128xf32>
    %eq3A_2545 = arith.constant 1536 : i32
    %eq3A_2546 = vector.broadcast %eq3A_2545 : i32 to vector<128x128xi32>
    %eq3A_2547 = arith.cmpi eq, %sub3A_2410, %eq3A_2546 : vector<128x128xi32>
    %jit3A_2548 = arith.constant 0.000000e+00 : f32
    %broadcast_in_dim3A_2549 = vector.broadcast %jit3A_2548 : f32 to vector<128x128xf32>
    %select_n3A_2550 = arith.select %eq3A_2547, %get3A_2543, %broadcast_in_dim3A_2549 : vector<128x128xi1>, vector<128x128xf32>
    %add3A_2551 = arith.addf %add3A_2540, %select_n3A_2550 : vector<128x128xf32>
    %get3A_2552 = arith.constant 1024 : index
    %get3A_2553 = arith.constant 1664 : index
    %get3A_2554 = vector.load %arg2[%get3A_2552, %get3A_2553] : memref<2048x3200xf32, #tpu.memory_space<vmem>>, vector<128x128xf32>
    %add3A_2555 = arith.addf %add3A_2544, %get3A_2554 : vector<128x128xf32>
    %eq3A_2556 = arith.constant 1664 : i32
    %eq3A_2557 = vector.broadcast %eq3A_2556 : i32 to vector<128x128xi32>
    %eq3A_2558 = arith.cmpi eq, %sub3A_2410, %eq3A_2557 : vector<128x128xi32>
    %jit3A_2559 = arith.constant 0.000000e+00 : f32
    %broadcast_in_dim3A_2560 = vector.broadcast %jit3A_2559 : f32 to vector<128x128xf32>
    %select_n3A_2561 = arith.select %eq3A_2558, %get3A_2554, %broadcast_in_dim3A_2560 : vector<128x128xi1>, vector<128x128xf32>
    %add3A_2562 = arith.addf %add3A_2551, %select_n3A_2561 : vector<128x128xf32>
    %get3A_2563 = arith.constant 1024 : index
    %get3A_2564 = arith.constant 1792 : index
    %get3A_2565 = vector.load %arg2[%get3A_2563, %get3A_2564] : memref<2048x3200xf32, #tpu.memory_space<vmem>>, vector<128x128xf32>
    %add3A_2566 = arith.addf %add3A_2555, %get3A_2565 : vector<128x128xf32>
    %eq3A_2567 = arith.constant 1792 : i32
    %eq3A_2568 = vector.broadcast %eq3A_2567 : i32 to vector<128x128xi32>
    %eq3A_2569 = arith.cmpi eq, %sub3A_2410, %eq3A_2568 : vector<128x128xi32>
    %jit3A_2570 = arith.constant 0.000000e+00 : f32
    %broadcast_in_dim3A_2571 = vector.broadcast %jit3A_2570 : f32 to vector<128x128xf32>
    %select_n3A_2572 = arith.select %eq3A_2569, %get3A_2565, %broadcast_in_dim3A_2571 : vector<128x128xi1>, vector<128x128xf32>
    %add3A_2573 = arith.addf %add3A_2562, %select_n3A_2572 : vector<128x128xf32>
    %get3A_2574 = arith.constant 1024 : index
    %get3A_2575 = arith.constant 1920 : index
    %get3A_2576 = vector.load %arg2[%get3A_2574, %get3A_2575] : memref<2048x3200xf32, #tpu.memory_space<vmem>>, vector<128x128xf32>
    %add3A_2577 = arith.addf %add3A_2566, %get3A_2576 : vector<128x128xf32>
    %eq3A_2578 = arith.constant 1920 : i32
    %eq3A_2579 = vector.broadcast %eq3A_2578 : i32 to vector<128x128xi32>
    %eq3A_2580 = arith.cmpi eq, %sub3A_2410, %eq3A_2579 : vector<128x128xi32>
    %jit3A_2581 = arith.constant 0.000000e+00 : f32
    %broadcast_in_dim3A_2582 = vector.broadcast %jit3A_2581 : f32 to vector<128x128xf32>
    %select_n3A_2583 = arith.select %eq3A_2580, %get3A_2576, %broadcast_in_dim3A_2582 : vector<128x128xi1>, vector<128x128xf32>
    %add3A_2584 = arith.addf %add3A_2573, %select_n3A_2583 : vector<128x128xf32>
    %get3A_2585 = arith.constant 1024 : index
    %get3A_2586 = arith.constant 2048 : index
    %get3A_2587 = vector.load %arg2[%get3A_2585, %get3A_2586] : memref<2048x3200xf32, #tpu.memory_space<vmem>>, vector<128x128xf32>
    %add3A_2588 = arith.addf %add3A_2577, %get3A_2587 : vector<128x128xf32>
    %eq3A_2589 = arith.constant 2048 : i32
    %eq3A_2590 = vector.broadcast %eq3A_2589 : i32 to vector<128x128xi32>
    %eq3A_2591 = arith.cmpi eq, %sub3A_2410, %eq3A_2590 : vector<128x128xi32>
    %jit3A_2592 = arith.constant 0.000000e+00 : f32
    %broadcast_in_dim3A_2593 = vector.broadcast %jit3A_2592 : f32 to vector<128x128xf32>
    %select_n3A_2594 = arith.select %eq3A_2591, %get3A_2587, %broadcast_in_dim3A_2593 : vector<128x128xi1>, vector<128x128xf32>
    %add3A_2595 = arith.addf %add3A_2584, %select_n3A_2594 : vector<128x128xf32>
    %get3A_2596 = arith.constant 1024 : index
    %get3A_2597 = arith.constant 2176 : index
    %get3A_2598 = vector.load %arg2[%get3A_2596, %get3A_2597] : memref<2048x3200xf32, #tpu.memory_space<vmem>>, vector<128x128xf32>
    %add3A_2599 = arith.addf %add3A_2588, %get3A_2598 : vector<128x128xf32>
    %eq3A_2600 = arith.constant 2176 : i32
    %eq3A_2601 = vector.broadcast %eq3A_2600 : i32 to vector<128x128xi32>
    %eq3A_2602 = arith.cmpi eq, %sub3A_2410, %eq3A_2601 : vector<128x128xi32>
    %jit3A_2603 = arith.constant 0.000000e+00 : f32
    %broadcast_in_dim3A_2604 = vector.broadcast %jit3A_2603 : f32 to vector<128x128xf32>
    %select_n3A_2605 = arith.select %eq3A_2602, %get3A_2598, %broadcast_in_dim3A_2604 : vector<128x128xi1>, vector<128x128xf32>
    %add3A_2606 = arith.addf %add3A_2595, %select_n3A_2605 : vector<128x128xf32>
    %get3A_2607 = arith.constant 1024 : index
    %get3A_2608 = arith.constant 2304 : index
    %get3A_2609 = vector.load %arg2[%get3A_2607, %get3A_2608] : memref<2048x3200xf32, #tpu.memory_space<vmem>>, vector<128x128xf32>
    %add3A_2610 = arith.addf %add3A_2599, %get3A_2609 : vector<128x128xf32>
    %eq3A_2611 = arith.constant 2304 : i32
    %eq3A_2612 = vector.broadcast %eq3A_2611 : i32 to vector<128x128xi32>
    %eq3A_2613 = arith.cmpi eq, %sub3A_2410, %eq3A_2612 : vector<128x128xi32>
    %jit3A_2614 = arith.constant 0.000000e+00 : f32
    %broadcast_in_dim3A_2615 = vector.broadcast %jit3A_2614 : f32 to vector<128x128xf32>
    %select_n3A_2616 = arith.select %eq3A_2613, %get3A_2609, %broadcast_in_dim3A_2615 : vector<128x128xi1>, vector<128x128xf32>
    %add3A_2617 = arith.addf %add3A_2606, %select_n3A_2616 : vector<128x128xf32>
    %get3A_2618 = arith.constant 1024 : index
    %get3A_2619 = arith.constant 2432 : index
    %get3A_2620 = vector.load %arg2[%get3A_2618, %get3A_2619] : memref<2048x3200xf32, #tpu.memory_space<vmem>>, vector<128x128xf32>
    %add3A_2621 = arith.addf %add3A_2610, %get3A_2620 : vector<128x128xf32>
    %eq3A_2622 = arith.constant 2432 : i32
    %eq3A_2623 = vector.broadcast %eq3A_2622 : i32 to vector<128x128xi32>
    %eq3A_2624 = arith.cmpi eq, %sub3A_2410, %eq3A_2623 : vector<128x128xi32>
    %jit3A_2625 = arith.constant 0.000000e+00 : f32
    %broadcast_in_dim3A_2626 = vector.broadcast %jit3A_2625 : f32 to vector<128x128xf32>
    %select_n3A_2627 = arith.select %eq3A_2624, %get3A_2620, %broadcast_in_dim3A_2626 : vector<128x128xi1>, vector<128x128xf32>
    %add3A_2628 = arith.addf %add3A_2617, %select_n3A_2627 : vector<128x128xf32>
    %get3A_2629 = arith.constant 1024 : index
    %get3A_2630 = arith.constant 2560 : index
    %get3A_2631 = vector.load %arg2[%get3A_2629, %get3A_2630] : memref<2048x3200xf32, #tpu.memory_space<vmem>>, vector<128x128xf32>
    %add3A_2632 = arith.addf %add3A_2621, %get3A_2631 : vector<128x128xf32>
    %eq3A_2633 = arith.constant 2560 : i32
    %eq3A_2634 = vector.broadcast %eq3A_2633 : i32 to vector<128x128xi32>
    %eq3A_2635 = arith.cmpi eq, %sub3A_2410, %eq3A_2634 : vector<128x128xi32>
    %jit3A_2636 = arith.constant 0.000000e+00 : f32
    %broadcast_in_dim3A_2637 = vector.broadcast %jit3A_2636 : f32 to vector<128x128xf32>
    %select_n3A_2638 = arith.select %eq3A_2635, %get3A_2631, %broadcast_in_dim3A_2637 : vector<128x128xi1>, vector<128x128xf32>
    %add3A_2639 = arith.addf %add3A_2628, %select_n3A_2638 : vector<128x128xf32>
    %get3A_2640 = arith.constant 1024 : index
    %get3A_2641 = arith.constant 2688 : index
    %get3A_2642 = vector.load %arg2[%get3A_2640, %get3A_2641] : memref<2048x3200xf32, #tpu.memory_space<vmem>>, vector<128x128xf32>
    %add3A_2643 = arith.addf %add3A_2632, %get3A_2642 : vector<128x128xf32>
    %eq3A_2644 = arith.constant 2688 : i32
    %eq3A_2645 = vector.broadcast %eq3A_2644 : i32 to vector<128x128xi32>
    %eq3A_2646 = arith.cmpi eq, %sub3A_2410, %eq3A_2645 : vector<128x128xi32>
    %jit3A_2647 = arith.constant 0.000000e+00 : f32
    %broadcast_in_dim3A_2648 = vector.broadcast %jit3A_2647 : f32 to vector<128x128xf32>
    %select_n3A_2649 = arith.select %eq3A_2646, %get3A_2642, %broadcast_in_dim3A_2648 : vector<128x128xi1>, vector<128x128xf32>
    %add3A_2650 = arith.addf %add3A_2639, %select_n3A_2649 : vector<128x128xf32>
    %get3A_2651 = arith.constant 1024 : index
    %get3A_2652 = arith.constant 2816 : index
    %get3A_2653 = vector.load %arg2[%get3A_2651, %get3A_2652] : memref<2048x3200xf32, #tpu.memory_space<vmem>>, vector<128x128xf32>
    %add3A_2654 = arith.addf %add3A_2643, %get3A_2653 : vector<128x128xf32>
    %eq3A_2655 = arith.constant 2816 : i32
    %eq3A_2656 = vector.broadcast %eq3A_2655 : i32 to vector<128x128xi32>
    %eq3A_2657 = arith.cmpi eq, %sub3A_2410, %eq3A_2656 : vector<128x128xi32>
    %jit3A_2658 = arith.constant 0.000000e+00 : f32
    %broadcast_in_dim3A_2659 = vector.broadcast %jit3A_2658 : f32 to vector<128x128xf32>
    %select_n3A_2660 = arith.select %eq3A_2657, %get3A_2653, %broadcast_in_dim3A_2659 : vector<128x128xi1>, vector<128x128xf32>
    %add3A_2661 = arith.addf %add3A_2650, %select_n3A_2660 : vector<128x128xf32>
    %get3A_2662 = arith.constant 1024 : index
    %get3A_2663 = arith.constant 2944 : index
    %get3A_2664 = vector.load %arg2[%get3A_2662, %get3A_2663] : memref<2048x3200xf32, #tpu.memory_space<vmem>>, vector<128x128xf32>
    %add3A_2665 = arith.addf %add3A_2654, %get3A_2664 : vector<128x128xf32>
    %eq3A_2666 = arith.constant 2944 : i32
    %eq3A_2667 = vector.broadcast %eq3A_2666 : i32 to vector<128x128xi32>
    %eq3A_2668 = arith.cmpi eq, %sub3A_2410, %eq3A_2667 : vector<128x128xi32>
    %jit3A_2669 = arith.constant 0.000000e+00 : f32
    %broadcast_in_dim3A_2670 = vector.broadcast %jit3A_2669 : f32 to vector<128x128xf32>
    %select_n3A_2671 = arith.select %eq3A_2668, %get3A_2664, %broadcast_in_dim3A_2670 : vector<128x128xi1>, vector<128x128xf32>
    %add3A_2672 = arith.addf %add3A_2661, %select_n3A_2671 : vector<128x128xf32>
    %get3A_2673 = arith.constant 1024 : index
    %get3A_2674 = arith.constant 3072 : index
    %get3A_2675 = vector.load %arg2[%get3A_2673, %get3A_2674] : memref<2048x3200xf32, #tpu.memory_space<vmem>>, vector<128x128xf32>
    %add3A_2676 = arith.addf %add3A_2665, %get3A_2675 : vector<128x128xf32>
    %eq3A_2677 = arith.constant 3072 : i32
    %eq3A_2678 = vector.broadcast %eq3A_2677 : i32 to vector<128x128xi32>
    %eq3A_2679 = arith.cmpi eq, %sub3A_2410, %eq3A_2678 : vector<128x128xi32>
    %jit3A_2680 = arith.constant 0.000000e+00 : f32
    %broadcast_in_dim3A_2681 = vector.broadcast %jit3A_2680 : f32 to vector<128x128xf32>
    %select_n3A_2682 = arith.select %eq3A_2679, %get3A_2675, %broadcast_in_dim3A_2681 : vector<128x128xi1>, vector<128x128xf32>
    %add3A_2683 = arith.addf %add3A_2672, %select_n3A_2682 : vector<128x128xf32>
    %get3A_2684 = arith.constant 1024 : index
    %get3A_2685 = arith.constant 0 : index
    %get3A_2686 = vector.load %arg3[%get3A_2684, %get3A_2685] : memref<2048x256xf32, #tpu.memory_space<vmem>>, vector<128x128xf32>
    %add3A_2687 = arith.addf %get3A_2686, %add3A_2683 : vector<128x128xf32>
    %swap3A_2688 = arith.constant 1024 : index
    %swap3A_2689 = arith.constant 0 : index
    %swap3A_2690 = vector.load %arg3[%swap3A_2688, %swap3A_2689] : memref<2048x256xf32, #tpu.memory_space<vmem>>, vector<128x128xf32>
    tpu.vector_store %arg3[%swap3A_2688, %swap3A_2689], %add3A_2687 {strides = array<i32>} : memref<2048x256xf32, #tpu.memory_space<vmem>>, vector<128x128xf32>,
    %get3A_2691 = arith.constant 1024 : index
    %get3A_2692 = arith.constant 128 : index
    %get3A_2693 = vector.load %arg3[%get3A_2691, %get3A_2692] : memref<2048x256xf32, #tpu.memory_space<vmem>>, vector<128x1xf32>
    %reduce_sum3A_2694 = arith.constant dense<0.000000e+00> : vector<128xf32>
    %reduce_sum3A_2695 = vector.multi_reduction <add>, %add3A_2676, %reduce_sum3A_2694 [1] : vector<128x128xf32> to vector<128xf32>
    %broadcast_in_dim3A_2696 = vector.shape_cast %reduce_sum3A_2695 : vector<128xf32> to vector<128x1xf32>
    %add3A_2697 = arith.addf %get3A_2693, %broadcast_in_dim3A_2696 : vector<128x1xf32>
    %swap3A_2698 = arith.constant 1024 : index
    %swap3A_2699 = arith.constant 128 : index
    %swap3A_2700 = vector.load %arg3[%swap3A_2698, %swap3A_2699] : memref<2048x256xf32, #tpu.memory_space<vmem>>, vector<128x1xf32>
    tpu.vector_store %arg3[%swap3A_2698, %swap3A_2699], %add3A_2697 {strides = array<i32>} : memref<2048x256xf32, #tpu.memory_space<vmem>>, vector<128x1xf32>,
    %get3A_2701 = arith.constant 1152 : index
    %get3A_2702 = arith.constant 0 : index
    %get3A_2703 = vector.load %arg1[%get3A_2701, %get3A_2702] : memref<2048x1xi32, #tpu.memory_space<vmem>>, vector<128x1xi32>
    %broadcast_in_dim3A_2704 = vector.shape_cast %get3A_2703 : vector<128x1xi32> to vector<128x1xi32>
    %broadcast_in_dim3A_2705 = vector.broadcast %broadcast_in_dim3A_2704 : vector<128x1xi32> to vector<128x128xi32>
    %iota3A_2706 = tpu.iota {dimensions = array<i32: 1>} : vector<128x128xi32>
    %sub3A_2707 = arith.subi %broadcast_in_dim3A_2705, %iota3A_2706 : vector<128x128xi32>
    %mul3A_2708 = arith.constant 3200 : i32
    %mul3A_2709 = arith.muli %arg0, %mul3A_2708 : i32
    %sub3A_2710 = vector.broadcast %mul3A_2709 : i32 to vector<128x128xi32>
    %sub3A_2711 = arith.subi %sub3A_2707, %sub3A_2710 : vector<128x128xi32>
    %get3A_2712 = arith.constant 1152 : index
    %get3A_2713 = arith.constant 0 : index
    %get3A_2714 = vector.load %arg2[%get3A_2712, %get3A_2713] : memref<2048x3200xf32, #tpu.memory_space<vmem>>, vector<128x128xf32>
    %eq3A_2715 = arith.constant 0 : i32
    %eq3A_2716 = vector.broadcast %eq3A_2715 : i32 to vector<128x128xi32>
    %eq3A_2717 = arith.cmpi eq, %sub3A_2711, %eq3A_2716 : vector<128x128xi32>
    %jit3A_2718 = arith.constant 0.000000e+00 : f32
    %broadcast_in_dim3A_2719 = vector.broadcast %jit3A_2718 : f32 to vector<128x128xf32>
    %select_n3A_2720 = arith.select %eq3A_2717, %get3A_2714, %broadcast_in_dim3A_2719 : vector<128x128xi1>, vector<128x128xf32>
    %get3A_2721 = arith.constant 1152 : index
    %get3A_2722 = arith.constant 128 : index
    %get3A_2723 = vector.load %arg2[%get3A_2721, %get3A_2722] : memref<2048x3200xf32, #tpu.memory_space<vmem>>, vector<128x128xf32>
    %add3A_2724 = arith.addf %get3A_2714, %get3A_2723 : vector<128x128xf32>
    %eq3A_2725 = arith.constant 128 : i32
    %eq3A_2726 = vector.broadcast %eq3A_2725 : i32 to vector<128x128xi32>
    %eq3A_2727 = arith.cmpi eq, %sub3A_2711, %eq3A_2726 : vector<128x128xi32>
    %jit3A_2728 = arith.constant 0.000000e+00 : f32
    %broadcast_in_dim3A_2729 = vector.broadcast %jit3A_2728 : f32 to vector<128x128xf32>
    %select_n3A_2730 = arith.select %eq3A_2727, %get3A_2723, %broadcast_in_dim3A_2729 : vector<128x128xi1>, vector<128x128xf32>
    %add3A_2731 = arith.addf %select_n3A_2720, %select_n3A_2730 : vector<128x128xf32>
    %get3A_2732 = arith.constant 1152 : index
    %get3A_2733 = arith.constant 256 : index
    %get3A_2734 = vector.load %arg2[%get3A_2732, %get3A_2733] : memref<2048x3200xf32, #tpu.memory_space<vmem>>, vector<128x128xf32>
    %add3A_2735 = arith.addf %add3A_2724, %get3A_2734 : vector<128x128xf32>
    %eq3A_2736 = arith.constant 256 : i32
    %eq3A_2737 = vector.broadcast %eq3A_2736 : i32 to vector<128x128xi32>
    %eq3A_2738 = arith.cmpi eq, %sub3A_2711, %eq3A_2737 : vector<128x128xi32>
    %jit3A_2739 = arith.constant 0.000000e+00 : f32
    %broadcast_in_dim3A_2740 = vector.broadcast %jit3A_2739 : f32 to vector<128x128xf32>
    %select_n3A_2741 = arith.select %eq3A_2738, %get3A_2734, %broadcast_in_dim3A_2740 : vector<128x128xi1>, vector<128x128xf32>
    %add3A_2742 = arith.addf %add3A_2731, %select_n3A_2741 : vector<128x128xf32>
    %get3A_2743 = arith.constant 1152 : index
    %get3A_2744 = arith.constant 384 : index
    %get3A_2745 = vector.load %arg2[%get3A_2743, %get3A_2744] : memref<2048x3200xf32, #tpu.memory_space<vmem>>, vector<128x128xf32>
    %add3A_2746 = arith.addf %add3A_2735, %get3A_2745 : vector<128x128xf32>
    %eq3A_2747 = arith.constant 384 : i32
    %eq3A_2748 = vector.broadcast %eq3A_2747 : i32 to vector<128x128xi32>
    %eq3A_2749 = arith.cmpi eq, %sub3A_2711, %eq3A_2748 : vector<128x128xi32>
    %jit3A_2750 = arith.constant 0.000000e+00 : f32
    %broadcast_in_dim3A_2751 = vector.broadcast %jit3A_2750 : f32 to vector<128x128xf32>
    %select_n3A_2752 = arith.select %eq3A_2749, %get3A_2745, %broadcast_in_dim3A_2751 : vector<128x128xi1>, vector<128x128xf32>
    %add3A_2753 = arith.addf %add3A_2742, %select_n3A_2752 : vector<128x128xf32>
    %get3A_2754 = arith.constant 1152 : index
    %get3A_2755 = arith.constant 512 : index
    %get3A_2756 = vector.load %arg2[%get3A_2754, %get3A_2755] : memref<2048x3200xf32, #tpu.memory_space<vmem>>, vector<128x128xf32>
    %add3A_2757 = arith.addf %add3A_2746, %get3A_2756 : vector<128x128xf32>
    %eq3A_2758 = arith.constant 512 : i32
    %eq3A_2759 = vector.broadcast %eq3A_2758 : i32 to vector<128x128xi32>
    %eq3A_2760 = arith.cmpi eq, %sub3A_2711, %eq3A_2759 : vector<128x128xi32>
    %jit3A_2761 = arith.constant 0.000000e+00 : f32
    %broadcast_in_dim3A_2762 = vector.broadcast %jit3A_2761 : f32 to vector<128x128xf32>
    %select_n3A_2763 = arith.select %eq3A_2760, %get3A_2756, %broadcast_in_dim3A_2762 : vector<128x128xi1>, vector<128x128xf32>
    %add3A_2764 = arith.addf %add3A_2753, %select_n3A_2763 : vector<128x128xf32>
    %get3A_2765 = arith.constant 1152 : index
    %get3A_2766 = arith.constant 640 : index
    %get3A_2767 = vector.load %arg2[%get3A_2765, %get3A_2766] : memref<2048x3200xf32, #tpu.memory_space<vmem>>, vector<128x128xf32>
    %add3A_2768 = arith.addf %add3A_2757, %get3A_2767 : vector<128x128xf32>
    %eq3A_2769 = arith.constant 640 : i32
    %eq3A_2770 = vector.broadcast %eq3A_2769 : i32 to vector<128x128xi32>
    %eq3A_2771 = arith.cmpi eq, %sub3A_2711, %eq3A_2770 : vector<128x128xi32>
    %jit3A_2772 = arith.constant 0.000000e+00 : f32
    %broadcast_in_dim3A_2773 = vector.broadcast %jit3A_2772 : f32 to vector<128x128xf32>
    %select_n3A_2774 = arith.select %eq3A_2771, %get3A_2767, %broadcast_in_dim3A_2773 : vector<128x128xi1>, vector<128x128xf32>
    %add3A_2775 = arith.addf %add3A_2764, %select_n3A_2774 : vector<128x128xf32>
    %get3A_2776 = arith.constant 1152 : index
    %get3A_2777 = arith.constant 768 : index
    %get3A_2778 = vector.load %arg2[%get3A_2776, %get3A_2777] : memref<2048x3200xf32, #tpu.memory_space<vmem>>, vector<128x128xf32>
    %add3A_2779 = arith.addf %add3A_2768, %get3A_2778 : vector<128x128xf32>
    %eq3A_2780 = arith.constant 768 : i32
    %eq3A_2781 = vector.broadcast %eq3A_2780 : i32 to vector<128x128xi32>
    %eq3A_2782 = arith.cmpi eq, %sub3A_2711, %eq3A_2781 : vector<128x128xi32>
    %jit3A_2783 = arith.constant 0.000000e+00 : f32
    %broadcast_in_dim3A_2784 = vector.broadcast %jit3A_2783 : f32 to vector<128x128xf32>
    %select_n3A_2785 = arith.select %eq3A_2782, %get3A_2778, %broadcast_in_dim3A_2784 : vector<128x128xi1>, vector<128x128xf32>
    %add3A_2786 = arith.addf %add3A_2775, %select_n3A_2785 : vector<128x128xf32>
    %get3A_2787 = arith.constant 1152 : index
    %get3A_2788 = arith.constant 896 : index
    %get3A_2789 = vector.load %arg2[%get3A_2787, %get3A_2788] : memref<2048x3200xf32, #tpu.memory_space<vmem>>, vector<128x128xf32>
    %add3A_2790 = arith.addf %add3A_2779, %get3A_2789 : vector<128x128xf32>
    %eq3A_2791 = arith.constant 896 : i32
    %eq3A_2792 = vector.broadcast %eq3A_2791 : i32 to vector<128x128xi32>
    %eq3A_2793 = arith.cmpi eq, %sub3A_2711, %eq3A_2792 : vector<128x128xi32>
    %jit3A_2794 = arith.constant 0.000000e+00 : f32
    %broadcast_in_dim3A_2795 = vector.broadcast %jit3A_2794 : f32 to vector<128x128xf32>
    %select_n3A_2796 = arith.select %eq3A_2793, %get3A_2789, %broadcast_in_dim3A_2795 : vector<128x128xi1>, vector<128x128xf32>
    %add3A_2797 = arith.addf %add3A_2786, %select_n3A_2796 : vector<128x128xf32>
    %get3A_2798 = arith.constant 1152 : index
    %get3A_2799 = arith.constant 1024 : index
    %get3A_2800 = vector.load %arg2[%get3A_2798, %get3A_2799] : memref<2048x3200xf32, #tpu.memory_space<vmem>>, vector<128x128xf32>
    %add3A_2801 = arith.addf %add3A_2790, %get3A_2800 : vector<128x128xf32>
    %eq3A_2802 = arith.constant 1024 : i32
    %eq3A_2803 = vector.broadcast %eq3A_2802 : i32 to vector<128x128xi32>
    %eq3A_2804 = arith.cmpi eq, %sub3A_2711, %eq3A_2803 : vector<128x128xi32>
    %jit3A_2805 = arith.constant 0.000000e+00 : f32
    %broadcast_in_dim3A_2806 = vector.broadcast %jit3A_2805 : f32 to vector<128x128xf32>
    %select_n3A_2807 = arith.select %eq3A_2804, %get3A_2800, %broadcast_in_dim3A_2806 : vector<128x128xi1>, vector<128x128xf32>
    %add3A_2808 = arith.addf %add3A_2797, %select_n3A_2807 : vector<128x128xf32>
    %get3A_2809 = arith.constant 1152 : index
    %get3A_2810 = arith.constant 1152 : index
    %get3A_2811 = vector.load %arg2[%get3A_2809, %get3A_2810] : memref<2048x3200xf32, #tpu.memory_space<vmem>>, vector<128x128xf32>
    %add3A_2812 = arith.addf %add3A_2801, %get3A_2811 : vector<128x128xf32>
    %eq3A_2813 = arith.constant 1152 : i32
    %eq3A_2814 = vector.broadcast %eq3A_2813 : i32 to vector<128x128xi32>
    %eq3A_2815 = arith.cmpi eq, %sub3A_2711, %eq3A_2814 : vector<128x128xi32>
    %jit3A_2816 = arith.constant 0.000000e+00 : f32
    %broadcast_in_dim3A_2817 = vector.broadcast %jit3A_2816 : f32 to vector<128x128xf32>
    %select_n3A_2818 = arith.select %eq3A_2815, %get3A_2811, %broadcast_in_dim3A_2817 : vector<128x128xi1>, vector<128x128xf32>
    %add3A_2819 = arith.addf %add3A_2808, %select_n3A_2818 : vector<128x128xf32>
    %get3A_2820 = arith.constant 1152 : index
    %get3A_2821 = arith.constant 1280 : index
    %get3A_2822 = vector.load %arg2[%get3A_2820, %get3A_2821] : memref<2048x3200xf32, #tpu.memory_space<vmem>>, vector<128x128xf32>
    %add3A_2823 = arith.addf %add3A_2812, %get3A_2822 : vector<128x128xf32>
    %eq3A_2824 = arith.constant 1280 : i32
    %eq3A_2825 = vector.broadcast %eq3A_2824 : i32 to vector<128x128xi32>
    %eq3A_2826 = arith.cmpi eq, %sub3A_2711, %eq3A_2825 : vector<128x128xi32>
    %jit3A_2827 = arith.constant 0.000000e+00 : f32
    %broadcast_in_dim3A_2828 = vector.broadcast %jit3A_2827 : f32 to vector<128x128xf32>
    %select_n3A_2829 = arith.select %eq3A_2826, %get3A_2822, %broadcast_in_dim3A_2828 : vector<128x128xi1>, vector<128x128xf32>
    %add3A_2830 = arith.addf %add3A_2819, %select_n3A_2829 : vector<128x128xf32>
    %get3A_2831 = arith.constant 1152 : index
    %get3A_2832 = arith.constant 1408 : index
    %get3A_2833 = vector.load %arg2[%get3A_2831, %get3A_2832] : memref<2048x3200xf32, #tpu.memory_space<vmem>>, vector<128x128xf32>
    %add3A_2834 = arith.addf %add3A_2823, %get3A_2833 : vector<128x128xf32>
    %eq3A_2835 = arith.constant 1408 : i32
    %eq3A_2836 = vector.broadcast %eq3A_2835 : i32 to vector<128x128xi32>
    %eq3A_2837 = arith.cmpi eq, %sub3A_2711, %eq3A_2836 : vector<128x128xi32>
    %jit3A_2838 = arith.constant 0.000000e+00 : f32
    %broadcast_in_dim3A_2839 = vector.broadcast %jit3A_2838 : f32 to vector<128x128xf32>
    %select_n3A_2840 = arith.select %eq3A_2837, %get3A_2833, %broadcast_in_dim3A_2839 : vector<128x128xi1>, vector<128x128xf32>
    %add3A_2841 = arith.addf %add3A_2830, %select_n3A_2840 : vector<128x128xf32>
    %get3A_2842 = arith.constant 1152 : index
    %get3A_2843 = arith.constant 1536 : index
    %get3A_2844 = vector.load %arg2[%get3A_2842, %get3A_2843] : memref<2048x3200xf32, #tpu.memory_space<vmem>>, vector<128x128xf32>
    %add3A_2845 = arith.addf %add3A_2834, %get3A_2844 : vector<128x128xf32>
    %eq3A_2846 = arith.constant 1536 : i32
    %eq3A_2847 = vector.broadcast %eq3A_2846 : i32 to vector<128x128xi32>
    %eq3A_2848 = arith.cmpi eq, %sub3A_2711, %eq3A_2847 : vector<128x128xi32>
    %jit3A_2849 = arith.constant 0.000000e+00 : f32
    %broadcast_in_dim3A_2850 = vector.broadcast %jit3A_2849 : f32 to vector<128x128xf32>
    %select_n3A_2851 = arith.select %eq3A_2848, %get3A_2844, %broadcast_in_dim3A_2850 : vector<128x128xi1>, vector<128x128xf32>
    %add3A_2852 = arith.addf %add3A_2841, %select_n3A_2851 : vector<128x128xf32>
    %get3A_2853 = arith.constant 1152 : index
    %get3A_2854 = arith.constant 1664 : index
    %get3A_2855 = vector.load %arg2[%get3A_2853, %get3A_2854] : memref<2048x3200xf32, #tpu.memory_space<vmem>>, vector<128x128xf32>
    %add3A_2856 = arith.addf %add3A_2845, %get3A_2855 : vector<128x128xf32>
    %eq3A_2857 = arith.constant 1664 : i32
    %eq3A_2858 = vector.broadcast %eq3A_2857 : i32 to vector<128x128xi32>
    %eq3A_2859 = arith.cmpi eq, %sub3A_2711, %eq3A_2858 : vector<128x128xi32>
    %jit3A_2860 = arith.constant 0.000000e+00 : f32
    %broadcast_in_dim3A_2861 = vector.broadcast %jit3A_2860 : f32 to vector<128x128xf32>
    %select_n3A_2862 = arith.select %eq3A_2859, %get3A_2855, %broadcast_in_dim3A_2861 : vector<128x128xi1>, vector<128x128xf32>
    %add3A_2863 = arith.addf %add3A_2852, %select_n3A_2862 : vector<128x128xf32>
    %get3A_2864 = arith.constant 1152 : index
    %get3A_2865 = arith.constant 1792 : index
    %get3A_2866 = vector.load %arg2[%get3A_2864, %get3A_2865] : memref<2048x3200xf32, #tpu.memory_space<vmem>>, vector<128x128xf32>
    %add3A_2867 = arith.addf %add3A_2856, %get3A_2866 : vector<128x128xf32>
    %eq3A_2868 = arith.constant 1792 : i32
    %eq3A_2869 = vector.broadcast %eq3A_2868 : i32 to vector<128x128xi32>
    %eq3A_2870 = arith.cmpi eq, %sub3A_2711, %eq3A_2869 : vector<128x128xi32>
    %jit3A_2871 = arith.constant 0.000000e+00 : f32
    %broadcast_in_dim3A_2872 = vector.broadcast %jit3A_2871 : f32 to vector<128x128xf32>
    %select_n3A_2873 = arith.select %eq3A_2870, %get3A_2866, %broadcast_in_dim3A_2872 : vector<128x128xi1>, vector<128x128xf32>
    %add3A_2874 = arith.addf %add3A_2863, %select_n3A_2873 : vector<128x128xf32>
    %get3A_2875 = arith.constant 1152 : index
    %get3A_2876 = arith.constant 1920 : index
    %get3A_2877 = vector.load %arg2[%get3A_2875, %get3A_2876] : memref<2048x3200xf32, #tpu.memory_space<vmem>>, vector<128x128xf32>
    %add3A_2878 = arith.addf %add3A_2867, %get3A_2877 : vector<128x128xf32>
    %eq3A_2879 = arith.constant 1920 : i32
    %eq3A_2880 = vector.broadcast %eq3A_2879 : i32 to vector<128x128xi32>
    %eq3A_2881 = arith.cmpi eq, %sub3A_2711, %eq3A_2880 : vector<128x128xi32>
    %jit3A_2882 = arith.constant 0.000000e+00 : f32
    %broadcast_in_dim3A_2883 = vector.broadcast %jit3A_2882 : f32 to vector<128x128xf32>
    %select_n3A_2884 = arith.select %eq3A_2881, %get3A_2877, %broadcast_in_dim3A_2883 : vector<128x128xi1>, vector<128x128xf32>
    %add3A_2885 = arith.addf %add3A_2874, %select_n3A_2884 : vector<128x128xf32>
    %get3A_2886 = arith.constant 1152 : index
    %get3A_2887 = arith.constant 2048 : index
    %get3A_2888 = vector.load %arg2[%get3A_2886, %get3A_2887] : memref<2048x3200xf32, #tpu.memory_space<vmem>>, vector<128x128xf32>
    %add3A_2889 = arith.addf %add3A_2878, %get3A_2888 : vector<128x128xf32>
    %eq3A_2890 = arith.constant 2048 : i32
    %eq3A_2891 = vector.broadcast %eq3A_2890 : i32 to vector<128x128xi32>
    %eq3A_2892 = arith.cmpi eq, %sub3A_2711, %eq3A_2891 : vector<128x128xi32>
    %jit3A_2893 = arith.constant 0.000000e+00 : f32
    %broadcast_in_dim3A_2894 = vector.broadcast %jit3A_2893 : f32 to vector<128x128xf32>
    %select_n3A_2895 = arith.select %eq3A_2892, %get3A_2888, %broadcast_in_dim3A_2894 : vector<128x128xi1>, vector<128x128xf32>
    %add3A_2896 = arith.addf %add3A_2885, %select_n3A_2895 : vector<128x128xf32>
    %get3A_2897 = arith.constant 1152 : index
    %get3A_2898 = arith.constant 2176 : index
    %get3A_2899 = vector.load %arg2[%get3A_2897, %get3A_2898] : memref<2048x3200xf32, #tpu.memory_space<vmem>>, vector<128x128xf32>
    %add3A_2900 = arith.addf %add3A_2889, %get3A_2899 : vector<128x128xf32>
    %eq3A_2901 = arith.constant 2176 : i32
    %eq3A_2902 = vector.broadcast %eq3A_2901 : i32 to vector<128x128xi32>
    %eq3A_2903 = arith.cmpi eq, %sub3A_2711, %eq3A_2902 : vector<128x128xi32>
    %jit3A_2904 = arith.constant 0.000000e+00 : f32
    %broadcast_in_dim3A_2905 = vector.broadcast %jit3A_2904 : f32 to vector<128x128xf32>
    %select_n3A_2906 = arith.select %eq3A_2903, %get3A_2899, %broadcast_in_dim3A_2905 : vector<128x128xi1>, vector<128x128xf32>
    %add3A_2907 = arith.addf %add3A_2896, %select_n3A_2906 : vector<128x128xf32>
    %get3A_2908 = arith.constant 1152 : index
    %get3A_2909 = arith.constant 2304 : index
    %get3A_2910 = vector.load %arg2[%get3A_2908, %get3A_2909] : memref<2048x3200xf32, #tpu.memory_space<vmem>>, vector<128x128xf32>
    %add3A_2911 = arith.addf %add3A_2900, %get3A_2910 : vector<128x128xf32>
    %eq3A_2912 = arith.constant 2304 : i32
    %eq3A_2913 = vector.broadcast %eq3A_2912 : i32 to vector<128x128xi32>
    %eq3A_2914 = arith.cmpi eq, %sub3A_2711, %eq3A_2913 : vector<128x128xi32>
    %jit3A_2915 = arith.constant 0.000000e+00 : f32
    %broadcast_in_dim3A_2916 = vector.broadcast %jit3A_2915 : f32 to vector<128x128xf32>
    %select_n3A_2917 = arith.select %eq3A_2914, %get3A_2910, %broadcast_in_dim3A_2916 : vector<128x128xi1>, vector<128x128xf32>
    %add3A_2918 = arith.addf %add3A_2907, %select_n3A_2917 : vector<128x128xf32>
    %get3A_2919 = arith.constant 1152 : index
    %get3A_2920 = arith.constant 2432 : index
    %get3A_2921 = vector.load %arg2[%get3A_2919, %get3A_2920] : memref<2048x3200xf32, #tpu.memory_space<vmem>>, vector<128x128xf32>
    %add3A_2922 = arith.addf %add3A_2911, %get3A_2921 : vector<128x128xf32>
    %eq3A_2923 = arith.constant 2432 : i32
    %eq3A_2924 = vector.broadcast %eq3A_2923 : i32 to vector<128x128xi32>
    %eq3A_2925 = arith.cmpi eq, %sub3A_2711, %eq3A_2924 : vector<128x128xi32>
    %jit3A_2926 = arith.constant 0.000000e+00 : f32
    %broadcast_in_dim3A_2927 = vector.broadcast %jit3A_2926 : f32 to vector<128x128xf32>
    %select_n3A_2928 = arith.select %eq3A_2925, %get3A_2921, %broadcast_in_dim3A_2927 : vector<128x128xi1>, vector<128x128xf32>
    %add3A_2929 = arith.addf %add3A_2918, %select_n3A_2928 : vector<128x128xf32>
    %get3A_2930 = arith.constant 1152 : index
    %get3A_2931 = arith.constant 2560 : index
    %get3A_2932 = vector.load %arg2[%get3A_2930, %get3A_2931] : memref<2048x3200xf32, #tpu.memory_space<vmem>>, vector<128x128xf32>
    %add3A_2933 = arith.addf %add3A_2922, %get3A_2932 : vector<128x128xf32>
    %eq3A_2934 = arith.constant 2560 : i32
    %eq3A_2935 = vector.broadcast %eq3A_2934 : i32 to vector<128x128xi32>
    %eq3A_2936 = arith.cmpi eq, %sub3A_2711, %eq3A_2935 : vector<128x128xi32>
    %jit3A_2937 = arith.constant 0.000000e+00 : f32
    %broadcast_in_dim3A_2938 = vector.broadcast %jit3A_2937 : f32 to vector<128x128xf32>
    %select_n3A_2939 = arith.select %eq3A_2936, %get3A_2932, %broadcast_in_dim3A_2938 : vector<128x128xi1>, vector<128x128xf32>
    %add3A_2940 = arith.addf %add3A_2929, %select_n3A_2939 : vector<128x128xf32>
    %get3A_2941 = arith.constant 1152 : index
    %get3A_2942 = arith.constant 2688 : index
    %get3A_2943 = vector.load %arg2[%get3A_2941, %get3A_2942] : memref<2048x3200xf32, #tpu.memory_space<vmem>>, vector<128x128xf32>
    %add3A_2944 = arith.addf %add3A_2933, %get3A_2943 : vector<128x128xf32>
    %eq3A_2945 = arith.constant 2688 : i32
    %eq3A_2946 = vector.broadcast %eq3A_2945 : i32 to vector<128x128xi32>
    %eq3A_2947 = arith.cmpi eq, %sub3A_2711, %eq3A_2946 : vector<128x128xi32>
    %jit3A_2948 = arith.constant 0.000000e+00 : f32
    %broadcast_in_dim3A_2949 = vector.broadcast %jit3A_2948 : f32 to vector<128x128xf32>
    %select_n3A_2950 = arith.select %eq3A_2947, %get3A_2943, %broadcast_in_dim3A_2949 : vector<128x128xi1>, vector<128x128xf32>
    %add3A_2951 = arith.addf %add3A_2940, %select_n3A_2950 : vector<128x128xf32>
    %get3A_2952 = arith.constant 1152 : index
    %get3A_2953 = arith.constant 2816 : index
    %get3A_2954 = vector.load %arg2[%get3A_2952, %get3A_2953] : memref<2048x3200xf32, #tpu.memory_space<vmem>>, vector<128x128xf32>
    %add3A_2955 = arith.addf %add3A_2944, %get3A_2954 : vector<128x128xf32>
    %eq3A_2956 = arith.constant 2816 : i32
    %eq3A_2957 = vector.broadcast %eq3A_2956 : i32 to vector<128x128xi32>
    %eq3A_2958 = arith.cmpi eq, %sub3A_2711, %eq3A_2957 : vector<128x128xi32>
    %jit3A_2959 = arith.constant 0.000000e+00 : f32
    %broadcast_in_dim3A_2960 = vector.broadcast %jit3A_2959 : f32 to vector<128x128xf32>
    %select_n3A_2961 = arith.select %eq3A_2958, %get3A_2954, %broadcast_in_dim3A_2960 : vector<128x128xi1>, vector<128x128xf32>
    %add3A_2962 = arith.addf %add3A_2951, %select_n3A_2961 : vector<128x128xf32>
    %get3A_2963 = arith.constant 1152 : index
    %get3A_2964 = arith.constant 2944 : index
    %get3A_2965 = vector.load %arg2[%get3A_2963, %get3A_2964] : memref<2048x3200xf32, #tpu.memory_space<vmem>>, vector<128x128xf32>
    %add3A_2966 = arith.addf %add3A_2955, %get3A_2965 : vector<128x128xf32>
    %eq3A_2967 = arith.constant 2944 : i32
    %eq3A_2968 = vector.broadcast %eq3A_2967 : i32 to vector<128x128xi32>
    %eq3A_2969 = arith.cmpi eq, %sub3A_2711, %eq3A_2968 : vector<128x128xi32>
    %jit3A_2970 = arith.constant 0.000000e+00 : f32
    %broadcast_in_dim3A_2971 = vector.broadcast %jit3A_2970 : f32 to vector<128x128xf32>
    %select_n3A_2972 = arith.select %eq3A_2969, %get3A_2965, %broadcast_in_dim3A_2971 : vector<128x128xi1>, vector<128x128xf32>
    %add3A_2973 = arith.addf %add3A_2962, %select_n3A_2972 : vector<128x128xf32>
    %get3A_2974 = arith.constant 1152 : index
    %get3A_2975 = arith.constant 3072 : index
    %get3A_2976 = vector.load %arg2[%get3A_2974, %get3A_2975] : memref<2048x3200xf32, #tpu.memory_space<vmem>>, vector<128x128xf32>
    %add3A_2977 = arith.addf %add3A_2966, %get3A_2976 : vector<128x128xf32>
    %eq3A_2978 = arith.constant 3072 : i32
    %eq3A_2979 = vector.broadcast %eq3A_2978 : i32 to vector<128x128xi32>
    %eq3A_2980 = arith.cmpi eq, %sub3A_2711, %eq3A_2979 : vector<128x128xi32>
    %jit3A_2981 = arith.constant 0.000000e+00 : f32
    %broadcast_in_dim3A_2982 = vector.broadcast %jit3A_2981 : f32 to vector<128x128xf32>
    %select_n3A_2983 = arith.select %eq3A_2980, %get3A_2976, %broadcast_in_dim3A_2982 : vector<128x128xi1>, vector<128x128xf32>
    %add3A_2984 = arith.addf %add3A_2973, %select_n3A_2983 : vector<128x128xf32>
    %get3A_2985 = arith.constant 1152 : index
    %get3A_2986 = arith.constant 0 : index
    %get3A_2987 = vector.load %arg3[%get3A_2985, %get3A_2986] : memref<2048x256xf32, #tpu.memory_space<vmem>>, vector<128x128xf32>
    %add3A_2988 = arith.addf %get3A_2987, %add3A_2984 : vector<128x128xf32>
    %swap3A_2989 = arith.constant 1152 : index
    %swap3A_2990 = arith.constant 0 : index
    %swap3A_2991 = vector.load %arg3[%swap3A_2989, %swap3A_2990] : memref<2048x256xf32, #tpu.memory_space<vmem>>, vector<128x128xf32>
    tpu.vector_store %arg3[%swap3A_2989, %swap3A_2990], %add3A_2988 {strides = array<i32>} : memref<2048x256xf32, #tpu.memory_space<vmem>>, vector<128x128xf32>,
    %get3A_2992 = arith.constant 1152 : index
    %get3A_2993 = arith.constant 128 : index
    %get3A_2994 = vector.load %arg3[%get3A_2992, %get3A_2993] : memref<2048x256xf32, #tpu.memory_space<vmem>>, vector<128x1xf32>
    %reduce_sum3A_2995 = arith.constant dense<0.000000e+00> : vector<128xf32>
    %reduce_sum3A_2996 = vector.multi_reduction <add>, %add3A_2977, %reduce_sum3A_2995 [1] : vector<128x128xf32> to vector<128xf32>
    %broadcast_in_dim3A_2997 = vector.shape_cast %reduce_sum3A_2996 : vector<128xf32> to vector<128x1xf32>
    %add3A_2998 = arith.addf %get3A_2994, %broadcast_in_dim3A_2997 : vector<128x1xf32>
    %swap3A_2999 = arith.constant 1152 : index
    %swap3A_3000 = arith.constant 128 : index
    %swap3A_3001 = vector.load %arg3[%swap3A_2999, %swap3A_3000] : memref<2048x256xf32, #tpu.memory_space<vmem>>, vector<128x1xf32>
    tpu.vector_store %arg3[%swap3A_2999, %swap3A_3000], %add3A_2998 {strides = array<i32>} : memref<2048x256xf32, #tpu.memory_space<vmem>>, vector<128x1xf32>,
    %get3A_3002 = arith.constant 1280 : index
    %get3A_3003 = arith.constant 0 : index
    %get3A_3004 = vector.load %arg1[%get3A_3002, %get3A_3003] : memref<2048x1xi32, #tpu.memory_space<vmem>>, vector<128x1xi32>
    %broadcast_in_dim3A_3005 = vector.shape_cast %get3A_3004 : vector<128x1xi32> to vector<128x1xi32>
    %broadcast_in_dim3A_3006 = vector.broadcast %broadcast_in_dim3A_3005 : vector<128x1xi32> to vector<128x128xi32>
    %iota3A_3007 = tpu.iota {dimensions = array<i32: 1>} : vector<128x128xi32>
    %sub3A_3008 = arith.subi %broadcast_in_dim3A_3006, %iota3A_3007 : vector<128x128xi32>
    %mul3A_3009 = arith.constant 3200 : i32
    %mul3A_3010 = arith.muli %arg0, %mul3A_3009 : i32
    %sub3A_3011 = vector.broadcast %mul3A_3010 : i32 to vector<128x128xi32>
    %sub3A_3012 = arith.subi %sub3A_3008, %sub3A_3011 : vector<128x128xi32>
    %get3A_3013 = arith.constant 1280 : index
    %get3A_3014 = arith.constant 0 : index
    %get3A_3015 = vector.load %arg2[%get3A_3013, %get3A_3014] : memref<2048x3200xf32, #tpu.memory_space<vmem>>, vector<128x128xf32>
    %eq3A_3016 = arith.constant 0 : i32
    %eq3A_3017 = vector.broadcast %eq3A_3016 : i32 to vector<128x128xi32>
    %eq3A_3018 = arith.cmpi eq, %sub3A_3012, %eq3A_3017 : vector<128x128xi32>
    %jit3A_3019 = arith.constant 0.000000e+00 : f32
    %broadcast_in_dim3A_3020 = vector.broadcast %jit3A_3019 : f32 to vector<128x128xf32>
    %select_n3A_3021 = arith.select %eq3A_3018, %get3A_3015, %broadcast_in_dim3A_3020 : vector<128x128xi1>, vector<128x128xf32>
    %get3A_3022 = arith.constant 1280 : index
    %get3A_3023 = arith.constant 128 : index
    %get3A_3024 = vector.load %arg2[%get3A_3022, %get3A_3023] : memref<2048x3200xf32, #tpu.memory_space<vmem>>, vector<128x128xf32>
    %add3A_3025 = arith.addf %get3A_3015, %get3A_3024 : vector<128x128xf32>
    %eq3A_3026 = arith.constant 128 : i32
    %eq3A_3027 = vector.broadcast %eq3A_3026 : i32 to vector<128x128xi32>
    %eq3A_3028 = arith.cmpi eq, %sub3A_3012, %eq3A_3027 : vector<128x128xi32>
    %jit3A_3029 = arith.constant 0.000000e+00 : f32
    %broadcast_in_dim3A_3030 = vector.broadcast %jit3A_3029 : f32 to vector<128x128xf32>
    %select_n3A_3031 = arith.select %eq3A_3028, %get3A_3024, %broadcast_in_dim3A_3030 : vector<128x128xi1>, vector<128x128xf32>
    %add3A_3032 = arith.addf %select_n3A_3021, %select_n3A_3031 : vector<128x128xf32>
    %get3A_3033 = arith.constant 1280 : index
    %get3A_3034 = arith.constant 256 : index
    %get3A_3035 = vector.load %arg2[%get3A_3033, %get3A_3034] : memref<2048x3200xf32, #tpu.memory_space<vmem>>, vector<128x128xf32>
    %add3A_3036 = arith.addf %add3A_3025, %get3A_3035 : vector<128x128xf32>
    %eq3A_3037 = arith.constant 256 : i32
    %eq3A_3038 = vector.broadcast %eq3A_3037 : i32 to vector<128x128xi32>
    %eq3A_3039 = arith.cmpi eq, %sub3A_3012, %eq3A_3038 : vector<128x128xi32>
    %jit3A_3040 = arith.constant 0.000000e+00 : f32
    %broadcast_in_dim3A_3041 = vector.broadcast %jit3A_3040 : f32 to vector<128x128xf32>
    %select_n3A_3042 = arith.select %eq3A_3039, %get3A_3035, %broadcast_in_dim3A_3041 : vector<128x128xi1>, vector<128x128xf32>
    %add3A_3043 = arith.addf %add3A_3032, %select_n3A_3042 : vector<128x128xf32>
    %get3A_3044 = arith.constant 1280 : index
    %get3A_3045 = arith.constant 384 : index
    %get3A_3046 = vector.load %arg2[%get3A_3044, %get3A_3045] : memref<2048x3200xf32, #tpu.memory_space<vmem>>, vector<128x128xf32>
    %add3A_3047 = arith.addf %add3A_3036, %get3A_3046 : vector<128x128xf32>
    %eq3A_3048 = arith.constant 384 : i32
    %eq3A_3049 = vector.broadcast %eq3A_3048 : i32 to vector<128x128xi32>
    %eq3A_3050 = arith.cmpi eq, %sub3A_3012, %eq3A_3049 : vector<128x128xi32>
    %jit3A_3051 = arith.constant 0.000000e+00 : f32
    %broadcast_in_dim3A_3052 = vector.broadcast %jit3A_3051 : f32 to vector<128x128xf32>
    %select_n3A_3053 = arith.select %eq3A_3050, %get3A_3046, %broadcast_in_dim3A_3052 : vector<128x128xi1>, vector<128x128xf32>
    %add3A_3054 = arith.addf %add3A_3043, %select_n3A_3053 : vector<128x128xf32>
    %get3A_3055 = arith.constant 1280 : index
    %get3A_3056 = arith.constant 512 : index
    %get3A_3057 = vector.load %arg2[%get3A_3055, %get3A_3056] : memref<2048x3200xf32, #tpu.memory_space<vmem>>, vector<128x128xf32>
    %add3A_3058 = arith.addf %add3A_3047, %get3A_3057 : vector<128x128xf32>
    %eq3A_3059 = arith.constant 512 : i32
    %eq3A_3060 = vector.broadcast %eq3A_3059 : i32 to vector<128x128xi32>
    %eq3A_3061 = arith.cmpi eq, %sub3A_3012, %eq3A_3060 : vector<128x128xi32>
    %jit3A_3062 = arith.constant 0.000000e+00 : f32
    %broadcast_in_dim3A_3063 = vector.broadcast %jit3A_3062 : f32 to vector<128x128xf32>
    %select_n3A_3064 = arith.select %eq3A_3061, %get3A_3057, %broadcast_in_dim3A_3063 : vector<128x128xi1>, vector<128x128xf32>
    %add3A_3065 = arith.addf %add3A_3054, %select_n3A_3064 : vector<128x128xf32>
    %get3A_3066 = arith.constant 1280 : index
    %get3A_3067 = arith.constant 640 : index
    %get3A_3068 = vector.load %arg2[%get3A_3066, %get3A_3067] : memref<2048x3200xf32, #tpu.memory_space<vmem>>, vector<128x128xf32>
    %add3A_3069 = arith.addf %add3A_3058, %get3A_3068 : vector<128x128xf32>
    %eq3A_3070 = arith.constant 640 : i32
    %eq3A_3071 = vector.broadcast %eq3A_3070 : i32 to vector<128x128xi32>
    %eq3A_3072 = arith.cmpi eq, %sub3A_3012, %eq3A_3071 : vector<128x128xi32>
    %jit3A_3073 = arith.constant 0.000000e+00 : f32
    %broadcast_in_dim3A_3074 = vector.broadcast %jit3A_3073 : f32 to vector<128x128xf32>
    %select_n3A_3075 = arith.select %eq3A_3072, %get3A_3068, %broadcast_in_dim3A_3074 : vector<128x128xi1>, vector<128x128xf32>
    %add3A_3076 = arith.addf %add3A_3065, %select_n3A_3075 : vector<128x128xf32>
    %get3A_3077 = arith.constant 1280 : index
    %get3A_3078 = arith.constant 768 : index
    %get3A_3079 = vector.load %arg2[%get3A_3077, %get3A_3078] : memref<2048x3200xf32, #tpu.memory_space<vmem>>, vector<128x128xf32>
    %add3A_3080 = arith.addf %add3A_3069, %get3A_3079 : vector<128x128xf32>
    %eq3A_3081 = arith.constant 768 : i32
    %eq3A_3082 = vector.broadcast %eq3A_3081 : i32 to vector<128x128xi32>
    %eq3A_3083 = arith.cmpi eq, %sub3A_3012, %eq3A_3082 : vector<128x128xi32>
    %jit3A_3084 = arith.constant 0.000000e+00 : f32
    %broadcast_in_dim3A_3085 = vector.broadcast %jit3A_3084 : f32 to vector<128x128xf32>
    %select_n3A_3086 = arith.select %eq3A_3083, %get3A_3079, %broadcast_in_dim3A_3085 : vector<128x128xi1>, vector<128x128xf32>
    %add3A_3087 = arith.addf %add3A_3076, %select_n3A_3086 : vector<128x128xf32>
    %get3A_3088 = arith.constant 1280 : index
    %get3A_3089 = arith.constant 896 : index
    %get3A_3090 = vector.load %arg2[%get3A_3088, %get3A_3089] : memref<2048x3200xf32, #tpu.memory_space<vmem>>, vector<128x128xf32>
    %add3A_3091 = arith.addf %add3A_3080, %get3A_3090 : vector<128x128xf32>
    %eq3A_3092 = arith.constant 896 : i32
    %eq3A_3093 = vector.broadcast %eq3A_3092 : i32 to vector<128x128xi32>
    %eq3A_3094 = arith.cmpi eq, %sub3A_3012, %eq3A_3093 : vector<128x128xi32>
    %jit3A_3095 = arith.constant 0.000000e+00 : f32
    %broadcast_in_dim3A_3096 = vector.broadcast %jit3A_3095 : f32 to vector<128x128xf32>
    %select_n3A_3097 = arith.select %eq3A_3094, %get3A_3090, %broadcast_in_dim3A_3096 : vector<128x128xi1>, vector<128x128xf32>
    %add3A_3098 = arith.addf %add3A_3087, %select_n3A_3097 : vector<128x128xf32>
    %get3A_3099 = arith.constant 1280 : index
    %get3A_3100 = arith.constant 1024 : index
    %get3A_3101 = vector.load %arg2[%get3A_3099, %get3A_3100] : memref<2048x3200xf32, #tpu.memory_space<vmem>>, vector<128x128xf32>
    %add3A_3102 = arith.addf %add3A_3091, %get3A_3101 : vector<128x128xf32>
    %eq3A_3103 = arith.constant 1024 : i32
    %eq3A_3104 = vector.broadcast %eq3A_3103 : i32 to vector<128x128xi32>
    %eq3A_3105 = arith.cmpi eq, %sub3A_3012, %eq3A_3104 : vector<128x128xi32>
    %jit3A_3106 = arith.constant 0.000000e+00 : f32
    %broadcast_in_dim3A_3107 = vector.broadcast %jit3A_3106 : f32 to vector<128x128xf32>
    %select_n3A_3108 = arith.select %eq3A_3105, %get3A_3101, %broadcast_in_dim3A_3107 : vector<128x128xi1>, vector<128x128xf32>
    %add3A_3109 = arith.addf %add3A_3098, %select_n3A_3108 : vector<128x128xf32>
    %get3A_3110 = arith.constant 1280 : index
    %get3A_3111 = arith.constant 1152 : index
    %get3A_3112 = vector.load %arg2[%get3A_3110, %get3A_3111] : memref<2048x3200xf32, #tpu.memory_space<vmem>>, vector<128x128xf32>
    %add3A_3113 = arith.addf %add3A_3102, %get3A_3112 : vector<128x128xf32>
    %eq3A_3114 = arith.constant 1152 : i32
    %eq3A_3115 = vector.broadcast %eq3A_3114 : i32 to vector<128x128xi32>
    %eq3A_3116 = arith.cmpi eq, %sub3A_3012, %eq3A_3115 : vector<128x128xi32>
    %jit3A_3117 = arith.constant 0.000000e+00 : f32
    %broadcast_in_dim3A_3118 = vector.broadcast %jit3A_3117 : f32 to vector<128x128xf32>
    %select_n3A_3119 = arith.select %eq3A_3116, %get3A_3112, %broadcast_in_dim3A_3118 : vector<128x128xi1>, vector<128x128xf32>
    %add3A_3120 = arith.addf %add3A_3109, %select_n3A_3119 : vector<128x128xf32>
    %get3A_3121 = arith.constant 1280 : index
    %get3A_3122 = arith.constant 1280 : index
    %get3A_3123 = vector.load %arg2[%get3A_3121, %get3A_3122] : memref<2048x3200xf32, #tpu.memory_space<vmem>>, vector<128x128xf32>
    %add3A_3124 = arith.addf %add3A_3113, %get3A_3123 : vector<128x128xf32>
    %eq3A_3125 = arith.constant 1280 : i32
    %eq3A_3126 = vector.broadcast %eq3A_3125 : i32 to vector<128x128xi32>
    %eq3A_3127 = arith.cmpi eq, %sub3A_3012, %eq3A_3126 : vector<128x128xi32>
    %jit3A_3128 = arith.constant 0.000000e+00 : f32
    %broadcast_in_dim3A_3129 = vector.broadcast %jit3A_3128 : f32 to vector<128x128xf32>
    %select_n3A_3130 = arith.select %eq3A_3127, %get3A_3123, %broadcast_in_dim3A_3129 : vector<128x128xi1>, vector<128x128xf32>
    %add3A_3131 = arith.addf %add3A_3120, %select_n3A_3130 : vector<128x128xf32>
    %get3A_3132 = arith.constant 1280 : index
    %get3A_3133 = arith.constant 1408 : index
    %get3A_3134 = vector.load %arg2[%get3A_3132, %get3A_3133] : memref<2048x3200xf32, #tpu.memory_space<vmem>>, vector<128x128xf32>
    %add3A_3135 = arith.addf %add3A_3124, %get3A_3134 : vector<128x128xf32>
    %eq3A_3136 = arith.constant 1408 : i32
    %eq3A_3137 = vector.broadcast %eq3A_3136 : i32 to vector<128x128xi32>
    %eq3A_3138 = arith.cmpi eq, %sub3A_3012, %eq3A_3137 : vector<128x128xi32>
    %jit3A_3139 = arith.constant 0.000000e+00 : f32
    %broadcast_in_dim3A_3140 = vector.broadcast %jit3A_3139 : f32 to vector<128x128xf32>
    %select_n3A_3141 = arith.select %eq3A_3138, %get3A_3134, %broadcast_in_dim3A_3140 : vector<128x128xi1>, vector<128x128xf32>
    %add3A_3142 = arith.addf %add3A_3131, %select_n3A_3141 : vector<128x128xf32>
    %get3A_3143 = arith.constant 1280 : index
    %get3A_3144 = arith.constant 1536 : index
    %get3A_3145 = vector.load %arg2[%get3A_3143, %get3A_3144] : memref<2048x3200xf32, #tpu.memory_space<vmem>>, vector<128x128xf32>
    %add3A_3146 = arith.addf %add3A_3135, %get3A_3145 : vector<128x128xf32>
    %eq3A_3147 = arith.constant 1536 : i32
    %eq3A_3148 = vector.broadcast %eq3A_3147 : i32 to vector<128x128xi32>
    %eq3A_3149 = arith.cmpi eq, %sub3A_3012, %eq3A_3148 : vector<128x128xi32>
    %jit3A_3150 = arith.constant 0.000000e+00 : f32
    %broadcast_in_dim3A_3151 = vector.broadcast %jit3A_3150 : f32 to vector<128x128xf32>
    %select_n3A_3152 = arith.select %eq3A_3149, %get3A_3145, %broadcast_in_dim3A_3151 : vector<128x128xi1>, vector<128x128xf32>
    %add3A_3153 = arith.addf %add3A_3142, %select_n3A_3152 : vector<128x128xf32>
    %get3A_3154 = arith.constant 1280 : index
    %get3A_3155 = arith.constant 1664 : index
    %get3A_3156 = vector.load %arg2[%get3A_3154, %get3A_3155] : memref<2048x3200xf32, #tpu.memory_space<vmem>>, vector<128x128xf32>
    %add3A_3157 = arith.addf %add3A_3146, %get3A_3156 : vector<128x128xf32>
    %eq3A_3158 = arith.constant 1664 : i32
    %eq3A_3159 = vector.broadcast %eq3A_3158 : i32 to vector<128x128xi32>
    %eq3A_3160 = arith.cmpi eq, %sub3A_3012, %eq3A_3159 : vector<128x128xi32>
    %jit3A_3161 = arith.constant 0.000000e+00 : f32
    %broadcast_in_dim3A_3162 = vector.broadcast %jit3A_3161 : f32 to vector<128x128xf32>
    %select_n3A_3163 = arith.select %eq3A_3160, %get3A_3156, %broadcast_in_dim3A_3162 : vector<128x128xi1>, vector<128x128xf32>
    %add3A_3164 = arith.addf %add3A_3153, %select_n3A_3163 : vector<128x128xf32>
    %get3A_3165 = arith.constant 1280 : index
    %get3A_3166 = arith.constant 1792 : index
    %get3A_3167 = vector.load %arg2[%get3A_3165, %get3A_3166] : memref<2048x3200xf32, #tpu.memory_space<vmem>>, vector<128x128xf32>
    %add3A_3168 = arith.addf %add3A_3157, %get3A_3167 : vector<128x128xf32>
    %eq3A_3169 = arith.constant 1792 : i32
    %eq3A_3170 = vector.broadcast %eq3A_3169 : i32 to vector<128x128xi32>
    %eq3A_3171 = arith.cmpi eq, %sub3A_3012, %eq3A_3170 : vector<128x128xi32>
    %jit3A_3172 = arith.constant 0.000000e+00 : f32
    %broadcast_in_dim3A_3173 = vector.broadcast %jit3A_3172 : f32 to vector<128x128xf32>
    %select_n3A_3174 = arith.select %eq3A_3171, %get3A_3167, %broadcast_in_dim3A_3173 : vector<128x128xi1>, vector<128x128xf32>
    %add3A_3175 = arith.addf %add3A_3164, %select_n3A_3174 : vector<128x128xf32>
    %get3A_3176 = arith.constant 1280 : index
    %get3A_3177 = arith.constant 1920 : index
    %get3A_3178 = vector.load %arg2[%get3A_3176, %get3A_3177] : memref<2048x3200xf32, #tpu.memory_space<vmem>>, vector<128x128xf32>
    %add3A_3179 = arith.addf %add3A_3168, %get3A_3178 : vector<128x128xf32>
    %eq3A_3180 = arith.constant 1920 : i32
    %eq3A_3181 = vector.broadcast %eq3A_3180 : i32 to vector<128x128xi32>
    %eq3A_3182 = arith.cmpi eq, %sub3A_3012, %eq3A_3181 : vector<128x128xi32>
    %jit3A_3183 = arith.constant 0.000000e+00 : f32
    %broadcast_in_dim3A_3184 = vector.broadcast %jit3A_3183 : f32 to vector<128x128xf32>
    %select_n3A_3185 = arith.select %eq3A_3182, %get3A_3178, %broadcast_in_dim3A_3184 : vector<128x128xi1>, vector<128x128xf32>
    %add3A_3186 = arith.addf %add3A_3175, %select_n3A_3185 : vector<128x128xf32>
    %get3A_3187 = arith.constant 1280 : index
    %get3A_3188 = arith.constant 2048 : index
    %get3A_3189 = vector.load %arg2[%get3A_3187, %get3A_3188] : memref<2048x3200xf32, #tpu.memory_space<vmem>>, vector<128x128xf32>
    %add3A_3190 = arith.addf %add3A_3179, %get3A_3189 : vector<128x128xf32>
    %eq3A_3191 = arith.constant 2048 : i32
    %eq3A_3192 = vector.broadcast %eq3A_3191 : i32 to vector<128x128xi32>
    %eq3A_3193 = arith.cmpi eq, %sub3A_3012, %eq3A_3192 : vector<128x128xi32>
    %jit3A_3194 = arith.constant 0.000000e+00 : f32
    %broadcast_in_dim3A_3195 = vector.broadcast %jit3A_3194 : f32 to vector<128x128xf32>
    %select_n3A_3196 = arith.select %eq3A_3193, %get3A_3189, %broadcast_in_dim3A_3195 : vector<128x128xi1>, vector<128x128xf32>
    %add3A_3197 = arith.addf %add3A_3186, %select_n3A_3196 : vector<128x128xf32>
    %get3A_3198 = arith.constant 1280 : index
    %get3A_3199 = arith.constant 2176 : index
    %get3A_3200 = vector.load %arg2[%get3A_3198, %get3A_3199] : memref<2048x3200xf32, #tpu.memory_space<vmem>>, vector<128x128xf32>
    %add3A_3201 = arith.addf %add3A_3190, %get3A_3200 : vector<128x128xf32>
    %eq3A_3202 = arith.constant 2176 : i32
    %eq3A_3203 = vector.broadcast %eq3A_3202 : i32 to vector<128x128xi32>
    %eq3A_3204 = arith.cmpi eq, %sub3A_3012, %eq3A_3203 : vector<128x128xi32>
    %jit3A_3205 = arith.constant 0.000000e+00 : f32
    %broadcast_in_dim3A_3206 = vector.broadcast %jit3A_3205 : f32 to vector<128x128xf32>
    %select_n3A_3207 = arith.select %eq3A_3204, %get3A_3200, %broadcast_in_dim3A_3206 : vector<128x128xi1>, vector<128x128xf32>
    %add3A_3208 = arith.addf %add3A_3197, %select_n3A_3207 : vector<128x128xf32>
    %get3A_3209 = arith.constant 1280 : index
    %get3A_3210 = arith.constant 2304 : index
    %get3A_3211 = vector.load %arg2[%get3A_3209, %get3A_3210] : memref<2048x3200xf32, #tpu.memory_space<vmem>>, vector<128x128xf32>
    %add3A_3212 = arith.addf %add3A_3201, %get3A_3211 : vector<128x128xf32>
    %eq3A_3213 = arith.constant 2304 : i32
    %eq3A_3214 = vector.broadcast %eq3A_3213 : i32 to vector<128x128xi32>
    %eq3A_3215 = arith.cmpi eq, %sub3A_3012, %eq3A_3214 : vector<128x128xi32>
    %jit3A_3216 = arith.constant 0.000000e+00 : f32
    %broadcast_in_dim3A_3217 = vector.broadcast %jit3A_3216 : f32 to vector<128x128xf32>
    %select_n3A_3218 = arith.select %eq3A_3215, %get3A_3211, %broadcast_in_dim3A_3217 : vector<128x128xi1>, vector<128x128xf32>
    %add3A_3219 = arith.addf %add3A_3208, %select_n3A_3218 : vector<128x128xf32>
    %get3A_3220 = arith.constant 1280 : index
    %get3A_3221 = arith.constant 2432 : index
    %get3A_3222 = vector.load %arg2[%get3A_3220, %get3A_3221] : memref<2048x3200xf32, #tpu.memory_space<vmem>>, vector<128x128xf32>
    %add3A_3223 = arith.addf %add3A_3212, %get3A_3222 : vector<128x128xf32>
    %eq3A_3224 = arith.constant 2432 : i32
    %eq3A_3225 = vector.broadcast %eq3A_3224 : i32 to vector<128x128xi32>
    %eq3A_3226 = arith.cmpi eq, %sub3A_3012, %eq3A_3225 : vector<128x128xi32>
    %jit3A_3227 = arith.constant 0.000000e+00 : f32
    %broadcast_in_dim3A_3228 = vector.broadcast %jit3A_3227 : f32 to vector<128x128xf32>
    %select_n3A_3229 = arith.select %eq3A_3226, %get3A_3222, %broadcast_in_dim3A_3228 : vector<128x128xi1>, vector<128x128xf32>
    %add3A_3230 = arith.addf %add3A_3219, %select_n3A_3229 : vector<128x128xf32>
    %get3A_3231 = arith.constant 1280 : index
    %get3A_3232 = arith.constant 2560 : index
    %get3A_3233 = vector.load %arg2[%get3A_3231, %get3A_3232] : memref<2048x3200xf32, #tpu.memory_space<vmem>>, vector<128x128xf32>
    %add3A_3234 = arith.addf %add3A_3223, %get3A_3233 : vector<128x128xf32>
    %eq3A_3235 = arith.constant 2560 : i32
    %eq3A_3236 = vector.broadcast %eq3A_3235 : i32 to vector<128x128xi32>
    %eq3A_3237 = arith.cmpi eq, %sub3A_3012, %eq3A_3236 : vector<128x128xi32>
    %jit3A_3238 = arith.constant 0.000000e+00 : f32
    %broadcast_in_dim3A_3239 = vector.broadcast %jit3A_3238 : f32 to vector<128x128xf32>
    %select_n3A_3240 = arith.select %eq3A_3237, %get3A_3233, %broadcast_in_dim3A_3239 : vector<128x128xi1>, vector<128x128xf32>
    %add3A_3241 = arith.addf %add3A_3230, %select_n3A_3240 : vector<128x128xf32>
    %get3A_3242 = arith.constant 1280 : index
    %get3A_3243 = arith.constant 2688 : index
    %get3A_3244 = vector.load %arg2[%get3A_3242, %get3A_3243] : memref<2048x3200xf32, #tpu.memory_space<vmem>>, vector<128x128xf32>
    %add3A_3245 = arith.addf %add3A_3234, %get3A_3244 : vector<128x128xf32>
    %eq3A_3246 = arith.constant 2688 : i32
    %eq3A_3247 = vector.broadcast %eq3A_3246 : i32 to vector<128x128xi32>
    %eq3A_3248 = arith.cmpi eq, %sub3A_3012, %eq3A_3247 : vector<128x128xi32>
    %jit3A_3249 = arith.constant 0.000000e+00 : f32
    %broadcast_in_dim3A_3250 = vector.broadcast %jit3A_3249 : f32 to vector<128x128xf32>
    %select_n3A_3251 = arith.select %eq3A_3248, %get3A_3244, %broadcast_in_dim3A_3250 : vector<128x128xi1>, vector<128x128xf32>
    %add3A_3252 = arith.addf %add3A_3241, %select_n3A_3251 : vector<128x128xf32>
    %get3A_3253 = arith.constant 1280 : index
    %get3A_3254 = arith.constant 2816 : index
    %get3A_3255 = vector.load %arg2[%get3A_3253, %get3A_3254] : memref<2048x3200xf32, #tpu.memory_space<vmem>>, vector<128x128xf32>
    %add3A_3256 = arith.addf %add3A_3245, %get3A_3255 : vector<128x128xf32>
    %eq3A_3257 = arith.constant 2816 : i32
    %eq3A_3258 = vector.broadcast %eq3A_3257 : i32 to vector<128x128xi32>
    %eq3A_3259 = arith.cmpi eq, %sub3A_3012, %eq3A_3258 : vector<128x128xi32>
    %jit3A_3260 = arith.constant 0.000000e+00 : f32
    %broadcast_in_dim3A_3261 = vector.broadcast %jit3A_3260 : f32 to vector<128x128xf32>
    %select_n3A_3262 = arith.select %eq3A_3259, %get3A_3255, %broadcast_in_dim3A_3261 : vector<128x128xi1>, vector<128x128xf32>
    %add3A_3263 = arith.addf %add3A_3252, %select_n3A_3262 : vector<128x128xf32>
    %get3A_3264 = arith.constant 1280 : index
    %get3A_3265 = arith.constant 2944 : index
    %get3A_3266 = vector.load %arg2[%get3A_3264, %get3A_3265] : memref<2048x3200xf32, #tpu.memory_space<vmem>>, vector<128x128xf32>
    %add3A_3267 = arith.addf %add3A_3256, %get3A_3266 : vector<128x128xf32>
    %eq3A_3268 = arith.constant 2944 : i32
    %eq3A_3269 = vector.broadcast %eq3A_3268 : i32 to vector<128x128xi32>
    %eq3A_3270 = arith.cmpi eq, %sub3A_3012, %eq3A_3269 : vector<128x128xi32>
    %jit3A_3271 = arith.constant 0.000000e+00 : f32
    %broadcast_in_dim3A_3272 = vector.broadcast %jit3A_3271 : f32 to vector<128x128xf32>
    %select_n3A_3273 = arith.select %eq3A_3270, %get3A_3266, %broadcast_in_dim3A_3272 : vector<128x128xi1>, vector<128x128xf32>
    %add3A_3274 = arith.addf %add3A_3263, %select_n3A_3273 : vector<128x128xf32>
    %get3A_3275 = arith.constant 1280 : index
    %get3A_3276 = arith.constant 3072 : index
    %get3A_3277 = vector.load %arg2[%get3A_3275, %get3A_3276] : memref<2048x3200xf32, #tpu.memory_space<vmem>>, vector<128x128xf32>
    %add3A_3278 = arith.addf %add3A_3267, %get3A_3277 : vector<128x128xf32>
    %eq3A_3279 = arith.constant 3072 : i32
    %eq3A_3280 = vector.broadcast %eq3A_3279 : i32 to vector<128x128xi32>
    %eq3A_3281 = arith.cmpi eq, %sub3A_3012, %eq3A_3280 : vector<128x128xi32>
    %jit3A_3282 = arith.constant 0.000000e+00 : f32
    %broadcast_in_dim3A_3283 = vector.broadcast %jit3A_3282 : f32 to vector<128x128xf32>
    %select_n3A_3284 = arith.select %eq3A_3281, %get3A_3277, %broadcast_in_dim3A_3283 : vector<128x128xi1>, vector<128x128xf32>
    %add3A_3285 = arith.addf %add3A_3274, %select_n3A_3284 : vector<128x128xf32>
    %get3A_3286 = arith.constant 1280 : index
    %get3A_3287 = arith.constant 0 : index
    %get3A_3288 = vector.load %arg3[%get3A_3286, %get3A_3287] : memref<2048x256xf32, #tpu.memory_space<vmem>>, vector<128x128xf32>
    %add3A_3289 = arith.addf %get3A_3288, %add3A_3285 : vector<128x128xf32>
    %swap3A_3290 = arith.constant 1280 : index
    %swap3A_3291 = arith.constant 0 : index
    %swap3A_3292 = vector.load %arg3[%swap3A_3290, %swap3A_3291] : memref<2048x256xf32, #tpu.memory_space<vmem>>, vector<128x128xf32>
    tpu.vector_store %arg3[%swap3A_3290, %swap3A_3291], %add3A_3289 {strides = array<i32>} : memref<2048x256xf32, #tpu.memory_space<vmem>>, vector<128x128xf32>,
    %get3A_3293 = arith.constant 1280 : index
    %get3A_3294 = arith.constant 128 : index
    %get3A_3295 = vector.load %arg3[%get3A_3293, %get3A_3294] : memref<2048x256xf32, #tpu.memory_space<vmem>>, vector<128x1xf32>
    %reduce_sum3A_3296 = arith.constant dense<0.000000e+00> : vector<128xf32>
    %reduce_sum3A_3297 = vector.multi_reduction <add>, %add3A_3278, %reduce_sum3A_3296 [1] : vector<128x128xf32> to vector<128xf32>
    %broadcast_in_dim3A_3298 = vector.shape_cast %reduce_sum3A_3297 : vector<128xf32> to vector<128x1xf32>
    %add3A_3299 = arith.addf %get3A_3295, %broadcast_in_dim3A_3298 : vector<128x1xf32>
    %swap3A_3300 = arith.constant 1280 : index
    %swap3A_3301 = arith.constant 128 : index
    %swap3A_3302 = vector.load %arg3[%swap3A_3300, %swap3A_3301] : memref<2048x256xf32, #tpu.memory_space<vmem>>, vector<128x1xf32>
    tpu.vector_store %arg3[%swap3A_3300, %swap3A_3301], %add3A_3299 {strides = array<i32>} : memref<2048x256xf32, #tpu.memory_space<vmem>>, vector<128x1xf32>,
    %get3A_3303 = arith.constant 1408 : index
    %get3A_3304 = arith.constant 0 : index
    %get3A_3305 = vector.load %arg1[%get3A_3303, %get3A_3304] : memref<2048x1xi32, #tpu.memory_space<vmem>>, vector<128x1xi32>
    %broadcast_in_dim3A_3306 = vector.shape_cast %get3A_3305 : vector<128x1xi32> to vector<128x1xi32>
    %broadcast_in_dim3A_3307 = vector.broadcast %broadcast_in_dim3A_3306 : vector<128x1xi32> to vector<128x128xi32>
    %iota3A_3308 = tpu.iota {dimensions = array<i32: 1>} : vector<128x128xi32>
    %sub3A_3309 = arith.subi %broadcast_in_dim3A_3307, %iota3A_3308 : vector<128x128xi32>
    %mul3A_3310 = arith.constant 3200 : i32
    %mul3A_3311 = arith.muli %arg0, %mul3A_3310 : i32
    %sub3A_3312 = vector.broadcast %mul3A_3311 : i32 to vector<128x128xi32>
    %sub3A_3313 = arith.subi %sub3A_3309, %sub3A_3312 : vector<128x128xi32>
    %get3A_3314 = arith.constant 1408 : index
    %get3A_3315 = arith.constant 0 : index
    %get3A_3316 = vector.load %arg2[%get3A_3314, %get3A_3315] : memref<2048x3200xf32, #tpu.memory_space<vmem>>, vector<128x128xf32>
    %eq3A_3317 = arith.constant 0 : i32
    %eq3A_3318 = vector.broadcast %eq3A_3317 : i32 to vector<128x128xi32>
    %eq3A_3319 = arith.cmpi eq, %sub3A_3313, %eq3A_3318 : vector<128x128xi32>
    %jit3A_3320 = arith.constant 0.000000e+00 : f32
    %broadcast_in_dim3A_3321 = vector.broadcast %jit3A_3320 : f32 to vector<128x128xf32>
    %select_n3A_3322 = arith.select %eq3A_3319, %get3A_3316, %broadcast_in_dim3A_3321 : vector<128x128xi1>, vector<128x128xf32>
    %get3A_3323 = arith.constant 1408 : index
    %get3A_3324 = arith.constant 128 : index
    %get3A_3325 = vector.load %arg2[%get3A_3323, %get3A_3324] : memref<2048x3200xf32, #tpu.memory_space<vmem>>, vector<128x128xf32>
    %add3A_3326 = arith.addf %get3A_3316, %get3A_3325 : vector<128x128xf32>
    %eq3A_3327 = arith.constant 128 : i32
    %eq3A_3328 = vector.broadcast %eq3A_3327 : i32 to vector<128x128xi32>
    %eq3A_3329 = arith.cmpi eq, %sub3A_3313, %eq3A_3328 : vector<128x128xi32>
    %jit3A_3330 = arith.constant 0.000000e+00 : f32
    %broadcast_in_dim3A_3331 = vector.broadcast %jit3A_3330 : f32 to vector<128x128xf32>
    %select_n3A_3332 = arith.select %eq3A_3329, %get3A_3325, %broadcast_in_dim3A_3331 : vector<128x128xi1>, vector<128x128xf32>
    %add3A_3333 = arith.addf %select_n3A_3322, %select_n3A_3332 : vector<128x128xf32>
    %get3A_3334 = arith.constant 1408 : index
    %get3A_3335 = arith.constant 256 : index
    %get3A_3336 = vector.load %arg2[%get3A_3334, %get3A_3335] : memref<2048x3200xf32, #tpu.memory_space<vmem>>, vector<128x128xf32>
    %add3A_3337 = arith.addf %add3A_3326, %get3A_3336 : vector<128x128xf32>
    %eq3A_3338 = arith.constant 256 : i32
    %eq3A_3339 = vector.broadcast %eq3A_3338 : i32 to vector<128x128xi32>
    %eq3A_3340 = arith.cmpi eq, %sub3A_3313, %eq3A_3339 : vector<128x128xi32>
    %jit3A_3341 = arith.constant 0.000000e+00 : f32
    %broadcast_in_dim3A_3342 = vector.broadcast %jit3A_3341 : f32 to vector<128x128xf32>
    %select_n3A_3343 = arith.select %eq3A_3340, %get3A_3336, %broadcast_in_dim3A_3342 : vector<128x128xi1>, vector<128x128xf32>
    %add3A_3344 = arith.addf %add3A_3333, %select_n3A_3343 : vector<128x128xf32>
    %get3A_3345 = arith.constant 1408 : index
    %get3A_3346 = arith.constant 384 : index
    %get3A_3347 = vector.load %arg2[%get3A_3345, %get3A_3346] : memref<2048x3200xf32, #tpu.memory_space<vmem>>, vector<128x128xf32>
    %add3A_3348 = arith.addf %add3A_3337, %get3A_3347 : vector<128x128xf32>
    %eq3A_3349 = arith.constant 384 : i32
    %eq3A_3350 = vector.broadcast %eq3A_3349 : i32 to vector<128x128xi32>
    %eq3A_3351 = arith.cmpi eq, %sub3A_3313, %eq3A_3350 : vector<128x128xi32>
    %jit3A_3352 = arith.constant 0.000000e+00 : f32
    %broadcast_in_dim3A_3353 = vector.broadcast %jit3A_3352 : f32 to vector<128x128xf32>
    %select_n3A_3354 = arith.select %eq3A_3351, %get3A_3347, %broadcast_in_dim3A_3353 : vector<128x128xi1>, vector<128x128xf32>
    %add3A_3355 = arith.addf %add3A_3344, %select_n3A_3354 : vector<128x128xf32>
    %get3A_3356 = arith.constant 1408 : index
    %get3A_3357 = arith.constant 512 : index
    %get3A_3358 = vector.load %arg2[%get3A_3356, %get3A_3357] : memref<2048x3200xf32, #tpu.memory_space<vmem>>, vector<128x128xf32>
    %add3A_3359 = arith.addf %add3A_3348, %get3A_3358 : vector<128x128xf32>
    %eq3A_3360 = arith.constant 512 : i32
    %eq3A_3361 = vector.broadcast %eq3A_3360 : i32 to vector<128x128xi32>
    %eq3A_3362 = arith.cmpi eq, %sub3A_3313, %eq3A_3361 : vector<128x128xi32>
    %jit3A_3363 = arith.constant 0.000000e+00 : f32
    %broadcast_in_dim3A_3364 = vector.broadcast %jit3A_3363 : f32 to vector<128x128xf32>
    %select_n3A_3365 = arith.select %eq3A_3362, %get3A_3358, %broadcast_in_dim3A_3364 : vector<128x128xi1>, vector<128x128xf32>
    %add3A_3366 = arith.addf %add3A_3355, %select_n3A_3365 : vector<128x128xf32>
    %get3A_3367 = arith.constant 1408 : index
    %get3A_3368 = arith.constant 640 : index
    %get3A_3369 = vector.load %arg2[%get3A_3367, %get3A_3368] : memref<2048x3200xf32, #tpu.memory_space<vmem>>, vector<128x128xf32>
    %add3A_3370 = arith.addf %add3A_3359, %get3A_3369 : vector<128x128xf32>
    %eq3A_3371 = arith.constant 640 : i32
    %eq3A_3372 = vector.broadcast %eq3A_3371 : i32 to vector<128x128xi32>
    %eq3A_3373 = arith.cmpi eq, %sub3A_3313, %eq3A_3372 : vector<128x128xi32>
    %jit3A_3374 = arith.constant 0.000000e+00 : f32
    %broadcast_in_dim3A_3375 = vector.broadcast %jit3A_3374 : f32 to vector<128x128xf32>
    %select_n3A_3376 = arith.select %eq3A_3373, %get3A_3369, %broadcast_in_dim3A_3375 : vector<128x128xi1>, vector<128x128xf32>
    %add3A_3377 = arith.addf %add3A_3366, %select_n3A_3376 : vector<128x128xf32>
    %get3A_3378 = arith.constant 1408 : index
    %get3A_3379 = arith.constant 768 : index
    %get3A_3380 = vector.load %arg2[%get3A_3378, %get3A_3379] : memref<2048x3200xf32, #tpu.memory_space<vmem>>, vector<128x128xf32>
    %add3A_3381 = arith.addf %add3A_3370, %get3A_3380 : vector<128x128xf32>
    %eq3A_3382 = arith.constant 768 : i32
    %eq3A_3383 = vector.broadcast %eq3A_3382 : i32 to vector<128x128xi32>
    %eq3A_3384 = arith.cmpi eq, %sub3A_3313, %eq3A_3383 : vector<128x128xi32>
    %jit3A_3385 = arith.constant 0.000000e+00 : f32
    %broadcast_in_dim3A_3386 = vector.broadcast %jit3A_3385 : f32 to vector<128x128xf32>
    %select_n3A_3387 = arith.select %eq3A_3384, %get3A_3380, %broadcast_in_dim3A_3386 : vector<128x128xi1>, vector<128x128xf32>
    %add3A_3388 = arith.addf %add3A_3377, %select_n3A_3387 : vector<128x128xf32>
    %get3A_3389 = arith.constant 1408 : index
    %get3A_3390 = arith.constant 896 : index
    %get3A_3391 = vector.load %arg2[%get3A_3389, %get3A_3390] : memref<2048x3200xf32, #tpu.memory_space<vmem>>, vector<128x128xf32>
    %add3A_3392 = arith.addf %add3A_3381, %get3A_3391 : vector<128x128xf32>
    %eq3A_3393 = arith.constant 896 : i32
    %eq3A_3394 = vector.broadcast %eq3A_3393 : i32 to vector<128x128xi32>
    %eq3A_3395 = arith.cmpi eq, %sub3A_3313, %eq3A_3394 : vector<128x128xi32>
    %jit3A_3396 = arith.constant 0.000000e+00 : f32
    %broadcast_in_dim3A_3397 = vector.broadcast %jit3A_3396 : f32 to vector<128x128xf32>
    %select_n3A_3398 = arith.select %eq3A_3395, %get3A_3391, %broadcast_in_dim3A_3397 : vector<128x128xi1>, vector<128x128xf32>
    %add3A_3399 = arith.addf %add3A_3388, %select_n3A_3398 : vector<128x128xf32>
    %get3A_3400 = arith.constant 1408 : index
    %get3A_3401 = arith.constant 1024 : index
    %get3A_3402 = vector.load %arg2[%get3A_3400, %get3A_3401] : memref<2048x3200xf32, #tpu.memory_space<vmem>>, vector<128x128xf32>
    %add3A_3403 = arith.addf %add3A_3392, %get3A_3402 : vector<128x128xf32>
    %eq3A_3404 = arith.constant 1024 : i32
    %eq3A_3405 = vector.broadcast %eq3A_3404 : i32 to vector<128x128xi32>
    %eq3A_3406 = arith.cmpi eq, %sub3A_3313, %eq3A_3405 : vector<128x128xi32>
    %jit3A_3407 = arith.constant 0.000000e+00 : f32
    %broadcast_in_dim3A_3408 = vector.broadcast %jit3A_3407 : f32 to vector<128x128xf32>
    %select_n3A_3409 = arith.select %eq3A_3406, %get3A_3402, %broadcast_in_dim3A_3408 : vector<128x128xi1>, vector<128x128xf32>
    %add3A_3410 = arith.addf %add3A_3399, %select_n3A_3409 : vector<128x128xf32>
    %get3A_3411 = arith.constant 1408 : index
    %get3A_3412 = arith.constant 1152 : index
    %get3A_3413 = vector.load %arg2[%get3A_3411, %get3A_3412] : memref<2048x3200xf32, #tpu.memory_space<vmem>>, vector<128x128xf32>
    %add3A_3414 = arith.addf %add3A_3403, %get3A_3413 : vector<128x128xf32>
    %eq3A_3415 = arith.constant 1152 : i32
    %eq3A_3416 = vector.broadcast %eq3A_3415 : i32 to vector<128x128xi32>
    %eq3A_3417 = arith.cmpi eq, %sub3A_3313, %eq3A_3416 : vector<128x128xi32>
    %jit3A_3418 = arith.constant 0.000000e+00 : f32
    %broadcast_in_dim3A_3419 = vector.broadcast %jit3A_3418 : f32 to vector<128x128xf32>
    %select_n3A_3420 = arith.select %eq3A_3417, %get3A_3413, %broadcast_in_dim3A_3419 : vector<128x128xi1>, vector<128x128xf32>
    %add3A_3421 = arith.addf %add3A_3410, %select_n3A_3420 : vector<128x128xf32>
    %get3A_3422 = arith.constant 1408 : index
    %get3A_3423 = arith.constant 1280 : index
    %get3A_3424 = vector.load %arg2[%get3A_3422, %get3A_3423] : memref<2048x3200xf32, #tpu.memory_space<vmem>>, vector<128x128xf32>
    %add3A_3425 = arith.addf %add3A_3414, %get3A_3424 : vector<128x128xf32>
    %eq3A_3426 = arith.constant 1280 : i32
    %eq3A_3427 = vector.broadcast %eq3A_3426 : i32 to vector<128x128xi32>
    %eq3A_3428 = arith.cmpi eq, %sub3A_3313, %eq3A_3427 : vector<128x128xi32>
    %jit3A_3429 = arith.constant 0.000000e+00 : f32
    %broadcast_in_dim3A_3430 = vector.broadcast %jit3A_3429 : f32 to vector<128x128xf32>
    %select_n3A_3431 = arith.select %eq3A_3428, %get3A_3424, %broadcast_in_dim3A_3430 : vector<128x128xi1>, vector<128x128xf32>
    %add3A_3432 = arith.addf %add3A_3421, %select_n3A_3431 : vector<128x128xf32>
    %get3A_3433 = arith.constant 1408 : index
    %get3A_3434 = arith.constant 1408 : index
    %get3A_3435 = vector.load %arg2[%get3A_3433, %get3A_3434] : memref<2048x3200xf32, #tpu.memory_space<vmem>>, vector<128x128xf32>
    %add3A_3436 = arith.addf %add3A_3425, %get3A_3435 : vector<128x128xf32>
    %eq3A_3437 = arith.constant 1408 : i32
    %eq3A_3438 = vector.broadcast %eq3A_3437 : i32 to vector<128x128xi32>
    %eq3A_3439 = arith.cmpi eq, %sub3A_3313, %eq3A_3438 : vector<128x128xi32>
    %jit3A_3440 = arith.constant 0.000000e+00 : f32
    %broadcast_in_dim3A_3441 = vector.broadcast %jit3A_3440 : f32 to vector<128x128xf32>
    %select_n3A_3442 = arith.select %eq3A_3439, %get3A_3435, %broadcast_in_dim3A_3441 : vector<128x128xi1>, vector<128x128xf32>
    %add3A_3443 = arith.addf %add3A_3432, %select_n3A_3442 : vector<128x128xf32>
    %get3A_3444 = arith.constant 1408 : index
    %get3A_3445 = arith.constant 1536 : index
    %get3A_3446 = vector.load %arg2[%get3A_3444, %get3A_3445] : memref<2048x3200xf32, #tpu.memory_space<vmem>>, vector<128x128xf32>
    %add3A_3447 = arith.addf %add3A_3436, %get3A_3446 : vector<128x128xf32>
    %eq3A_3448 = arith.constant 1536 : i32
    %eq3A_3449 = vector.broadcast %eq3A_3448 : i32 to vector<128x128xi32>
    %eq3A_3450 = arith.cmpi eq, %sub3A_3313, %eq3A_3449 : vector<128x128xi32>
    %jit3A_3451 = arith.constant 0.000000e+00 : f32
    %broadcast_in_dim3A_3452 = vector.broadcast %jit3A_3451 : f32 to vector<128x128xf32>
    %select_n3A_3453 = arith.select %eq3A_3450, %get3A_3446, %broadcast_in_dim3A_3452 : vector<128x128xi1>, vector<128x128xf32>
    %add3A_3454 = arith.addf %add3A_3443, %select_n3A_3453 : vector<128x128xf32>
    %get3A_3455 = arith.constant 1408 : index
    %get3A_3456 = arith.constant 1664 : index
    %get3A_3457 = vector.load %arg2[%get3A_3455, %get3A_3456] : memref<2048x3200xf32, #tpu.memory_space<vmem>>, vector<128x128xf32>
    %add3A_3458 = arith.addf %add3A_3447, %get3A_3457 : vector<128x128xf32>
    %eq3A_3459 = arith.constant 1664 : i32
    %eq3A_3460 = vector.broadcast %eq3A_3459 : i32 to vector<128x128xi32>
    %eq3A_3461 = arith.cmpi eq, %sub3A_3313, %eq3A_3460 : vector<128x128xi32>
    %jit3A_3462 = arith.constant 0.000000e+00 : f32
    %broadcast_in_dim3A_3463 = vector.broadcast %jit3A_3462 : f32 to vector<128x128xf32>
    %select_n3A_3464 = arith.select %eq3A_3461, %get3A_3457, %broadcast_in_dim3A_3463 : vector<128x128xi1>, vector<128x128xf32>
    %add3A_3465 = arith.addf %add3A_3454, %select_n3A_3464 : vector<128x128xf32>
    %get3A_3466 = arith.constant 1408 : index
    %get3A_3467 = arith.constant 1792 : index
    %get3A_3468 = vector.load %arg2[%get3A_3466, %get3A_3467] : memref<2048x3200xf32, #tpu.memory_space<vmem>>, vector<128x128xf32>
    %add3A_3469 = arith.addf %add3A_3458, %get3A_3468 : vector<128x128xf32>
    %eq3A_3470 = arith.constant 1792 : i32
    %eq3A_3471 = vector.broadcast %eq3A_3470 : i32 to vector<128x128xi32>
    %eq3A_3472 = arith.cmpi eq, %sub3A_3313, %eq3A_3471 : vector<128x128xi32>
    %jit3A_3473 = arith.constant 0.000000e+00 : f32
    %broadcast_in_dim3A_3474 = vector.broadcast %jit3A_3473 : f32 to vector<128x128xf32>
    %select_n3A_3475 = arith.select %eq3A_3472, %get3A_3468, %broadcast_in_dim3A_3474 : vector<128x128xi1>, vector<128x128xf32>
    %add3A_3476 = arith.addf %add3A_3465, %select_n3A_3475 : vector<128x128xf32>
    %get3A_3477 = arith.constant 1408 : index
    %get3A_3478 = arith.constant 1920 : index
    %get3A_3479 = vector.load %arg2[%get3A_3477, %get3A_3478] : memref<2048x3200xf32, #tpu.memory_space<vmem>>, vector<128x128xf32>
    %add3A_3480 = arith.addf %add3A_3469, %get3A_3479 : vector<128x128xf32>
    %eq3A_3481 = arith.constant 1920 : i32
    %eq3A_3482 = vector.broadcast %eq3A_3481 : i32 to vector<128x128xi32>
    %eq3A_3483 = arith.cmpi eq, %sub3A_3313, %eq3A_3482 : vector<128x128xi32>
    %jit3A_3484 = arith.constant 0.000000e+00 : f32
    %broadcast_in_dim3A_3485 = vector.broadcast %jit3A_3484 : f32 to vector<128x128xf32>
    %select_n3A_3486 = arith.select %eq3A_3483, %get3A_3479, %broadcast_in_dim3A_3485 : vector<128x128xi1>, vector<128x128xf32>
    %add3A_3487 = arith.addf %add3A_3476, %select_n3A_3486 : vector<128x128xf32>
    %get3A_3488 = arith.constant 1408 : index
    %get3A_3489 = arith.constant 2048 : index
    %get3A_3490 = vector.load %arg2[%get3A_3488, %get3A_3489] : memref<2048x3200xf32, #tpu.memory_space<vmem>>, vector<128x128xf32>
    %add3A_3491 = arith.addf %add3A_3480, %get3A_3490 : vector<128x128xf32>
    %eq3A_3492 = arith.constant 2048 : i32
    %eq3A_3493 = vector.broadcast %eq3A_3492 : i32 to vector<128x128xi32>
    %eq3A_3494 = arith.cmpi eq, %sub3A_3313, %eq3A_3493 : vector<128x128xi32>
    %jit3A_3495 = arith.constant 0.000000e+00 : f32
    %broadcast_in_dim3A_3496 = vector.broadcast %jit3A_3495 : f32 to vector<128x128xf32>
    %select_n3A_3497 = arith.select %eq3A_3494, %get3A_3490, %broadcast_in_dim3A_3496 : vector<128x128xi1>, vector<128x128xf32>
    %add3A_3498 = arith.addf %add3A_3487, %select_n3A_3497 : vector<128x128xf32>
    %get3A_3499 = arith.constant 1408 : index
    %get3A_3500 = arith.constant 2176 : index
    %get3A_3501 = vector.load %arg2[%get3A_3499, %get3A_3500] : memref<2048x3200xf32, #tpu.memory_space<vmem>>, vector<128x128xf32>
    %add3A_3502 = arith.addf %add3A_3491, %get3A_3501 : vector<128x128xf32>
    %eq3A_3503 = arith.constant 2176 : i32
    %eq3A_3504 = vector.broadcast %eq3A_3503 : i32 to vector<128x128xi32>
    %eq3A_3505 = arith.cmpi eq, %sub3A_3313, %eq3A_3504 : vector<128x128xi32>
    %jit3A_3506 = arith.constant 0.000000e+00 : f32
    %broadcast_in_dim3A_3507 = vector.broadcast %jit3A_3506 : f32 to vector<128x128xf32>
    %select_n3A_3508 = arith.select %eq3A_3505, %get3A_3501, %broadcast_in_dim3A_3507 : vector<128x128xi1>, vector<128x128xf32>
    %add3A_3509 = arith.addf %add3A_3498, %select_n3A_3508 : vector<128x128xf32>
    %get3A_3510 = arith.constant 1408 : index
    %get3A_3511 = arith.constant 2304 : index
    %get3A_3512 = vector.load %arg2[%get3A_3510, %get3A_3511] : memref<2048x3200xf32, #tpu.memory_space<vmem>>, vector<128x128xf32>
    %add3A_3513 = arith.addf %add3A_3502, %get3A_3512 : vector<128x128xf32>
    %eq3A_3514 = arith.constant 2304 : i32
    %eq3A_3515 = vector.broadcast %eq3A_3514 : i32 to vector<128x128xi32>
    %eq3A_3516 = arith.cmpi eq, %sub3A_3313, %eq3A_3515 : vector<128x128xi32>
    %jit3A_3517 = arith.constant 0.000000e+00 : f32
    %broadcast_in_dim3A_3518 = vector.broadcast %jit3A_3517 : f32 to vector<128x128xf32>
    %select_n3A_3519 = arith.select %eq3A_3516, %get3A_3512, %broadcast_in_dim3A_3518 : vector<128x128xi1>, vector<128x128xf32>
    %add3A_3520 = arith.addf %add3A_3509, %select_n3A_3519 : vector<128x128xf32>
    %get3A_3521 = arith.constant 1408 : index
    %get3A_3522 = arith.constant 2432 : index
    %get3A_3523 = vector.load %arg2[%get3A_3521, %get3A_3522] : memref<2048x3200xf32, #tpu.memory_space<vmem>>, vector<128x128xf32>
    %add3A_3524 = arith.addf %add3A_3513, %get3A_3523 : vector<128x128xf32>
    %eq3A_3525 = arith.constant 2432 : i32
    %eq3A_3526 = vector.broadcast %eq3A_3525 : i32 to vector<128x128xi32>
    %eq3A_3527 = arith.cmpi eq, %sub3A_3313, %eq3A_3526 : vector<128x128xi32>
    %jit3A_3528 = arith.constant 0.000000e+00 : f32
    %broadcast_in_dim3A_3529 = vector.broadcast %jit3A_3528 : f32 to vector<128x128xf32>
    %select_n3A_3530 = arith.select %eq3A_3527, %get3A_3523, %broadcast_in_dim3A_3529 : vector<128x128xi1>, vector<128x128xf32>
    %add3A_3531 = arith.addf %add3A_3520, %select_n3A_3530 : vector<128x128xf32>
    %get3A_3532 = arith.constant 1408 : index
    %get3A_3533 = arith.constant 2560 : index
    %get3A_3534 = vector.load %arg2[%get3A_3532, %get3A_3533] : memref<2048x3200xf32, #tpu.memory_space<vmem>>, vector<128x128xf32>
    %add3A_3535 = arith.addf %add3A_3524, %get3A_3534 : vector<128x128xf32>
    %eq3A_3536 = arith.constant 2560 : i32
    %eq3A_3537 = vector.broadcast %eq3A_3536 : i32 to vector<128x128xi32>
    %eq3A_3538 = arith.cmpi eq, %sub3A_3313, %eq3A_3537 : vector<128x128xi32>
    %jit3A_3539 = arith.constant 0.000000e+00 : f32
    %broadcast_in_dim3A_3540 = vector.broadcast %jit3A_3539 : f32 to vector<128x128xf32>
    %select_n3A_3541 = arith.select %eq3A_3538, %get3A_3534, %broadcast_in_dim3A_3540 : vector<128x128xi1>, vector<128x128xf32>
    %add3A_3542 = arith.addf %add3A_3531, %select_n3A_3541 : vector<128x128xf32>
    %get3A_3543 = arith.constant 1408 : index
    %get3A_3544 = arith.constant 2688 : index
    %get3A_3545 = vector.load %arg2[%get3A_3543, %get3A_3544] : memref<2048x3200xf32, #tpu.memory_space<vmem>>, vector<128x128xf32>
    %add3A_3546 = arith.addf %add3A_3535, %get3A_3545 : vector<128x128xf32>
    %eq3A_3547 = arith.constant 2688 : i32
    %eq3A_3548 = vector.broadcast %eq3A_3547 : i32 to vector<128x128xi32>
    %eq3A_3549 = arith.cmpi eq, %sub3A_3313, %eq3A_3548 : vector<128x128xi32>
    %jit3A_3550 = arith.constant 0.000000e+00 : f32
    %broadcast_in_dim3A_3551 = vector.broadcast %jit3A_3550 : f32 to vector<128x128xf32>
    %select_n3A_3552 = arith.select %eq3A_3549, %get3A_3545, %broadcast_in_dim3A_3551 : vector<128x128xi1>, vector<128x128xf32>
    %add3A_3553 = arith.addf %add3A_3542, %select_n3A_3552 : vector<128x128xf32>
    %get3A_3554 = arith.constant 1408 : index
    %get3A_3555 = arith.constant 2816 : index
    %get3A_3556 = vector.load %arg2[%get3A_3554, %get3A_3555] : memref<2048x3200xf32, #tpu.memory_space<vmem>>, vector<128x128xf32>
    %add3A_3557 = arith.addf %add3A_3546, %get3A_3556 : vector<128x128xf32>
    %eq3A_3558 = arith.constant 2816 : i32
    %eq3A_3559 = vector.broadcast %eq3A_3558 : i32 to vector<128x128xi32>
    %eq3A_3560 = arith.cmpi eq, %sub3A_3313, %eq3A_3559 : vector<128x128xi32>
    %jit3A_3561 = arith.constant 0.000000e+00 : f32
    %broadcast_in_dim3A_3562 = vector.broadcast %jit3A_3561 : f32 to vector<128x128xf32>
    %select_n3A_3563 = arith.select %eq3A_3560, %get3A_3556, %broadcast_in_dim3A_3562 : vector<128x128xi1>, vector<128x128xf32>
    %add3A_3564 = arith.addf %add3A_3553, %select_n3A_3563 : vector<128x128xf32>
    %get3A_3565 = arith.constant 1408 : index
    %get3A_3566 = arith.constant 2944 : index
    %get3A_3567 = vector.load %arg2[%get3A_3565, %get3A_3566] : memref<2048x3200xf32, #tpu.memory_space<vmem>>, vector<128x128xf32>
    %add3A_3568 = arith.addf %add3A_3557, %get3A_3567 : vector<128x128xf32>
    %eq3A_3569 = arith.constant 2944 : i32
    %eq3A_3570 = vector.broadcast %eq3A_3569 : i32 to vector<128x128xi32>
    %eq3A_3571 = arith.cmpi eq, %sub3A_3313, %eq3A_3570 : vector<128x128xi32>
    %jit3A_3572 = arith.constant 0.000000e+00 : f32
    %broadcast_in_dim3A_3573 = vector.broadcast %jit3A_3572 : f32 to vector<128x128xf32>
    %select_n3A_3574 = arith.select %eq3A_3571, %get3A_3567, %broadcast_in_dim3A_3573 : vector<128x128xi1>, vector<128x128xf32>
    %add3A_3575 = arith.addf %add3A_3564, %select_n3A_3574 : vector<128x128xf32>
    %get3A_3576 = arith.constant 1408 : index
    %get3A_3577 = arith.constant 3072 : index
    %get3A_3578 = vector.load %arg2[%get3A_3576, %get3A_3577] : memref<2048x3200xf32, #tpu.memory_space<vmem>>, vector<128x128xf32>
    %add3A_3579 = arith.addf %add3A_3568, %get3A_3578 : vector<128x128xf32>
    %eq3A_3580 = arith.constant 3072 : i32
    %eq3A_3581 = vector.broadcast %eq3A_3580 : i32 to vector<128x128xi32>
    %eq3A_3582 = arith.cmpi eq, %sub3A_3313, %eq3A_3581 : vector<128x128xi32>
    %jit3A_3583 = arith.constant 0.000000e+00 : f32
    %broadcast_in_dim3A_3584 = vector.broadcast %jit3A_3583 : f32 to vector<128x128xf32>
    %select_n3A_3585 = arith.select %eq3A_3582, %get3A_3578, %broadcast_in_dim3A_3584 : vector<128x128xi1>, vector<128x128xf32>
    %add3A_3586 = arith.addf %add3A_3575, %select_n3A_3585 : vector<128x128xf32>
    %get3A_3587 = arith.constant 1408 : index
    %get3A_3588 = arith.constant 0 : index
    %get3A_3589 = vector.load %arg3[%get3A_3587, %get3A_3588] : memref<2048x256xf32, #tpu.memory_space<vmem>>, vector<128x128xf32>
    %add3A_3590 = arith.addf %get3A_3589, %add3A_3586 : vector<128x128xf32>
    %swap3A_3591 = arith.constant 1408 : index
    %swap3A_3592 = arith.constant 0 : index
    %swap3A_3593 = vector.load %arg3[%swap3A_3591, %swap3A_3592] : memref<2048x256xf32, #tpu.memory_space<vmem>>, vector<128x128xf32>
    tpu.vector_store %arg3[%swap3A_3591, %swap3A_3592], %add3A_3590 {strides = array<i32>} : memref<2048x256xf32, #tpu.memory_space<vmem>>, vector<128x128xf32>,
    %get3A_3594 = arith.constant 1408 : index
    %get3A_3595 = arith.constant 128 : index
    %get3A_3596 = vector.load %arg3[%get3A_3594, %get3A_3595] : memref<2048x256xf32, #tpu.memory_space<vmem>>, vector<128x1xf32>
    %reduce_sum3A_3597 = arith.constant dense<0.000000e+00> : vector<128xf32>
    %reduce_sum3A_3598 = vector.multi_reduction <add>, %add3A_3579, %reduce_sum3A_3597 [1] : vector<128x128xf32> to vector<128xf32>
    %broadcast_in_dim3A_3599 = vector.shape_cast %reduce_sum3A_3598 : vector<128xf32> to vector<128x1xf32>
    %add3A_3600 = arith.addf %get3A_3596, %broadcast_in_dim3A_3599 : vector<128x1xf32>
    %swap3A_3601 = arith.constant 1408 : index
    %swap3A_3602 = arith.constant 128 : index
    %swap3A_3603 = vector.load %arg3[%swap3A_3601, %swap3A_3602] : memref<2048x256xf32, #tpu.memory_space<vmem>>, vector<128x1xf32>
    tpu.vector_store %arg3[%swap3A_3601, %swap3A_3602], %add3A_3600 {strides = array<i32>} : memref<2048x256xf32, #tpu.memory_space<vmem>>, vector<128x1xf32>,
    %get3A_3604 = arith.constant 1536 : index
    %get3A_3605 = arith.constant 0 : index
    %get3A_3606 = vector.load %arg1[%get3A_3604, %get3A_3605] : memref<2048x1xi32, #tpu.memory_space<vmem>>, vector<128x1xi32>
    %broadcast_in_dim3A_3607 = vector.shape_cast %get3A_3606 : vector<128x1xi32> to vector<128x1xi32>
    %broadcast_in_dim3A_3608 = vector.broadcast %broadcast_in_dim3A_3607 : vector<128x1xi32> to vector<128x128xi32>
    %iota3A_3609 = tpu.iota {dimensions = array<i32: 1>} : vector<128x128xi32>
    %sub3A_3610 = arith.subi %broadcast_in_dim3A_3608, %iota3A_3609 : vector<128x128xi32>
    %mul3A_3611 = arith.constant 3200 : i32
    %mul3A_3612 = arith.muli %arg0, %mul3A_3611 : i32
    %sub3A_3613 = vector.broadcast %mul3A_3612 : i32 to vector<128x128xi32>
    %sub3A_3614 = arith.subi %sub3A_3610, %sub3A_3613 : vector<128x128xi32>
    %get3A_3615 = arith.constant 1536 : index
    %get3A_3616 = arith.constant 0 : index
    %get3A_3617 = vector.load %arg2[%get3A_3615, %get3A_3616] : memref<2048x3200xf32, #tpu.memory_space<vmem>>, vector<128x128xf32>
    %eq3A_3618 = arith.constant 0 : i32
    %eq3A_3619 = vector.broadcast %eq3A_3618 : i32 to vector<128x128xi32>
    %eq3A_3620 = arith.cmpi eq, %sub3A_3614, %eq3A_3619 : vector<128x128xi32>
    %jit3A_3621 = arith.constant 0.000000e+00 : f32
    %broadcast_in_dim3A_3622 = vector.broadcast %jit3A_3621 : f32 to vector<128x128xf32>
    %select_n3A_3623 = arith.select %eq3A_3620, %get3A_3617, %broadcast_in_dim3A_3622 : vector<128x128xi1>, vector<128x128xf32>
    %get3A_3624 = arith.constant 1536 : index
    %get3A_3625 = arith.constant 128 : index
    %get3A_3626 = vector.load %arg2[%get3A_3624, %get3A_3625] : memref<2048x3200xf32, #tpu.memory_space<vmem>>, vector<128x128xf32>
    %add3A_3627 = arith.addf %get3A_3617, %get3A_3626 : vector<128x128xf32>
    %eq3A_3628 = arith.constant 128 : i32
    %eq3A_3629 = vector.broadcast %eq3A_3628 : i32 to vector<128x128xi32>
    %eq3A_3630 = arith.cmpi eq, %sub3A_3614, %eq3A_3629 : vector<128x128xi32>
    %jit3A_3631 = arith.constant 0.000000e+00 : f32
    %broadcast_in_dim3A_3632 = vector.broadcast %jit3A_3631 : f32 to vector<128x128xf32>
    %select_n3A_3633 = arith.select %eq3A_3630, %get3A_3626, %broadcast_in_dim3A_3632 : vector<128x128xi1>, vector<128x128xf32>
    %add3A_3634 = arith.addf %select_n3A_3623, %select_n3A_3633 : vector<128x128xf32>
    %get3A_3635 = arith.constant 1536 : index
    %get3A_3636 = arith.constant 256 : index
    %get3A_3637 = vector.load %arg2[%get3A_3635, %get3A_3636] : memref<2048x3200xf32, #tpu.memory_space<vmem>>, vector<128x128xf32>
    %add3A_3638 = arith.addf %add3A_3627, %get3A_3637 : vector<128x128xf32>
    %eq3A_3639 = arith.constant 256 : i32
    %eq3A_3640 = vector.broadcast %eq3A_3639 : i32 to vector<128x128xi32>
    %eq3A_3641 = arith.cmpi eq, %sub3A_3614, %eq3A_3640 : vector<128x128xi32>
    %jit3A_3642 = arith.constant 0.000000e+00 : f32
    %broadcast_in_dim3A_3643 = vector.broadcast %jit3A_3642 : f32 to vector<128x128xf32>
    %select_n3A_3644 = arith.select %eq3A_3641, %get3A_3637, %broadcast_in_dim3A_3643 : vector<128x128xi1>, vector<128x128xf32>
    %add3A_3645 = arith.addf %add3A_3634, %select_n3A_3644 : vector<128x128xf32>
    %get3A_3646 = arith.constant 1536 : index
    %get3A_3647 = arith.constant 384 : index
    %get3A_3648 = vector.load %arg2[%get3A_3646, %get3A_3647] : memref<2048x3200xf32, #tpu.memory_space<vmem>>, vector<128x128xf32>
    %add3A_3649 = arith.addf %add3A_3638, %get3A_3648 : vector<128x128xf32>
    %eq3A_3650 = arith.constant 384 : i32
    %eq3A_3651 = vector.broadcast %eq3A_3650 : i32 to vector<128x128xi32>
    %eq3A_3652 = arith.cmpi eq, %sub3A_3614, %eq3A_3651 : vector<128x128xi32>
    %jit3A_3653 = arith.constant 0.000000e+00 : f32
    %broadcast_in_dim3A_3654 = vector.broadcast %jit3A_3653 : f32 to vector<128x128xf32>
    %select_n3A_3655 = arith.select %eq3A_3652, %get3A_3648, %broadcast_in_dim3A_3654 : vector<128x128xi1>, vector<128x128xf32>
    %add3A_3656 = arith.addf %add3A_3645, %select_n3A_3655 : vector<128x128xf32>
    %get3A_3657 = arith.constant 1536 : index
    %get3A_3658 = arith.constant 512 : index
    %get3A_3659 = vector.load %arg2[%get3A_3657, %get3A_3658] : memref<2048x3200xf32, #tpu.memory_space<vmem>>, vector<128x128xf32>
    %add3A_3660 = arith.addf %add3A_3649, %get3A_3659 : vector<128x128xf32>
    %eq3A_3661 = arith.constant 512 : i32
    %eq3A_3662 = vector.broadcast %eq3A_3661 : i32 to vector<128x128xi32>
    %eq3A_3663 = arith.cmpi eq, %sub3A_3614, %eq3A_3662 : vector<128x128xi32>
    %jit3A_3664 = arith.constant 0.000000e+00 : f32
    %broadcast_in_dim3A_3665 = vector.broadcast %jit3A_3664 : f32 to vector<128x128xf32>
    %select_n3A_3666 = arith.select %eq3A_3663, %get3A_3659, %broadcast_in_dim3A_3665 : vector<128x128xi1>, vector<128x128xf32>
    %add3A_3667 = arith.addf %add3A_3656, %select_n3A_3666 : vector<128x128xf32>
    %get3A_3668 = arith.constant 1536 : index
    %get3A_3669 = arith.constant 640 : index
    %get3A_3670 = vector.load %arg2[%get3A_3668, %get3A_3669] : memref<2048x3200xf32, #tpu.memory_space<vmem>>, vector<128x128xf32>
    %add3A_3671 = arith.addf %add3A_3660, %get3A_3670 : vector<128x128xf32>
    %eq3A_3672 = arith.constant 640 : i32
    %eq3A_3673 = vector.broadcast %eq3A_3672 : i32 to vector<128x128xi32>
    %eq3A_3674 = arith.cmpi eq, %sub3A_3614, %eq3A_3673 : vector<128x128xi32>
    %jit3A_3675 = arith.constant 0.000000e+00 : f32
    %broadcast_in_dim3A_3676 = vector.broadcast %jit3A_3675 : f32 to vector<128x128xf32>
    %select_n3A_3677 = arith.select %eq3A_3674, %get3A_3670, %broadcast_in_dim3A_3676 : vector<128x128xi1>, vector<128x128xf32>
    %add3A_3678 = arith.addf %add3A_3667, %select_n3A_3677 : vector<128x128xf32>
    %get3A_3679 = arith.constant 1536 : index
    %get3A_3680 = arith.constant 768 : index
    %get3A_3681 = vector.load %arg2[%get3A_3679, %get3A_3680] : memref<2048x3200xf32, #tpu.memory_space<vmem>>, vector<128x128xf32>
    %add3A_3682 = arith.addf %add3A_3671, %get3A_3681 : vector<128x128xf32>
    %eq3A_3683 = arith.constant 768 : i32
    %eq3A_3684 = vector.broadcast %eq3A_3683 : i32 to vector<128x128xi32>
    %eq3A_3685 = arith.cmpi eq, %sub3A_3614, %eq3A_3684 : vector<128x128xi32>
    %jit3A_3686 = arith.constant 0.000000e+00 : f32
    %broadcast_in_dim3A_3687 = vector.broadcast %jit3A_3686 : f32 to vector<128x128xf32>
    %select_n3A_3688 = arith.select %eq3A_3685, %get3A_3681, %broadcast_in_dim3A_3687 : vector<128x128xi1>, vector<128x128xf32>
    %add3A_3689 = arith.addf %add3A_3678, %select_n3A_3688 : vector<128x128xf32>
    %get3A_3690 = arith.constant 1536 : index
    %get3A_3691 = arith.constant 896 : index
    %get3A_3692 = vector.load %arg2[%get3A_3690, %get3A_3691] : memref<2048x3200xf32, #tpu.memory_space<vmem>>, vector<128x128xf32>
    %add3A_3693 = arith.addf %add3A_3682, %get3A_3692 : vector<128x128xf32>
    %eq3A_3694 = arith.constant 896 : i32
    %eq3A_3695 = vector.broadcast %eq3A_3694 : i32 to vector<128x128xi32>
    %eq3A_3696 = arith.cmpi eq, %sub3A_3614, %eq3A_3695 : vector<128x128xi32>
    %jit3A_3697 = arith.constant 0.000000e+00 : f32
    %broadcast_in_dim3A_3698 = vector.broadcast %jit3A_3697 : f32 to vector<128x128xf32>
    %select_n3A_3699 = arith.select %eq3A_3696, %get3A_3692, %broadcast_in_dim3A_3698 : vector<128x128xi1>, vector<128x128xf32>
    %add3A_3700 = arith.addf %add3A_3689, %select_n3A_3699 : vector<128x128xf32>
    %get3A_3701 = arith.constant 1536 : index
    %get3A_3702 = arith.constant 1024 : index
    %get3A_3703 = vector.load %arg2[%get3A_3701, %get3A_3702] : memref<2048x3200xf32, #tpu.memory_space<vmem>>, vector<128x128xf32>
    %add3A_3704 = arith.addf %add3A_3693, %get3A_3703 : vector<128x128xf32>
    %eq3A_3705 = arith.constant 1024 : i32
    %eq3A_3706 = vector.broadcast %eq3A_3705 : i32 to vector<128x128xi32>
    %eq3A_3707 = arith.cmpi eq, %sub3A_3614, %eq3A_3706 : vector<128x128xi32>
    %jit3A_3708 = arith.constant 0.000000e+00 : f32
    %broadcast_in_dim3A_3709 = vector.broadcast %jit3A_3708 : f32 to vector<128x128xf32>
    %select_n3A_3710 = arith.select %eq3A_3707, %get3A_3703, %broadcast_in_dim3A_3709 : vector<128x128xi1>, vector<128x128xf32>
    %add3A_3711 = arith.addf %add3A_3700, %select_n3A_3710 : vector<128x128xf32>
    %get3A_3712 = arith.constant 1536 : index
    %get3A_3713 = arith.constant 1152 : index
    %get3A_3714 = vector.load %arg2[%get3A_3712, %get3A_3713] : memref<2048x3200xf32, #tpu.memory_space<vmem>>, vector<128x128xf32>
    %add3A_3715 = arith.addf %add3A_3704, %get3A_3714 : vector<128x128xf32>
    %eq3A_3716 = arith.constant 1152 : i32
    %eq3A_3717 = vector.broadcast %eq3A_3716 : i32 to vector<128x128xi32>
    %eq3A_3718 = arith.cmpi eq, %sub3A_3614, %eq3A_3717 : vector<128x128xi32>
    %jit3A_3719 = arith.constant 0.000000e+00 : f32
    %broadcast_in_dim3A_3720 = vector.broadcast %jit3A_3719 : f32 to vector<128x128xf32>
    %select_n3A_3721 = arith.select %eq3A_3718, %get3A_3714, %broadcast_in_dim3A_3720 : vector<128x128xi1>, vector<128x128xf32>
    %add3A_3722 = arith.addf %add3A_3711, %select_n3A_3721 : vector<128x128xf32>
    %get3A_3723 = arith.constant 1536 : index
    %get3A_3724 = arith.constant 1280 : index
    %get3A_3725 = vector.load %arg2[%get3A_3723, %get3A_3724] : memref<2048x3200xf32, #tpu.memory_space<vmem>>, vector<128x128xf32>
    %add3A_3726 = arith.addf %add3A_3715, %get3A_3725 : vector<128x128xf32>
    %eq3A_3727 = arith.constant 1280 : i32
    %eq3A_3728 = vector.broadcast %eq3A_3727 : i32 to vector<128x128xi32>
    %eq3A_3729 = arith.cmpi eq, %sub3A_3614, %eq3A_3728 : vector<128x128xi32>
    %jit3A_3730 = arith.constant 0.000000e+00 : f32
    %broadcast_in_dim3A_3731 = vector.broadcast %jit3A_3730 : f32 to vector<128x128xf32>
    %select_n3A_3732 = arith.select %eq3A_3729, %get3A_3725, %broadcast_in_dim3A_3731 : vector<128x128xi1>, vector<128x128xf32>
    %add3A_3733 = arith.addf %add3A_3722, %select_n3A_3732 : vector<128x128xf32>
    %get3A_3734 = arith.constant 1536 : index
    %get3A_3735 = arith.constant 1408 : index
    %get3A_3736 = vector.load %arg2[%get3A_3734, %get3A_3735] : memref<2048x3200xf32, #tpu.memory_space<vmem>>, vector<128x128xf32>
    %add3A_3737 = arith.addf %add3A_3726, %get3A_3736 : vector<128x128xf32>
    %eq3A_3738 = arith.constant 1408 : i32
    %eq3A_3739 = vector.broadcast %eq3A_3738 : i32 to vector<128x128xi32>
    %eq3A_3740 = arith.cmpi eq, %sub3A_3614, %eq3A_3739 : vector<128x128xi32>
    %jit3A_3741 = arith.constant 0.000000e+00 : f32
    %broadcast_in_dim3A_3742 = vector.broadcast %jit3A_3741 : f32 to vector<128x128xf32>
    %select_n3A_3743 = arith.select %eq3A_3740, %get3A_3736, %broadcast_in_dim3A_3742 : vector<128x128xi1>, vector<128x128xf32>
    %add3A_3744 = arith.addf %add3A_3733, %select_n3A_3743 : vector<128x128xf32>
    %get3A_3745 = arith.constant 1536 : index
    %get3A_3746 = arith.constant 1536 : index
    %get3A_3747 = vector.load %arg2[%get3A_3745, %get3A_3746] : memref<2048x3200xf32, #tpu.memory_space<vmem>>, vector<128x128xf32>
    %add3A_3748 = arith.addf %add3A_3737, %get3A_3747 : vector<128x128xf32>
    %eq3A_3749 = arith.constant 1536 : i32
    %eq3A_3750 = vector.broadcast %eq3A_3749 : i32 to vector<128x128xi32>
    %eq3A_3751 = arith.cmpi eq, %sub3A_3614, %eq3A_3750 : vector<128x128xi32>
    %jit3A_3752 = arith.constant 0.000000e+00 : f32
    %broadcast_in_dim3A_3753 = vector.broadcast %jit3A_3752 : f32 to vector<128x128xf32>
    %select_n3A_3754 = arith.select %eq3A_3751, %get3A_3747, %broadcast_in_dim3A_3753 : vector<128x128xi1>, vector<128x128xf32>
    %add3A_3755 = arith.addf %add3A_3744, %select_n3A_3754 : vector<128x128xf32>
    %get3A_3756 = arith.constant 1536 : index
    %get3A_3757 = arith.constant 1664 : index
    %get3A_3758 = vector.load %arg2[%get3A_3756, %get3A_3757] : memref<2048x3200xf32, #tpu.memory_space<vmem>>, vector<128x128xf32>
    %add3A_3759 = arith.addf %add3A_3748, %get3A_3758 : vector<128x128xf32>
    %eq3A_3760 = arith.constant 1664 : i32
    %eq3A_3761 = vector.broadcast %eq3A_3760 : i32 to vector<128x128xi32>
    %eq3A_3762 = arith.cmpi eq, %sub3A_3614, %eq3A_3761 : vector<128x128xi32>
    %jit3A_3763 = arith.constant 0.000000e+00 : f32
    %broadcast_in_dim3A_3764 = vector.broadcast %jit3A_3763 : f32 to vector<128x128xf32>
    %select_n3A_3765 = arith.select %eq3A_3762, %get3A_3758, %broadcast_in_dim3A_3764 : vector<128x128xi1>, vector<128x128xf32>
    %add3A_3766 = arith.addf %add3A_3755, %select_n3A_3765 : vector<128x128xf32>
    %get3A_3767 = arith.constant 1536 : index
    %get3A_3768 = arith.constant 1792 : index
    %get3A_3769 = vector.load %arg2[%get3A_3767, %get3A_3768] : memref<2048x3200xf32, #tpu.memory_space<vmem>>, vector<128x128xf32>
    %add3A_3770 = arith.addf %add3A_3759, %get3A_3769 : vector<128x128xf32>
    %eq3A_3771 = arith.constant 1792 : i32
    %eq3A_3772 = vector.broadcast %eq3A_3771 : i32 to vector<128x128xi32>
    %eq3A_3773 = arith.cmpi eq, %sub3A_3614, %eq3A_3772 : vector<128x128xi32>
    %jit3A_3774 = arith.constant 0.000000e+00 : f32
    %broadcast_in_dim3A_3775 = vector.broadcast %jit3A_3774 : f32 to vector<128x128xf32>
    %select_n3A_3776 = arith.select %eq3A_3773, %get3A_3769, %broadcast_in_dim3A_3775 : vector<128x128xi1>, vector<128x128xf32>
    %add3A_3777 = arith.addf %add3A_3766, %select_n3A_3776 : vector<128x128xf32>
    %get3A_3778 = arith.constant 1536 : index
    %get3A_3779 = arith.constant 1920 : index
    %get3A_3780 = vector.load %arg2[%get3A_3778, %get3A_3779] : memref<2048x3200xf32, #tpu.memory_space<vmem>>, vector<128x128xf32>
    %add3A_3781 = arith.addf %add3A_3770, %get3A_3780 : vector<128x128xf32>
    %eq3A_3782 = arith.constant 1920 : i32
    %eq3A_3783 = vector.broadcast %eq3A_3782 : i32 to vector<128x128xi32>
    %eq3A_3784 = arith.cmpi eq, %sub3A_3614, %eq3A_3783 : vector<128x128xi32>
    %jit3A_3785 = arith.constant 0.000000e+00 : f32
    %broadcast_in_dim3A_3786 = vector.broadcast %jit3A_3785 : f32 to vector<128x128xf32>
    %select_n3A_3787 = arith.select %eq3A_3784, %get3A_3780, %broadcast_in_dim3A_3786 : vector<128x128xi1>, vector<128x128xf32>
    %add3A_3788 = arith.addf %add3A_3777, %select_n3A_3787 : vector<128x128xf32>
    %get3A_3789 = arith.constant 1536 : index
    %get3A_3790 = arith.constant 2048 : index
    %get3A_3791 = vector.load %arg2[%get3A_3789, %get3A_3790] : memref<2048x3200xf32, #tpu.memory_space<vmem>>, vector<128x128xf32>
    %add3A_3792 = arith.addf %add3A_3781, %get3A_3791 : vector<128x128xf32>
    %eq3A_3793 = arith.constant 2048 : i32
    %eq3A_3794 = vector.broadcast %eq3A_3793 : i32 to vector<128x128xi32>
    %eq3A_3795 = arith.cmpi eq, %sub3A_3614, %eq3A_3794 : vector<128x128xi32>
    %jit3A_3796 = arith.constant 0.000000e+00 : f32
    %broadcast_in_dim3A_3797 = vector.broadcast %jit3A_3796 : f32 to vector<128x128xf32>
    %select_n3A_3798 = arith.select %eq3A_3795, %get3A_3791, %broadcast_in_dim3A_3797 : vector<128x128xi1>, vector<128x128xf32>
    %add3A_3799 = arith.addf %add3A_3788, %select_n3A_3798 : vector<128x128xf32>
    %get3A_3800 = arith.constant 1536 : index
    %get3A_3801 = arith.constant 2176 : index
    %get3A_3802 = vector.load %arg2[%get3A_3800, %get3A_3801] : memref<2048x3200xf32, #tpu.memory_space<vmem>>, vector<128x128xf32>
    %add3A_3803 = arith.addf %add3A_3792, %get3A_3802 : vector<128x128xf32>
    %eq3A_3804 = arith.constant 2176 : i32
    %eq3A_3805 = vector.broadcast %eq3A_3804 : i32 to vector<128x128xi32>
    %eq3A_3806 = arith.cmpi eq, %sub3A_3614, %eq3A_3805 : vector<128x128xi32>
    %jit3A_3807 = arith.constant 0.000000e+00 : f32
    %broadcast_in_dim3A_3808 = vector.broadcast %jit3A_3807 : f32 to vector<128x128xf32>
    %select_n3A_3809 = arith.select %eq3A_3806, %get3A_3802, %broadcast_in_dim3A_3808 : vector<128x128xi1>, vector<128x128xf32>
    %add3A_3810 = arith.addf %add3A_3799, %select_n3A_3809 : vector<128x128xf32>
    %get3A_3811 = arith.constant 1536 : index
    %get3A_3812 = arith.constant 2304 : index
    %get3A_3813 = vector.load %arg2[%get3A_3811, %get3A_3812] : memref<2048x3200xf32, #tpu.memory_space<vmem>>, vector<128x128xf32>
    %add3A_3814 = arith.addf %add3A_3803, %get3A_3813 : vector<128x128xf32>
    %eq3A_3815 = arith.constant 2304 : i32
    %eq3A_3816 = vector.broadcast %eq3A_3815 : i32 to vector<128x128xi32>
    %eq3A_3817 = arith.cmpi eq, %sub3A_3614, %eq3A_3816 : vector<128x128xi32>
    %jit3A_3818 = arith.constant 0.000000e+00 : f32
    %broadcast_in_dim3A_3819 = vector.broadcast %jit3A_3818 : f32 to vector<128x128xf32>
    %select_n3A_3820 = arith.select %eq3A_3817, %get3A_3813, %broadcast_in_dim3A_3819 : vector<128x128xi1>, vector<128x128xf32>
    %add3A_3821 = arith.addf %add3A_3810, %select_n3A_3820 : vector<128x128xf32>
    %get3A_3822 = arith.constant 1536 : index
    %get3A_3823 = arith.constant 2432 : index
    %get3A_3824 = vector.load %arg2[%get3A_3822, %get3A_3823] : memref<2048x3200xf32, #tpu.memory_space<vmem>>, vector<128x128xf32>
    %add3A_3825 = arith.addf %add3A_3814, %get3A_3824 : vector<128x128xf32>
    %eq3A_3826 = arith.constant 2432 : i32
    %eq3A_3827 = vector.broadcast %eq3A_3826 : i32 to vector<128x128xi32>
    %eq3A_3828 = arith.cmpi eq, %sub3A_3614, %eq3A_3827 : vector<128x128xi32>
    %jit3A_3829 = arith.constant 0.000000e+00 : f32
    %broadcast_in_dim3A_3830 = vector.broadcast %jit3A_3829 : f32 to vector<128x128xf32>
    %select_n3A_3831 = arith.select %eq3A_3828, %get3A_3824, %broadcast_in_dim3A_3830 : vector<128x128xi1>, vector<128x128xf32>
    %add3A_3832 = arith.addf %add3A_3821, %select_n3A_3831 : vector<128x128xf32>
    %get3A_3833 = arith.constant 1536 : index
    %get3A_3834 = arith.constant 2560 : index
    %get3A_3835 = vector.load %arg2[%get3A_3833, %get3A_3834] : memref<2048x3200xf32, #tpu.memory_space<vmem>>, vector<128x128xf32>
    %add3A_3836 = arith.addf %add3A_3825, %get3A_3835 : vector<128x128xf32>
    %eq3A_3837 = arith.constant 2560 : i32
    %eq3A_3838 = vector.broadcast %eq3A_3837 : i32 to vector<128x128xi32>
    %eq3A_3839 = arith.cmpi eq, %sub3A_3614, %eq3A_3838 : vector<128x128xi32>
    %jit3A_3840 = arith.constant 0.000000e+00 : f32
    %broadcast_in_dim3A_3841 = vector.broadcast %jit3A_3840 : f32 to vector<128x128xf32>
    %select_n3A_3842 = arith.select %eq3A_3839, %get3A_3835, %broadcast_in_dim3A_3841 : vector<128x128xi1>, vector<128x128xf32>
    %add3A_3843 = arith.addf %add3A_3832, %select_n3A_3842 : vector<128x128xf32>
    %get3A_3844 = arith.constant 1536 : index
    %get3A_3845 = arith.constant 2688 : index
    %get3A_3846 = vector.load %arg2[%get3A_3844, %get3A_3845] : memref<2048x3200xf32, #tpu.memory_space<vmem>>, vector<128x128xf32>
    %add3A_3847 = arith.addf %add3A_3836, %get3A_3846 : vector<128x128xf32>
    %eq3A_3848 = arith.constant 2688 : i32
    %eq3A_3849 = vector.broadcast %eq3A_3848 : i32 to vector<128x128xi32>
    %eq3A_3850 = arith.cmpi eq, %sub3A_3614, %eq3A_3849 : vector<128x128xi32>
    %jit3A_3851 = arith.constant 0.000000e+00 : f32
    %broadcast_in_dim3A_3852 = vector.broadcast %jit3A_3851 : f32 to vector<128x128xf32>
    %select_n3A_3853 = arith.select %eq3A_3850, %get3A_3846, %broadcast_in_dim3A_3852 : vector<128x128xi1>, vector<128x128xf32>
    %add3A_3854 = arith.addf %add3A_3843, %select_n3A_3853 : vector<128x128xf32>
    %get3A_3855 = arith.constant 1536 : index
    %get3A_3856 = arith.constant 2816 : index
    %get3A_3857 = vector.load %arg2[%get3A_3855, %get3A_3856] : memref<2048x3200xf32, #tpu.memory_space<vmem>>, vector<128x128xf32>
    %add3A_3858 = arith.addf %add3A_3847, %get3A_3857 : vector<128x128xf32>
    %eq3A_3859 = arith.constant 2816 : i32
    %eq3A_3860 = vector.broadcast %eq3A_3859 : i32 to vector<128x128xi32>
    %eq3A_3861 = arith.cmpi eq, %sub3A_3614, %eq3A_3860 : vector<128x128xi32>
    %jit3A_3862 = arith.constant 0.000000e+00 : f32
    %broadcast_in_dim3A_3863 = vector.broadcast %jit3A_3862 : f32 to vector<128x128xf32>
    %select_n3A_3864 = arith.select %eq3A_3861, %get3A_3857, %broadcast_in_dim3A_3863 : vector<128x128xi1>, vector<128x128xf32>
    %add3A_3865 = arith.addf %add3A_3854, %select_n3A_3864 : vector<128x128xf32>
    %get3A_3866 = arith.constant 1536 : index
    %get3A_3867 = arith.constant 2944 : index
    %get3A_3868 = vector.load %arg2[%get3A_3866, %get3A_3867] : memref<2048x3200xf32, #tpu.memory_space<vmem>>, vector<128x128xf32>
    %add3A_3869 = arith.addf %add3A_3858, %get3A_3868 : vector<128x128xf32>
    %eq3A_3870 = arith.constant 2944 : i32
    %eq3A_3871 = vector.broadcast %eq3A_3870 : i32 to vector<128x128xi32>
    %eq3A_3872 = arith.cmpi eq, %sub3A_3614, %eq3A_3871 : vector<128x128xi32>
    %jit3A_3873 = arith.constant 0.000000e+00 : f32
    %broadcast_in_dim3A_3874 = vector.broadcast %jit3A_3873 : f32 to vector<128x128xf32>
    %select_n3A_3875 = arith.select %eq3A_3872, %get3A_3868, %broadcast_in_dim3A_3874 : vector<128x128xi1>, vector<128x128xf32>
    %add3A_3876 = arith.addf %add3A_3865, %select_n3A_3875 : vector<128x128xf32>
    %get3A_3877 = arith.constant 1536 : index
    %get3A_3878 = arith.constant 3072 : index
    %get3A_3879 = vector.load %arg2[%get3A_3877, %get3A_3878] : memref<2048x3200xf32, #tpu.memory_space<vmem>>, vector<128x128xf32>
    %add3A_3880 = arith.addf %add3A_3869, %get3A_3879 : vector<128x128xf32>
    %eq3A_3881 = arith.constant 3072 : i32
    %eq3A_3882 = vector.broadcast %eq3A_3881 : i32 to vector<128x128xi32>
    %eq3A_3883 = arith.cmpi eq, %sub3A_3614, %eq3A_3882 : vector<128x128xi32>
    %jit3A_3884 = arith.constant 0.000000e+00 : f32
    %broadcast_in_dim3A_3885 = vector.broadcast %jit3A_3884 : f32 to vector<128x128xf32>
    %select_n3A_3886 = arith.select %eq3A_3883, %get3A_3879, %broadcast_in_dim3A_3885 : vector<128x128xi1>, vector<128x128xf32>
    %add3A_3887 = arith.addf %add3A_3876, %select_n3A_3886 : vector<128x128xf32>
    %get3A_3888 = arith.constant 1536 : index
    %get3A_3889 = arith.constant 0 : index
    %get3A_3890 = vector.load %arg3[%get3A_3888, %get3A_3889] : memref<2048x256xf32, #tpu.memory_space<vmem>>, vector<128x128xf32>
    %add3A_3891 = arith.addf %get3A_3890, %add3A_3887 : vector<128x128xf32>
    %swap3A_3892 = arith.constant 1536 : index
    %swap3A_3893 = arith.constant 0 : index
    %swap3A_3894 = vector.load %arg3[%swap3A_3892, %swap3A_3893] : memref<2048x256xf32, #tpu.memory_space<vmem>>, vector<128x128xf32>
    tpu.vector_store %arg3[%swap3A_3892, %swap3A_3893], %add3A_3891 {strides = array<i32>} : memref<2048x256xf32, #tpu.memory_space<vmem>>, vector<128x128xf32>,
    %get3A_3895 = arith.constant 1536 : index
    %get3A_3896 = arith.constant 128 : index
    %get3A_3897 = vector.load %arg3[%get3A_3895, %get3A_3896] : memref<2048x256xf32, #tpu.memory_space<vmem>>, vector<128x1xf32>
    %reduce_sum3A_3898 = arith.constant dense<0.000000e+00> : vector<128xf32>
    %reduce_sum3A_3899 = vector.multi_reduction <add>, %add3A_3880, %reduce_sum3A_3898 [1] : vector<128x128xf32> to vector<128xf32>
    %broadcast_in_dim3A_3900 = vector.shape_cast %reduce_sum3A_3899 : vector<128xf32> to vector<128x1xf32>
    %add3A_3901 = arith.addf %get3A_3897, %broadcast_in_dim3A_3900 : vector<128x1xf32>
    %swap3A_3902 = arith.constant 1536 : index
    %swap3A_3903 = arith.constant 128 : index
    %swap3A_3904 = vector.load %arg3[%swap3A_3902, %swap3A_3903] : memref<2048x256xf32, #tpu.memory_space<vmem>>, vector<128x1xf32>
    tpu.vector_store %arg3[%swap3A_3902, %swap3A_3903], %add3A_3901 {strides = array<i32>} : memref<2048x256xf32, #tpu.memory_space<vmem>>, vector<128x1xf32>,
    %get3A_3905 = arith.constant 1664 : index
    %get3A_3906 = arith.constant 0 : index
    %get3A_3907 = vector.load %arg1[%get3A_3905, %get3A_3906] : memref<2048x1xi32, #tpu.memory_space<vmem>>, vector<128x1xi32>
    %broadcast_in_dim3A_3908 = vector.shape_cast %get3A_3907 : vector<128x1xi32> to vector<128x1xi32>
    %broadcast_in_dim3A_3909 = vector.broadcast %broadcast_in_dim3A_3908 : vector<128x1xi32> to vector<128x128xi32>
    %iota3A_3910 = tpu.iota {dimensions = array<i32: 1>} : vector<128x128xi32>
    %sub3A_3911 = arith.subi %broadcast_in_dim3A_3909, %iota3A_3910 : vector<128x128xi32>
    %mul3A_3912 = arith.constant 3200 : i32
    %mul3A_3913 = arith.muli %arg0, %mul3A_3912 : i32
    %sub3A_3914 = vector.broadcast %mul3A_3913 : i32 to vector<128x128xi32>
    %sub3A_3915 = arith.subi %sub3A_3911, %sub3A_3914 : vector<128x128xi32>
    %get3A_3916 = arith.constant 1664 : index
    %get3A_3917 = arith.constant 0 : index
    %get3A_3918 = vector.load %arg2[%get3A_3916, %get3A_3917] : memref<2048x3200xf32, #tpu.memory_space<vmem>>, vector<128x128xf32>
    %eq3A_3919 = arith.constant 0 : i32
    %eq3A_3920 = vector.broadcast %eq3A_3919 : i32 to vector<128x128xi32>
    %eq3A_3921 = arith.cmpi eq, %sub3A_3915, %eq3A_3920 : vector<128x128xi32>
    %jit3A_3922 = arith.constant 0.000000e+00 : f32
    %broadcast_in_dim3A_3923 = vector.broadcast %jit3A_3922 : f32 to vector<128x128xf32>
    %select_n3A_3924 = arith.select %eq3A_3921, %get3A_3918, %broadcast_in_dim3A_3923 : vector<128x128xi1>, vector<128x128xf32>
    %get3A_3925 = arith.constant 1664 : index
    %get3A_3926 = arith.constant 128 : index
    %get3A_3927 = vector.load %arg2[%get3A_3925, %get3A_3926] : memref<2048x3200xf32, #tpu.memory_space<vmem>>, vector<128x128xf32>
    %add3A_3928 = arith.addf %get3A_3918, %get3A_3927 : vector<128x128xf32>
    %eq3A_3929 = arith.constant 128 : i32
    %eq3A_3930 = vector.broadcast %eq3A_3929 : i32 to vector<128x128xi32>
    %eq3A_3931 = arith.cmpi eq, %sub3A_3915, %eq3A_3930 : vector<128x128xi32>
    %jit3A_3932 = arith.constant 0.000000e+00 : f32
    %broadcast_in_dim3A_3933 = vector.broadcast %jit3A_3932 : f32 to vector<128x128xf32>
    %select_n3A_3934 = arith.select %eq3A_3931, %get3A_3927, %broadcast_in_dim3A_3933 : vector<128x128xi1>, vector<128x128xf32>
    %add3A_3935 = arith.addf %select_n3A_3924, %select_n3A_3934 : vector<128x128xf32>
    %get3A_3936 = arith.constant 1664 : index
    %get3A_3937 = arith.constant 256 : index
    %get3A_3938 = vector.load %arg2[%get3A_3936, %get3A_3937] : memref<2048x3200xf32, #tpu.memory_space<vmem>>, vector<128x128xf32>
    %add3A_3939 = arith.addf %add3A_3928, %get3A_3938 : vector<128x128xf32>
    %eq3A_3940 = arith.constant 256 : i32
    %eq3A_3941 = vector.broadcast %eq3A_3940 : i32 to vector<128x128xi32>
    %eq3A_3942 = arith.cmpi eq, %sub3A_3915, %eq3A_3941 : vector<128x128xi32>
    %jit3A_3943 = arith.constant 0.000000e+00 : f32
    %broadcast_in_dim3A_3944 = vector.broadcast %jit3A_3943 : f32 to vector<128x128xf32>
    %select_n3A_3945 = arith.select %eq3A_3942, %get3A_3938, %broadcast_in_dim3A_3944 : vector<128x128xi1>, vector<128x128xf32>
    %add3A_3946 = arith.addf %add3A_3935, %select_n3A_3945 : vector<128x128xf32>
    %get3A_3947 = arith.constant 1664 : index
    %get3A_3948 = arith.constant 384 : index
    %get3A_3949 = vector.load %arg2[%get3A_3947, %get3A_3948] : memref<2048x3200xf32, #tpu.memory_space<vmem>>, vector<128x128xf32>
    %add3A_3950 = arith.addf %add3A_3939, %get3A_3949 : vector<128x128xf32>
    %eq3A_3951 = arith.constant 384 : i32
    %eq3A_3952 = vector.broadcast %eq3A_3951 : i32 to vector<128x128xi32>
    %eq3A_3953 = arith.cmpi eq, %sub3A_3915, %eq3A_3952 : vector<128x128xi32>
    %jit3A_3954 = arith.constant 0.000000e+00 : f32
    %broadcast_in_dim3A_3955 = vector.broadcast %jit3A_3954 : f32 to vector<128x128xf32>
    %select_n3A_3956 = arith.select %eq3A_3953, %get3A_3949, %broadcast_in_dim3A_3955 : vector<128x128xi1>, vector<128x128xf32>
    %add3A_3957 = arith.addf %add3A_3946, %select_n3A_3956 : vector<128x128xf32>
    %get3A_3958 = arith.constant 1664 : index
    %get3A_3959 = arith.constant 512 : index
    %get3A_3960 = vector.load %arg2[%get3A_3958, %get3A_3959] : memref<2048x3200xf32, #tpu.memory_space<vmem>>, vector<128x128xf32>
    %add3A_3961 = arith.addf %add3A_3950, %get3A_3960 : vector<128x128xf32>
    %eq3A_3962 = arith.constant 512 : i32
    %eq3A_3963 = vector.broadcast %eq3A_3962 : i32 to vector<128x128xi32>
    %eq3A_3964 = arith.cmpi eq, %sub3A_3915, %eq3A_3963 : vector<128x128xi32>
    %jit3A_3965 = arith.constant 0.000000e+00 : f32
    %broadcast_in_dim3A_3966 = vector.broadcast %jit3A_3965 : f32 to vector<128x128xf32>
    %select_n3A_3967 = arith.select %eq3A_3964, %get3A_3960, %broadcast_in_dim3A_3966 : vector<128x128xi1>, vector<128x128xf32>
    %add3A_3968 = arith.addf %add3A_3957, %select_n3A_3967 : vector<128x128xf32>
    %get3A_3969 = arith.constant 1664 : index
    %get3A_3970 = arith.constant 640 : index
    %get3A_3971 = vector.load %arg2[%get3A_3969, %get3A_3970] : memref<2048x3200xf32, #tpu.memory_space<vmem>>, vector<128x128xf32>
    %add3A_3972 = arith.addf %add3A_3961, %get3A_3971 : vector<128x128xf32>
    %eq3A_3973 = arith.constant 640 : i32
    %eq3A_3974 = vector.broadcast %eq3A_3973 : i32 to vector<128x128xi32>
    %eq3A_3975 = arith.cmpi eq, %sub3A_3915, %eq3A_3974 : vector<128x128xi32>
    %jit3A_3976 = arith.constant 0.000000e+00 : f32
    %broadcast_in_dim3A_3977 = vector.broadcast %jit3A_3976 : f32 to vector<128x128xf32>
    %select_n3A_3978 = arith.select %eq3A_3975, %get3A_3971, %broadcast_in_dim3A_3977 : vector<128x128xi1>, vector<128x128xf32>
    %add3A_3979 = arith.addf %add3A_3968, %select_n3A_3978 : vector<128x128xf32>
    %get3A_3980 = arith.constant 1664 : index
    %get3A_3981 = arith.constant 768 : index
    %get3A_3982 = vector.load %arg2[%get3A_3980, %get3A_3981] : memref<2048x3200xf32, #tpu.memory_space<vmem>>, vector<128x128xf32>
    %add3A_3983 = arith.addf %add3A_3972, %get3A_3982 : vector<128x128xf32>
    %eq3A_3984 = arith.constant 768 : i32
    %eq3A_3985 = vector.broadcast %eq3A_3984 : i32 to vector<128x128xi32>
    %eq3A_3986 = arith.cmpi eq, %sub3A_3915, %eq3A_3985 : vector<128x128xi32>
    %jit3A_3987 = arith.constant 0.000000e+00 : f32
    %broadcast_in_dim3A_3988 = vector.broadcast %jit3A_3987 : f32 to vector<128x128xf32>
    %select_n3A_3989 = arith.select %eq3A_3986, %get3A_3982, %broadcast_in_dim3A_3988 : vector<128x128xi1>, vector<128x128xf32>
    %add3A_3990 = arith.addf %add3A_3979, %select_n3A_3989 : vector<128x128xf32>
    %get3A_3991 = arith.constant 1664 : index
    %get3A_3992 = arith.constant 896 : index
    %get3A_3993 = vector.load %arg2[%get3A_3991, %get3A_3992] : memref<2048x3200xf32, #tpu.memory_space<vmem>>, vector<128x128xf32>
    %add3A_3994 = arith.addf %add3A_3983, %get3A_3993 : vector<128x128xf32>
    %eq3A_3995 = arith.constant 896 : i32
    %eq3A_3996 = vector.broadcast %eq3A_3995 : i32 to vector<128x128xi32>
    %eq3A_3997 = arith.cmpi eq, %sub3A_3915, %eq3A_3996 : vector<128x128xi32>
    %jit3A_3998 = arith.constant 0.000000e+00 : f32
    %broadcast_in_dim3A_3999 = vector.broadcast %jit3A_3998 : f32 to vector<128x128xf32>
    %select_n3A_4000 = arith.select %eq3A_3997, %get3A_3993, %broadcast_in_dim3A_3999 : vector<128x128xi1>, vector<128x128xf32>
    %add3A_4001 = arith.addf %add3A_3990, %select_n3A_4000 : vector<128x128xf32>
    %get3A_4002 = arith.constant 1664 : index
    %get3A_4003 = arith.constant 1024 : index
    %get3A_4004 = vector.load %arg2[%get3A_4002, %get3A_4003] : memref<2048x3200xf32, #tpu.memory_space<vmem>>, vector<128x128xf32>
    %add3A_4005 = arith.addf %add3A_3994, %get3A_4004 : vector<128x128xf32>
    %eq3A_4006 = arith.constant 1024 : i32
    %eq3A_4007 = vector.broadcast %eq3A_4006 : i32 to vector<128x128xi32>
    %eq3A_4008 = arith.cmpi eq, %sub3A_3915, %eq3A_4007 : vector<128x128xi32>
    %jit3A_4009 = arith.constant 0.000000e+00 : f32
    %broadcast_in_dim3A_4010 = vector.broadcast %jit3A_4009 : f32 to vector<128x128xf32>
    %select_n3A_4011 = arith.select %eq3A_4008, %get3A_4004, %broadcast_in_dim3A_4010 : vector<128x128xi1>, vector<128x128xf32>
    %add3A_4012 = arith.addf %add3A_4001, %select_n3A_4011 : vector<128x128xf32>
    %get3A_4013 = arith.constant 1664 : index
    %get3A_4014 = arith.constant 1152 : index
    %get3A_4015 = vector.load %arg2[%get3A_4013, %get3A_4014] : memref<2048x3200xf32, #tpu.memory_space<vmem>>, vector<128x128xf32>
    %add3A_4016 = arith.addf %add3A_4005, %get3A_4015 : vector<128x128xf32>
    %eq3A_4017 = arith.constant 1152 : i32
    %eq3A_4018 = vector.broadcast %eq3A_4017 : i32 to vector<128x128xi32>
    %eq3A_4019 = arith.cmpi eq, %sub3A_3915, %eq3A_4018 : vector<128x128xi32>
    %jit3A_4020 = arith.constant 0.000000e+00 : f32
    %broadcast_in_dim3A_4021 = vector.broadcast %jit3A_4020 : f32 to vector<128x128xf32>
    %select_n3A_4022 = arith.select %eq3A_4019, %get3A_4015, %broadcast_in_dim3A_4021 : vector<128x128xi1>, vector<128x128xf32>
    %add3A_4023 = arith.addf %add3A_4012, %select_n3A_4022 : vector<128x128xf32>
    %get3A_4024 = arith.constant 1664 : index
    %get3A_4025 = arith.constant 1280 : index
    %get3A_4026 = vector.load %arg2[%get3A_4024, %get3A_4025] : memref<2048x3200xf32, #tpu.memory_space<vmem>>, vector<128x128xf32>
    %add3A_4027 = arith.addf %add3A_4016, %get3A_4026 : vector<128x128xf32>
    %eq3A_4028 = arith.constant 1280 : i32
    %eq3A_4029 = vector.broadcast %eq3A_4028 : i32 to vector<128x128xi32>
    %eq3A_4030 = arith.cmpi eq, %sub3A_3915, %eq3A_4029 : vector<128x128xi32>
    %jit3A_4031 = arith.constant 0.000000e+00 : f32
    %broadcast_in_dim3A_4032 = vector.broadcast %jit3A_4031 : f32 to vector<128x128xf32>
    %select_n3A_4033 = arith.select %eq3A_4030, %get3A_4026, %broadcast_in_dim3A_4032 : vector<128x128xi1>, vector<128x128xf32>
    %add3A_4034 = arith.addf %add3A_4023, %select_n3A_4033 : vector<128x128xf32>
    %get3A_4035 = arith.constant 1664 : index
    %get3A_4036 = arith.constant 1408 : index
    %get3A_4037 = vector.load %arg2[%get3A_4035, %get3A_4036] : memref<2048x3200xf32, #tpu.memory_space<vmem>>, vector<128x128xf32>
    %add3A_4038 = arith.addf %add3A_4027, %get3A_4037 : vector<128x128xf32>
    %eq3A_4039 = arith.constant 1408 : i32
    %eq3A_4040 = vector.broadcast %eq3A_4039 : i32 to vector<128x128xi32>
    %eq3A_4041 = arith.cmpi eq, %sub3A_3915, %eq3A_4040 : vector<128x128xi32>
    %jit3A_4042 = arith.constant 0.000000e+00 : f32
    %broadcast_in_dim3A_4043 = vector.broadcast %jit3A_4042 : f32 to vector<128x128xf32>
    %select_n3A_4044 = arith.select %eq3A_4041, %get3A_4037, %broadcast_in_dim3A_4043 : vector<128x128xi1>, vector<128x128xf32>
    %add3A_4045 = arith.addf %add3A_4034, %select_n3A_4044 : vector<128x128xf32>
    %get3A_4046 = arith.constant 1664 : index
    %get3A_4047 = arith.constant 1536 : index
    %get3A_4048 = vector.load %arg2[%get3A_4046, %get3A_4047] : memref<2048x3200xf32, #tpu.memory_space<vmem>>, vector<128x128xf32>
    %add3A_4049 = arith.addf %add3A_4038, %get3A_4048 : vector<128x128xf32>
    %eq3A_4050 = arith.constant 1536 : i32
    %eq3A_4051 = vector.broadcast %eq3A_4050 : i32 to vector<128x128xi32>
    %eq3A_4052 = arith.cmpi eq, %sub3A_3915, %eq3A_4051 : vector<128x128xi32>
    %jit3A_4053 = arith.constant 0.000000e+00 : f32
    %broadcast_in_dim3A_4054 = vector.broadcast %jit3A_4053 : f32 to vector<128x128xf32>
    %select_n3A_4055 = arith.select %eq3A_4052, %get3A_4048, %broadcast_in_dim3A_4054 : vector<128x128xi1>, vector<128x128xf32>
    %add3A_4056 = arith.addf %add3A_4045, %select_n3A_4055 : vector<128x128xf32>
    %get3A_4057 = arith.constant 1664 : index
    %get3A_4058 = arith.constant 1664 : index
    %get3A_4059 = vector.load %arg2[%get3A_4057, %get3A_4058] : memref<2048x3200xf32, #tpu.memory_space<vmem>>, vector<128x128xf32>
    %add3A_4060 = arith.addf %add3A_4049, %get3A_4059 : vector<128x128xf32>
    %eq3A_4061 = arith.constant 1664 : i32
    %eq3A_4062 = vector.broadcast %eq3A_4061 : i32 to vector<128x128xi32>
    %eq3A_4063 = arith.cmpi eq, %sub3A_3915, %eq3A_4062 : vector<128x128xi32>
    %jit3A_4064 = arith.constant 0.000000e+00 : f32
    %broadcast_in_dim3A_4065 = vector.broadcast %jit3A_4064 : f32 to vector<128x128xf32>
    %select_n3A_4066 = arith.select %eq3A_4063, %get3A_4059, %broadcast_in_dim3A_4065 : vector<128x128xi1>, vector<128x128xf32>
    %add3A_4067 = arith.addf %add3A_4056, %select_n3A_4066 : vector<128x128xf32>
    %get3A_4068 = arith.constant 1664 : index
    %get3A_4069 = arith.constant 1792 : index
    %get3A_4070 = vector.load %arg2[%get3A_4068, %get3A_4069] : memref<2048x3200xf32, #tpu.memory_space<vmem>>, vector<128x128xf32>
    %add3A_4071 = arith.addf %add3A_4060, %get3A_4070 : vector<128x128xf32>
    %eq3A_4072 = arith.constant 1792 : i32
    %eq3A_4073 = vector.broadcast %eq3A_4072 : i32 to vector<128x128xi32>
    %eq3A_4074 = arith.cmpi eq, %sub3A_3915, %eq3A_4073 : vector<128x128xi32>
    %jit3A_4075 = arith.constant 0.000000e+00 : f32
    %broadcast_in_dim3A_4076 = vector.broadcast %jit3A_4075 : f32 to vector<128x128xf32>
    %select_n3A_4077 = arith.select %eq3A_4074, %get3A_4070, %broadcast_in_dim3A_4076 : vector<128x128xi1>, vector<128x128xf32>
    %add3A_4078 = arith.addf %add3A_4067, %select_n3A_4077 : vector<128x128xf32>
    %get3A_4079 = arith.constant 1664 : index
    %get3A_4080 = arith.constant 1920 : index
    %get3A_4081 = vector.load %arg2[%get3A_4079, %get3A_4080] : memref<2048x3200xf32, #tpu.memory_space<vmem>>, vector<128x128xf32>
    %add3A_4082 = arith.addf %add3A_4071, %get3A_4081 : vector<128x128xf32>
    %eq3A_4083 = arith.constant 1920 : i32
    %eq3A_4084 = vector.broadcast %eq3A_4083 : i32 to vector<128x128xi32>
    %eq3A_4085 = arith.cmpi eq, %sub3A_3915, %eq3A_4084 : vector<128x128xi32>
    %jit3A_4086 = arith.constant 0.000000e+00 : f32
    %broadcast_in_dim3A_4087 = vector.broadcast %jit3A_4086 : f32 to vector<128x128xf32>
    %select_n3A_4088 = arith.select %eq3A_4085, %get3A_4081, %broadcast_in_dim3A_4087 : vector<128x128xi1>, vector<128x128xf32>
    %add3A_4089 = arith.addf %add3A_4078, %select_n3A_4088 : vector<128x128xf32>
    %get3A_4090 = arith.constant 1664 : index
    %get3A_4091 = arith.constant 2048 : index
    %get3A_4092 = vector.load %arg2[%get3A_4090, %get3A_4091] : memref<2048x3200xf32, #tpu.memory_space<vmem>>, vector<128x128xf32>
    %add3A_4093 = arith.addf %add3A_4082, %get3A_4092 : vector<128x128xf32>
    %eq3A_4094 = arith.constant 2048 : i32
    %eq3A_4095 = vector.broadcast %eq3A_4094 : i32 to vector<128x128xi32>
    %eq3A_4096 = arith.cmpi eq, %sub3A_3915, %eq3A_4095 : vector<128x128xi32>
    %jit3A_4097 = arith.constant 0.000000e+00 : f32
    %broadcast_in_dim3A_4098 = vector.broadcast %jit3A_4097 : f32 to vector<128x128xf32>
    %select_n3A_4099 = arith.select %eq3A_4096, %get3A_4092, %broadcast_in_dim3A_4098 : vector<128x128xi1>, vector<128x128xf32>
    %add3A_4100 = arith.addf %add3A_4089, %select_n3A_4099 : vector<128x128xf32>
    %get3A_4101 = arith.constant 1664 : index
    %get3A_4102 = arith.constant 2176 : index
    %get3A_4103 = vector.load %arg2[%get3A_4101, %get3A_4102] : memref<2048x3200xf32, #tpu.memory_space<vmem>>, vector<128x128xf32>
    %add3A_4104 = arith.addf %add3A_4093, %get3A_4103 : vector<128x128xf32>
    %eq3A_4105 = arith.constant 2176 : i32
    %eq3A_4106 = vector.broadcast %eq3A_4105 : i32 to vector<128x128xi32>
    %eq3A_4107 = arith.cmpi eq, %sub3A_3915, %eq3A_4106 : vector<128x128xi32>
    %jit3A_4108 = arith.constant 0.000000e+00 : f32
    %broadcast_in_dim3A_4109 = vector.broadcast %jit3A_4108 : f32 to vector<128x128xf32>
    %select_n3A_4110 = arith.select %eq3A_4107, %get3A_4103, %broadcast_in_dim3A_4109 : vector<128x128xi1>, vector<128x128xf32>
    %add3A_4111 = arith.addf %add3A_4100, %select_n3A_4110 : vector<128x128xf32>
    %get3A_4112 = arith.constant 1664 : index
    %get3A_4113 = arith.constant 2304 : index
    %get3A_4114 = vector.load %arg2[%get3A_4112, %get3A_4113] : memref<2048x3200xf32, #tpu.memory_space<vmem>>, vector<128x128xf32>
    %add3A_4115 = arith.addf %add3A_4104, %get3A_4114 : vector<128x128xf32>
    %eq3A_4116 = arith.constant 2304 : i32
    %eq3A_4117 = vector.broadcast %eq3A_4116 : i32 to vector<128x128xi32>
    %eq3A_4118 = arith.cmpi eq, %sub3A_3915, %eq3A_4117 : vector<128x128xi32>
    %jit3A_4119 = arith.constant 0.000000e+00 : f32
    %broadcast_in_dim3A_4120 = vector.broadcast %jit3A_4119 : f32 to vector<128x128xf32>
    %select_n3A_4121 = arith.select %eq3A_4118, %get3A_4114, %broadcast_in_dim3A_4120 : vector<128x128xi1>, vector<128x128xf32>
    %add3A_4122 = arith.addf %add3A_4111, %select_n3A_4121 : vector<128x128xf32>
    %get3A_4123 = arith.constant 1664 : index
    %get3A_4124 = arith.constant 2432 : index
    %get3A_4125 = vector.load %arg2[%get3A_4123, %get3A_4124] : memref<2048x3200xf32, #tpu.memory_space<vmem>>, vector<128x128xf32>
    %add3A_4126 = arith.addf %add3A_4115, %get3A_4125 : vector<128x128xf32>
    %eq3A_4127 = arith.constant 2432 : i32
    %eq3A_4128 = vector.broadcast %eq3A_4127 : i32 to vector<128x128xi32>
    %eq3A_4129 = arith.cmpi eq, %sub3A_3915, %eq3A_4128 : vector<128x128xi32>
    %jit3A_4130 = arith.constant 0.000000e+00 : f32
    %broadcast_in_dim3A_4131 = vector.broadcast %jit3A_4130 : f32 to vector<128x128xf32>
    %select_n3A_4132 = arith.select %eq3A_4129, %get3A_4125, %broadcast_in_dim3A_4131 : vector<128x128xi1>, vector<128x128xf32>
    %add3A_4133 = arith.addf %add3A_4122, %select_n3A_4132 : vector<128x128xf32>
    %get3A_4134 = arith.constant 1664 : index
    %get3A_4135 = arith.constant 2560 : index
    %get3A_4136 = vector.load %arg2[%get3A_4134, %get3A_4135] : memref<2048x3200xf32, #tpu.memory_space<vmem>>, vector<128x128xf32>
    %add3A_4137 = arith.addf %add3A_4126, %get3A_4136 : vector<128x128xf32>
    %eq3A_4138 = arith.constant 2560 : i32
    %eq3A_4139 = vector.broadcast %eq3A_4138 : i32 to vector<128x128xi32>
    %eq3A_4140 = arith.cmpi eq, %sub3A_3915, %eq3A_4139 : vector<128x128xi32>
    %jit3A_4141 = arith.constant 0.000000e+00 : f32
    %broadcast_in_dim3A_4142 = vector.broadcast %jit3A_4141 : f32 to vector<128x128xf32>
    %select_n3A_4143 = arith.select %eq3A_4140, %get3A_4136, %broadcast_in_dim3A_4142 : vector<128x128xi1>, vector<128x128xf32>
    %add3A_4144 = arith.addf %add3A_4133, %select_n3A_4143 : vector<128x128xf32>
    %get3A_4145 = arith.constant 1664 : index
    %get3A_4146 = arith.constant 2688 : index
    %get3A_4147 = vector.load %arg2[%get3A_4145, %get3A_4146] : memref<2048x3200xf32, #tpu.memory_space<vmem>>, vector<128x128xf32>
    %add3A_4148 = arith.addf %add3A_4137, %get3A_4147 : vector<128x128xf32>
    %eq3A_4149 = arith.constant 2688 : i32
    %eq3A_4150 = vector.broadcast %eq3A_4149 : i32 to vector<128x128xi32>
    %eq3A_4151 = arith.cmpi eq, %sub3A_3915, %eq3A_4150 : vector<128x128xi32>
    %jit3A_4152 = arith.constant 0.000000e+00 : f32
    %broadcast_in_dim3A_4153 = vector.broadcast %jit3A_4152 : f32 to vector<128x128xf32>
    %select_n3A_4154 = arith.select %eq3A_4151, %get3A_4147, %broadcast_in_dim3A_4153 : vector<128x128xi1>, vector<128x128xf32>
    %add3A_4155 = arith.addf %add3A_4144, %select_n3A_4154 : vector<128x128xf32>
    %get3A_4156 = arith.constant 1664 : index
    %get3A_4157 = arith.constant 2816 : index
    %get3A_4158 = vector.load %arg2[%get3A_4156, %get3A_4157] : memref<2048x3200xf32, #tpu.memory_space<vmem>>, vector<128x128xf32>
    %add3A_4159 = arith.addf %add3A_4148, %get3A_4158 : vector<128x128xf32>
    %eq3A_4160 = arith.constant 2816 : i32
    %eq3A_4161 = vector.broadcast %eq3A_4160 : i32 to vector<128x128xi32>
    %eq3A_4162 = arith.cmpi eq, %sub3A_3915, %eq3A_4161 : vector<128x128xi32>
    %jit3A_4163 = arith.constant 0.000000e+00 : f32
    %broadcast_in_dim3A_4164 = vector.broadcast %jit3A_4163 : f32 to vector<128x128xf32>
    %select_n3A_4165 = arith.select %eq3A_4162, %get3A_4158, %broadcast_in_dim3A_4164 : vector<128x128xi1>, vector<128x128xf32>
    %add3A_4166 = arith.addf %add3A_4155, %select_n3A_4165 : vector<128x128xf32>
    %get3A_4167 = arith.constant 1664 : index
    %get3A_4168 = arith.constant 2944 : index
    %get3A_4169 = vector.load %arg2[%get3A_4167, %get3A_4168] : memref<2048x3200xf32, #tpu.memory_space<vmem>>, vector<128x128xf32>
    %add3A_4170 = arith.addf %add3A_4159, %get3A_4169 : vector<128x128xf32>
    %eq3A_4171 = arith.constant 2944 : i32
    %eq3A_4172 = vector.broadcast %eq3A_4171 : i32 to vector<128x128xi32>
    %eq3A_4173 = arith.cmpi eq, %sub3A_3915, %eq3A_4172 : vector<128x128xi32>
    %jit3A_4174 = arith.constant 0.000000e+00 : f32
    %broadcast_in_dim3A_4175 = vector.broadcast %jit3A_4174 : f32 to vector<128x128xf32>
    %select_n3A_4176 = arith.select %eq3A_4173, %get3A_4169, %broadcast_in_dim3A_4175 : vector<128x128xi1>, vector<128x128xf32>
    %add3A_4177 = arith.addf %add3A_4166, %select_n3A_4176 : vector<128x128xf32>
    %get3A_4178 = arith.constant 1664 : index
    %get3A_4179 = arith.constant 3072 : index
    %get3A_4180 = vector.load %arg2[%get3A_4178, %get3A_4179] : memref<2048x3200xf32, #tpu.memory_space<vmem>>, vector<128x128xf32>
    %add3A_4181 = arith.addf %add3A_4170, %get3A_4180 : vector<128x128xf32>
    %eq3A_4182 = arith.constant 3072 : i32
    %eq3A_4183 = vector.broadcast %eq3A_4182 : i32 to vector<128x128xi32>
    %eq3A_4184 = arith.cmpi eq, %sub3A_3915, %eq3A_4183 : vector<128x128xi32>
    %jit3A_4185 = arith.constant 0.000000e+00 : f32
    %broadcast_in_dim3A_4186 = vector.broadcast %jit3A_4185 : f32 to vector<128x128xf32>
    %select_n3A_4187 = arith.select %eq3A_4184, %get3A_4180, %broadcast_in_dim3A_4186 : vector<128x128xi1>, vector<128x128xf32>
    %add3A_4188 = arith.addf %add3A_4177, %select_n3A_4187 : vector<128x128xf32>
    %get3A_4189 = arith.constant 1664 : index
    %get3A_4190 = arith.constant 0 : index
    %get3A_4191 = vector.load %arg3[%get3A_4189, %get3A_4190] : memref<2048x256xf32, #tpu.memory_space<vmem>>, vector<128x128xf32>
    %add3A_4192 = arith.addf %get3A_4191, %add3A_4188 : vector<128x128xf32>
    %swap3A_4193 = arith.constant 1664 : index
    %swap3A_4194 = arith.constant 0 : index
    %swap3A_4195 = vector.load %arg3[%swap3A_4193, %swap3A_4194] : memref<2048x256xf32, #tpu.memory_space<vmem>>, vector<128x128xf32>
    tpu.vector_store %arg3[%swap3A_4193, %swap3A_4194], %add3A_4192 {strides = array<i32>} : memref<2048x256xf32, #tpu.memory_space<vmem>>, vector<128x128xf32>,
    %get3A_4196 = arith.constant 1664 : index
    %get3A_4197 = arith.constant 128 : index
    %get3A_4198 = vector.load %arg3[%get3A_4196, %get3A_4197] : memref<2048x256xf32, #tpu.memory_space<vmem>>, vector<128x1xf32>
    %reduce_sum3A_4199 = arith.constant dense<0.000000e+00> : vector<128xf32>
    %reduce_sum3A_4200 = vector.multi_reduction <add>, %add3A_4181, %reduce_sum3A_4199 [1] : vector<128x128xf32> to vector<128xf32>
    %broadcast_in_dim3A_4201 = vector.shape_cast %reduce_sum3A_4200 : vector<128xf32> to vector<128x1xf32>
    %add3A_4202 = arith.addf %get3A_4198, %broadcast_in_dim3A_4201 : vector<128x1xf32>
    %swap3A_4203 = arith.constant 1664 : index
    %swap3A_4204 = arith.constant 128 : index
    %swap3A_4205 = vector.load %arg3[%swap3A_4203, %swap3A_4204] : memref<2048x256xf32, #tpu.memory_space<vmem>>, vector<128x1xf32>
    tpu.vector_store %arg3[%swap3A_4203, %swap3A_4204], %add3A_4202 {strides = array<i32>} : memref<2048x256xf32, #tpu.memory_space<vmem>>, vector<128x1xf32>,
    %get3A_4206 = arith.constant 1792 : index
    %get3A_4207 = arith.constant 0 : index
    %get3A_4208 = vector.load %arg1[%get3A_4206, %get3A_4207] : memref<2048x1xi32, #tpu.memory_space<vmem>>, vector<128x1xi32>
    %broadcast_in_dim3A_4209 = vector.shape_cast %get3A_4208 : vector<128x1xi32> to vector<128x1xi32>
    %broadcast_in_dim3A_4210 = vector.broadcast %broadcast_in_dim3A_4209 : vector<128x1xi32> to vector<128x128xi32>
    %iota3A_4211 = tpu.iota {dimensions = array<i32: 1>} : vector<128x128xi32>
    %sub3A_4212 = arith.subi %broadcast_in_dim3A_4210, %iota3A_4211 : vector<128x128xi32>
    %mul3A_4213 = arith.constant 3200 : i32
    %mul3A_4214 = arith.muli %arg0, %mul3A_4213 : i32
    %sub3A_4215 = vector.broadcast %mul3A_4214 : i32 to vector<128x128xi32>
    %sub3A_4216 = arith.subi %sub3A_4212, %sub3A_4215 : vector<128x128xi32>
    %get3A_4217 = arith.constant 1792 : index
    %get3A_4218 = arith.constant 0 : index
    %get3A_4219 = vector.load %arg2[%get3A_4217, %get3A_4218] : memref<2048x3200xf32, #tpu.memory_space<vmem>>, vector<128x128xf32>
    %eq3A_4220 = arith.constant 0 : i32
    %eq3A_4221 = vector.broadcast %eq3A_4220 : i32 to vector<128x128xi32>
    %eq3A_4222 = arith.cmpi eq, %sub3A_4216, %eq3A_4221 : vector<128x128xi32>
    %jit3A_4223 = arith.constant 0.000000e+00 : f32
    %broadcast_in_dim3A_4224 = vector.broadcast %jit3A_4223 : f32 to vector<128x128xf32>
    %select_n3A_4225 = arith.select %eq3A_4222, %get3A_4219, %broadcast_in_dim3A_4224 : vector<128x128xi1>, vector<128x128xf32>
    %get3A_4226 = arith.constant 1792 : index
    %get3A_4227 = arith.constant 128 : index
    %get3A_4228 = vector.load %arg2[%get3A_4226, %get3A_4227] : memref<2048x3200xf32, #tpu.memory_space<vmem>>, vector<128x128xf32>
    %add3A_4229 = arith.addf %get3A_4219, %get3A_4228 : vector<128x128xf32>
    %eq3A_4230 = arith.constant 128 : i32
    %eq3A_4231 = vector.broadcast %eq3A_4230 : i32 to vector<128x128xi32>
    %eq3A_4232 = arith.cmpi eq, %sub3A_4216, %eq3A_4231 : vector<128x128xi32>
    %jit3A_4233 = arith.constant 0.000000e+00 : f32
    %broadcast_in_dim3A_4234 = vector.broadcast %jit3A_4233 : f32 to vector<128x128xf32>
    %select_n3A_4235 = arith.select %eq3A_4232, %get3A_4228, %broadcast_in_dim3A_4234 : vector<128x128xi1>, vector<128x128xf32>
    %add3A_4236 = arith.addf %select_n3A_4225, %select_n3A_4235 : vector<128x128xf32>
    %get3A_4237 = arith.constant 1792 : index
    %get3A_4238 = arith.constant 256 : index
    %get3A_4239 = vector.load %arg2[%get3A_4237, %get3A_4238] : memref<2048x3200xf32, #tpu.memory_space<vmem>>, vector<128x128xf32>
    %add3A_4240 = arith.addf %add3A_4229, %get3A_4239 : vector<128x128xf32>
    %eq3A_4241 = arith.constant 256 : i32
    %eq3A_4242 = vector.broadcast %eq3A_4241 : i32 to vector<128x128xi32>
    %eq3A_4243 = arith.cmpi eq, %sub3A_4216, %eq3A_4242 : vector<128x128xi32>
    %jit3A_4244 = arith.constant 0.000000e+00 : f32
    %broadcast_in_dim3A_4245 = vector.broadcast %jit3A_4244 : f32 to vector<128x128xf32>
    %select_n3A_4246 = arith.select %eq3A_4243, %get3A_4239, %broadcast_in_dim3A_4245 : vector<128x128xi1>, vector<128x128xf32>
    %add3A_4247 = arith.addf %add3A_4236, %select_n3A_4246 : vector<128x128xf32>
    %get3A_4248 = arith.constant 1792 : index
    %get3A_4249 = arith.constant 384 : index
    %get3A_4250 = vector.load %arg2[%get3A_4248, %get3A_4249] : memref<2048x3200xf32, #tpu.memory_space<vmem>>, vector<128x128xf32>
    %add3A_4251 = arith.addf %add3A_4240, %get3A_4250 : vector<128x128xf32>
    %eq3A_4252 = arith.constant 384 : i32
    %eq3A_4253 = vector.broadcast %eq3A_4252 : i32 to vector<128x128xi32>
    %eq3A_4254 = arith.cmpi eq, %sub3A_4216, %eq3A_4253 : vector<128x128xi32>
    %jit3A_4255 = arith.constant 0.000000e+00 : f32
    %broadcast_in_dim3A_4256 = vector.broadcast %jit3A_4255 : f32 to vector<128x128xf32>
    %select_n3A_4257 = arith.select %eq3A_4254, %get3A_4250, %broadcast_in_dim3A_4256 : vector<128x128xi1>, vector<128x128xf32>
    %add3A_4258 = arith.addf %add3A_4247, %select_n3A_4257 : vector<128x128xf32>
    %get3A_4259 = arith.constant 1792 : index
    %get3A_4260 = arith.constant 512 : index
    %get3A_4261 = vector.load %arg2[%get3A_4259, %get3A_4260] : memref<2048x3200xf32, #tpu.memory_space<vmem>>, vector<128x128xf32>
    %add3A_4262 = arith.addf %add3A_4251, %get3A_4261 : vector<128x128xf32>
    %eq3A_4263 = arith.constant 512 : i32
    %eq3A_4264 = vector.broadcast %eq3A_4263 : i32 to vector<128x128xi32>
    %eq3A_4265 = arith.cmpi eq, %sub3A_4216, %eq3A_4264 : vector<128x128xi32>
    %jit3A_4266 = arith.constant 0.000000e+00 : f32
    %broadcast_in_dim3A_4267 = vector.broadcast %jit3A_4266 : f32 to vector<128x128xf32>
    %select_n3A_4268 = arith.select %eq3A_4265, %get3A_4261, %broadcast_in_dim3A_4267 : vector<128x128xi1>, vector<128x128xf32>
    %add3A_4269 = arith.addf %add3A_4258, %select_n3A_4268 : vector<128x128xf32>
    %get3A_4270 = arith.constant 1792 : index
    %get3A_4271 = arith.constant 640 : index
    %get3A_4272 = vector.load %arg2[%get3A_4270, %get3A_4271] : memref<2048x3200xf32, #tpu.memory_space<vmem>>, vector<128x128xf32>
    %add3A_4273 = arith.addf %add3A_4262, %get3A_4272 : vector<128x128xf32>
    %eq3A_4274 = arith.constant 640 : i32
    %eq3A_4275 = vector.broadcast %eq3A_4274 : i32 to vector<128x128xi32>
    %eq3A_4276 = arith.cmpi eq, %sub3A_4216, %eq3A_4275 : vector<128x128xi32>
    %jit3A_4277 = arith.constant 0.000000e+00 : f32
    %broadcast_in_dim3A_4278 = vector.broadcast %jit3A_4277 : f32 to vector<128x128xf32>
    %select_n3A_4279 = arith.select %eq3A_4276, %get3A_4272, %broadcast_in_dim3A_4278 : vector<128x128xi1>, vector<128x128xf32>
    %add3A_4280 = arith.addf %add3A_4269, %select_n3A_4279 : vector<128x128xf32>
    %get3A_4281 = arith.constant 1792 : index
    %get3A_4282 = arith.constant 768 : index
    %get3A_4283 = vector.load %arg2[%get3A_4281, %get3A_4282] : memref<2048x3200xf32, #tpu.memory_space<vmem>>, vector<128x128xf32>
    %add3A_4284 = arith.addf %add3A_4273, %get3A_4283 : vector<128x128xf32>
    %eq3A_4285 = arith.constant 768 : i32
    %eq3A_4286 = vector.broadcast %eq3A_4285 : i32 to vector<128x128xi32>
    %eq3A_4287 = arith.cmpi eq, %sub3A_4216, %eq3A_4286 : vector<128x128xi32>
    %jit3A_4288 = arith.constant 0.000000e+00 : f32
    %broadcast_in_dim3A_4289 = vector.broadcast %jit3A_4288 : f32 to vector<128x128xf32>
    %select_n3A_4290 = arith.select %eq3A_4287, %get3A_4283, %broadcast_in_dim3A_4289 : vector<128x128xi1>, vector<128x128xf32>
    %add3A_4291 = arith.addf %add3A_4280, %select_n3A_4290 : vector<128x128xf32>
    %get3A_4292 = arith.constant 1792 : index
    %get3A_4293 = arith.constant 896 : index
    %get3A_4294 = vector.load %arg2[%get3A_4292, %get3A_4293] : memref<2048x3200xf32, #tpu.memory_space<vmem>>, vector<128x128xf32>
    %add3A_4295 = arith.addf %add3A_4284, %get3A_4294 : vector<128x128xf32>
    %eq3A_4296 = arith.constant 896 : i32
    %eq3A_4297 = vector.broadcast %eq3A_4296 : i32 to vector<128x128xi32>
    %eq3A_4298 = arith.cmpi eq, %sub3A_4216, %eq3A_4297 : vector<128x128xi32>
    %jit3A_4299 = arith.constant 0.000000e+00 : f32
    %broadcast_in_dim3A_4300 = vector.broadcast %jit3A_4299 : f32 to vector<128x128xf32>
    %select_n3A_4301 = arith.select %eq3A_4298, %get3A_4294, %broadcast_in_dim3A_4300 : vector<128x128xi1>, vector<128x128xf32>
    %add3A_4302 = arith.addf %add3A_4291, %select_n3A_4301 : vector<128x128xf32>
    %get3A_4303 = arith.constant 1792 : index
    %get3A_4304 = arith.constant 1024 : index
    %get3A_4305 = vector.load %arg2[%get3A_4303, %get3A_4304] : memref<2048x3200xf32, #tpu.memory_space<vmem>>, vector<128x128xf32>
    %add3A_4306 = arith.addf %add3A_4295, %get3A_4305 : vector<128x128xf32>
    %eq3A_4307 = arith.constant 1024 : i32
    %eq3A_4308 = vector.broadcast %eq3A_4307 : i32 to vector<128x128xi32>
    %eq3A_4309 = arith.cmpi eq, %sub3A_4216, %eq3A_4308 : vector<128x128xi32>
    %jit3A_4310 = arith.constant 0.000000e+00 : f32
    %broadcast_in_dim3A_4311 = vector.broadcast %jit3A_4310 : f32 to vector<128x128xf32>
    %select_n3A_4312 = arith.select %eq3A_4309, %get3A_4305, %broadcast_in_dim3A_4311 : vector<128x128xi1>, vector<128x128xf32>
    %add3A_4313 = arith.addf %add3A_4302, %select_n3A_4312 : vector<128x128xf32>
    %get3A_4314 = arith.constant 1792 : index
    %get3A_4315 = arith.constant 1152 : index
    %get3A_4316 = vector.load %arg2[%get3A_4314, %get3A_4315] : memref<2048x3200xf32, #tpu.memory_space<vmem>>, vector<128x128xf32>
    %add3A_4317 = arith.addf %add3A_4306, %get3A_4316 : vector<128x128xf32>
    %eq3A_4318 = arith.constant 1152 : i32
    %eq3A_4319 = vector.broadcast %eq3A_4318 : i32 to vector<128x128xi32>
    %eq3A_4320 = arith.cmpi eq, %sub3A_4216, %eq3A_4319 : vector<128x128xi32>
    %jit3A_4321 = arith.constant 0.000000e+00 : f32
    %broadcast_in_dim3A_4322 = vector.broadcast %jit3A_4321 : f32 to vector<128x128xf32>
    %select_n3A_4323 = arith.select %eq3A_4320, %get3A_4316, %broadcast_in_dim3A_4322 : vector<128x128xi1>, vector<128x128xf32>
    %add3A_4324 = arith.addf %add3A_4313, %select_n3A_4323 : vector<128x128xf32>
    %get3A_4325 = arith.constant 1792 : index
    %get3A_4326 = arith.constant 1280 : index
    %get3A_4327 = vector.load %arg2[%get3A_4325, %get3A_4326] : memref<2048x3200xf32, #tpu.memory_space<vmem>>, vector<128x128xf32>
    %add3A_4328 = arith.addf %add3A_4317, %get3A_4327 : vector<128x128xf32>
    %eq3A_4329 = arith.constant 1280 : i32
    %eq3A_4330 = vector.broadcast %eq3A_4329 : i32 to vector<128x128xi32>
    %eq3A_4331 = arith.cmpi eq, %sub3A_4216, %eq3A_4330 : vector<128x128xi32>
    %jit3A_4332 = arith.constant 0.000000e+00 : f32
    %broadcast_in_dim3A_4333 = vector.broadcast %jit3A_4332 : f32 to vector<128x128xf32>
    %select_n3A_4334 = arith.select %eq3A_4331, %get3A_4327, %broadcast_in_dim3A_4333 : vector<128x128xi1>, vector<128x128xf32>
    %add3A_4335 = arith.addf %add3A_4324, %select_n3A_4334 : vector<128x128xf32>
    %get3A_4336 = arith.constant 1792 : index
    %get3A_4337 = arith.constant 1408 : index
    %get3A_4338 = vector.load %arg2[%get3A_4336, %get3A_4337] : memref<2048x3200xf32, #tpu.memory_space<vmem>>, vector<128x128xf32>
    %add3A_4339 = arith.addf %add3A_4328, %get3A_4338 : vector<128x128xf32>
    %eq3A_4340 = arith.constant 1408 : i32
    %eq3A_4341 = vector.broadcast %eq3A_4340 : i32 to vector<128x128xi32>
    %eq3A_4342 = arith.cmpi eq, %sub3A_4216, %eq3A_4341 : vector<128x128xi32>
    %jit3A_4343 = arith.constant 0.000000e+00 : f32
    %broadcast_in_dim3A_4344 = vector.broadcast %jit3A_4343 : f32 to vector<128x128xf32>
    %select_n3A_4345 = arith.select %eq3A_4342, %get3A_4338, %broadcast_in_dim3A_4344 : vector<128x128xi1>, vector<128x128xf32>
    %add3A_4346 = arith.addf %add3A_4335, %select_n3A_4345 : vector<128x128xf32>
    %get3A_4347 = arith.constant 1792 : index
    %get3A_4348 = arith.constant 1536 : index
    %get3A_4349 = vector.load %arg2[%get3A_4347, %get3A_4348] : memref<2048x3200xf32, #tpu.memory_space<vmem>>, vector<128x128xf32>
    %add3A_4350 = arith.addf %add3A_4339, %get3A_4349 : vector<128x128xf32>
    %eq3A_4351 = arith.constant 1536 : i32
    %eq3A_4352 = vector.broadcast %eq3A_4351 : i32 to vector<128x128xi32>
    %eq3A_4353 = arith.cmpi eq, %sub3A_4216, %eq3A_4352 : vector<128x128xi32>
    %jit3A_4354 = arith.constant 0.000000e+00 : f32
    %broadcast_in_dim3A_4355 = vector.broadcast %jit3A_4354 : f32 to vector<128x128xf32>
    %select_n3A_4356 = arith.select %eq3A_4353, %get3A_4349, %broadcast_in_dim3A_4355 : vector<128x128xi1>, vector<128x128xf32>
    %add3A_4357 = arith.addf %add3A_4346, %select_n3A_4356 : vector<128x128xf32>
    %get3A_4358 = arith.constant 1792 : index
    %get3A_4359 = arith.constant 1664 : index
    %get3A_4360 = vector.load %arg2[%get3A_4358, %get3A_4359] : memref<2048x3200xf32, #tpu.memory_space<vmem>>, vector<128x128xf32>
    %add3A_4361 = arith.addf %add3A_4350, %get3A_4360 : vector<128x128xf32>
    %eq3A_4362 = arith.constant 1664 : i32
    %eq3A_4363 = vector.broadcast %eq3A_4362 : i32 to vector<128x128xi32>
    %eq3A_4364 = arith.cmpi eq, %sub3A_4216, %eq3A_4363 : vector<128x128xi32>
    %jit3A_4365 = arith.constant 0.000000e+00 : f32
    %broadcast_in_dim3A_4366 = vector.broadcast %jit3A_4365 : f32 to vector<128x128xf32>
    %select_n3A_4367 = arith.select %eq3A_4364, %get3A_4360, %broadcast_in_dim3A_4366 : vector<128x128xi1>, vector<128x128xf32>
    %add3A_4368 = arith.addf %add3A_4357, %select_n3A_4367 : vector<128x128xf32>
    %get3A_4369 = arith.constant 1792 : index
    %get3A_4370 = arith.constant 1792 : index
    %get3A_4371 = vector.load %arg2[%get3A_4369, %get3A_4370] : memref<2048x3200xf32, #tpu.memory_space<vmem>>, vector<128x128xf32>
    %add3A_4372 = arith.addf %add3A_4361, %get3A_4371 : vector<128x128xf32>
    %eq3A_4373 = arith.constant 1792 : i32
    %eq3A_4374 = vector.broadcast %eq3A_4373 : i32 to vector<128x128xi32>
    %eq3A_4375 = arith.cmpi eq, %sub3A_4216, %eq3A_4374 : vector<128x128xi32>
    %jit3A_4376 = arith.constant 0.000000e+00 : f32
    %broadcast_in_dim3A_4377 = vector.broadcast %jit3A_4376 : f32 to vector<128x128xf32>
    %select_n3A_4378 = arith.select %eq3A_4375, %get3A_4371, %broadcast_in_dim3A_4377 : vector<128x128xi1>, vector<128x128xf32>
    %add3A_4379 = arith.addf %add3A_4368, %select_n3A_4378 : vector<128x128xf32>
    %get3A_4380 = arith.constant 1792 : index
    %get3A_4381 = arith.constant 1920 : index
    %get3A_4382 = vector.load %arg2[%get3A_4380, %get3A_4381] : memref<2048x3200xf32, #tpu.memory_space<vmem>>, vector<128x128xf32>
    %add3A_4383 = arith.addf %add3A_4372, %get3A_4382 : vector<128x128xf32>
    %eq3A_4384 = arith.constant 1920 : i32
    %eq3A_4385 = vector.broadcast %eq3A_4384 : i32 to vector<128x128xi32>
    %eq3A_4386 = arith.cmpi eq, %sub3A_4216, %eq3A_4385 : vector<128x128xi32>
    %jit3A_4387 = arith.constant 0.000000e+00 : f32
    %broadcast_in_dim3A_4388 = vector.broadcast %jit3A_4387 : f32 to vector<128x128xf32>
    %select_n3A_4389 = arith.select %eq3A_4386, %get3A_4382, %broadcast_in_dim3A_4388 : vector<128x128xi1>, vector<128x128xf32>
    %add3A_4390 = arith.addf %add3A_4379, %select_n3A_4389 : vector<128x128xf32>
    %get3A_4391 = arith.constant 1792 : index
    %get3A_4392 = arith.constant 2048 : index
    %get3A_4393 = vector.load %arg2[%get3A_4391, %get3A_4392] : memref<2048x3200xf32, #tpu.memory_space<vmem>>, vector<128x128xf32>
    %add3A_4394 = arith.addf %add3A_4383, %get3A_4393 : vector<128x128xf32>
    %eq3A_4395 = arith.constant 2048 : i32
    %eq3A_4396 = vector.broadcast %eq3A_4395 : i32 to vector<128x128xi32>
    %eq3A_4397 = arith.cmpi eq, %sub3A_4216, %eq3A_4396 : vector<128x128xi32>
    %jit3A_4398 = arith.constant 0.000000e+00 : f32
    %broadcast_in_dim3A_4399 = vector.broadcast %jit3A_4398 : f32 to vector<128x128xf32>
    %select_n3A_4400 = arith.select %eq3A_4397, %get3A_4393, %broadcast_in_dim3A_4399 : vector<128x128xi1>, vector<128x128xf32>
    %add3A_4401 = arith.addf %add3A_4390, %select_n3A_4400 : vector<128x128xf32>
    %get3A_4402 = arith.constant 1792 : index
    %get3A_4403 = arith.constant 2176 : index
    %get3A_4404 = vector.load %arg2[%get3A_4402, %get3A_4403] : memref<2048x3200xf32, #tpu.memory_space<vmem>>, vector<128x128xf32>
    %add3A_4405 = arith.addf %add3A_4394, %get3A_4404 : vector<128x128xf32>
    %eq3A_4406 = arith.constant 2176 : i32
    %eq3A_4407 = vector.broadcast %eq3A_4406 : i32 to vector<128x128xi32>
    %eq3A_4408 = arith.cmpi eq, %sub3A_4216, %eq3A_4407 : vector<128x128xi32>
    %jit3A_4409 = arith.constant 0.000000e+00 : f32
    %broadcast_in_dim3A_4410 = vector.broadcast %jit3A_4409 : f32 to vector<128x128xf32>
    %select_n3A_4411 = arith.select %eq3A_4408, %get3A_4404, %broadcast_in_dim3A_4410 : vector<128x128xi1>, vector<128x128xf32>
    %add3A_4412 = arith.addf %add3A_4401, %select_n3A_4411 : vector<128x128xf32>
    %get3A_4413 = arith.constant 1792 : index
    %get3A_4414 = arith.constant 2304 : index
    %get3A_4415 = vector.load %arg2[%get3A_4413, %get3A_4414] : memref<2048x3200xf32, #tpu.memory_space<vmem>>, vector<128x128xf32>
    %add3A_4416 = arith.addf %add3A_4405, %get3A_4415 : vector<128x128xf32>
    %eq3A_4417 = arith.constant 2304 : i32
    %eq3A_4418 = vector.broadcast %eq3A_4417 : i32 to vector<128x128xi32>
    %eq3A_4419 = arith.cmpi eq, %sub3A_4216, %eq3A_4418 : vector<128x128xi32>
    %jit3A_4420 = arith.constant 0.000000e+00 : f32
    %broadcast_in_dim3A_4421 = vector.broadcast %jit3A_4420 : f32 to vector<128x128xf32>
    %select_n3A_4422 = arith.select %eq3A_4419, %get3A_4415, %broadcast_in_dim3A_4421 : vector<128x128xi1>, vector<128x128xf32>
    %add3A_4423 = arith.addf %add3A_4412, %select_n3A_4422 : vector<128x128xf32>
    %get3A_4424 = arith.constant 1792 : index
    %get3A_4425 = arith.constant 2432 : index
    %get3A_4426 = vector.load %arg2[%get3A_4424, %get3A_4425] : memref<2048x3200xf32, #tpu.memory_space<vmem>>, vector<128x128xf32>
    %add3A_4427 = arith.addf %add3A_4416, %get3A_4426 : vector<128x128xf32>
    %eq3A_4428 = arith.constant 2432 : i32
    %eq3A_4429 = vector.broadcast %eq3A_4428 : i32 to vector<128x128xi32>
    %eq3A_4430 = arith.cmpi eq, %sub3A_4216, %eq3A_4429 : vector<128x128xi32>
    %jit3A_4431 = arith.constant 0.000000e+00 : f32
    %broadcast_in_dim3A_4432 = vector.broadcast %jit3A_4431 : f32 to vector<128x128xf32>
    %select_n3A_4433 = arith.select %eq3A_4430, %get3A_4426, %broadcast_in_dim3A_4432 : vector<128x128xi1>, vector<128x128xf32>
    %add3A_4434 = arith.addf %add3A_4423, %select_n3A_4433 : vector<128x128xf32>
    %get3A_4435 = arith.constant 1792 : index
    %get3A_4436 = arith.constant 2560 : index
    %get3A_4437 = vector.load %arg2[%get3A_4435, %get3A_4436] : memref<2048x3200xf32, #tpu.memory_space<vmem>>, vector<128x128xf32>
    %add3A_4438 = arith.addf %add3A_4427, %get3A_4437 : vector<128x128xf32>
    %eq3A_4439 = arith.constant 2560 : i32
    %eq3A_4440 = vector.broadcast %eq3A_4439 : i32 to vector<128x128xi32>
    %eq3A_4441 = arith.cmpi eq, %sub3A_4216, %eq3A_4440 : vector<128x128xi32>
    %jit3A_4442 = arith.constant 0.000000e+00 : f32
    %broadcast_in_dim3A_4443 = vector.broadcast %jit3A_4442 : f32 to vector<128x128xf32>
    %select_n3A_4444 = arith.select %eq3A_4441, %get3A_4437, %broadcast_in_dim3A_4443 : vector<128x128xi1>, vector<128x128xf32>
    %add3A_4445 = arith.addf %add3A_4434, %select_n3A_4444 : vector<128x128xf32>
    %get3A_4446 = arith.constant 1792 : index
    %get3A_4447 = arith.constant 2688 : index
    %get3A_4448 = vector.load %arg2[%get3A_4446, %get3A_4447] : memref<2048x3200xf32, #tpu.memory_space<vmem>>, vector<128x128xf32>
    %add3A_4449 = arith.addf %add3A_4438, %get3A_4448 : vector<128x128xf32>
    %eq3A_4450 = arith.constant 2688 : i32
    %eq3A_4451 = vector.broadcast %eq3A_4450 : i32 to vector<128x128xi32>
    %eq3A_4452 = arith.cmpi eq, %sub3A_4216, %eq3A_4451 : vector<128x128xi32>
    %jit3A_4453 = arith.constant 0.000000e+00 : f32
    %broadcast_in_dim3A_4454 = vector.broadcast %jit3A_4453 : f32 to vector<128x128xf32>
    %select_n3A_4455 = arith.select %eq3A_4452, %get3A_4448, %broadcast_in_dim3A_4454 : vector<128x128xi1>, vector<128x128xf32>
    %add3A_4456 = arith.addf %add3A_4445, %select_n3A_4455 : vector<128x128xf32>
    %get3A_4457 = arith.constant 1792 : index
    %get3A_4458 = arith.constant 2816 : index
    %get3A_4459 = vector.load %arg2[%get3A_4457, %get3A_4458] : memref<2048x3200xf32, #tpu.memory_space<vmem>>, vector<128x128xf32>
    %add3A_4460 = arith.addf %add3A_4449, %get3A_4459 : vector<128x128xf32>
    %eq3A_4461 = arith.constant 2816 : i32
    %eq3A_4462 = vector.broadcast %eq3A_4461 : i32 to vector<128x128xi32>
    %eq3A_4463 = arith.cmpi eq, %sub3A_4216, %eq3A_4462 : vector<128x128xi32>
    %jit3A_4464 = arith.constant 0.000000e+00 : f32
    %broadcast_in_dim3A_4465 = vector.broadcast %jit3A_4464 : f32 to vector<128x128xf32>
    %select_n3A_4466 = arith.select %eq3A_4463, %get3A_4459, %broadcast_in_dim3A_4465 : vector<128x128xi1>, vector<128x128xf32>
    %add3A_4467 = arith.addf %add3A_4456, %select_n3A_4466 : vector<128x128xf32>
    %get3A_4468 = arith.constant 1792 : index
    %get3A_4469 = arith.constant 2944 : index
    %get3A_4470 = vector.load %arg2[%get3A_4468, %get3A_4469] : memref<2048x3200xf32, #tpu.memory_space<vmem>>, vector<128x128xf32>
    %add3A_4471 = arith.addf %add3A_4460, %get3A_4470 : vector<128x128xf32>
    %eq3A_4472 = arith.constant 2944 : i32
    %eq3A_4473 = vector.broadcast %eq3A_4472 : i32 to vector<128x128xi32>
    %eq3A_4474 = arith.cmpi eq, %sub3A_4216, %eq3A_4473 : vector<128x128xi32>
    %jit3A_4475 = arith.constant 0.000000e+00 : f32
    %broadcast_in_dim3A_4476 = vector.broadcast %jit3A_4475 : f32 to vector<128x128xf32>
    %select_n3A_4477 = arith.select %eq3A_4474, %get3A_4470, %broadcast_in_dim3A_4476 : vector<128x128xi1>, vector<128x128xf32>
    %add3A_4478 = arith.addf %add3A_4467, %select_n3A_4477 : vector<128x128xf32>
    %get3A_4479 = arith.constant 1792 : index
    %get3A_4480 = arith.constant 3072 : index
    %get3A_4481 = vector.load %arg2[%get3A_4479, %get3A_4480] : memref<2048x3200xf32, #tpu.memory_space<vmem>>, vector<128x128xf32>
    %add3A_4482 = arith.addf %add3A_4471, %get3A_4481 : vector<128x128xf32>
    %eq3A_4483 = arith.constant 3072 : i32
    %eq3A_4484 = vector.broadcast %eq3A_4483 : i32 to vector<128x128xi32>
    %eq3A_4485 = arith.cmpi eq, %sub3A_4216, %eq3A_4484 : vector<128x128xi32>
    %jit3A_4486 = arith.constant 0.000000e+00 : f32
    %broadcast_in_dim3A_4487 = vector.broadcast %jit3A_4486 : f32 to vector<128x128xf32>
    %select_n3A_4488 = arith.select %eq3A_4485, %get3A_4481, %broadcast_in_dim3A_4487 : vector<128x128xi1>, vector<128x128xf32>
    %add3A_4489 = arith.addf %add3A_4478, %select_n3A_4488 : vector<128x128xf32>
    %get3A_4490 = arith.constant 1792 : index
    %get3A_4491 = arith.constant 0 : index
    %get3A_4492 = vector.load %arg3[%get3A_4490, %get3A_4491] : memref<2048x256xf32, #tpu.memory_space<vmem>>, vector<128x128xf32>
    %add3A_4493 = arith.addf %get3A_4492, %add3A_4489 : vector<128x128xf32>
    %swap3A_4494 = arith.constant 1792 : index
    %swap3A_4495 = arith.constant 0 : index
    %swap3A_4496 = vector.load %arg3[%swap3A_4494, %swap3A_4495] : memref<2048x256xf32, #tpu.memory_space<vmem>>, vector<128x128xf32>
    tpu.vector_store %arg3[%swap3A_4494, %swap3A_4495], %add3A_4493 {strides = array<i32>} : memref<2048x256xf32, #tpu.memory_space<vmem>>, vector<128x128xf32>,
    %get3A_4497 = arith.constant 1792 : index
    %get3A_4498 = arith.constant 128 : index
    %get3A_4499 = vector.load %arg3[%get3A_4497, %get3A_4498] : memref<2048x256xf32, #tpu.memory_space<vmem>>, vector<128x1xf32>
    %reduce_sum3A_4500 = arith.constant dense<0.000000e+00> : vector<128xf32>
    %reduce_sum3A_4501 = vector.multi_reduction <add>, %add3A_4482, %reduce_sum3A_4500 [1] : vector<128x128xf32> to vector<128xf32>
    %broadcast_in_dim3A_4502 = vector.shape_cast %reduce_sum3A_4501 : vector<128xf32> to vector<128x1xf32>
    %add3A_4503 = arith.addf %get3A_4499, %broadcast_in_dim3A_4502 : vector<128x1xf32>
    %swap3A_4504 = arith.constant 1792 : index
    %swap3A_4505 = arith.constant 128 : index
    %swap3A_4506 = vector.load %arg3[%swap3A_4504, %swap3A_4505] : memref<2048x256xf32, #tpu.memory_space<vmem>>, vector<128x1xf32>
    tpu.vector_store %arg3[%swap3A_4504, %swap3A_4505], %add3A_4503 {strides = array<i32>} : memref<2048x256xf32, #tpu.memory_space<vmem>>, vector<128x1xf32>,
    %get3A_4507 = arith.constant 1920 : index
    %get3A_4508 = arith.constant 0 : index
    %get3A_4509 = vector.load %arg1[%get3A_4507, %get3A_4508] : memref<2048x1xi32, #tpu.memory_space<vmem>>, vector<128x1xi32>
    %broadcast_in_dim3A_4510 = vector.shape_cast %get3A_4509 : vector<128x1xi32> to vector<128x1xi32>
    %broadcast_in_dim3A_4511 = vector.broadcast %broadcast_in_dim3A_4510 : vector<128x1xi32> to vector<128x128xi32>
    %iota3A_4512 = tpu.iota {dimensions = array<i32: 1>} : vector<128x128xi32>
    %sub3A_4513 = arith.subi %broadcast_in_dim3A_4511, %iota3A_4512 : vector<128x128xi32>
    %mul3A_4514 = arith.constant 3200 : i32
    %mul3A_4515 = arith.muli %arg0, %mul3A_4514 : i32
    %sub3A_4516 = vector.broadcast %mul3A_4515 : i32 to vector<128x128xi32>
    %sub3A_4517 = arith.subi %sub3A_4513, %sub3A_4516 : vector<128x128xi32>
    %get3A_4518 = arith.constant 1920 : index
    %get3A_4519 = arith.constant 0 : index
    %get3A_4520 = vector.load %arg2[%get3A_4518, %get3A_4519] : memref<2048x3200xf32, #tpu.memory_space<vmem>>, vector<128x128xf32>
    %eq3A_4521 = arith.constant 0 : i32
    %eq3A_4522 = vector.broadcast %eq3A_4521 : i32 to vector<128x128xi32>
    %eq3A_4523 = arith.cmpi eq, %sub3A_4517, %eq3A_4522 : vector<128x128xi32>
    %jit3A_4524 = arith.constant 0.000000e+00 : f32
    %broadcast_in_dim3A_4525 = vector.broadcast %jit3A_4524 : f32 to vector<128x128xf32>
    %select_n3A_4526 = arith.select %eq3A_4523, %get3A_4520, %broadcast_in_dim3A_4525 : vector<128x128xi1>, vector<128x128xf32>
    %get3A_4527 = arith.constant 1920 : index
    %get3A_4528 = arith.constant 128 : index
    %get3A_4529 = vector.load %arg2[%get3A_4527, %get3A_4528] : memref<2048x3200xf32, #tpu.memory_space<vmem>>, vector<128x128xf32>
    %add3A_4530 = arith.addf %get3A_4520, %get3A_4529 : vector<128x128xf32>
    %eq3A_4531 = arith.constant 128 : i32
    %eq3A_4532 = vector.broadcast %eq3A_4531 : i32 to vector<128x128xi32>
    %eq3A_4533 = arith.cmpi eq, %sub3A_4517, %eq3A_4532 : vector<128x128xi32>
    %jit3A_4534 = arith.constant 0.000000e+00 : f32
    %broadcast_in_dim3A_4535 = vector.broadcast %jit3A_4534 : f32 to vector<128x128xf32>
    %select_n3A_4536 = arith.select %eq3A_4533, %get3A_4529, %broadcast_in_dim3A_4535 : vector<128x128xi1>, vector<128x128xf32>
    %add3A_4537 = arith.addf %select_n3A_4526, %select_n3A_4536 : vector<128x128xf32>
    %get3A_4538 = arith.constant 1920 : index
    %get3A_4539 = arith.constant 256 : index
    %get3A_4540 = vector.load %arg2[%get3A_4538, %get3A_4539] : memref<2048x3200xf32, #tpu.memory_space<vmem>>, vector<128x128xf32>
    %add3A_4541 = arith.addf %add3A_4530, %get3A_4540 : vector<128x128xf32>
    %eq3A_4542 = arith.constant 256 : i32
    %eq3A_4543 = vector.broadcast %eq3A_4542 : i32 to vector<128x128xi32>
    %eq3A_4544 = arith.cmpi eq, %sub3A_4517, %eq3A_4543 : vector<128x128xi32>
    %jit3A_4545 = arith.constant 0.000000e+00 : f32
    %broadcast_in_dim3A_4546 = vector.broadcast %jit3A_4545 : f32 to vector<128x128xf32>
    %select_n3A_4547 = arith.select %eq3A_4544, %get3A_4540, %broadcast_in_dim3A_4546 : vector<128x128xi1>, vector<128x128xf32>
    %add3A_4548 = arith.addf %add3A_4537, %select_n3A_4547 : vector<128x128xf32>
    %get3A_4549 = arith.constant 1920 : index
    %get3A_4550 = arith.constant 384 : index
    %get3A_4551 = vector.load %arg2[%get3A_4549, %get3A_4550] : memref<2048x3200xf32, #tpu.memory_space<vmem>>, vector<128x128xf32>
    %add3A_4552 = arith.addf %add3A_4541, %get3A_4551 : vector<128x128xf32>
    %eq3A_4553 = arith.constant 384 : i32
    %eq3A_4554 = vector.broadcast %eq3A_4553 : i32 to vector<128x128xi32>
    %eq3A_4555 = arith.cmpi eq, %sub3A_4517, %eq3A_4554 : vector<128x128xi32>
    %jit3A_4556 = arith.constant 0.000000e+00 : f32
    %broadcast_in_dim3A_4557 = vector.broadcast %jit3A_4556 : f32 to vector<128x128xf32>
    %select_n3A_4558 = arith.select %eq3A_4555, %get3A_4551, %broadcast_in_dim3A_4557 : vector<128x128xi1>, vector<128x128xf32>
    %add3A_4559 = arith.addf %add3A_4548, %select_n3A_4558 : vector<128x128xf32>
    %get3A_4560 = arith.constant 1920 : index
    %get3A_4561 = arith.constant 512 : index
    %get3A_4562 = vector.load %arg2[%get3A_4560, %get3A_4561] : memref<2048x3200xf32, #tpu.memory_space<vmem>>, vector<128x128xf32>
    %add3A_4563 = arith.addf %add3A_4552, %get3A_4562 : vector<128x128xf32>
    %eq3A_4564 = arith.constant 512 : i32
    %eq3A_4565 = vector.broadcast %eq3A_4564 : i32 to vector<128x128xi32>
    %eq3A_4566 = arith.cmpi eq, %sub3A_4517, %eq3A_4565 : vector<128x128xi32>
    %jit3A_4567 = arith.constant 0.000000e+00 : f32
    %broadcast_in_dim3A_4568 = vector.broadcast %jit3A_4567 : f32 to vector<128x128xf32>
    %select_n3A_4569 = arith.select %eq3A_4566, %get3A_4562, %broadcast_in_dim3A_4568 : vector<128x128xi1>, vector<128x128xf32>
    %add3A_4570 = arith.addf %add3A_4559, %select_n3A_4569 : vector<128x128xf32>
    %get3A_4571 = arith.constant 1920 : index
    %get3A_4572 = arith.constant 640 : index
    %get3A_4573 = vector.load %arg2[%get3A_4571, %get3A_4572] : memref<2048x3200xf32, #tpu.memory_space<vmem>>, vector<128x128xf32>
    %add3A_4574 = arith.addf %add3A_4563, %get3A_4573 : vector<128x128xf32>
    %eq3A_4575 = arith.constant 640 : i32
    %eq3A_4576 = vector.broadcast %eq3A_4575 : i32 to vector<128x128xi32>
    %eq3A_4577 = arith.cmpi eq, %sub3A_4517, %eq3A_4576 : vector<128x128xi32>
    %jit3A_4578 = arith.constant 0.000000e+00 : f32
    %broadcast_in_dim3A_4579 = vector.broadcast %jit3A_4578 : f32 to vector<128x128xf32>
    %select_n3A_4580 = arith.select %eq3A_4577, %get3A_4573, %broadcast_in_dim3A_4579 : vector<128x128xi1>, vector<128x128xf32>
    %add3A_4581 = arith.addf %add3A_4570, %select_n3A_4580 : vector<128x128xf32>
    %get3A_4582 = arith.constant 1920 : index
    %get3A_4583 = arith.constant 768 : index
    %get3A_4584 = vector.load %arg2[%get3A_4582, %get3A_4583] : memref<2048x3200xf32, #tpu.memory_space<vmem>>, vector<128x128xf32>
    %add3A_4585 = arith.addf %add3A_4574, %get3A_4584 : vector<128x128xf32>
    %eq3A_4586 = arith.constant 768 : i32
    %eq3A_4587 = vector.broadcast %eq3A_4586 : i32 to vector<128x128xi32>
    %eq3A_4588 = arith.cmpi eq, %sub3A_4517, %eq3A_4587 : vector<128x128xi32>
    %jit3A_4589 = arith.constant 0.000000e+00 : f32
    %broadcast_in_dim3A_4590 = vector.broadcast %jit3A_4589 : f32 to vector<128x128xf32>
    %select_n3A_4591 = arith.select %eq3A_4588, %get3A_4584, %broadcast_in_dim3A_4590 : vector<128x128xi1>, vector<128x128xf32>
    %add3A_4592 = arith.addf %add3A_4581, %select_n3A_4591 : vector<128x128xf32>
    %get3A_4593 = arith.constant 1920 : index
    %get3A_4594 = arith.constant 896 : index
    %get3A_4595 = vector.load %arg2[%get3A_4593, %get3A_4594] : memref<2048x3200xf32, #tpu.memory_space<vmem>>, vector<128x128xf32>
    %add3A_4596 = arith.addf %add3A_4585, %get3A_4595 : vector<128x128xf32>
    %eq3A_4597 = arith.constant 896 : i32
    %eq3A_4598 = vector.broadcast %eq3A_4597 : i32 to vector<128x128xi32>
    %eq3A_4599 = arith.cmpi eq, %sub3A_4517, %eq3A_4598 : vector<128x128xi32>
    %jit3A_4600 = arith.constant 0.000000e+00 : f32
    %broadcast_in_dim3A_4601 = vector.broadcast %jit3A_4600 : f32 to vector<128x128xf32>
    %select_n3A_4602 = arith.select %eq3A_4599, %get3A_4595, %broadcast_in_dim3A_4601 : vector<128x128xi1>, vector<128x128xf32>
    %add3A_4603 = arith.addf %add3A_4592, %select_n3A_4602 : vector<128x128xf32>
    %get3A_4604 = arith.constant 1920 : index
    %get3A_4605 = arith.constant 1024 : index
    %get3A_4606 = vector.load %arg2[%get3A_4604, %get3A_4605] : memref<2048x3200xf32, #tpu.memory_space<vmem>>, vector<128x128xf32>
    %add3A_4607 = arith.addf %add3A_4596, %get3A_4606 : vector<128x128xf32>
    %eq3A_4608 = arith.constant 1024 : i32
    %eq3A_4609 = vector.broadcast %eq3A_4608 : i32 to vector<128x128xi32>
    %eq3A_4610 = arith.cmpi eq, %sub3A_4517, %eq3A_4609 : vector<128x128xi32>
    %jit3A_4611 = arith.constant 0.000000e+00 : f32
    %broadcast_in_dim3A_4612 = vector.broadcast %jit3A_4611 : f32 to vector<128x128xf32>
    %select_n3A_4613 = arith.select %eq3A_4610, %get3A_4606, %broadcast_in_dim3A_4612 : vector<128x128xi1>, vector<128x128xf32>
    %add3A_4614 = arith.addf %add3A_4603, %select_n3A_4613 : vector<128x128xf32>
    %get3A_4615 = arith.constant 1920 : index
    %get3A_4616 = arith.constant 1152 : index
    %get3A_4617 = vector.load %arg2[%get3A_4615, %get3A_4616] : memref<2048x3200xf32, #tpu.memory_space<vmem>>, vector<128x128xf32>
    %add3A_4618 = arith.addf %add3A_4607, %get3A_4617 : vector<128x128xf32>
    %eq3A_4619 = arith.constant 1152 : i32
    %eq3A_4620 = vector.broadcast %eq3A_4619 : i32 to vector<128x128xi32>
    %eq3A_4621 = arith.cmpi eq, %sub3A_4517, %eq3A_4620 : vector<128x128xi32>
    %jit3A_4622 = arith.constant 0.000000e+00 : f32
    %broadcast_in_dim3A_4623 = vector.broadcast %jit3A_4622 : f32 to vector<128x128xf32>
    %select_n3A_4624 = arith.select %eq3A_4621, %get3A_4617, %broadcast_in_dim3A_4623 : vector<128x128xi1>, vector<128x128xf32>
    %add3A_4625 = arith.addf %add3A_4614, %select_n3A_4624 : vector<128x128xf32>
    %get3A_4626 = arith.constant 1920 : index
    %get3A_4627 = arith.constant 1280 : index
    %get3A_4628 = vector.load %arg2[%get3A_4626, %get3A_4627] : memref<2048x3200xf32, #tpu.memory_space<vmem>>, vector<128x128xf32>
    %add3A_4629 = arith.addf %add3A_4618, %get3A_4628 : vector<128x128xf32>
    %eq3A_4630 = arith.constant 1280 : i32
    %eq3A_4631 = vector.broadcast %eq3A_4630 : i32 to vector<128x128xi32>
    %eq3A_4632 = arith.cmpi eq, %sub3A_4517, %eq3A_4631 : vector<128x128xi32>
    %jit3A_4633 = arith.constant 0.000000e+00 : f32
    %broadcast_in_dim3A_4634 = vector.broadcast %jit3A_4633 : f32 to vector<128x128xf32>
    %select_n3A_4635 = arith.select %eq3A_4632, %get3A_4628, %broadcast_in_dim3A_4634 : vector<128x128xi1>, vector<128x128xf32>
    %add3A_4636 = arith.addf %add3A_4625, %select_n3A_4635 : vector<128x128xf32>
    %get3A_4637 = arith.constant 1920 : index
    %get3A_4638 = arith.constant 1408 : index
    %get3A_4639 = vector.load %arg2[%get3A_4637, %get3A_4638] : memref<2048x3200xf32, #tpu.memory_space<vmem>>, vector<128x128xf32>
    %add3A_4640 = arith.addf %add3A_4629, %get3A_4639 : vector<128x128xf32>
    %eq3A_4641 = arith.constant 1408 : i32
    %eq3A_4642 = vector.broadcast %eq3A_4641 : i32 to vector<128x128xi32>
    %eq3A_4643 = arith.cmpi eq, %sub3A_4517, %eq3A_4642 : vector<128x128xi32>
    %jit3A_4644 = arith.constant 0.000000e+00 : f32
    %broadcast_in_dim3A_4645 = vector.broadcast %jit3A_4644 : f32 to vector<128x128xf32>
    %select_n3A_4646 = arith.select %eq3A_4643, %get3A_4639, %broadcast_in_dim3A_4645 : vector<128x128xi1>, vector<128x128xf32>
    %add3A_4647 = arith.addf %add3A_4636, %select_n3A_4646 : vector<128x128xf32>
    %get3A_4648 = arith.constant 1920 : index
    %get3A_4649 = arith.constant 1536 : index
    %get3A_4650 = vector.load %arg2[%get3A_4648, %get3A_4649] : memref<2048x3200xf32, #tpu.memory_space<vmem>>, vector<128x128xf32>
    %add3A_4651 = arith.addf %add3A_4640, %get3A_4650 : vector<128x128xf32>
    %eq3A_4652 = arith.constant 1536 : i32
    %eq3A_4653 = vector.broadcast %eq3A_4652 : i32 to vector<128x128xi32>
    %eq3A_4654 = arith.cmpi eq, %sub3A_4517, %eq3A_4653 : vector<128x128xi32>
    %jit3A_4655 = arith.constant 0.000000e+00 : f32
    %broadcast_in_dim3A_4656 = vector.broadcast %jit3A_4655 : f32 to vector<128x128xf32>
    %select_n3A_4657 = arith.select %eq3A_4654, %get3A_4650, %broadcast_in_dim3A_4656 : vector<128x128xi1>, vector<128x128xf32>
    %add3A_4658 = arith.addf %add3A_4647, %select_n3A_4657 : vector<128x128xf32>
    %get3A_4659 = arith.constant 1920 : index
    %get3A_4660 = arith.constant 1664 : index
    %get3A_4661 = vector.load %arg2[%get3A_4659, %get3A_4660] : memref<2048x3200xf32, #tpu.memory_space<vmem>>, vector<128x128xf32>
    %add3A_4662 = arith.addf %add3A_4651, %get3A_4661 : vector<128x128xf32>
    %eq3A_4663 = arith.constant 1664 : i32
    %eq3A_4664 = vector.broadcast %eq3A_4663 : i32 to vector<128x128xi32>
    %eq3A_4665 = arith.cmpi eq, %sub3A_4517, %eq3A_4664 : vector<128x128xi32>
    %jit3A_4666 = arith.constant 0.000000e+00 : f32
    %broadcast_in_dim3A_4667 = vector.broadcast %jit3A_4666 : f32 to vector<128x128xf32>
    %select_n3A_4668 = arith.select %eq3A_4665, %get3A_4661, %broadcast_in_dim3A_4667 : vector<128x128xi1>, vector<128x128xf32>
    %add3A_4669 = arith.addf %add3A_4658, %select_n3A_4668 : vector<128x128xf32>
    %get3A_4670 = arith.constant 1920 : index
    %get3A_4671 = arith.constant 1792 : index
    %get3A_4672 = vector.load %arg2[%get3A_4670, %get3A_4671] : memref<2048x3200xf32, #tpu.memory_space<vmem>>, vector<128x128xf32>
    %add3A_4673 = arith.addf %add3A_4662, %get3A_4672 : vector<128x128xf32>
    %eq3A_4674 = arith.constant 1792 : i32
    %eq3A_4675 = vector.broadcast %eq3A_4674 : i32 to vector<128x128xi32>
    %eq3A_4676 = arith.cmpi eq, %sub3A_4517, %eq3A_4675 : vector<128x128xi32>
    %jit3A_4677 = arith.constant 0.000000e+00 : f32
    %broadcast_in_dim3A_4678 = vector.broadcast %jit3A_4677 : f32 to vector<128x128xf32>
    %select_n3A_4679 = arith.select %eq3A_4676, %get3A_4672, %broadcast_in_dim3A_4678 : vector<128x128xi1>, vector<128x128xf32>
    %add3A_4680 = arith.addf %add3A_4669, %select_n3A_4679 : vector<128x128xf32>
    %get3A_4681 = arith.constant 1920 : index
    %get3A_4682 = arith.constant 1920 : index
    %get3A_4683 = vector.load %arg2[%get3A_4681, %get3A_4682] : memref<2048x3200xf32, #tpu.memory_space<vmem>>, vector<128x128xf32>
    %add3A_4684 = arith.addf %add3A_4673, %get3A_4683 : vector<128x128xf32>
    %eq3A_4685 = arith.constant 1920 : i32
    %eq3A_4686 = vector.broadcast %eq3A_4685 : i32 to vector<128x128xi32>
    %eq3A_4687 = arith.cmpi eq, %sub3A_4517, %eq3A_4686 : vector<128x128xi32>
    %jit3A_4688 = arith.constant 0.000000e+00 : f32
    %broadcast_in_dim3A_4689 = vector.broadcast %jit3A_4688 : f32 to vector<128x128xf32>
    %select_n3A_4690 = arith.select %eq3A_4687, %get3A_4683, %broadcast_in_dim3A_4689 : vector<128x128xi1>, vector<128x128xf32>
    %add3A_4691 = arith.addf %add3A_4680, %select_n3A_4690 : vector<128x128xf32>
    %get3A_4692 = arith.constant 1920 : index
    %get3A_4693 = arith.constant 2048 : index
    %get3A_4694 = vector.load %arg2[%get3A_4692, %get3A_4693] : memref<2048x3200xf32, #tpu.memory_space<vmem>>, vector<128x128xf32>
    %add3A_4695 = arith.addf %add3A_4684, %get3A_4694 : vector<128x128xf32>
    %eq3A_4696 = arith.constant 2048 : i32
    %eq3A_4697 = vector.broadcast %eq3A_4696 : i32 to vector<128x128xi32>
    %eq3A_4698 = arith.cmpi eq, %sub3A_4517, %eq3A_4697 : vector<128x128xi32>
    %jit3A_4699 = arith.constant 0.000000e+00 : f32
    %broadcast_in_dim3A_4700 = vector.broadcast %jit3A_4699 : f32 to vector<128x128xf32>
    %select_n3A_4701 = arith.select %eq3A_4698, %get3A_4694, %broadcast_in_dim3A_4700 : vector<128x128xi1>, vector<128x128xf32>
    %add3A_4702 = arith.addf %add3A_4691, %select_n3A_4701 : vector<128x128xf32>
    %get3A_4703 = arith.constant 1920 : index
    %get3A_4704 = arith.constant 2176 : index
    %get3A_4705 = vector.load %arg2[%get3A_4703, %get3A_4704] : memref<2048x3200xf32, #tpu.memory_space<vmem>>, vector<128x128xf32>
    %add3A_4706 = arith.addf %add3A_4695, %get3A_4705 : vector<128x128xf32>
    %eq3A_4707 = arith.constant 2176 : i32
    %eq3A_4708 = vector.broadcast %eq3A_4707 : i32 to vector<128x128xi32>
    %eq3A_4709 = arith.cmpi eq, %sub3A_4517, %eq3A_4708 : vector<128x128xi32>
    %jit3A_4710 = arith.constant 0.000000e+00 : f32
    %broadcast_in_dim3A_4711 = vector.broadcast %jit3A_4710 : f32 to vector<128x128xf32>
    %select_n3A_4712 = arith.select %eq3A_4709, %get3A_4705, %broadcast_in_dim3A_4711 : vector<128x128xi1>, vector<128x128xf32>
    %add3A_4713 = arith.addf %add3A_4702, %select_n3A_4712 : vector<128x128xf32>
    %get3A_4714 = arith.constant 1920 : index
    %get3A_4715 = arith.constant 2304 : index
    %get3A_4716 = vector.load %arg2[%get3A_4714, %get3A_4715] : memref<2048x3200xf32, #tpu.memory_space<vmem>>, vector<128x128xf32>
    %add3A_4717 = arith.addf %add3A_4706, %get3A_4716 : vector<128x128xf32>
    %eq3A_4718 = arith.constant 2304 : i32
    %eq3A_4719 = vector.broadcast %eq3A_4718 : i32 to vector<128x128xi32>
    %eq3A_4720 = arith.cmpi eq, %sub3A_4517, %eq3A_4719 : vector<128x128xi32>
    %jit3A_4721 = arith.constant 0.000000e+00 : f32
    %broadcast_in_dim3A_4722 = vector.broadcast %jit3A_4721 : f32 to vector<128x128xf32>
    %select_n3A_4723 = arith.select %eq3A_4720, %get3A_4716, %broadcast_in_dim3A_4722 : vector<128x128xi1>, vector<128x128xf32>
    %add3A_4724 = arith.addf %add3A_4713, %select_n3A_4723 : vector<128x128xf32>
    %get3A_4725 = arith.constant 1920 : index
    %get3A_4726 = arith.constant 2432 : index
    %get3A_4727 = vector.load %arg2[%get3A_4725, %get3A_4726] : memref<2048x3200xf32, #tpu.memory_space<vmem>>, vector<128x128xf32>
    %add3A_4728 = arith.addf %add3A_4717, %get3A_4727 : vector<128x128xf32>
    %eq3A_4729 = arith.constant 2432 : i32
    %eq3A_4730 = vector.broadcast %eq3A_4729 : i32 to vector<128x128xi32>
    %eq3A_4731 = arith.cmpi eq, %sub3A_4517, %eq3A_4730 : vector<128x128xi32>
    %jit3A_4732 = arith.constant 0.000000e+00 : f32
    %broadcast_in_dim3A_4733 = vector.broadcast %jit3A_4732 : f32 to vector<128x128xf32>
    %select_n3A_4734 = arith.select %eq3A_4731, %get3A_4727, %broadcast_in_dim3A_4733 : vector<128x128xi1>, vector<128x128xf32>
    %add3A_4735 = arith.addf %add3A_4724, %select_n3A_4734 : vector<128x128xf32>
    %get3A_4736 = arith.constant 1920 : index
    %get3A_4737 = arith.constant 2560 : index
    %get3A_4738 = vector.load %arg2[%get3A_4736, %get3A_4737] : memref<2048x3200xf32, #tpu.memory_space<vmem>>, vector<128x128xf32>
    %add3A_4739 = arith.addf %add3A_4728, %get3A_4738 : vector<128x128xf32>
    %eq3A_4740 = arith.constant 2560 : i32
    %eq3A_4741 = vector.broadcast %eq3A_4740 : i32 to vector<128x128xi32>
    %eq3A_4742 = arith.cmpi eq, %sub3A_4517, %eq3A_4741 : vector<128x128xi32>
    %jit3A_4743 = arith.constant 0.000000e+00 : f32
    %broadcast_in_dim3A_4744 = vector.broadcast %jit3A_4743 : f32 to vector<128x128xf32>
    %select_n3A_4745 = arith.select %eq3A_4742, %get3A_4738, %broadcast_in_dim3A_4744 : vector<128x128xi1>, vector<128x128xf32>
    %add3A_4746 = arith.addf %add3A_4735, %select_n3A_4745 : vector<128x128xf32>
    %get3A_4747 = arith.constant 1920 : index
    %get3A_4748 = arith.constant 2688 : index
    %get3A_4749 = vector.load %arg2[%get3A_4747, %get3A_4748] : memref<2048x3200xf32, #tpu.memory_space<vmem>>, vector<128x128xf32>
    %add3A_4750 = arith.addf %add3A_4739, %get3A_4749 : vector<128x128xf32>
    %eq3A_4751 = arith.constant 2688 : i32
    %eq3A_4752 = vector.broadcast %eq3A_4751 : i32 to vector<128x128xi32>
    %eq3A_4753 = arith.cmpi eq, %sub3A_4517, %eq3A_4752 : vector<128x128xi32>
    %jit3A_4754 = arith.constant 0.000000e+00 : f32
    %broadcast_in_dim3A_4755 = vector.broadcast %jit3A_4754 : f32 to vector<128x128xf32>
    %select_n3A_4756 = arith.select %eq3A_4753, %get3A_4749, %broadcast_in_dim3A_4755 : vector<128x128xi1>, vector<128x128xf32>
    %add3A_4757 = arith.addf %add3A_4746, %select_n3A_4756 : vector<128x128xf32>
    %get3A_4758 = arith.constant 1920 : index
    %get3A_4759 = arith.constant 2816 : index
    %get3A_4760 = vector.load %arg2[%get3A_4758, %get3A_4759] : memref<2048x3200xf32, #tpu.memory_space<vmem>>, vector<128x128xf32>
    %add3A_4761 = arith.addf %add3A_4750, %get3A_4760 : vector<128x128xf32>
    %eq3A_4762 = arith.constant 2816 : i32
    %eq3A_4763 = vector.broadcast %eq3A_4762 : i32 to vector<128x128xi32>
    %eq3A_4764 = arith.cmpi eq, %sub3A_4517, %eq3A_4763 : vector<128x128xi32>
    %jit3A_4765 = arith.constant 0.000000e+00 : f32
    %broadcast_in_dim3A_4766 = vector.broadcast %jit3A_4765 : f32 to vector<128x128xf32>
    %select_n3A_4767 = arith.select %eq3A_4764, %get3A_4760, %broadcast_in_dim3A_4766 : vector<128x128xi1>, vector<128x128xf32>
    %add3A_4768 = arith.addf %add3A_4757, %select_n3A_4767 : vector<128x128xf32>
    %get3A_4769 = arith.constant 1920 : index
    %get3A_4770 = arith.constant 2944 : index
    %get3A_4771 = vector.load %arg2[%get3A_4769, %get3A_4770] : memref<2048x3200xf32, #tpu.memory_space<vmem>>, vector<128x128xf32>
    %add3A_4772 = arith.addf %add3A_4761, %get3A_4771 : vector<128x128xf32>
    %eq3A_4773 = arith.constant 2944 : i32
    %eq3A_4774 = vector.broadcast %eq3A_4773 : i32 to vector<128x128xi32>
    %eq3A_4775 = arith.cmpi eq, %sub3A_4517, %eq3A_4774 : vector<128x128xi32>
    %jit3A_4776 = arith.constant 0.000000e+00 : f32
    %broadcast_in_dim3A_4777 = vector.broadcast %jit3A_4776 : f32 to vector<128x128xf32>
    %select_n3A_4778 = arith.select %eq3A_4775, %get3A_4771, %broadcast_in_dim3A_4777 : vector<128x128xi1>, vector<128x128xf32>
    %add3A_4779 = arith.addf %add3A_4768, %select_n3A_4778 : vector<128x128xf32>
    %get3A_4780 = arith.constant 1920 : index
    %get3A_4781 = arith.constant 3072 : index
    %get3A_4782 = vector.load %arg2[%get3A_4780, %get3A_4781] : memref<2048x3200xf32, #tpu.memory_space<vmem>>, vector<128x128xf32>
    %add3A_4783 = arith.addf %add3A_4772, %get3A_4782 : vector<128x128xf32>
    %eq3A_4784 = arith.constant 3072 : i32
    %eq3A_4785 = vector.broadcast %eq3A_4784 : i32 to vector<128x128xi32>
    %eq3A_4786 = arith.cmpi eq, %sub3A_4517, %eq3A_4785 : vector<128x128xi32>
    %jit3A_4787 = arith.constant 0.000000e+00 : f32
    %broadcast_in_dim3A_4788 = vector.broadcast %jit3A_4787 : f32 to vector<128x128xf32>
    %select_n3A_4789 = arith.select %eq3A_4786, %get3A_4782, %broadcast_in_dim3A_4788 : vector<128x128xi1>, vector<128x128xf32>
    %add3A_4790 = arith.addf %add3A_4779, %select_n3A_4789 : vector<128x128xf32>
    %get3A_4791 = arith.constant 1920 : index
    %get3A_4792 = arith.constant 0 : index
    %get3A_4793 = vector.load %arg3[%get3A_4791, %get3A_4792] : memref<2048x256xf32, #tpu.memory_space<vmem>>, vector<128x128xf32>
    %add3A_4794 = arith.addf %get3A_4793, %add3A_4790 : vector<128x128xf32>
    %swap3A_4795 = arith.constant 1920 : index
    %swap3A_4796 = arith.constant 0 : index
    %swap3A_4797 = vector.load %arg3[%swap3A_4795, %swap3A_4796] : memref<2048x256xf32, #tpu.memory_space<vmem>>, vector<128x128xf32>
    tpu.vector_store %arg3[%swap3A_4795, %swap3A_4796], %add3A_4794 {strides = array<i32>} : memref<2048x256xf32, #tpu.memory_space<vmem>>, vector<128x128xf32>,
    %get3A_4798 = arith.constant 1920 : index
    %get3A_4799 = arith.constant 128 : index
    %get3A_4800 = vector.load %arg3[%get3A_4798, %get3A_4799] : memref<2048x256xf32, #tpu.memory_space<vmem>>, vector<128x1xf32>
    %reduce_sum3A_4801 = arith.constant dense<0.000000e+00> : vector<128xf32>
    %reduce_sum3A_4802 = vector.multi_reduction <add>, %add3A_4783, %reduce_sum3A_4801 [1] : vector<128x128xf32> to vector<128xf32>
    %broadcast_in_dim3A_4803 = vector.shape_cast %reduce_sum3A_4802 : vector<128xf32> to vector<128x1xf32>
    %add3A_4804 = arith.addf %get3A_4800, %broadcast_in_dim3A_4803 : vector<128x1xf32>
    %swap3A_4805 = arith.constant 1920 : index
    %swap3A_4806 = arith.constant 128 : index
    %swap3A_4807 = vector.load %arg3[%swap3A_4805, %swap3A_4806] : memref<2048x256xf32, #tpu.memory_space<vmem>>, vector<128x1xf32>
    tpu.vector_store %arg3[%swap3A_4805, %swap3A_4806], %add3A_4804 {strides = array<i32>} : memref<2048x256xf32, #tpu.memory_space<vmem>>, vector<128x1xf32>,
    return
  }
  func.func @transform_0(%arg0: i32) -> (i32, i32) {
    %c0_i32 = arith.constant 0 : i32
    %c0_i32_0 = arith.constant 0 : i32
    %c0_i32_1 = arith.constant 0 : i32
    return %c0_i32, %c0_i32_0 : i32, i32
  }
  func.func @transform_1(%arg0: i32) -> (i32, i32) {
    %c0_i32 = arith.constant 0 : i32
    %c0_i32_0 = arith.constant 0 : i32
    return %c0_i32, %arg0 : i32, i32
  }
  func.func @transform_2(%arg0: i32) -> (i32, i32) {
    %c0_i32 = arith.constant 0 : i32
    %c0_i32_0 = arith.constant 0 : i32
    %c0_i32_1 = arith.constant 0 : i32
    return %c0_i32, %c0_i32_0 : i32, i32
  }
}

</mosaic_0001>

<sc_bundles>
// kernel: kernel.4.cloned.1.call-start
scs
__scs_entry_jumppad:
0x0: {  	(pc) =	sbr.rel $0x88, $3  }
0x1: {  	(tag) =	ssettag $0x0;
	lr =	simm.s32 $0x1  }
0x2: {  	[smem:$0x3F9F] =	sst lr;
	_ =	strace $0xD0000000  }
0x3: {  	_ = 	snop  }
0x4: {  	_ = 	snop  }
0x5: {  	_ = 	snop  }
0x6: {  	_ = 	snop  }
0x7: {  	_ = 	snop  }
__scs_overlays_trampoline_lowered:
0x8: {  	[smem:$0x3FAE] =	sst s0  }
0x9: {  	[smem:$0x3FAF] =	sst s1  }
0xa: {  	[smem:$0x3FB0] =	sst s2  }
0xb: {  	[smem:$0x3FB1] =	sst s3  }
0xc: {  	[smem:$0x3FB2] =	sst s4  }
0xd: {  	[smem:$0x3FB3] =	sst s5  }
0xe: {  	[smem:$0x3FB4] =	sst s6  }
0xf: {  	[smem:$0x3FB5] =	sst s7  }
0x10: {  	[smem:$0x3FB6] =	sst s8  }
0x11: {  	[smem:$0x3FB7] =	sst s9;
	s0 =	simm.s32 @!p0 $0x0  }
0x12: {  	s1 =	sld [smem:$0x3F9D];
	s0 =	simm.s32 @p0 $0x1  }
0x13: {  	[smem:$0x3FB8] =	sst s0;
	s0 =	simm.s32 @!p1 $0x0  }
0x14: {  	s2 =	sld [smem:$0x3F9C];
	s0 =	simm.s32 @p1 $0x1  }
0x15: {  	[smem:$0x3FB9] =	sst s0;
	s0 =	simm.s32 @!p2 $0x0  }
0x16: {  	s3 =	sld [smem:$0x3FDB];
	s0 =	simm.s32 @p2 $0x1  }
0x17: {  	s4 =	simm.s32 $0x1BF5;
	[smem:$0x3FBB] =	sst s0  }
0x18: {  	s0 =	sld [smem:$0x3F9E];
	_ =	swait.ge [sflag:s4], $0x0  }
0x19: {  	s7 =	sld [smem:$0x3F9F]  }
0x1a: {  	s8 =	sadd.s32 $0xFFFFE003, lr  }
0x1b: {  	s9 =	sadd.s32 $0xFFFFFEF7, lr;
	s5 =	simm.s32 $0xFFFFFFFF;
	p2 =	slt.u32 s8, $0xFFFFF086  }
0x1c: {  	p1 =	slt.u32 s9, $0xF7A;
	s5 =	simm.s32 @!p2 $0x0  }
0x1d: {  	s5 =	simm.s32 @p1 $0x1;
	p0 =	seq.s32 s7, s2  }
0x1e: {  	s7 =	smul.u32 @!p0 $0xF7A, s2;
	p2 =	seq.s32 @!p0 s5, $0x0  }
0x1f: {  	s9 =	smul.u32 $0xF7A, s1;
	s8 =	simm.s32 @!p0 $0x1BF5;
	p2 =	por !p2, p0  }
0x20: {  	[sflag:s8] =	ssyncset.s32 @!p0 $0xFFFFF086;
	s6 =	sadd.s32 @!p0 s3, s7;
	s7 =	simm.s32 @!p0 $0x108  }
0x21: {  	s3 =	sadd.s32 s3, s9;
	s6 =	sadd.s32 @!p0 $0x88, s6;
	s7 =	simm.s32 @p2 $0x1082  }
0x22: {  	[simem:s7], [sflag:s8] =	dma.local @!p0 [hbm:s6], $0xF7A  }
0x23: {  	s9 =	sor.u32 $0xD0000000, s2;
	s6 =	simm.s32 $0x108;
	_ =	swait.ge @!p0 [sflag:s8], $0x0  }
0x24: {  	s3 =	sadd.s32 $0x88, s3;
	s6 =	simm.s32 @!p1 $0x1082;
	[sflag:s4] =	ssyncset.s32 $0xFFFFF086  }
0x25: {  	[simem:s6], [sflag:s4] =	dma.local [hbm:s3], $0xF7A  }
0x26: {  	[smem:$0x3F9F] =	sst s1;
	(tag) =	ssettag s2;
	_ =	strace s9  }
0x27: {  	s1 =	sld [smem:$0x3FAF]  }
0x28: {  	s2 =	sld [smem:$0x3FB0]  }
0x29: {  	s4 =	sld [smem:$0x3FB2]  }
0x2a: {  	p0 =	seq.s32 s5, $0x0;
	s5 =	sld [smem:$0x3FB3]  }
0x2b: {  	s6 =	sld [smem:$0x3FB4]  }
0x2c: {  	s7 =	sld [smem:$0x3FB5]  }
0x2d: {  	s3 =	simm.s32 $0x108;
	s8 =	sld [smem:$0x3FB6]  }
0x2e: {  	s3 =	simm.s32 @!p0 $0x1082;
	s9 =	sld [smem:$0x3FB7]  }
0x2f: {  	lr =	sadd.s32 s0, s3;
	s0 =	sld [smem:$0x3FAE]  }
0x30: {  	s3 =	sld [smem:$0x3FB1]  }
0x31: {  	[smem:$0x3FBA] =	sst s10  }
0x32: {  	s10 =	sld [smem:$0x3FB8];
	_ =	sdelay $0x3  }
0x33: {  	p0 =	seq.s32 s10, $0x1;
	s10 =	sld [smem:$0x3FBA];
	_ =	sdelay $0x3  }
0x34: {  	[smem:$0x3FBA] =	sst s10  }
0x35: {  	s10 =	sld [smem:$0x3FB9];
	_ =	sdelay $0x3  }
0x36: {  	p1 =	seq.s32 s10, $0x1;
	s10 =	sld [smem:$0x3FBA];
	_ =	sdelay $0x3  }
0x37: {  	[smem:$0x3FBA] =	sst s10  }
0x38: {  	s10 =	sld [smem:$0x3FBB]  }
0x39: {  	_ = 	snop;
	(pc) =	sbr.ind lr, $3  }
0x3a: {  	_ = 	snop  }
0x3b: {  	_ = 	snop  }
0x3c: {  	p2 =	seq.s32 s10, $0x1;
	s10 =	sld [smem:$0x3FBA]  }
0x3d: {  	_ =	shalt  }
0x3e: {  	_ =	shalt  }
0x3f: {  	_ =	shalt  }
0x40: {  	_ =	shalt  }
0x41: {  	_ =	shalt  }
0x42: {  	_ =	shalt  }
0x43: {  	_ =	shalt  }
0x44: {  	_ =	shalt  }
0x45: {  	_ =	shalt  }
0x46: {  	_ =	shalt  }
0x47: {  	_ =	shalt  }
0x48: {  	_ =	shalt  }
0x49: {  	_ =	shalt  }
0x4a: {  	_ =	shalt  }
0x4b: {  	_ =	shalt  }
0x4c: {  	_ =	shalt  }
0x4d: {  	_ =	shalt  }
0x4e: {  	_ =	shalt  }
0x4f: {  	_ =	shalt  }
0x50: {  	_ =	shalt  }
0x51: {  	_ =	shalt  }
0x52: {  	_ =	shalt  }
0x53: {  	_ =	shalt  }
0x54: {  	_ =	shalt  }
0x55: {  	_ =	shalt  }
0x56: {  	_ =	shalt  }
0x57: {  	_ =	shalt  }
0x58: {  	_ =	shalt  }
0x59: {  	_ =	shalt  }
0x5a: {  	_ =	shalt  }
0x5b: {  	_ =	shalt  }
0x5c: {  	_ =	shalt  }
0x5d: {  	_ =	shalt  }
0x5e: {  	_ =	shalt  }
0x5f: {  	_ =	shalt  }
0x60: {  	_ =	shalt  }
0x61: {  	_ =	shalt  }
0x62: {  	_ =	shalt  }
0x63: {  	_ =	shalt  }
0x64: {  	_ =	shalt  }
0x65: {  	_ =	shalt  }
0x66: {  	_ =	shalt  }
0x67: {  	_ =	shalt  }
0x68: {  	_ =	shalt  }
0x69: {  	_ =	shalt  }
0x6a: {  	_ =	shalt  }
0x6b: {  	_ =	shalt  }
0x6c: {  	_ =	shalt  }
0x6d: {  	_ =	shalt  }
0x6e: {  	_ =	shalt  }
0x6f: {  	_ =	shalt  }
0x70: {  	_ =	shalt  }
0x71: {  	_ =	shalt  }
0x72: {  	_ =	shalt  }
0x73: {  	_ =	shalt  }
0x74: {  	_ =	shalt  }
0x75: {  	_ =	shalt  }
0x76: {  	_ =	shalt  }
0x77: {  	_ =	shalt  }
0x78: {  	_ =	shalt  }
0x79: {  	_ =	shalt  }
0x7a: {  	_ =	shalt  }
0x7b: {  	_ =	shalt  }
0x7c: {  	_ =	shalt  }
0x7d: {  	_ =	shalt  }
0x7e: {  	_ =	shalt  }
0x7f: {  	_ =	shalt  }
0x80: {  	_ =	shalt  }
0x81: {  	_ =	shalt  }
0x82: {  	_ =	shalt  }
0x83: {  	_ =	shalt  }
0x84: {  	_ =	shalt  }
0x85: {  	_ =	shalt  }
0x86: {  	_ =	shalt  }
0x87: {  	_ =	shalt  }
.Lfunc_end0:
.L_simem_size_0:
called_computation_lowered:
.L_overlay_start_0:
0x88: {  	s2 =	sld [smem:$0x3FD9]  }
0x89: {  	s3 =	sld [smem:$0x3FFE];
	_ =	sdelay $0x1  }
0x8a: {  	s1 =	srdreg.scid  }
0x8b: {  	s0 =	sand.u32 $0x1, s1  }
0x8c: {  	s17 =	sshll.u32 s0, $0xA;
	s2 =	sadd.s32 s3, s2  }
0x8d: {  	s2 =	sadd.s32 s2, s17  }
0x8e: {  	[smem:$0x3FC6] =	sst s2  }
0x8f: {  	_ = 	snop  }
0x90: {  	s2 =	sld [smem:$0x3FC8];
	(tm) =	ssettm $0x1  }
0x91: {  	s18 =	sld [smem:$0x3FFB];
	_ =	sdelay $0x3  }
0x92: {  	_ =	strace s18  }
0x93: {  	s3 =	sld [smem:$0x3FFC];
	_ =	sdelay $0x3  }
0x94: {  	_ =	strace s3  }
0x95: {  	s3 =	sld [smem:$0x3FFD];
	_ =	sdelay $0x3  }
0x96: {  	_ =	strace s3  }
0x97: {  	_ =	strace $0x8FFFFFFF  }
0x98: {  	s19 =	sld [smem:$0x3FDB];
	_ =	sdelay $0x1  }
0x99: {  	s4 =	simm.s32 $_scs_section_size  }
0x9a: {  	s5 =	simm.s32 $_size__tile_overlayer_lowered;
	s6 =	simm.s32 $_tile_overlayer_lowered  }
0x9b: {  	s22 =	simm.s32 $0x1BFF;
	s21 =	sshll.u32 s6, $0x1;
	s3 =	sadd.s32 s4, s19  }
0x9c: {  	s7 =	simm.s32 $0x0;
	s20 =	sshll.u32 s5, $0x1;
	s5 =	sadd.s32 s21, s3  }
0x9d: {  	[timem:s7], [sflag:s22] =	dma.local [hbm:s5], s20  }
0x9e: {  	_ =	swait.ge [sflag:s22], s20  }
0x9f: {  	s4 =	ssub.s32 $0x0, s20;
	[sflag:s22] =	ssyncset.done $0x0  }
0xa0: {  	[sflag:s22] =	ssyncadd.s32 s4;
	_ =	sdelay $0x1  }
0xa1: {  	s23 =	simm.s32 $0x1B8B  }
0xa2: {  	_ =	swait.ge [sflag:s23], $0x1  }
0xa3: {  	[sflag:s23] =	ssyncset.done $0x0  }
0xa4: {  	s25 =	simm.s32 $0x1B8E;
	s24 =	sld [smem:$0x3FFE];
	[sflag:s23] =	ssyncadd.s32 $0xFFFFFFFF  }
0xa5: {  	s26 =	simm.s32 $execute0_lowered;
	[smem:$0x3FD2] =	sst s25  }
0xa6: {  	s5 =	sshll.u32 s26, $0x1;
	_ =	strace $0x80000046;
	[dreg:$0x1] =	wrdreg $0xFFFFFFFF  }
0xa7: {  	s28 =	simm.s32 $_size_execute0_lowered;
	s3 =	sadd.s32 s3, s5;
	[dreg:$0x0] =	wrdreg $0x0  }
0xa8: {  	s5 =	sshll.u32 s28, $0x1;
	[dreg:$0x2] =	wrdreg s3  }
0xa9: {  	[dreg:$0x3] =	wrdreg s5  }
0xaa: {  	[dreg:$0x4] =	wrdreg $0xC0  }
0xab: {  	_ =	task [dreg:s7], $0x5FFFF  }
0xac: {  	[dreg:$0x1] =	wrdreg $0xFFFFFFFF  }
0xad: {  	[dreg:$0x0] =	wrdreg $0x60  }
0xae: {  	[dreg:$0x2] =	wrdreg s24  }
0xaf: {  	[dreg:$0x3] =	wrdreg s2  }
0xb0: {  	[dreg:$0x4] =	wrdreg $0x9  }
0xb1: {  	_ =	task.clear_ibuf [dreg:s7], $0x5FFFF;
	_ =	strace $0x90000046  }
0xb2: {  	s29 =	simm.s32 $0x9;
	_ =	strace $0x80000048  }
0xb3: {  	_ =	swait.ge [sflag:s29], $0x1  }
0xb4: {  	[sflag:s29] =	ssyncadd.s32 $0xFFFFFFFF  }
0xb5: {  	_ =	strace $0x90000048  }
0xb6: {  	_ =	sfence  }
0xb7: {  	s30 =	sld [smem:$0x0];
	_ =	sdelay $0x2  }
0xb8: {  	s31 =	sshll.u32 s1, $0xD;
	s1 =	sshrl.u32 s1, $0x2  }
0xb9: {  	s3 =	sand.u32 $0x4000, s31;
	s1 =	sadd.s32 s1, s30  }
0xba: {  	s0 =	sor.u32 s3, s0;
	s1 =	sshll.u32 s1, $0x11  }
0xbb: {  	s0 =	sor.u32 s1, s0  }
0xbc: {  	s0 =	sadd.s32 $0x8F2B, s0  }
0xbd: {  	[sflag:s0] =	ssyncadd.remote.s32 $0x1  }
0xbe: {  	_ =	sfence.sel $0xFFFF  }
0xbf: {  	[dreg:$0x0] =	wrdreg $0xFFFFFFFF;
	(pc) =	sbr.abs _section_cstart, $3  }
0xc0: {  	[dreg:$0x1] =	wrdreg $0xFFFFFFFF  }
0xc1: {  	_ =	task.clear_ibuf [dreg:s7], $0x2FFFF;
	_ =	strace $0x9FFFFFFF  }
0xc2: {  	(tm) =	ssettm $0x7FFFFFFF  }
0xc3: {  	_ =	shalt  }
tec
execute0_lowered:
.L_overlay_start_1:
0x0: {  	(tag) =	ssettag $0x1  }
0x1: {  	v0 =	vimm.s32 $0xB80;
	vm14 =	vcmask $0x300  }
0x2: {  	vm13 =	vcmask $0x704;
	vm12 =	vcmask $0xB08;
	vm11 =	vcmask $0xF0C  }
0x3: {  	vm8 =	vcmask $0x1310;
	vm5 =	vcmask $0x1714;
	vm3 =	vcmask $0x1B18  }
0x4: {  	vm1 =	vcmask $0x1F1C;
	vm0 =	vcmask $0x2320;
	v1 =	vimm.s32 $0xF80  }
0x5: {  	v2 =	vimm.s32 $0xF81;
	vm2 =	vcmask $0x2724;
	vm4 =	vcmask $0x2B28  }
0x6: {  	vm9 =	vcmask $0x2F2C;
	vm6 =	vcmask $0x3330;
	vm7 =	vcmask $0x3734  }
0x7: {  	vm10 =	vcmask $0x3B38;
	v3 =	vimm.s32 $0x1B80;
	v4 =	vimm.s32 $0x1F80  }
0x8: {  	v5 =	vimm.s32 $0x1F81;
	v6 =	vimm.s32 $0x2B80;
	v7 =	vimm.s32 $0x2F80  }
0x9: {  	v8 =	vimm.s32 $0x2F81;
	v9 =	vimm.s32 $0x3B80;
	v10 =	vimm.s32 $0x3F80  }
0xa: {  	v11 =	vimm.s32 $0x3F81;
	v0 =	vsel vm14, $0x0, v0;
	v1 =	vsel vm14, $0x400, v1  }
0xb: {  	v2 =	vsel vm14, $0x401, v2;
	v3 =	vsel vm14, $0x1000, v3;
	v4 =	vsel vm14, $0x1400, v4  }
0xc: {  	v5 =	vsel vm14, $0x1401, v5;
	v6 =	vsel vm14, $0x2000, v6;
	v7 =	vsel vm14, $0x2400, v7  }
0xd: {  	v8 =	vsel vm14, $0x2401, v8;
	v9 =	vsel vm14, $0x3000, v9;
	v10 =	vsel vm14, $0x3400, v10  }
0xe: {  	v11 =	vsel vm14, $0x3401, v11;
	v0 =	vsel vm13, $0x80, v0;
	v1 =	vsel vm13, $0x480, v1  }
0xf: {  	v2 =	vsel vm13, $0x481, v2;
	v3 =	vsel vm13, $0x1080, v3;
	v4 =	vsel vm13, $0x1480, v4  }
0x10: {  	v5 =	vsel vm13, $0x1481, v5;
	v6 =	vsel vm13, $0x2080, v6;
	v7 =	vsel vm13, $0x2480, v7  }
0x11: {  	v8 =	vsel vm13, $0x2481, v8;
	v9 =	vsel vm13, $0x3080, v9;
	v10 =	vsel vm13, $0x3480, v10  }
0x12: {  	v11 =	vsel vm13, $0x3481, v11;
	v0 =	vsel vm12, $0x100, v0;
	v1 =	vsel vm12, $0x500, v1  }
0x13: {  	v2 =	vsel vm12, $0x501, v2;
	v3 =	vsel vm12, $0x1100, v3;
	v4 =	vsel vm12, $0x1500, v4  }
0x14: {  	v5 =	vsel vm12, $0x1501, v5;
	v6 =	vsel vm12, $0x2100, v6;
	v7 =	vsel vm12, $0x2500, v7  }
0x15: {  	v8 =	vsel vm12, $0x2501, v8;
	v9 =	vsel vm12, $0x3100, v9;
	v10 =	vsel vm12, $0x3500, v10  }
0x16: {  	v11 =	vsel vm12, $0x3501, v11;
	v0 =	vsel vm11, $0x180, v0;
	v1 =	vsel vm11, $0x580, v1  }
0x17: {  	v2 =	vsel vm11, $0x581, v2;
	v3 =	vsel vm11, $0x1180, v3;
	v4 =	vsel vm11, $0x1580, v4  }
0x18: {  	v5 =	vsel vm11, $0x1581, v5;
	v6 =	vsel vm11, $0x2180, v6;
	v7 =	vsel vm11, $0x2580, v7  }
0x19: {  	v8 =	vsel vm11, $0x2581, v8;
	v9 =	vsel vm11, $0x3180, v9;
	v10 =	vsel vm11, $0x3580, v10  }
0x1a: {  	v11 =	vsel vm11, $0x3581, v11;
	v0 =	vsel vm8, $0x200, v0;
	v1 =	vsel vm8, $0x600, v1  }
0x1b: {  	v2 =	vsel vm8, $0x601, v2;
	v3 =	vsel vm8, $0x1200, v3;
	v4 =	vsel vm8, $0x1600, v4  }
0x1c: {  	v5 =	vsel vm8, $0x1601, v5;
	v6 =	vsel vm8, $0x2200, v6;
	v7 =	vsel vm8, $0x2600, v7  }
0x1d: {  	v8 =	vsel vm8, $0x2601, v8;
	v9 =	vsel vm8, $0x3200, v9;
	v10 =	vsel vm8, $0x3600, v10  }
0x1e: {  	v11 =	vsel vm8, $0x3601, v11;
	v0 =	vsel vm5, $0x280, v0;
	v1 =	vsel vm5, $0x680, v1  }
0x1f: {  	v2 =	vsel vm5, $0x681, v2;
	v3 =	vsel vm5, $0x1280, v3;
	v4 =	vsel vm5, $0x1680, v4  }
0x20: {  	v5 =	vsel vm5, $0x1681, v5;
	v6 =	vsel vm5, $0x2280, v6;
	v7 =	vsel vm5, $0x2680, v7  }
0x21: {  	v8 =	vsel vm5, $0x2681, v8;
	v9 =	vsel vm5, $0x3280, v9;
	v10 =	vsel vm5, $0x3680, v10  }
0x22: {  	v11 =	vsel vm5, $0x3681, v11;
	v0 =	vsel vm3, $0x300, v0;
	v1 =	vsel vm3, $0x700, v1  }
0x23: {  	v2 =	vsel vm3, $0x701, v2;
	v3 =	vsel vm3, $0x1300, v3;
	v4 =	vsel vm3, $0x1700, v4  }
0x24: {  	v5 =	vsel vm3, $0x1701, v5;
	v6 =	vsel vm3, $0x2300, v6;
	v7 =	vsel vm3, $0x2700, v7  }
0x25: {  	v8 =	vsel vm3, $0x2701, v8;
	v9 =	vsel vm3, $0x3300, v9;
	v10 =	vsel vm3, $0x3700, v10  }
0x26: {  	v11 =	vsel vm3, $0x3701, v11;
	v0 =	vsel vm1, $0x380, v0;
	v1 =	vsel vm1, $0x780, v1  }
0x27: {  	v2 =	vsel vm1, $0x781, v2;
	v3 =	vsel vm1, $0x1380, v3;
	v4 =	vsel vm1, $0x1780, v4  }
0x28: {  	v5 =	vsel vm1, $0x1781, v5;
	v6 =	vsel vm1, $0x2380, v6;
	v7 =	vsel vm1, $0x2780, v7  }
0x29: {  	v8 =	vsel vm1, $0x2781, v8;
	v9 =	vsel vm1, $0x3380, v9;
	v10 =	vsel vm1, $0x3780, v10  }
0x2a: {  	v11 =	vsel vm1, $0x3781, v11;
	v0 =	vsel vm0, $0x800, v0;
	v1 =	vsel vm0, $0xC00, v1  }
0x2b: {  	v2 =	vsel vm0, $0xC01, v2;
	v3 =	vsel vm0, $0x1800, v3;
	v4 =	vsel vm0, $0x1C00, v4  }
0x2c: {  	v5 =	vsel vm0, $0x1C01, v5;
	v6 =	vsel vm0, $0x2800, v6;
	v7 =	vsel vm0, $0x2C00, v7  }
0x2d: {  	v8 =	vsel vm0, $0x2C01, v8;
	v9 =	vsel vm0, $0x3800, v9;
	v10 =	vsel vm0, $0x3C00, v10  }
0x2e: {  	v11 =	vsel vm0, $0x3C01, v11;
	v0 =	vsel vm2, $0x880, v0;
	v1 =	vsel vm2, $0xC80, v1  }
0x2f: {  	v2 =	vsel vm2, $0xC81, v2;
	v3 =	vsel vm2, $0x1880, v3;
	v4 =	vsel vm2, $0x1C80, v4  }
0x30: {  	v5 =	vsel vm2, $0x1C81, v5;
	v6 =	vsel vm2, $0x2880, v6;
	v7 =	vsel vm2, $0x2C80, v7  }
0x31: {  	s1 =	srdreg.scid;
	s0 =	stileid.u32;
	v8 =	vsel vm2, $0x2C81, v8;
	v9 =	vsel vm2, $0x3880, v9;
	v10 =	vsel vm2, $0x3C80, v10  }
0x32: {  	s7 =	rddreg [dreg:$0x0];
	s9 =	sand.u32 $0x1, s1;
	s31 =	sshll.u32 s0, $0x1;
	v11 =	vsel vm2, $0x3C81, v11;
	v0 =	vsel vm4, $0x900, v0;
	v1 =	vsel vm4, $0xD00, v1  }
0x33: {  	s5 =	rddreg [dreg:$0x1];
	s8 =	sor.u32 s9, s31;
	v2 =	vsel vm4, $0xD01, v2;
	v3 =	vsel vm4, $0x1900, v3;
	v4 =	vsel vm4, $0x1D00, v4  }
0x34: {  	s2 =	simm.s32 $0x0;
	s1 =	rddreg [dreg:$0x2];
	s3 =	sshll.u32 s8, $0xB;
	v5 =	vsel vm4, $0x1D01, v5;
	v6 =	vsel vm4, $0x2900, v6;
	v7 =	vsel vm4, $0x2D00, v7  }
0x35: {  	[smem:$0x7FF] =	sst s2;
	s3 =	sadd.s32 s3, s7;
	v8 =	vsel vm4, $0x2D01, v8;
	v9 =	vsel vm4, $0x3900, v9;
	v10 =	vsel vm4, $0x3D00, v10  }
0x36: {  	_ =	strace $0x80000047;
	s4 =	sadd.s32 $0x8000, s3;
	s3 =	simm.s32 $0x1;
	v11 =	vsel vm4, $0x3D01, v11;
	v0 =	vsel vm9, $0x980, v0;
	v1 =	vsel vm9, $0xD80, v1  }
0x37: {  	[tilespmem:s2], [sflag:$0x1] =	stream.linear.gather [hbm4b:s4+s2], $0x4000, $0x38;
	v2 =	vsel vm9, $0xD81, v2;
	v3 =	vsel vm9, $0x1980, v3;
	v4 =	vsel vm9, $0x1D80, v4;
	[tilespmem:$0x4100] =	vst v63  }
0x38: {  	_ =	swait.ge [sflag:s3], $0x4000;
	v5 =	vsel vm9, $0x1D81, v5;
	v6 =	vsel vm9, $0x2980, v6;
	v7 =	vsel vm9, $0x2D80, v7  }
0x39: {  	s6 =	sshll.u32 s8, $0x3;
	[sflag:s3] =	ssyncset.done $0x0;
	v8 =	vsel vm9, $0x2D81, v8;
	v9 =	vsel vm9, $0x3980, v9;
	v10 =	vsel vm9, $0x3D80, v10  }
0x3a: {  	s5 =	sadd.s32 s5, s6;
	s6 =	simm.s32 $0x4000;
	[sflag:s3] =	ssyncadd.s32 $0xFFFFC000;
	v11 =	vsel vm9, $0x3D81, v11;
	v0 =	vsel vm6, $0xA00, v0;
	v1 =	vsel vm6, $0xE00, v1  }
0x3b: {  	[tilespmem:s6], [sflag:$0x1] =	stream.linear.gather [hbm4b:s5+s2], $0x40, $0x38;
	v2 =	vsel vm6, $0xE01, v2;
	v3 =	vsel vm6, $0x1A00, v3;
	v4 =	vsel vm6, $0x1E00, v4;
	[tilespmem:$0x4100] =	vst v63  }
0x3c: {  	_ =	swait.ge [sflag:s3], $0x40;
	v5 =	vsel vm6, $0x1E01, v5;
	v6 =	vsel vm6, $0x2A00, v6;
	v7 =	vsel vm6, $0x2E00, v7  }
0x3d: {  	[sflag:s3] =	ssyncset.done $0x0;
	v8 =	vsel vm6, $0x2E01, v8;
	v9 =	vsel vm6, $0x3A00, v9;
	v2 =	vsel vm7, $0xE81, v2  }
0x3e: {  	[sflag:s3] =	ssyncadd.s32 $0xFFFFFFC0;
	v11 =	vsel vm6, $0x3E01, v11;
	v1 =	vsel vm7, $0xE80, v1;
	v2 =	vsel vm10, $0xF01, v2  }
0x3f: {  	v10 =	vsel vm6, $0x3E00, v10;
	v5 =	vsel vm7, $0x1E81, v5;
	v13 =	vld [tilespmem:$0x4000];
	v1 =	vsel vm10, $0xF00, v1  }
0x40: {  	v0 =	vsel vm7, $0xA80, v0;
	v8 =	vsel vm7, $0x2E81, v8;
	v14 =	vld [tilespmem:$0x4010];
	v5 =	vsel vm10, $0x1F01, v5  }
0x41: {  	v3 =	vsel vm7, $0x1A80, v3;
	v7 =	vsel vm7, $0x2E80, v7;
	v12 =	vld [tilespmem:$0x4020];
	v8 =	vsel vm10, $0x2F01, v8  }
0x42: {  	v4 =	vsel vm7, $0x1E80, v4;
	v6 =	vsel vm7, $0x2A80, v6;
	v17 =	vld [tilespmem:$0x4030];
	v7 =	vsel vm10, $0x2F00, v7  }
0x43: {  	v11 =	vsel vm7, $0x3E81, v11;
	v23 =	vsel vm7, $0x3A80, v9;
	v4 =	vsel vm10, $0x1F00, v4;
	v15 =	vld.idx.msk [tilespmem:v2+s2+$0x0], $0xffff  }
0x44: {  	v0 =	vsel vm10, $0xB00, v0;
	v9 =	vsel vm10, $0x3F01, v11;
	v19 =	vand.u32 $0x7F, v13;
	v18 =	vld.idx.msk [tilespmem:v1+s2+$0x0], $0xffff  }
0x45: {  	v3 =	vsel vm10, $0x1B00, v3;
	v20 =	vand.u32 $0x7F, v14;
	v19 =	vor.u32 v0, v19;
	v21 =	vld.idx.msk [tilespmem:v5+s2+$0x0], $0xffff  }
0x46: {  	v6 =	vsel vm10, $0x2B00, v6;
	v16 =	vand.u32 $0x7F, v12;
	v20 =	vor.u32 v3, v20;
	v22 =	vld.idx.msk [tilespmem:v8+s2+$0x0], $0xffff  }
0x47: {  	v24 =	vsel vm7, $0x3E80, v10;
	v16 =	vor.u32 v6, v16;
	v25 =	vld.idx.msk [tilespmem:v7+s2+$0x0], $0xffff  }
0x48: {  	v10 =	vsel vm10, $0x3B00, v23;
	v11 =	vsel vm10, $0x3F00, v24;
	v58 =	vand.u32 $0x7F, v17;
	v57 =	vld.idx.msk [tilespmem:v4+s2+$0x0], $0xffff  }
0x49: {  	v24 =	vor.u32 v10, v58;
	v26 =	vld.idx.msk [tilespmem:v9+s2+$0x0], $0xffff  }
0x4a: {  	v19 =	vld.idx.msk [tilespmem:v19+s2+$0x0], $0xffff  }
0x4b: {  	v20 =	vld.idx.msk [tilespmem:v20+s2+$0x0], $0xffff  }
0x4c: {  	v16 =	vld.idx.msk [tilespmem:v16+s2+$0x0], $0xffff  }
0x4d: {  	v27 =	vld.idx.msk [tilespmem:v11+s2+$0x0], $0xffff  }
0x4e: {  	v59 =	vld.idx.msk [tilespmem:v24+s2+$0x0], $0xffff  }
0x4f: {  	s9 =	ssub.s32 $0x2, s9;
	vm0 =	veq.s32 v17, $0x0;
	vm1 =	veq.s32 v13, $0x0;
	v15 =	vsub.f32 v18, v15  }
0x50: {  	s10 =	sshrl.u32 s9, $0x1;
	v60 =	vsub.f32 v57, v21;
	v19 =	vmul.f32 $8.999968760e-01, v19;
	v20 =	vmul.f32 $8.999968760e-01, v20  }
0x51: {  	s9 =	ssub.s32 s9, s10;
	v22 =	vsub.f32 v25, v22;
	v15 =	vmul.f32 $3.125195240e-06, v15;
	v16 =	vmul.f32 $8.999968760e-01, v16  }
0x52: {  	s9 =	smax.u32 s9, $0x1;
	v17 =	vmul.f32 $3.125195240e-06, v60;
	v19 =	vsub.f32 $-1.362425800e+00, v19;
	v20 =	vsub.f32 $-1.362425800e+00, v20  }
0x53: {  	p0 =	sne.s32 s9, $0x1;
	v62 =	vsub.f32 v27, v26;
	v18 =	vmul.f32 $8.999968760e-01, v59;
	v16 =	vsub.f32 $-1.362425800e+00, v16  }
.Ltmp0:
0x54: {  	v61 =	vmul.f32 $3.125195240e-06, v22;
	v15 =	vsub.f32 v19, v15;
	v13 =	vsub.f32 v20, v17;
	(pc) =	sbr.rel @!p0 .LBB2_2-.Ltmp0, $4  }
0x55: {  	vm2 =	veq.s32 v14, $0x0;
	v63 =	vmul.f32 $3.125195240e-06, v62;
	v14 =	vsub.f32 $-1.362425800e+00, v18  }
0x56: {  	v16 =	vsub.f32 v16, v61;
	v15 =	vsel vm1, $0x0, v15;
	v13 =	vsel vm2, $0x0, v13  }
0x57: {  	s8 =	sshll.u32 s8, $0x4;
	vm1 =	veq.s32 v12, $0x0;
	v12 =	vadd.f32 v13, v15  }
0x58: {  	s7 =	sadd.s32 s7, s8;
	s8 =	simm.s32 $0x4080;
	s9 =	sadd.s32 $0xFFFFFFFF, s9;
	v13 =	vsub.f32 v14, v63;
	v14 =	vsel vm1, $0x0, v16  }
.LBB2_1:
0x59: {  	p0 =	sne.s32 s9, $0x1;
	s9 =	sadd.s32 $0xFFFFFFFF, s9;
	v12 =	vadd.f32 v14, v12  }
0x5a: {  	v13 =	vsel vm0, $0x0, v13  }
0x5b: {  	v12 =	vadd.f32 v13, v12;
	_ =	sdelay $0x1  }
0x5c: {  	[tilespmem:$0x4080] =	vst v12  }
0x5d: {  	[hbm4b:s7+s2] =	stream.linear.scatter [tilespmem:s8], [sflag:$0x1], $0x80, $0x38;
	[tilespmem:$0x4100] =	vst v63  }
0x5e: {  	_ =	swait.ge [sflag:s3], $0x80  }
0x5f: {  	[sflag:s3] =	ssyncset.done $0x0  }
0x60: {  	[sflag:s3] =	ssyncadd.s32 $0xFFFFFF80  }
0x61: {  	[tilespmem:s2], [sflag:$0x1] =	stream.linear.gather [hbm4b:s4+s2], $0x4000, $0x38;
	[tilespmem:$0x4100] =	vst v63  }
0x62: {  	_ =	swait.ge [sflag:s3], $0x4000  }
0x63: {  	[sflag:s3] =	ssyncset.done $0x0  }
0x64: {  	[sflag:s3] =	ssyncadd.s32 $0xFFFFC000  }
0x65: {  	[tilespmem:s6], [sflag:$0x1] =	stream.linear.gather [hbm4b:s5+s2], $0x40, $0x38;
	[tilespmem:$0x4100] =	vst v63  }
0x66: {  	_ =	swait.ge [sflag:s3], $0x40  }
0x67: {  	[sflag:s3] =	ssyncset.done $0x0  }
0x68: {  	[sflag:s3] =	ssyncadd.s32 $0xFFFFFFC0  }
0x69: {  	v13 =	vld [tilespmem:$0x4020]  }
0x6a: {  	v12 =	vld [tilespmem:$0x4000]  }
0x6b: {  	v14 =	vld [tilespmem:$0x4010]  }
0x6c: {  	v15 =	vld.idx.msk [tilespmem:v2+s2+$0x0], $0xffff  }
0x6d: {  	v16 =	vld.idx.msk [tilespmem:v1+s2+$0x0], $0xffff  }
0x6e: {  	v17 =	vand.u32 $0x7F, v13;
	v18 =	vld [tilespmem:$0x4030]  }
0x6f: {  	v19 =	vand.u32 $0x7F, v12;
	v17 =	vor.u32 v6, v17  }
0x70: {  	v19 =	vor.u32 v0, v19;
	v20 =	vand.u32 $0x7F, v14;
	v21 =	vld.idx.msk [tilespmem:v5+s2+$0x0], $0xffff  }
0x71: {  	v20 =	vor.u32 v3, v20;
	v22 =	vld.idx.msk [tilespmem:v8+s2+$0x0], $0xffff  }
0x72: {  	v23 =	vld.idx.msk [tilespmem:v7+s2+$0x0], $0xffff  }
0x73: {  	v15 =	vsub.f32 v16, v15;
	v16 =	vld.idx.msk [tilespmem:v4+s2+$0x0], $0xffff;
	v24 =	vand.u32 $0x7F, v18;
	vm0 =	veq.s32 v18, $0x0  }
0x74: {  	v17 =	vld.idx.msk [tilespmem:v17+s2+$0x0], $0xffff;
	v18 =	vor.u32 v10, v24  }
0x75: {  	v19 =	vld.idx.msk [tilespmem:v19+s2+$0x0], $0xffff  }
0x76: {  	v20 =	vld.idx.msk [tilespmem:v20+s2+$0x0], $0xffff  }
0x77: {  	v24 =	vld.idx.msk [tilespmem:v9+s2+$0x0], $0xffff  }
0x78: {  	v22 =	vsub.f32 v23, v22;
	v23 =	vld.idx.msk [tilespmem:v11+s2+$0x0], $0xffff  }
0x79: {  	v16 =	vsub.f32 v16, v21;
	v18 =	vld.idx.msk [tilespmem:v18+s2+$0x0], $0xffff  }
0x7a: {  	v17 =	vmul.f32 $8.999968760e-01, v17  }
0x7b: {  	v19 =	vmul.f32 $8.999968760e-01, v19  }
0x7c: {  	v21 =	vmul.f32 $3.125195240e-06, v22;
	v20 =	vmul.f32 $8.999968760e-01, v20;
	v17 =	vsub.f32 $-1.362425800e+00, v17  }
0x7d: {  	v15 =	vmul.f32 $3.125195240e-06, v15;
	v19 =	vsub.f32 $-1.362425800e+00, v19  }
0x7e: {  	v16 =	vmul.f32 $3.125195240e-06, v16;
	v20 =	vsub.f32 $-1.362425800e+00, v20;
	v17 =	vsub.f32 v17, v21  }
0x7f: {  	v15 =	vsub.f32 v19, v15;
	v18 =	vmul.f32 $8.999968760e-01, v18;
	v19 =	vsub.f32 v23, v24  }
.Ltmp1:
0x80: {  	vm1 =	veq.s32 v12, $0x0;
	v12 =	vsub.f32 v20, v16;
	(pc) =	sbr.rel @p0 .LBB2_1-.Ltmp1, $4  }
0x81: {  	vm2 =	veq.s32 v14, $0x0;
	v14 =	vsub.f32 $-1.362425800e+00, v18;
	v16 =	vmul.f32 $3.125195240e-06, v19  }
0x82: {  	v15 =	vsel vm1, $0x0, v15;
	v12 =	vsel vm2, $0x0, v12  }
0x83: {  	vm1 =	veq.s32 v13, $0x0;
	v12 =	vadd.f32 v12, v15;
	v13 =	vsub.f32 v14, v16  }
0x84: {  	v14 =	vsel vm1, $0x0, v17  }
.LBB2_2:
0x85: {  	v0 =	vadd.f32 v14, v12  }
0x86: {  	v1 =	vsel vm0, $0x0, v13  }
0x87: {  	v0 =	vadd.f32 v1, v0;
	_ =	sdelay $0x1  }
0x88: {  	[tilespmem:$0x4080] =	vst v0  }
0x89: {  	[hbm4b:s7+s2] =	stream.linear.scatter [tilespmem:s8], [sflag:$0x1], $0x80, $0x38;
	[tilespmem:$0x4100] =	vst v63  }
0x8a: {  	_ =	swait.ge [sflag:s3], $0x80  }
0x8b: {  	[sflag:s3] =	ssyncset.done $0x0  }
0x8c: {  	[sflag:s3] =	ssyncadd.s32 $0xFFFFFF80  }
0x8d: {  	_ =	sfence.sel $0x180000  }
0x8e: {  	[bflag:$0x0] =	sbarrier.arrive $0xFFFF  }
0x8f: {  	p0 =	sne.s32 s0, $0x0;
	_ =	strace $0x90000047  }
0x90: {  	s0 =	sadd.s32 @!p0 $0x100000, s1;
	[bflag:$0x2] =	sbarrier.arrive $0xFFFF  }
0x91: {  	[sflag:s0] =	ssyncadd.tile.s32 @!p0 $0x1;
	_ =	shalt  }
.Lfunc_end2:
_tile_overlayer_lowered:
.L_overlay_start_2:
0x92: {  	(tag) =	ssettag $0x2  }
0x93: {  	s0 =	rddreg [dreg:$0x0];
	s2 =	stileid.u32  }
0x94: {  	s1 =	rddreg [dreg:$0x1];
	p0 =	sne.s32 s2, $0x0  }
0x95: {  	s3 =	rddreg [dreg:$0x2];
	[bflag:$0x3] =	sbarrier.arrive $0xFFFF;
	s2 =	simm.s32 @!p0 $0x1C01  }
0x96: {  	[timem:s3], [sflag:s2] =	dma.local @!p0 [hbm:s0], s1  }
0x97: {  	s0 =	simm.s32 @!p0 $0x1  }
0x98: {  	_ =	swait.ge @!p0 [sflag:s0], s1  }
0x99: {  	s1 =	ssub.s32 @!p0 $0x0, s1;
	[sflag:s0] =	ssyncset.done @!p0 $0x0  }
0x9a: {  	[sflag:s0] =	ssyncadd.s32 @!p0 s1  }
0x9b: {  	[bflag:$0x3] =	sbarrier.arrive $0xFFFF  }
0x9c: {  	_ =	shalt  }

</sc_bundles>
